<compile_context>
chip_gen: v7x
topology: tpu7x:2x2x1
jax: 0.10.2.dev20260603
libtpu: 0.0.44.dev20260713+nightly
codegen_flags: <defaults>
</compile_context>

<pallas_src>
import functools

import jax
import jax.numpy as jnp
from jax import lax
from jax.experimental import pallas as pl
from jax.experimental.pallas import tpu as pltpu
from jax.experimental.pallas import tpu_sc as plsc

VOCAB = 100000
HID = 768
NSOFT = 20
NC = 2
NS = 16
NW = NC * NS
LANES = 16
NEW_ROWS = 145


def _sc_embed(ids, orig_weight, new_weight, soft_prompt, batch, seq):
    total = batch * seq
    rows_w = total // NW
    ch = 32
    nch = rows_w // ch
    w_per_b = NW // batch

    mesh = plsc.VectorSubcoreMesh(core_axis_name="c", subcore_axis_name="s")

    @functools.partial(
        pl.kernel,
        out_type=jax.ShapeDtypeStruct((batch, NSOFT + seq, HID), jnp.float32),
        mesh=mesh,
        scratch_types=[
            pltpu.VMEM((rows_w,), jnp.int32),
            pltpu.VMEM((nch, ch), jnp.int32),
            pltpu.VMEM((nch, ch), jnp.int32),
            pltpu.VMEM((nch, ch), jnp.int32),
            pltpu.VMEM((nch, ch), jnp.int32),
            pltpu.VMEM((2, 2 * LANES), jnp.int32),
            pltpu.VMEM((3, ch, HID), jnp.float32),
            pltpu.VMEM((2, ch, HID), jnp.float32),
            pltpu.SemaphoreType.DMA,
            pltpu.SemaphoreType.DMA,
            pltpu.SemaphoreType.DMA,
            pltpu.SemaphoreType.DMA,
            pltpu.SemaphoreType.DMA,
            pltpu.SemaphoreType.DMA,
            pltpu.SemaphoreType.DMA,
            pltpu.SemaphoreType.DMA,
        ],
    )
    def body(ids_hbm, orig_hbm, new_hbm, soft_hbm, out_hbm,
             ids_v, idx_a, idx_b, dst_a, dst_b, soft_idx, buf_a, buf_b,
             sem_ga0, sem_ga1, sem_ga2, sem_sa0, sem_sa1, sem_sa2,
             sem_b0, sem_b1):
        iota = jnp.arange(LANES, dtype=jnp.int32)
        wid = lax.axis_index("c") * NS + lax.axis_index("s")
        b = wid // w_per_b
        w8 = wid % w_per_b
        base = wid * rows_w
        out_b = out_hbm.at[b]
        sem_ga = [sem_ga0, sem_ga1, sem_ga2]
        sem_sa = [sem_sa0, sem_sa1, sem_sa2]
        sem_b = [sem_b0, sem_b1]
        nbuf = 3

        pltpu.sync_copy(ids_hbm.at[pl.ds(base, rows_w)], ids_v)

        for p in range(rows_w // LANES):
            v = ids_v[pl.ds(p * LANES, LANES)]
            m = v < VOCAB
            c, q = divmod(p, ch // LANES)
            sl = pl.ds(q * LANES, LANES)
            pvec = p * LANES + iota
            spread_b = pvec % NEW_ROWS
            idx_a[c, sl] = jnp.where(m, v, spread_b)
            idx_b[c, sl] = jnp.where(m, spread_b, v - (VOCAB - 1))
            orow = NSOFT + w8 * rows_w + p * LANES + iota
            trash = (orow + ch) if c < nch - 1 else (pvec & 15)
            dst_a[c, sl] = jnp.where(m, orow, trash)
            dst_b[c, sl] = jnp.where(m, trash, orow)

        def gat(c):
            return (
                pltpu.async_copy(orig_hbm.at[idx_a.at[c]],
                                 buf_a.at[c % nbuf], sem_ga[c % nbuf]),
                pltpu.async_copy(new_hbm.at[idx_b.at[c]],
                                 buf_b.at[c % 2], sem_b[c % 2]),
            )

        def scat(c):
            return (
                pltpu.async_copy(buf_a.at[c % nbuf],
                                 out_b.at[dst_a.at[c]], sem_sa[c % nbuf]),
                pltpu.async_copy(buf_b.at[c % 2],
                                 out_b.at[dst_b.at[c]], sem_b[c % 2]),
            )

        scats = {}
        gats = {0: gat(0)}
        for c in range(nch):
            if c >= 1 and c - 1 in scats:
                for h in scats.pop(c - 1):
                    h.wait()
            if c + 1 < nch:
                gats[c + 1] = gat(c + 1)
            for h in gats.pop(c):
                h.wait()
            scats[c] = scat(c)

        for c in sorted(scats):
            for h in scats.pop(c):
                h.wait()

        plsc.subcore_barrier()

        @pl.when(w8 == 0)
        def _():
            lo = jnp.minimum(iota, NSOFT - 1)
            hi_half = jnp.minimum(LANES + iota, NSOFT - 1)
            soft_idx[0, pl.ds(0, LANES)] = lo
            soft_idx[0, pl.ds(LANES, LANES)] = hi_half
            soft_idx[1, pl.ds(0, LANES)] = lo
            soft_idx[1, pl.ds(LANES, LANES)] = hi_half
            pltpu.async_copy(soft_hbm.at[soft_idx.at[0]],
                             buf_b.at[0], sem_b[0]).wait()
            pltpu.async_copy(buf_b.at[0],
                             out_b.at[soft_idx.at[1]], sem_b[0]).wait()

    return body(ids, orig_weight, new_weight, soft_prompt)


def kernel(x, orig_weight, new_weight, soft_prompt):
    batch = x.shape[0]
    seq = x.shape[1] - NSOFT
    ids = x[:, NSOFT:].reshape(-1)
    return _sc_embed(ids, orig_weight, new_weight, soft_prompt, batch, seq)

# --- scband reference (transcript-rebuilt; emitter-appended) ---
"""Pipeline reference for scband-graph-embedding-with-soft-prompt-71854802862715 (READ-ONLY COPY).

The authoritative reference and input builder live on the scoring server;
editing this copy changes nothing except your own understanding.
"""

import jax, jax.numpy as jnp
import numpy as np

VOCAB = 100000
HIDDEN = 768
N_NEW = 144  # num_labels(141) + depth(2) + 1
N_SOFT = 20
BATCH = 4
SEQ = 2048
PAD_IDX = 0


def setup_inputs(seed: int = 0) -> dict:
    key = jax.random.key(seed)
    k1, k2, k3, k4 = jax.random.split(key, 4)
    x = jax.random.randint(k1, (BATCH, N_SOFT + SEQ), 0, VOCAB + N_NEW, dtype=jnp.int64 if jax.config.read('jax_enable_x64') else jnp.int32).astype(jnp.int32)
    orig_weight = jax.random.normal(k2, (VOCAB, HIDDEN), dtype=jnp.float32) * 0.02
    # new_embedding table as stored inside the module: zero row prepended, padding_idx=0
    new_weight = jax.random.normal(k3, (N_NEW + 1, HIDDEN), dtype=jnp.float32) * 0.02
    new_weight = new_weight.at[0].set(0.0)
    soft_prompt = jax.random.normal(k4, (N_SOFT, HIDDEN), dtype=jnp.float32) * 0.02
    return {"x": x, "orig_weight": orig_weight, "new_weight": new_weight, "soft_prompt": soft_prompt}


def reference(x, orig_weight, new_weight, soft_prompt):
    # graph_type == '' path: weight() = cat([original.weight, new_embedding.weight[1:]], 0)
    weight = jnp.concatenate([orig_weight, new_weight[1:, :]], axis=0)  # [VOCAB + N_NEW, HIDDEN]
    ids = x[:, N_SOFT:]  # [B, SEQ]
    other_emb = jnp.take(weight, ids, axis=0)  # gather: [B, SEQ, HIDDEN]
    batch_size = x.shape[0]
    soft_prompt_emb = jnp.broadcast_to(soft_prompt[None, :, :], (batch_size, N_SOFT, HIDDEN))
    return jnp.concatenate([soft_prompt_emb, other_emb], axis=1)  # [B, N_SOFT + SEQ, HIDDEN]

if __name__ == "__main__":
    import jax
    _d = setup_inputs()
    print(jax.jit(kernel)(*tuple(_d.values())))

</pallas_src>

<mosaic_0001>
#map = affine_map<(d0, d1) -> (0)>
#map1 = affine_map<(d0, d1) -> (0, 0)>
#map2 = affine_map<(d0, d1) -> (0, 0, 0)>
module attributes {stable_mosaic.version = 14 : i64} {
  func.func @body(%arg0: i32, %arg1: i32, %arg2: memref<8192xi32, #tpu.memory_space<hbm>>, %arg3: memref<100000x768xf32, #tpu.memory_space<hbm>>, %arg4: memref<145x768xf32, #tpu.memory_space<hbm>>, %arg5: memref<20x768xf32, #tpu.memory_space<hbm>>, %arg6: memref<4x2068x768xf32, #tpu.memory_space<hbm>>, %arg7: memref<256xi32, #tpu.memory_space<vmem>>, %arg8: memref<8x32xi32, #tpu.memory_space<vmem>>, %arg9: memref<8x32xi32, #tpu.memory_space<vmem>>, %arg10: memref<8x32xi32, #tpu.memory_space<vmem>>, %arg11: memref<8x32xi32, #tpu.memory_space<vmem>>, %arg12: memref<2x32xi32, #tpu.memory_space<vmem>>, %arg13: memref<3x32x768xf32, #tpu.memory_space<vmem>>, %arg14: memref<2x32x768xf32, #tpu.memory_space<vmem>>, %arg15: memref<!tpu.dma_semaphore, #tpu.memory_space<semaphore_mem>>, %arg16: memref<!tpu.dma_semaphore, #tpu.memory_space<semaphore_mem>>, %arg17: memref<!tpu.dma_semaphore, #tpu.memory_space<semaphore_mem>>, %arg18: memref<!tpu.dma_semaphore, #tpu.memory_space<semaphore_mem>>, %arg19: memref<!tpu.dma_semaphore, #tpu.memory_space<semaphore_mem>>, %arg20: memref<!tpu.dma_semaphore, #tpu.memory_space<semaphore_mem>>, %arg21: memref<!tpu.dma_semaphore, #tpu.memory_space<semaphore_mem>>, %arg22: memref<!tpu.dma_semaphore, #tpu.memory_space<semaphore_mem>>) attributes {dimension_semantics = [#tpu.dimension_semantics<core_parallel>, #tpu.dimension_semantics<subcore_parallel>], iteration_bounds = array<i64: 2, 16>, scalar_prefetch = 0 : i64, scratch_operands = 16 : i64, tpu.core_type = #tpu.core_type<sc_vector_subcore>, window_params = [{transform_indices = #map}, {transform_indices = #map1}, {transform_indices = #map1}, {transform_indices = #map1}, {transform_indices = #map2}]} {
    %iota3A = tpu.iota {dimensions = array<i32: 0>} : vector<16xi32>
    %mul3A = arith.constant 16 : i32
    %mul3A_0 = arith.muli %arg0, %mul3A : i32
    %add3A = arith.addi %mul3A_0, %arg1 : i32
    %jit3A = arith.constant 8 : i32
    %div3A = arith.divsi %add3A, %jit3A : i32
    %sign3A = arith.constant 0 : i32
    %sign3A_1 = arith.cmpi sgt, %add3A, %sign3A : i32
    %sign3A_2 = arith.extui %sign3A_1 : i1 to i32
    %sign3A_3 = arith.constant 0 : i32
    %sign3A_4 = arith.cmpi slt, %add3A, %sign3A_3 : i32
    %sign3A_5 = arith.extui %sign3A_4 : i1 to i32
    %sign3A_6 = arith.subi %sign3A_2, %sign3A_5 : i32
    %sign3A_7 = arith.constant 0 : i32
    %sign3A_8 = arith.cmpi sgt, %jit3A, %sign3A_7 : i32
    %sign3A_9 = arith.extui %sign3A_8 : i1 to i32
    %sign3A_10 = arith.constant 0 : i32
    %sign3A_11 = arith.cmpi slt, %jit3A, %sign3A_10 : i32
    %sign3A_12 = arith.extui %sign3A_11 : i1 to i32
    %sign3A_13 = arith.subi %sign3A_9, %sign3A_12 : i32
    %ne3A = arith.cmpi ne, %sign3A_6, %sign3A_13 : i32
    %rem3A = arith.remsi %add3A, %jit3A : i32
    %ne3A_14 = arith.constant 0 : i32
    %ne3A_15 = arith.cmpi ne, %rem3A, %ne3A_14 : i32
    %and3A = arith.andi %ne3A, %ne3A_15 : i1
    %sub3A = arith.constant 1 : i32
    %sub3A_16 = arith.subi %div3A, %sub3A : i32
    %select_n3A = arith.select %and3A, %sub3A_16, %div3A : i32
    %jit3A_17 = arith.constant 8 : i32
    %eq3A = arith.constant 0 : i32
    %eq3A_18 = arith.cmpi eq, %jit3A_17, %eq3A : i32
    %jit3A_19 = arith.constant 1 : i32
    %select_n3A_20 = arith.select %eq3A_18, %jit3A_19, %jit3A_17 : i32
    %rem3A_21 = arith.remsi %add3A, %select_n3A_20 : i32
    %ne3A_22 = arith.constant 0 : i32
    %ne3A_23 = arith.cmpi ne, %rem3A_21, %ne3A_22 : i32
    %lt3A = arith.constant 0 : i32
    %lt3A_24 = arith.cmpi slt, %rem3A_21, %lt3A : i32
    %lt3A_25 = arith.constant 0 : i32
    %lt3A_26 = arith.cmpi slt, %select_n3A_20, %lt3A_25 : i32
    %ne3A_27 = arith.xori %lt3A_24, %lt3A_26 : i1
    %and3A_28 = arith.andi %ne3A_27, %ne3A_23 : i1
    %add3A_29 = arith.addi %rem3A_21, %select_n3A_20 : i32
    %select_n3A_30 = arith.select %and3A_28, %add3A_29, %rem3A_21 : i32
    %mul3A_31 = arith.constant 256 : i32
    %mul3A_32 = arith.muli %add3A, %mul3A_31 : i32
    "tpu.region"() ({
      %run_scoped3A = tpu.sem_alloc : memref<!tpu.dma_semaphore, #tpu.memory_space<semaphore_mem>>
      %dma_start3A_2096 = tpu.memref_slice %arg2[%mul3A_32] : memref<8192xi32, #tpu.memory_space<hbm>> -> memref<256xi32, #tpu.memory_space<hbm>>
      %dma_start3A_2097 = tpu.memref_slice %arg2[%mul3A_32] : memref<8192xi32, #tpu.memory_space<hbm>> -> memref<256xi32, #tpu.memory_space<hbm>>
      tpu.enqueue_dma source(%dma_start3A_2097 : memref<256xi32, #tpu.memory_space<hbm>>) target(%arg7 : memref<256xi32, #tpu.memory_space<vmem>>) target_semaphore(%run_scoped3A : memref<!tpu.dma_semaphore, #tpu.memory_space<semaphore_mem>>)
      %dma_wait3A_2098 = tpu.memref_slice %arg2[%mul3A_32] : memref<8192xi32, #tpu.memory_space<hbm>> -> memref<256xi32, #tpu.memory_space<hbm>>
      %dma_wait3A_2099 = tpu.memref_slice %arg2[%mul3A_32] : memref<8192xi32, #tpu.memory_space<hbm>> -> memref<256xi32, #tpu.memory_space<hbm>>
      tpu.wait_dma2 semaphore(%run_scoped3A : memref<!tpu.dma_semaphore, #tpu.memory_space<semaphore_mem>>) src(%dma_wait3A_2099 : memref<256xi32, #tpu.memory_space<hbm>>) dst(%arg7 : memref<256xi32, #tpu.memory_space<vmem>>)
      tpu.yield
    }) : () -> ()
    %get3A = arith.constant 0 : index
    %get3A_33 = tpu.vector_load %arg7[%get3A] {strides = array<i32>} : memref<256xi32, #tpu.memory_space<vmem>>, vector<16xi32>,
    %get3A_34 = vector.shape_cast %get3A_33 : vector<16xi32> to vector<16xi32>
    %lt3A_35 = arith.constant 100000 : i32
    %lt3A_36 = vector.broadcast %lt3A_35 : i32 to vector<16xi32>
    %lt3A_37 = arith.cmpi slt, %get3A_34, %lt3A_36 : vector<16xi32>
    %add3A_38 = arith.constant 0 : i32
    %add3A_39 = vector.broadcast %add3A_38 : i32 to vector<16xi32>
    %add3A_40 = arith.addi %add3A_39, %iota3A : vector<16xi32>
    %jit3A_41 = arith.constant 145 : i32
    %eq3A_42 = arith.constant 0 : i32
    %eq3A_43 = arith.cmpi eq, %jit3A_41, %eq3A_42 : i32
    %jit3A_44 = arith.constant 1 : i32
    %select_n3A_45 = arith.select %eq3A_43, %jit3A_44, %jit3A_41 : i32
    %rem3A_46 = vector.broadcast %select_n3A_45 : i32 to vector<16xi32>
    %rem3A_47 = arith.remsi %add3A_40, %rem3A_46 : vector<16xi32>
    %ne3A_48 = arith.constant 0 : i32
    %ne3A_49 = vector.broadcast %ne3A_48 : i32 to vector<16xi32>
    %ne3A_50 = arith.cmpi ne, %rem3A_47, %ne3A_49 : vector<16xi32>
    %lt3A_51 = arith.constant 0 : i32
    %lt3A_52 = vector.broadcast %lt3A_51 : i32 to vector<16xi32>
    %lt3A_53 = arith.cmpi slt, %rem3A_47, %lt3A_52 : vector<16xi32>
    %lt3A_54 = arith.constant 0 : i32
    %lt3A_55 = arith.cmpi slt, %select_n3A_45, %lt3A_54 : i32
    %ne3A_56 = vector.broadcast %lt3A_55 : i1 to vector<16xi1>
    %ne3A_57 = vector.broadcast %ne3A_56 : vector<16xi1> to vector<16xi1>
    %ne3A_58 = arith.xori %lt3A_53, %ne3A_57 : vector<16xi1>
    %and3A_59 = arith.andi %ne3A_58, %ne3A_50 : vector<16xi1>
    %add3A_60 = vector.broadcast %select_n3A_45 : i32 to vector<16xi32>
    %add3A_61 = arith.addi %rem3A_47, %add3A_60 : vector<16xi32>
    %select_n3A_62 = arith.select %and3A_59, %add3A_61, %rem3A_47 : vector<16xi1>, vector<16xi32>
    %select_n3A_63 = arith.select %lt3A_37, %get3A_34, %select_n3A_62 : vector<16xi1>, vector<16xi32>
    %swap3A = arith.constant 0 : i32
    %swap3A_64 = arith.index_cast %swap3A : i32 to index
    %swap3A_65 = arith.constant 0 : index
    %swap3A_66 = tpu.vector_load %arg8[%swap3A_64, %swap3A_65] {strides = array<i32>} : memref<8x32xi32, #tpu.memory_space<vmem>>, vector<1x16xi32>,
    %swap3A_67 = vector.shape_cast %swap3A_66 : vector<1x16xi32> to vector<16xi32>
    %swap3A_68 = vector.shape_cast %select_n3A_63 : vector<16xi32> to vector<1x16xi32>
    tpu.vector_store %arg8[%swap3A_64, %swap3A_65], %swap3A_68 {strides = array<i32>} : memref<8x32xi32, #tpu.memory_space<vmem>>, vector<1x16xi32>,
    %sub3A_69 = arith.constant 99999 : i32
    %sub3A_70 = vector.broadcast %sub3A_69 : i32 to vector<16xi32>
    %sub3A_71 = arith.subi %get3A_34, %sub3A_70 : vector<16xi32>
    %select_n3A_72 = arith.select %lt3A_37, %select_n3A_62, %sub3A_71 : vector<16xi1>, vector<16xi32>
    %swap3A_73 = arith.constant 0 : i32
    %swap3A_74 = arith.index_cast %swap3A_73 : i32 to index
    %swap3A_75 = arith.constant 0 : index
    %swap3A_76 = tpu.vector_load %arg9[%swap3A_74, %swap3A_75] {strides = array<i32>} : memref<8x32xi32, #tpu.memory_space<vmem>>, vector<1x16xi32>,
    %swap3A_77 = vector.shape_cast %swap3A_76 : vector<1x16xi32> to vector<16xi32>
    %swap3A_78 = vector.shape_cast %select_n3A_72 : vector<16xi32> to vector<1x16xi32>
    tpu.vector_store %arg9[%swap3A_74, %swap3A_75], %swap3A_78 {strides = array<i32>} : memref<8x32xi32, #tpu.memory_space<vmem>>, vector<1x16xi32>,
    %mul3A_79 = arith.constant 256 : i32
    %mul3A_80 = arith.muli %select_n3A_30, %mul3A_79 : i32
    %add3A_81 = arith.constant 20 : i32
    %add3A_82 = arith.addi %add3A_81, %mul3A_80 : i32
    %add3A_83 = arith.constant 0 : i32
    %add3A_84 = arith.addi %add3A_82, %add3A_83 : i32
    %add3A_85 = vector.broadcast %add3A_84 : i32 to vector<16xi32>
    %add3A_86 = arith.addi %add3A_85, %iota3A : vector<16xi32>
    %add3A_87 = arith.constant 32 : i32
    %add3A_88 = vector.broadcast %add3A_87 : i32 to vector<16xi32>
    %add3A_89 = arith.addi %add3A_86, %add3A_88 : vector<16xi32>
    %select_n3A_90 = arith.select %lt3A_37, %add3A_86, %add3A_89 : vector<16xi1>, vector<16xi32>
    %swap3A_91 = arith.constant 0 : i32
    %swap3A_92 = arith.index_cast %swap3A_91 : i32 to index
    %swap3A_93 = arith.constant 0 : index
    %swap3A_94 = tpu.vector_load %arg10[%swap3A_92, %swap3A_93] {strides = array<i32>} : memref<8x32xi32, #tpu.memory_space<vmem>>, vector<1x16xi32>,
    %swap3A_95 = vector.shape_cast %swap3A_94 : vector<1x16xi32> to vector<16xi32>
    %swap3A_96 = vector.shape_cast %select_n3A_90 : vector<16xi32> to vector<1x16xi32>
    tpu.vector_store %arg10[%swap3A_92, %swap3A_93], %swap3A_96 {strides = array<i32>} : memref<8x32xi32, #tpu.memory_space<vmem>>, vector<1x16xi32>,
    %select_n3A_97 = arith.select %lt3A_37, %add3A_89, %add3A_86 : vector<16xi1>, vector<16xi32>
    %swap3A_98 = arith.constant 0 : i32
    %swap3A_99 = arith.index_cast %swap3A_98 : i32 to index
    %swap3A_100 = arith.constant 0 : index
    %swap3A_101 = tpu.vector_load %arg11[%swap3A_99, %swap3A_100] {strides = array<i32>} : memref<8x32xi32, #tpu.memory_space<vmem>>, vector<1x16xi32>,
    %swap3A_102 = vector.shape_cast %swap3A_101 : vector<1x16xi32> to vector<16xi32>
    %swap3A_103 = vector.shape_cast %select_n3A_97 : vector<16xi32> to vector<1x16xi32>
    tpu.vector_store %arg11[%swap3A_99, %swap3A_100], %swap3A_103 {strides = array<i32>} : memref<8x32xi32, #tpu.memory_space<vmem>>, vector<1x16xi32>,
    %get3A_104 = arith.constant 16 : index
    %get3A_105 = tpu.vector_load %arg7[%get3A_104] {strides = array<i32>} : memref<256xi32, #tpu.memory_space<vmem>>, vector<16xi32>,
    %get3A_106 = vector.shape_cast %get3A_105 : vector<16xi32> to vector<16xi32>
    %lt3A_107 = arith.constant 100000 : i32
    %lt3A_108 = vector.broadcast %lt3A_107 : i32 to vector<16xi32>
    %lt3A_109 = arith.cmpi slt, %get3A_106, %lt3A_108 : vector<16xi32>
    %add3A_110 = arith.constant 16 : i32
    %add3A_111 = vector.broadcast %add3A_110 : i32 to vector<16xi32>
    %add3A_112 = arith.addi %add3A_111, %iota3A : vector<16xi32>
    %jit3A_113 = arith.constant 145 : i32
    %eq3A_114 = arith.constant 0 : i32
    %eq3A_115 = arith.cmpi eq, %jit3A_113, %eq3A_114 : i32
    %jit3A_116 = arith.constant 1 : i32
    %select_n3A_117 = arith.select %eq3A_115, %jit3A_116, %jit3A_113 : i32
    %rem3A_118 = vector.broadcast %select_n3A_117 : i32 to vector<16xi32>
    %rem3A_119 = arith.remsi %add3A_112, %rem3A_118 : vector<16xi32>
    %ne3A_120 = arith.constant 0 : i32
    %ne3A_121 = vector.broadcast %ne3A_120 : i32 to vector<16xi32>
    %ne3A_122 = arith.cmpi ne, %rem3A_119, %ne3A_121 : vector<16xi32>
    %lt3A_123 = arith.constant 0 : i32
    %lt3A_124 = vector.broadcast %lt3A_123 : i32 to vector<16xi32>
    %lt3A_125 = arith.cmpi slt, %rem3A_119, %lt3A_124 : vector<16xi32>
    %lt3A_126 = arith.constant 0 : i32
    %lt3A_127 = arith.cmpi slt, %select_n3A_117, %lt3A_126 : i32
    %ne3A_128 = vector.broadcast %lt3A_127 : i1 to vector<16xi1>
    %ne3A_129 = vector.broadcast %ne3A_128 : vector<16xi1> to vector<16xi1>
    %ne3A_130 = arith.xori %lt3A_125, %ne3A_129 : vector<16xi1>
    %and3A_131 = arith.andi %ne3A_130, %ne3A_122 : vector<16xi1>
    %add3A_132 = vector.broadcast %select_n3A_117 : i32 to vector<16xi32>
    %add3A_133 = arith.addi %rem3A_119, %add3A_132 : vector<16xi32>
    %select_n3A_134 = arith.select %and3A_131, %add3A_133, %rem3A_119 : vector<16xi1>, vector<16xi32>
    %select_n3A_135 = arith.select %lt3A_109, %get3A_106, %select_n3A_134 : vector<16xi1>, vector<16xi32>
    %swap3A_136 = arith.constant 0 : i32
    %swap3A_137 = arith.index_cast %swap3A_136 : i32 to index
    %swap3A_138 = arith.constant 16 : index
    %swap3A_139 = tpu.vector_load %arg8[%swap3A_137, %swap3A_138] {strides = array<i32>} : memref<8x32xi32, #tpu.memory_space<vmem>>, vector<1x16xi32>,
    %swap3A_140 = vector.shape_cast %swap3A_139 : vector<1x16xi32> to vector<16xi32>
    %swap3A_141 = vector.shape_cast %select_n3A_135 : vector<16xi32> to vector<1x16xi32>
    tpu.vector_store %arg8[%swap3A_137, %swap3A_138], %swap3A_141 {strides = array<i32>} : memref<8x32xi32, #tpu.memory_space<vmem>>, vector<1x16xi32>,
    %sub3A_142 = arith.constant 99999 : i32
    %sub3A_143 = vector.broadcast %sub3A_142 : i32 to vector<16xi32>
    %sub3A_144 = arith.subi %get3A_106, %sub3A_143 : vector<16xi32>
    %select_n3A_145 = arith.select %lt3A_109, %select_n3A_134, %sub3A_144 : vector<16xi1>, vector<16xi32>
    %swap3A_146 = arith.constant 0 : i32
    %swap3A_147 = arith.index_cast %swap3A_146 : i32 to index
    %swap3A_148 = arith.constant 16 : index
    %swap3A_149 = tpu.vector_load %arg9[%swap3A_147, %swap3A_148] {strides = array<i32>} : memref<8x32xi32, #tpu.memory_space<vmem>>, vector<1x16xi32>,
    %swap3A_150 = vector.shape_cast %swap3A_149 : vector<1x16xi32> to vector<16xi32>
    %swap3A_151 = vector.shape_cast %select_n3A_145 : vector<16xi32> to vector<1x16xi32>
    tpu.vector_store %arg9[%swap3A_147, %swap3A_148], %swap3A_151 {strides = array<i32>} : memref<8x32xi32, #tpu.memory_space<vmem>>, vector<1x16xi32>,
    %mul3A_152 = arith.constant 256 : i32
    %mul3A_153 = arith.muli %select_n3A_30, %mul3A_152 : i32
    %add3A_154 = arith.constant 20 : i32
    %add3A_155 = arith.addi %add3A_154, %mul3A_153 : i32
    %add3A_156 = arith.constant 16 : i32
    %add3A_157 = arith.addi %add3A_155, %add3A_156 : i32
    %add3A_158 = vector.broadcast %add3A_157 : i32 to vector<16xi32>
    %add3A_159 = arith.addi %add3A_158, %iota3A : vector<16xi32>
    %add3A_160 = arith.constant 32 : i32
    %add3A_161 = vector.broadcast %add3A_160 : i32 to vector<16xi32>
    %add3A_162 = arith.addi %add3A_159, %add3A_161 : vector<16xi32>
    %select_n3A_163 = arith.select %lt3A_109, %add3A_159, %add3A_162 : vector<16xi1>, vector<16xi32>
    %swap3A_164 = arith.constant 0 : i32
    %swap3A_165 = arith.index_cast %swap3A_164 : i32 to index
    %swap3A_166 = arith.constant 16 : index
    %swap3A_167 = tpu.vector_load %arg10[%swap3A_165, %swap3A_166] {strides = array<i32>} : memref<8x32xi32, #tpu.memory_space<vmem>>, vector<1x16xi32>,
    %swap3A_168 = vector.shape_cast %swap3A_167 : vector<1x16xi32> to vector<16xi32>
    %swap3A_169 = vector.shape_cast %select_n3A_163 : vector<16xi32> to vector<1x16xi32>
    tpu.vector_store %arg10[%swap3A_165, %swap3A_166], %swap3A_169 {strides = array<i32>} : memref<8x32xi32, #tpu.memory_space<vmem>>, vector<1x16xi32>,
    %select_n3A_170 = arith.select %lt3A_109, %add3A_162, %add3A_159 : vector<16xi1>, vector<16xi32>
    %swap3A_171 = arith.constant 0 : i32
    %swap3A_172 = arith.index_cast %swap3A_171 : i32 to index
    %swap3A_173 = arith.constant 16 : index
    %swap3A_174 = tpu.vector_load %arg11[%swap3A_172, %swap3A_173] {strides = array<i32>} : memref<8x32xi32, #tpu.memory_space<vmem>>, vector<1x16xi32>,
    %swap3A_175 = vector.shape_cast %swap3A_174 : vector<1x16xi32> to vector<16xi32>
    %swap3A_176 = vector.shape_cast %select_n3A_170 : vector<16xi32> to vector<1x16xi32>
    tpu.vector_store %arg11[%swap3A_172, %swap3A_173], %swap3A_176 {strides = array<i32>} : memref<8x32xi32, #tpu.memory_space<vmem>>, vector<1x16xi32>,
    %get3A_177 = arith.constant 32 : index
    %get3A_178 = tpu.vector_load %arg7[%get3A_177] {strides = array<i32>} : memref<256xi32, #tpu.memory_space<vmem>>, vector<16xi32>,
    %get3A_179 = vector.shape_cast %get3A_178 : vector<16xi32> to vector<16xi32>
    %lt3A_180 = arith.constant 100000 : i32
    %lt3A_181 = vector.broadcast %lt3A_180 : i32 to vector<16xi32>
    %lt3A_182 = arith.cmpi slt, %get3A_179, %lt3A_181 : vector<16xi32>
    %add3A_183 = arith.constant 32 : i32
    %add3A_184 = vector.broadcast %add3A_183 : i32 to vector<16xi32>
    %add3A_185 = arith.addi %add3A_184, %iota3A : vector<16xi32>
    %jit3A_186 = arith.constant 145 : i32
    %eq3A_187 = arith.constant 0 : i32
    %eq3A_188 = arith.cmpi eq, %jit3A_186, %eq3A_187 : i32
    %jit3A_189 = arith.constant 1 : i32
    %select_n3A_190 = arith.select %eq3A_188, %jit3A_189, %jit3A_186 : i32
    %rem3A_191 = vector.broadcast %select_n3A_190 : i32 to vector<16xi32>
    %rem3A_192 = arith.remsi %add3A_185, %rem3A_191 : vector<16xi32>
    %ne3A_193 = arith.constant 0 : i32
    %ne3A_194 = vector.broadcast %ne3A_193 : i32 to vector<16xi32>
    %ne3A_195 = arith.cmpi ne, %rem3A_192, %ne3A_194 : vector<16xi32>
    %lt3A_196 = arith.constant 0 : i32
    %lt3A_197 = vector.broadcast %lt3A_196 : i32 to vector<16xi32>
    %lt3A_198 = arith.cmpi slt, %rem3A_192, %lt3A_197 : vector<16xi32>
    %lt3A_199 = arith.constant 0 : i32
    %lt3A_200 = arith.cmpi slt, %select_n3A_190, %lt3A_199 : i32
    %ne3A_201 = vector.broadcast %lt3A_200 : i1 to vector<16xi1>
    %ne3A_202 = vector.broadcast %ne3A_201 : vector<16xi1> to vector<16xi1>
    %ne3A_203 = arith.xori %lt3A_198, %ne3A_202 : vector<16xi1>
    %and3A_204 = arith.andi %ne3A_203, %ne3A_195 : vector<16xi1>
    %add3A_205 = vector.broadcast %select_n3A_190 : i32 to vector<16xi32>
    %add3A_206 = arith.addi %rem3A_192, %add3A_205 : vector<16xi32>
    %select_n3A_207 = arith.select %and3A_204, %add3A_206, %rem3A_192 : vector<16xi1>, vector<16xi32>
    %select_n3A_208 = arith.select %lt3A_182, %get3A_179, %select_n3A_207 : vector<16xi1>, vector<16xi32>
    %swap3A_209 = arith.constant 1 : i32
    %swap3A_210 = arith.index_cast %swap3A_209 : i32 to index
    %swap3A_211 = arith.constant 0 : index
    %swap3A_212 = tpu.vector_load %arg8[%swap3A_210, %swap3A_211] {strides = array<i32>} : memref<8x32xi32, #tpu.memory_space<vmem>>, vector<1x16xi32>,
    %swap3A_213 = vector.shape_cast %swap3A_212 : vector<1x16xi32> to vector<16xi32>
    %swap3A_214 = vector.shape_cast %select_n3A_208 : vector<16xi32> to vector<1x16xi32>
    tpu.vector_store %arg8[%swap3A_210, %swap3A_211], %swap3A_214 {strides = array<i32>} : memref<8x32xi32, #tpu.memory_space<vmem>>, vector<1x16xi32>,
    %sub3A_215 = arith.constant 99999 : i32
    %sub3A_216 = vector.broadcast %sub3A_215 : i32 to vector<16xi32>
    %sub3A_217 = arith.subi %get3A_179, %sub3A_216 : vector<16xi32>
    %select_n3A_218 = arith.select %lt3A_182, %select_n3A_207, %sub3A_217 : vector<16xi1>, vector<16xi32>
    %swap3A_219 = arith.constant 1 : i32
    %swap3A_220 = arith.index_cast %swap3A_219 : i32 to index
    %swap3A_221 = arith.constant 0 : index
    %swap3A_222 = tpu.vector_load %arg9[%swap3A_220, %swap3A_221] {strides = array<i32>} : memref<8x32xi32, #tpu.memory_space<vmem>>, vector<1x16xi32>,
    %swap3A_223 = vector.shape_cast %swap3A_222 : vector<1x16xi32> to vector<16xi32>
    %swap3A_224 = vector.shape_cast %select_n3A_218 : vector<16xi32> to vector<1x16xi32>
    tpu.vector_store %arg9[%swap3A_220, %swap3A_221], %swap3A_224 {strides = array<i32>} : memref<8x32xi32, #tpu.memory_space<vmem>>, vector<1x16xi32>,
    %mul3A_225 = arith.constant 256 : i32
    %mul3A_226 = arith.muli %select_n3A_30, %mul3A_225 : i32
    %add3A_227 = arith.constant 20 : i32
    %add3A_228 = arith.addi %add3A_227, %mul3A_226 : i32
    %add3A_229 = arith.constant 32 : i32
    %add3A_230 = arith.addi %add3A_228, %add3A_229 : i32
    %add3A_231 = vector.broadcast %add3A_230 : i32 to vector<16xi32>
    %add3A_232 = arith.addi %add3A_231, %iota3A : vector<16xi32>
    %add3A_233 = arith.constant 32 : i32
    %add3A_234 = vector.broadcast %add3A_233 : i32 to vector<16xi32>
    %add3A_235 = arith.addi %add3A_232, %add3A_234 : vector<16xi32>
    %select_n3A_236 = arith.select %lt3A_182, %add3A_232, %add3A_235 : vector<16xi1>, vector<16xi32>
    %swap3A_237 = arith.constant 1 : i32
    %swap3A_238 = arith.index_cast %swap3A_237 : i32 to index
    %swap3A_239 = arith.constant 0 : index
    %swap3A_240 = tpu.vector_load %arg10[%swap3A_238, %swap3A_239] {strides = array<i32>} : memref<8x32xi32, #tpu.memory_space<vmem>>, vector<1x16xi32>,
    %swap3A_241 = vector.shape_cast %swap3A_240 : vector<1x16xi32> to vector<16xi32>
    %swap3A_242 = vector.shape_cast %select_n3A_236 : vector<16xi32> to vector<1x16xi32>
    tpu.vector_store %arg10[%swap3A_238, %swap3A_239], %swap3A_242 {strides = array<i32>} : memref<8x32xi32, #tpu.memory_space<vmem>>, vector<1x16xi32>,
    %select_n3A_243 = arith.select %lt3A_182, %add3A_235, %add3A_232 : vector<16xi1>, vector<16xi32>
    %swap3A_244 = arith.constant 1 : i32
    %swap3A_245 = arith.index_cast %swap3A_244 : i32 to index
    %swap3A_246 = arith.constant 0 : index
    %swap3A_247 = tpu.vector_load %arg11[%swap3A_245, %swap3A_246] {strides = array<i32>} : memref<8x32xi32, #tpu.memory_space<vmem>>, vector<1x16xi32>,
    %swap3A_248 = vector.shape_cast %swap3A_247 : vector<1x16xi32> to vector<16xi32>
    %swap3A_249 = vector.shape_cast %select_n3A_243 : vector<16xi32> to vector<1x16xi32>
    tpu.vector_store %arg11[%swap3A_245, %swap3A_246], %swap3A_249 {strides = array<i32>} : memref<8x32xi32, #tpu.memory_space<vmem>>, vector<1x16xi32>,
    %get3A_250 = arith.constant 48 : index
    %get3A_251 = tpu.vector_load %arg7[%get3A_250] {strides = array<i32>} : memref<256xi32, #tpu.memory_space<vmem>>, vector<16xi32>,
    %get3A_252 = vector.shape_cast %get3A_251 : vector<16xi32> to vector<16xi32>
    %lt3A_253 = arith.constant 100000 : i32
    %lt3A_254 = vector.broadcast %lt3A_253 : i32 to vector<16xi32>
    %lt3A_255 = arith.cmpi slt, %get3A_252, %lt3A_254 : vector<16xi32>
    %add3A_256 = arith.constant 48 : i32
    %add3A_257 = vector.broadcast %add3A_256 : i32 to vector<16xi32>
    %add3A_258 = arith.addi %add3A_257, %iota3A : vector<16xi32>
    %jit3A_259 = arith.constant 145 : i32
    %eq3A_260 = arith.constant 0 : i32
    %eq3A_261 = arith.cmpi eq, %jit3A_259, %eq3A_260 : i32
    %jit3A_262 = arith.constant 1 : i32
    %select_n3A_263 = arith.select %eq3A_261, %jit3A_262, %jit3A_259 : i32
    %rem3A_264 = vector.broadcast %select_n3A_263 : i32 to vector<16xi32>
    %rem3A_265 = arith.remsi %add3A_258, %rem3A_264 : vector<16xi32>
    %ne3A_266 = arith.constant 0 : i32
    %ne3A_267 = vector.broadcast %ne3A_266 : i32 to vector<16xi32>
    %ne3A_268 = arith.cmpi ne, %rem3A_265, %ne3A_267 : vector<16xi32>
    %lt3A_269 = arith.constant 0 : i32
    %lt3A_270 = vector.broadcast %lt3A_269 : i32 to vector<16xi32>
    %lt3A_271 = arith.cmpi slt, %rem3A_265, %lt3A_270 : vector<16xi32>
    %lt3A_272 = arith.constant 0 : i32
    %lt3A_273 = arith.cmpi slt, %select_n3A_263, %lt3A_272 : i32
    %ne3A_274 = vector.broadcast %lt3A_273 : i1 to vector<16xi1>
    %ne3A_275 = vector.broadcast %ne3A_274 : vector<16xi1> to vector<16xi1>
    %ne3A_276 = arith.xori %lt3A_271, %ne3A_275 : vector<16xi1>
    %and3A_277 = arith.andi %ne3A_276, %ne3A_268 : vector<16xi1>
    %add3A_278 = vector.broadcast %select_n3A_263 : i32 to vector<16xi32>
    %add3A_279 = arith.addi %rem3A_265, %add3A_278 : vector<16xi32>
    %select_n3A_280 = arith.select %and3A_277, %add3A_279, %rem3A_265 : vector<16xi1>, vector<16xi32>
    %select_n3A_281 = arith.select %lt3A_255, %get3A_252, %select_n3A_280 : vector<16xi1>, vector<16xi32>
    %swap3A_282 = arith.constant 1 : i32
    %swap3A_283 = arith.index_cast %swap3A_282 : i32 to index
    %swap3A_284 = arith.constant 16 : index
    %swap3A_285 = tpu.vector_load %arg8[%swap3A_283, %swap3A_284] {strides = array<i32>} : memref<8x32xi32, #tpu.memory_space<vmem>>, vector<1x16xi32>,
    %swap3A_286 = vector.shape_cast %swap3A_285 : vector<1x16xi32> to vector<16xi32>
    %swap3A_287 = vector.shape_cast %select_n3A_281 : vector<16xi32> to vector<1x16xi32>
    tpu.vector_store %arg8[%swap3A_283, %swap3A_284], %swap3A_287 {strides = array<i32>} : memref<8x32xi32, #tpu.memory_space<vmem>>, vector<1x16xi32>,
    %sub3A_288 = arith.constant 99999 : i32
    %sub3A_289 = vector.broadcast %sub3A_288 : i32 to vector<16xi32>
    %sub3A_290 = arith.subi %get3A_252, %sub3A_289 : vector<16xi32>
    %select_n3A_291 = arith.select %lt3A_255, %select_n3A_280, %sub3A_290 : vector<16xi1>, vector<16xi32>
    %swap3A_292 = arith.constant 1 : i32
    %swap3A_293 = arith.index_cast %swap3A_292 : i32 to index
    %swap3A_294 = arith.constant 16 : index
    %swap3A_295 = tpu.vector_load %arg9[%swap3A_293, %swap3A_294] {strides = array<i32>} : memref<8x32xi32, #tpu.memory_space<vmem>>, vector<1x16xi32>,
    %swap3A_296 = vector.shape_cast %swap3A_295 : vector<1x16xi32> to vector<16xi32>
    %swap3A_297 = vector.shape_cast %select_n3A_291 : vector<16xi32> to vector<1x16xi32>
    tpu.vector_store %arg9[%swap3A_293, %swap3A_294], %swap3A_297 {strides = array<i32>} : memref<8x32xi32, #tpu.memory_space<vmem>>, vector<1x16xi32>,
    %mul3A_298 = arith.constant 256 : i32
    %mul3A_299 = arith.muli %select_n3A_30, %mul3A_298 : i32
    %add3A_300 = arith.constant 20 : i32
    %add3A_301 = arith.addi %add3A_300, %mul3A_299 : i32
    %add3A_302 = arith.constant 48 : i32
    %add3A_303 = arith.addi %add3A_301, %add3A_302 : i32
    %add3A_304 = vector.broadcast %add3A_303 : i32 to vector<16xi32>
    %add3A_305 = arith.addi %add3A_304, %iota3A : vector<16xi32>
    %add3A_306 = arith.constant 32 : i32
    %add3A_307 = vector.broadcast %add3A_306 : i32 to vector<16xi32>
    %add3A_308 = arith.addi %add3A_305, %add3A_307 : vector<16xi32>
    %select_n3A_309 = arith.select %lt3A_255, %add3A_305, %add3A_308 : vector<16xi1>, vector<16xi32>
    %swap3A_310 = arith.constant 1 : i32
    %swap3A_311 = arith.index_cast %swap3A_310 : i32 to index
    %swap3A_312 = arith.constant 16 : index
    %swap3A_313 = tpu.vector_load %arg10[%swap3A_311, %swap3A_312] {strides = array<i32>} : memref<8x32xi32, #tpu.memory_space<vmem>>, vector<1x16xi32>,
    %swap3A_314 = vector.shape_cast %swap3A_313 : vector<1x16xi32> to vector<16xi32>
    %swap3A_315 = vector.shape_cast %select_n3A_309 : vector<16xi32> to vector<1x16xi32>
    tpu.vector_store %arg10[%swap3A_311, %swap3A_312], %swap3A_315 {strides = array<i32>} : memref<8x32xi32, #tpu.memory_space<vmem>>, vector<1x16xi32>,
    %select_n3A_316 = arith.select %lt3A_255, %add3A_308, %add3A_305 : vector<16xi1>, vector<16xi32>
    %swap3A_317 = arith.constant 1 : i32
    %swap3A_318 = arith.index_cast %swap3A_317 : i32 to index
    %swap3A_319 = arith.constant 16 : index
    %swap3A_320 = tpu.vector_load %arg11[%swap3A_318, %swap3A_319] {strides = array<i32>} : memref<8x32xi32, #tpu.memory_space<vmem>>, vector<1x16xi32>,
    %swap3A_321 = vector.shape_cast %swap3A_320 : vector<1x16xi32> to vector<16xi32>
    %swap3A_322 = vector.shape_cast %select_n3A_316 : vector<16xi32> to vector<1x16xi32>
    tpu.vector_store %arg11[%swap3A_318, %swap3A_319], %swap3A_322 {strides = array<i32>} : memref<8x32xi32, #tpu.memory_space<vmem>>, vector<1x16xi32>,
    %get3A_323 = arith.constant 64 : index
    %get3A_324 = tpu.vector_load %arg7[%get3A_323] {strides = array<i32>} : memref<256xi32, #tpu.memory_space<vmem>>, vector<16xi32>,
    %get3A_325 = vector.shape_cast %get3A_324 : vector<16xi32> to vector<16xi32>
    %lt3A_326 = arith.constant 100000 : i32
    %lt3A_327 = vector.broadcast %lt3A_326 : i32 to vector<16xi32>
    %lt3A_328 = arith.cmpi slt, %get3A_325, %lt3A_327 : vector<16xi32>
    %add3A_329 = arith.constant 64 : i32
    %add3A_330 = vector.broadcast %add3A_329 : i32 to vector<16xi32>
    %add3A_331 = arith.addi %add3A_330, %iota3A : vector<16xi32>
    %jit3A_332 = arith.constant 145 : i32
    %eq3A_333 = arith.constant 0 : i32
    %eq3A_334 = arith.cmpi eq, %jit3A_332, %eq3A_333 : i32
    %jit3A_335 = arith.constant 1 : i32
    %select_n3A_336 = arith.select %eq3A_334, %jit3A_335, %jit3A_332 : i32
    %rem3A_337 = vector.broadcast %select_n3A_336 : i32 to vector<16xi32>
    %rem3A_338 = arith.remsi %add3A_331, %rem3A_337 : vector<16xi32>
    %ne3A_339 = arith.constant 0 : i32
    %ne3A_340 = vector.broadcast %ne3A_339 : i32 to vector<16xi32>
    %ne3A_341 = arith.cmpi ne, %rem3A_338, %ne3A_340 : vector<16xi32>
    %lt3A_342 = arith.constant 0 : i32
    %lt3A_343 = vector.broadcast %lt3A_342 : i32 to vector<16xi32>
    %lt3A_344 = arith.cmpi slt, %rem3A_338, %lt3A_343 : vector<16xi32>
    %lt3A_345 = arith.constant 0 : i32
    %lt3A_346 = arith.cmpi slt, %select_n3A_336, %lt3A_345 : i32
    %ne3A_347 = vector.broadcast %lt3A_346 : i1 to vector<16xi1>
    %ne3A_348 = vector.broadcast %ne3A_347 : vector<16xi1> to vector<16xi1>
    %ne3A_349 = arith.xori %lt3A_344, %ne3A_348 : vector<16xi1>
    %and3A_350 = arith.andi %ne3A_349, %ne3A_341 : vector<16xi1>
    %add3A_351 = vector.broadcast %select_n3A_336 : i32 to vector<16xi32>
    %add3A_352 = arith.addi %rem3A_338, %add3A_351 : vector<16xi32>
    %select_n3A_353 = arith.select %and3A_350, %add3A_352, %rem3A_338 : vector<16xi1>, vector<16xi32>
    %select_n3A_354 = arith.select %lt3A_328, %get3A_325, %select_n3A_353 : vector<16xi1>, vector<16xi32>
    %swap3A_355 = arith.constant 2 : i32
    %swap3A_356 = arith.index_cast %swap3A_355 : i32 to index
    %swap3A_357 = arith.constant 0 : index
    %swap3A_358 = tpu.vector_load %arg8[%swap3A_356, %swap3A_357] {strides = array<i32>} : memref<8x32xi32, #tpu.memory_space<vmem>>, vector<1x16xi32>,
    %swap3A_359 = vector.shape_cast %swap3A_358 : vector<1x16xi32> to vector<16xi32>
    %swap3A_360 = vector.shape_cast %select_n3A_354 : vector<16xi32> to vector<1x16xi32>
    tpu.vector_store %arg8[%swap3A_356, %swap3A_357], %swap3A_360 {strides = array<i32>} : memref<8x32xi32, #tpu.memory_space<vmem>>, vector<1x16xi32>,
    %sub3A_361 = arith.constant 99999 : i32
    %sub3A_362 = vector.broadcast %sub3A_361 : i32 to vector<16xi32>
    %sub3A_363 = arith.subi %get3A_325, %sub3A_362 : vector<16xi32>
    %select_n3A_364 = arith.select %lt3A_328, %select_n3A_353, %sub3A_363 : vector<16xi1>, vector<16xi32>
    %swap3A_365 = arith.constant 2 : i32
    %swap3A_366 = arith.index_cast %swap3A_365 : i32 to index
    %swap3A_367 = arith.constant 0 : index
    %swap3A_368 = tpu.vector_load %arg9[%swap3A_366, %swap3A_367] {strides = array<i32>} : memref<8x32xi32, #tpu.memory_space<vmem>>, vector<1x16xi32>,
    %swap3A_369 = vector.shape_cast %swap3A_368 : vector<1x16xi32> to vector<16xi32>
    %swap3A_370 = vector.shape_cast %select_n3A_364 : vector<16xi32> to vector<1x16xi32>
    tpu.vector_store %arg9[%swap3A_366, %swap3A_367], %swap3A_370 {strides = array<i32>} : memref<8x32xi32, #tpu.memory_space<vmem>>, vector<1x16xi32>,
    %mul3A_371 = arith.constant 256 : i32
    %mul3A_372 = arith.muli %select_n3A_30, %mul3A_371 : i32
    %add3A_373 = arith.constant 20 : i32
    %add3A_374 = arith.addi %add3A_373, %mul3A_372 : i32
    %add3A_375 = arith.constant 64 : i32
    %add3A_376 = arith.addi %add3A_374, %add3A_375 : i32
    %add3A_377 = vector.broadcast %add3A_376 : i32 to vector<16xi32>
    %add3A_378 = arith.addi %add3A_377, %iota3A : vector<16xi32>
    %add3A_379 = arith.constant 32 : i32
    %add3A_380 = vector.broadcast %add3A_379 : i32 to vector<16xi32>
    %add3A_381 = arith.addi %add3A_378, %add3A_380 : vector<16xi32>
    %select_n3A_382 = arith.select %lt3A_328, %add3A_378, %add3A_381 : vector<16xi1>, vector<16xi32>
    %swap3A_383 = arith.constant 2 : i32
    %swap3A_384 = arith.index_cast %swap3A_383 : i32 to index
    %swap3A_385 = arith.constant 0 : index
    %swap3A_386 = tpu.vector_load %arg10[%swap3A_384, %swap3A_385] {strides = array<i32>} : memref<8x32xi32, #tpu.memory_space<vmem>>, vector<1x16xi32>,
    %swap3A_387 = vector.shape_cast %swap3A_386 : vector<1x16xi32> to vector<16xi32>
    %swap3A_388 = vector.shape_cast %select_n3A_382 : vector<16xi32> to vector<1x16xi32>
    tpu.vector_store %arg10[%swap3A_384, %swap3A_385], %swap3A_388 {strides = array<i32>} : memref<8x32xi32, #tpu.memory_space<vmem>>, vector<1x16xi32>,
    %select_n3A_389 = arith.select %lt3A_328, %add3A_381, %add3A_378 : vector<16xi1>, vector<16xi32>
    %swap3A_390 = arith.constant 2 : i32
    %swap3A_391 = arith.index_cast %swap3A_390 : i32 to index
    %swap3A_392 = arith.constant 0 : index
    %swap3A_393 = tpu.vector_load %arg11[%swap3A_391, %swap3A_392] {strides = array<i32>} : memref<8x32xi32, #tpu.memory_space<vmem>>, vector<1x16xi32>,
    %swap3A_394 = vector.shape_cast %swap3A_393 : vector<1x16xi32> to vector<16xi32>
    %swap3A_395 = vector.shape_cast %select_n3A_389 : vector<16xi32> to vector<1x16xi32>
    tpu.vector_store %arg11[%swap3A_391, %swap3A_392], %swap3A_395 {strides = array<i32>} : memref<8x32xi32, #tpu.memory_space<vmem>>, vector<1x16xi32>,
    %get3A_396 = arith.constant 80 : index
    %get3A_397 = tpu.vector_load %arg7[%get3A_396] {strides = array<i32>} : memref<256xi32, #tpu.memory_space<vmem>>, vector<16xi32>,
    %get3A_398 = vector.shape_cast %get3A_397 : vector<16xi32> to vector<16xi32>
    %lt3A_399 = arith.constant 100000 : i32
    %lt3A_400 = vector.broadcast %lt3A_399 : i32 to vector<16xi32>
    %lt3A_401 = arith.cmpi slt, %get3A_398, %lt3A_400 : vector<16xi32>
    %add3A_402 = arith.constant 80 : i32
    %add3A_403 = vector.broadcast %add3A_402 : i32 to vector<16xi32>
    %add3A_404 = arith.addi %add3A_403, %iota3A : vector<16xi32>
    %jit3A_405 = arith.constant 145 : i32
    %eq3A_406 = arith.constant 0 : i32
    %eq3A_407 = arith.cmpi eq, %jit3A_405, %eq3A_406 : i32
    %jit3A_408 = arith.constant 1 : i32
    %select_n3A_409 = arith.select %eq3A_407, %jit3A_408, %jit3A_405 : i32
    %rem3A_410 = vector.broadcast %select_n3A_409 : i32 to vector<16xi32>
    %rem3A_411 = arith.remsi %add3A_404, %rem3A_410 : vector<16xi32>
    %ne3A_412 = arith.constant 0 : i32
    %ne3A_413 = vector.broadcast %ne3A_412 : i32 to vector<16xi32>
    %ne3A_414 = arith.cmpi ne, %rem3A_411, %ne3A_413 : vector<16xi32>
    %lt3A_415 = arith.constant 0 : i32
    %lt3A_416 = vector.broadcast %lt3A_415 : i32 to vector<16xi32>
    %lt3A_417 = arith.cmpi slt, %rem3A_411, %lt3A_416 : vector<16xi32>
    %lt3A_418 = arith.constant 0 : i32
    %lt3A_419 = arith.cmpi slt, %select_n3A_409, %lt3A_418 : i32
    %ne3A_420 = vector.broadcast %lt3A_419 : i1 to vector<16xi1>
    %ne3A_421 = vector.broadcast %ne3A_420 : vector<16xi1> to vector<16xi1>
    %ne3A_422 = arith.xori %lt3A_417, %ne3A_421 : vector<16xi1>
    %and3A_423 = arith.andi %ne3A_422, %ne3A_414 : vector<16xi1>
    %add3A_424 = vector.broadcast %select_n3A_409 : i32 to vector<16xi32>
    %add3A_425 = arith.addi %rem3A_411, %add3A_424 : vector<16xi32>
    %select_n3A_426 = arith.select %and3A_423, %add3A_425, %rem3A_411 : vector<16xi1>, vector<16xi32>
    %select_n3A_427 = arith.select %lt3A_401, %get3A_398, %select_n3A_426 : vector<16xi1>, vector<16xi32>
    %swap3A_428 = arith.constant 2 : i32
    %swap3A_429 = arith.index_cast %swap3A_428 : i32 to index
    %swap3A_430 = arith.constant 16 : index
    %swap3A_431 = tpu.vector_load %arg8[%swap3A_429, %swap3A_430] {strides = array<i32>} : memref<8x32xi32, #tpu.memory_space<vmem>>, vector<1x16xi32>,
    %swap3A_432 = vector.shape_cast %swap3A_431 : vector<1x16xi32> to vector<16xi32>
    %swap3A_433 = vector.shape_cast %select_n3A_427 : vector<16xi32> to vector<1x16xi32>
    tpu.vector_store %arg8[%swap3A_429, %swap3A_430], %swap3A_433 {strides = array<i32>} : memref<8x32xi32, #tpu.memory_space<vmem>>, vector<1x16xi32>,
    %sub3A_434 = arith.constant 99999 : i32
    %sub3A_435 = vector.broadcast %sub3A_434 : i32 to vector<16xi32>
    %sub3A_436 = arith.subi %get3A_398, %sub3A_435 : vector<16xi32>
    %select_n3A_437 = arith.select %lt3A_401, %select_n3A_426, %sub3A_436 : vector<16xi1>, vector<16xi32>
    %swap3A_438 = arith.constant 2 : i32
    %swap3A_439 = arith.index_cast %swap3A_438 : i32 to index
    %swap3A_440 = arith.constant 16 : index
    %swap3A_441 = tpu.vector_load %arg9[%swap3A_439, %swap3A_440] {strides = array<i32>} : memref<8x32xi32, #tpu.memory_space<vmem>>, vector<1x16xi32>,
    %swap3A_442 = vector.shape_cast %swap3A_441 : vector<1x16xi32> to vector<16xi32>
    %swap3A_443 = vector.shape_cast %select_n3A_437 : vector<16xi32> to vector<1x16xi32>
    tpu.vector_store %arg9[%swap3A_439, %swap3A_440], %swap3A_443 {strides = array<i32>} : memref<8x32xi32, #tpu.memory_space<vmem>>, vector<1x16xi32>,
    %mul3A_444 = arith.constant 256 : i32
    %mul3A_445 = arith.muli %select_n3A_30, %mul3A_444 : i32
    %add3A_446 = arith.constant 20 : i32
    %add3A_447 = arith.addi %add3A_446, %mul3A_445 : i32
    %add3A_448 = arith.constant 80 : i32
    %add3A_449 = arith.addi %add3A_447, %add3A_448 : i32
    %add3A_450 = vector.broadcast %add3A_449 : i32 to vector<16xi32>
    %add3A_451 = arith.addi %add3A_450, %iota3A : vector<16xi32>
    %add3A_452 = arith.constant 32 : i32
    %add3A_453 = vector.broadcast %add3A_452 : i32 to vector<16xi32>
    %add3A_454 = arith.addi %add3A_451, %add3A_453 : vector<16xi32>
    %select_n3A_455 = arith.select %lt3A_401, %add3A_451, %add3A_454 : vector<16xi1>, vector<16xi32>
    %swap3A_456 = arith.constant 2 : i32
    %swap3A_457 = arith.index_cast %swap3A_456 : i32 to index
    %swap3A_458 = arith.constant 16 : index
    %swap3A_459 = tpu.vector_load %arg10[%swap3A_457, %swap3A_458] {strides = array<i32>} : memref<8x32xi32, #tpu.memory_space<vmem>>, vector<1x16xi32>,
    %swap3A_460 = vector.shape_cast %swap3A_459 : vector<1x16xi32> to vector<16xi32>
    %swap3A_461 = vector.shape_cast %select_n3A_455 : vector<16xi32> to vector<1x16xi32>
    tpu.vector_store %arg10[%swap3A_457, %swap3A_458], %swap3A_461 {strides = array<i32>} : memref<8x32xi32, #tpu.memory_space<vmem>>, vector<1x16xi32>,
    %select_n3A_462 = arith.select %lt3A_401, %add3A_454, %add3A_451 : vector<16xi1>, vector<16xi32>
    %swap3A_463 = arith.constant 2 : i32
    %swap3A_464 = arith.index_cast %swap3A_463 : i32 to index
    %swap3A_465 = arith.constant 16 : index
    %swap3A_466 = tpu.vector_load %arg11[%swap3A_464, %swap3A_465] {strides = array<i32>} : memref<8x32xi32, #tpu.memory_space<vmem>>, vector<1x16xi32>,
    %swap3A_467 = vector.shape_cast %swap3A_466 : vector<1x16xi32> to vector<16xi32>
    %swap3A_468 = vector.shape_cast %select_n3A_462 : vector<16xi32> to vector<1x16xi32>
    tpu.vector_store %arg11[%swap3A_464, %swap3A_465], %swap3A_468 {strides = array<i32>} : memref<8x32xi32, #tpu.memory_space<vmem>>, vector<1x16xi32>,
    %get3A_469 = arith.constant 96 : index
    %get3A_470 = tpu.vector_load %arg7[%get3A_469] {strides = array<i32>} : memref<256xi32, #tpu.memory_space<vmem>>, vector<16xi32>,
    %get3A_471 = vector.shape_cast %get3A_470 : vector<16xi32> to vector<16xi32>
    %lt3A_472 = arith.constant 100000 : i32
    %lt3A_473 = vector.broadcast %lt3A_472 : i32 to vector<16xi32>
    %lt3A_474 = arith.cmpi slt, %get3A_471, %lt3A_473 : vector<16xi32>
    %add3A_475 = arith.constant 96 : i32
    %add3A_476 = vector.broadcast %add3A_475 : i32 to vector<16xi32>
    %add3A_477 = arith.addi %add3A_476, %iota3A : vector<16xi32>
    %jit3A_478 = arith.constant 145 : i32
    %eq3A_479 = arith.constant 0 : i32
    %eq3A_480 = arith.cmpi eq, %jit3A_478, %eq3A_479 : i32
    %jit3A_481 = arith.constant 1 : i32
    %select_n3A_482 = arith.select %eq3A_480, %jit3A_481, %jit3A_478 : i32
    %rem3A_483 = vector.broadcast %select_n3A_482 : i32 to vector<16xi32>
    %rem3A_484 = arith.remsi %add3A_477, %rem3A_483 : vector<16xi32>
    %ne3A_485 = arith.constant 0 : i32
    %ne3A_486 = vector.broadcast %ne3A_485 : i32 to vector<16xi32>
    %ne3A_487 = arith.cmpi ne, %rem3A_484, %ne3A_486 : vector<16xi32>
    %lt3A_488 = arith.constant 0 : i32
    %lt3A_489 = vector.broadcast %lt3A_488 : i32 to vector<16xi32>
    %lt3A_490 = arith.cmpi slt, %rem3A_484, %lt3A_489 : vector<16xi32>
    %lt3A_491 = arith.constant 0 : i32
    %lt3A_492 = arith.cmpi slt, %select_n3A_482, %lt3A_491 : i32
    %ne3A_493 = vector.broadcast %lt3A_492 : i1 to vector<16xi1>
    %ne3A_494 = vector.broadcast %ne3A_493 : vector<16xi1> to vector<16xi1>
    %ne3A_495 = arith.xori %lt3A_490, %ne3A_494 : vector<16xi1>
    %and3A_496 = arith.andi %ne3A_495, %ne3A_487 : vector<16xi1>
    %add3A_497 = vector.broadcast %select_n3A_482 : i32 to vector<16xi32>
    %add3A_498 = arith.addi %rem3A_484, %add3A_497 : vector<16xi32>
    %select_n3A_499 = arith.select %and3A_496, %add3A_498, %rem3A_484 : vector<16xi1>, vector<16xi32>
    %select_n3A_500 = arith.select %lt3A_474, %get3A_471, %select_n3A_499 : vector<16xi1>, vector<16xi32>
    %swap3A_501 = arith.constant 3 : i32
    %swap3A_502 = arith.index_cast %swap3A_501 : i32 to index
    %swap3A_503 = arith.constant 0 : index
    %swap3A_504 = tpu.vector_load %arg8[%swap3A_502, %swap3A_503] {strides = array<i32>} : memref<8x32xi32, #tpu.memory_space<vmem>>, vector<1x16xi32>,
    %swap3A_505 = vector.shape_cast %swap3A_504 : vector<1x16xi32> to vector<16xi32>
    %swap3A_506 = vector.shape_cast %select_n3A_500 : vector<16xi32> to vector<1x16xi32>
    tpu.vector_store %arg8[%swap3A_502, %swap3A_503], %swap3A_506 {strides = array<i32>} : memref<8x32xi32, #tpu.memory_space<vmem>>, vector<1x16xi32>,
    %sub3A_507 = arith.constant 99999 : i32
    %sub3A_508 = vector.broadcast %sub3A_507 : i32 to vector<16xi32>
    %sub3A_509 = arith.subi %get3A_471, %sub3A_508 : vector<16xi32>
    %select_n3A_510 = arith.select %lt3A_474, %select_n3A_499, %sub3A_509 : vector<16xi1>, vector<16xi32>
    %swap3A_511 = arith.constant 3 : i32
    %swap3A_512 = arith.index_cast %swap3A_511 : i32 to index
    %swap3A_513 = arith.constant 0 : index
    %swap3A_514 = tpu.vector_load %arg9[%swap3A_512, %swap3A_513] {strides = array<i32>} : memref<8x32xi32, #tpu.memory_space<vmem>>, vector<1x16xi32>,
    %swap3A_515 = vector.shape_cast %swap3A_514 : vector<1x16xi32> to vector<16xi32>
    %swap3A_516 = vector.shape_cast %select_n3A_510 : vector<16xi32> to vector<1x16xi32>
    tpu.vector_store %arg9[%swap3A_512, %swap3A_513], %swap3A_516 {strides = array<i32>} : memref<8x32xi32, #tpu.memory_space<vmem>>, vector<1x16xi32>,
    %mul3A_517 = arith.constant 256 : i32
    %mul3A_518 = arith.muli %select_n3A_30, %mul3A_517 : i32
    %add3A_519 = arith.constant 20 : i32
    %add3A_520 = arith.addi %add3A_519, %mul3A_518 : i32
    %add3A_521 = arith.constant 96 : i32
    %add3A_522 = arith.addi %add3A_520, %add3A_521 : i32
    %add3A_523 = vector.broadcast %add3A_522 : i32 to vector<16xi32>
    %add3A_524 = arith.addi %add3A_523, %iota3A : vector<16xi32>
    %add3A_525 = arith.constant 32 : i32
    %add3A_526 = vector.broadcast %add3A_525 : i32 to vector<16xi32>
    %add3A_527 = arith.addi %add3A_524, %add3A_526 : vector<16xi32>
    %select_n3A_528 = arith.select %lt3A_474, %add3A_524, %add3A_527 : vector<16xi1>, vector<16xi32>
    %swap3A_529 = arith.constant 3 : i32
    %swap3A_530 = arith.index_cast %swap3A_529 : i32 to index
    %swap3A_531 = arith.constant 0 : index
    %swap3A_532 = tpu.vector_load %arg10[%swap3A_530, %swap3A_531] {strides = array<i32>} : memref<8x32xi32, #tpu.memory_space<vmem>>, vector<1x16xi32>,
    %swap3A_533 = vector.shape_cast %swap3A_532 : vector<1x16xi32> to vector<16xi32>
    %swap3A_534 = vector.shape_cast %select_n3A_528 : vector<16xi32> to vector<1x16xi32>
    tpu.vector_store %arg10[%swap3A_530, %swap3A_531], %swap3A_534 {strides = array<i32>} : memref<8x32xi32, #tpu.memory_space<vmem>>, vector<1x16xi32>,
    %select_n3A_535 = arith.select %lt3A_474, %add3A_527, %add3A_524 : vector<16xi1>, vector<16xi32>
    %swap3A_536 = arith.constant 3 : i32
    %swap3A_537 = arith.index_cast %swap3A_536 : i32 to index
    %swap3A_538 = arith.constant 0 : index
    %swap3A_539 = tpu.vector_load %arg11[%swap3A_537, %swap3A_538] {strides = array<i32>} : memref<8x32xi32, #tpu.memory_space<vmem>>, vector<1x16xi32>,
    %swap3A_540 = vector.shape_cast %swap3A_539 : vector<1x16xi32> to vector<16xi32>
    %swap3A_541 = vector.shape_cast %select_n3A_535 : vector<16xi32> to vector<1x16xi32>
    tpu.vector_store %arg11[%swap3A_537, %swap3A_538], %swap3A_541 {strides = array<i32>} : memref<8x32xi32, #tpu.memory_space<vmem>>, vector<1x16xi32>,
    %get3A_542 = arith.constant 112 : index
    %get3A_543 = tpu.vector_load %arg7[%get3A_542] {strides = array<i32>} : memref<256xi32, #tpu.memory_space<vmem>>, vector<16xi32>,
    %get3A_544 = vector.shape_cast %get3A_543 : vector<16xi32> to vector<16xi32>
    %lt3A_545 = arith.constant 100000 : i32
    %lt3A_546 = vector.broadcast %lt3A_545 : i32 to vector<16xi32>
    %lt3A_547 = arith.cmpi slt, %get3A_544, %lt3A_546 : vector<16xi32>
    %add3A_548 = arith.constant 112 : i32
    %add3A_549 = vector.broadcast %add3A_548 : i32 to vector<16xi32>
    %add3A_550 = arith.addi %add3A_549, %iota3A : vector<16xi32>
    %jit3A_551 = arith.constant 145 : i32
    %eq3A_552 = arith.constant 0 : i32
    %eq3A_553 = arith.cmpi eq, %jit3A_551, %eq3A_552 : i32
    %jit3A_554 = arith.constant 1 : i32
    %select_n3A_555 = arith.select %eq3A_553, %jit3A_554, %jit3A_551 : i32
    %rem3A_556 = vector.broadcast %select_n3A_555 : i32 to vector<16xi32>
    %rem3A_557 = arith.remsi %add3A_550, %rem3A_556 : vector<16xi32>
    %ne3A_558 = arith.constant 0 : i32
    %ne3A_559 = vector.broadcast %ne3A_558 : i32 to vector<16xi32>
    %ne3A_560 = arith.cmpi ne, %rem3A_557, %ne3A_559 : vector<16xi32>
    %lt3A_561 = arith.constant 0 : i32
    %lt3A_562 = vector.broadcast %lt3A_561 : i32 to vector<16xi32>
    %lt3A_563 = arith.cmpi slt, %rem3A_557, %lt3A_562 : vector<16xi32>
    %lt3A_564 = arith.constant 0 : i32
    %lt3A_565 = arith.cmpi slt, %select_n3A_555, %lt3A_564 : i32
    %ne3A_566 = vector.broadcast %lt3A_565 : i1 to vector<16xi1>
    %ne3A_567 = vector.broadcast %ne3A_566 : vector<16xi1> to vector<16xi1>
    %ne3A_568 = arith.xori %lt3A_563, %ne3A_567 : vector<16xi1>
    %and3A_569 = arith.andi %ne3A_568, %ne3A_560 : vector<16xi1>
    %add3A_570 = vector.broadcast %select_n3A_555 : i32 to vector<16xi32>
    %add3A_571 = arith.addi %rem3A_557, %add3A_570 : vector<16xi32>
    %select_n3A_572 = arith.select %and3A_569, %add3A_571, %rem3A_557 : vector<16xi1>, vector<16xi32>
    %select_n3A_573 = arith.select %lt3A_547, %get3A_544, %select_n3A_572 : vector<16xi1>, vector<16xi32>
    %swap3A_574 = arith.constant 3 : i32
    %swap3A_575 = arith.index_cast %swap3A_574 : i32 to index
    %swap3A_576 = arith.constant 16 : index
    %swap3A_577 = tpu.vector_load %arg8[%swap3A_575, %swap3A_576] {strides = array<i32>} : memref<8x32xi32, #tpu.memory_space<vmem>>, vector<1x16xi32>,
    %swap3A_578 = vector.shape_cast %swap3A_577 : vector<1x16xi32> to vector<16xi32>
    %swap3A_579 = vector.shape_cast %select_n3A_573 : vector<16xi32> to vector<1x16xi32>
    tpu.vector_store %arg8[%swap3A_575, %swap3A_576], %swap3A_579 {strides = array<i32>} : memref<8x32xi32, #tpu.memory_space<vmem>>, vector<1x16xi32>,
    %sub3A_580 = arith.constant 99999 : i32
    %sub3A_581 = vector.broadcast %sub3A_580 : i32 to vector<16xi32>
    %sub3A_582 = arith.subi %get3A_544, %sub3A_581 : vector<16xi32>
    %select_n3A_583 = arith.select %lt3A_547, %select_n3A_572, %sub3A_582 : vector<16xi1>, vector<16xi32>
    %swap3A_584 = arith.constant 3 : i32
    %swap3A_585 = arith.index_cast %swap3A_584 : i32 to index
    %swap3A_586 = arith.constant 16 : index
    %swap3A_587 = tpu.vector_load %arg9[%swap3A_585, %swap3A_586] {strides = array<i32>} : memref<8x32xi32, #tpu.memory_space<vmem>>, vector<1x16xi32>,
    %swap3A_588 = vector.shape_cast %swap3A_587 : vector<1x16xi32> to vector<16xi32>
    %swap3A_589 = vector.shape_cast %select_n3A_583 : vector<16xi32> to vector<1x16xi32>
    tpu.vector_store %arg9[%swap3A_585, %swap3A_586], %swap3A_589 {strides = array<i32>} : memref<8x32xi32, #tpu.memory_space<vmem>>, vector<1x16xi32>,
    %mul3A_590 = arith.constant 256 : i32
    %mul3A_591 = arith.muli %select_n3A_30, %mul3A_590 : i32
    %add3A_592 = arith.constant 20 : i32
    %add3A_593 = arith.addi %add3A_592, %mul3A_591 : i32
    %add3A_594 = arith.constant 112 : i32
    %add3A_595 = arith.addi %add3A_593, %add3A_594 : i32
    %add3A_596 = vector.broadcast %add3A_595 : i32 to vector<16xi32>
    %add3A_597 = arith.addi %add3A_596, %iota3A : vector<16xi32>
    %add3A_598 = arith.constant 32 : i32
    %add3A_599 = vector.broadcast %add3A_598 : i32 to vector<16xi32>
    %add3A_600 = arith.addi %add3A_597, %add3A_599 : vector<16xi32>
    %select_n3A_601 = arith.select %lt3A_547, %add3A_597, %add3A_600 : vector<16xi1>, vector<16xi32>
    %swap3A_602 = arith.constant 3 : i32
    %swap3A_603 = arith.index_cast %swap3A_602 : i32 to index
    %swap3A_604 = arith.constant 16 : index
    %swap3A_605 = tpu.vector_load %arg10[%swap3A_603, %swap3A_604] {strides = array<i32>} : memref<8x32xi32, #tpu.memory_space<vmem>>, vector<1x16xi32>,
    %swap3A_606 = vector.shape_cast %swap3A_605 : vector<1x16xi32> to vector<16xi32>
    %swap3A_607 = vector.shape_cast %select_n3A_601 : vector<16xi32> to vector<1x16xi32>
    tpu.vector_store %arg10[%swap3A_603, %swap3A_604], %swap3A_607 {strides = array<i32>} : memref<8x32xi32, #tpu.memory_space<vmem>>, vector<1x16xi32>,
    %select_n3A_608 = arith.select %lt3A_547, %add3A_600, %add3A_597 : vector<16xi1>, vector<16xi32>
    %swap3A_609 = arith.constant 3 : i32
    %swap3A_610 = arith.index_cast %swap3A_609 : i32 to index
    %swap3A_611 = arith.constant 16 : index
    %swap3A_612 = tpu.vector_load %arg11[%swap3A_610, %swap3A_611] {strides = array<i32>} : memref<8x32xi32, #tpu.memory_space<vmem>>, vector<1x16xi32>,
    %swap3A_613 = vector.shape_cast %swap3A_612 : vector<1x16xi32> to vector<16xi32>
    %swap3A_614 = vector.shape_cast %select_n3A_608 : vector<16xi32> to vector<1x16xi32>
    tpu.vector_store %arg11[%swap3A_610, %swap3A_611], %swap3A_614 {strides = array<i32>} : memref<8x32xi32, #tpu.memory_space<vmem>>, vector<1x16xi32>,
    %get3A_615 = arith.constant 128 : index
    %get3A_616 = tpu.vector_load %arg7[%get3A_615] {strides = array<i32>} : memref<256xi32, #tpu.memory_space<vmem>>, vector<16xi32>,
    %get3A_617 = vector.shape_cast %get3A_616 : vector<16xi32> to vector<16xi32>
    %lt3A_618 = arith.constant 100000 : i32
    %lt3A_619 = vector.broadcast %lt3A_618 : i32 to vector<16xi32>
    %lt3A_620 = arith.cmpi slt, %get3A_617, %lt3A_619 : vector<16xi32>
    %add3A_621 = arith.constant 128 : i32
    %add3A_622 = vector.broadcast %add3A_621 : i32 to vector<16xi32>
    %add3A_623 = arith.addi %add3A_622, %iota3A : vector<16xi32>
    %jit3A_624 = arith.constant 145 : i32
    %eq3A_625 = arith.constant 0 : i32
    %eq3A_626 = arith.cmpi eq, %jit3A_624, %eq3A_625 : i32
    %jit3A_627 = arith.constant 1 : i32
    %select_n3A_628 = arith.select %eq3A_626, %jit3A_627, %jit3A_624 : i32
    %rem3A_629 = vector.broadcast %select_n3A_628 : i32 to vector<16xi32>
    %rem3A_630 = arith.remsi %add3A_623, %rem3A_629 : vector<16xi32>
    %ne3A_631 = arith.constant 0 : i32
    %ne3A_632 = vector.broadcast %ne3A_631 : i32 to vector<16xi32>
    %ne3A_633 = arith.cmpi ne, %rem3A_630, %ne3A_632 : vector<16xi32>
    %lt3A_634 = arith.constant 0 : i32
    %lt3A_635 = vector.broadcast %lt3A_634 : i32 to vector<16xi32>
    %lt3A_636 = arith.cmpi slt, %rem3A_630, %lt3A_635 : vector<16xi32>
    %lt3A_637 = arith.constant 0 : i32
    %lt3A_638 = arith.cmpi slt, %select_n3A_628, %lt3A_637 : i32
    %ne3A_639 = vector.broadcast %lt3A_638 : i1 to vector<16xi1>
    %ne3A_640 = vector.broadcast %ne3A_639 : vector<16xi1> to vector<16xi1>
    %ne3A_641 = arith.xori %lt3A_636, %ne3A_640 : vector<16xi1>
    %and3A_642 = arith.andi %ne3A_641, %ne3A_633 : vector<16xi1>
    %add3A_643 = vector.broadcast %select_n3A_628 : i32 to vector<16xi32>
    %add3A_644 = arith.addi %rem3A_630, %add3A_643 : vector<16xi32>
    %select_n3A_645 = arith.select %and3A_642, %add3A_644, %rem3A_630 : vector<16xi1>, vector<16xi32>
    %select_n3A_646 = arith.select %lt3A_620, %get3A_617, %select_n3A_645 : vector<16xi1>, vector<16xi32>
    %swap3A_647 = arith.constant 4 : i32
    %swap3A_648 = arith.index_cast %swap3A_647 : i32 to index
    %swap3A_649 = arith.constant 0 : index
    %swap3A_650 = tpu.vector_load %arg8[%swap3A_648, %swap3A_649] {strides = array<i32>} : memref<8x32xi32, #tpu.memory_space<vmem>>, vector<1x16xi32>,
    %swap3A_651 = vector.shape_cast %swap3A_650 : vector<1x16xi32> to vector<16xi32>
    %swap3A_652 = vector.shape_cast %select_n3A_646 : vector<16xi32> to vector<1x16xi32>
    tpu.vector_store %arg8[%swap3A_648, %swap3A_649], %swap3A_652 {strides = array<i32>} : memref<8x32xi32, #tpu.memory_space<vmem>>, vector<1x16xi32>,
    %sub3A_653 = arith.constant 99999 : i32
    %sub3A_654 = vector.broadcast %sub3A_653 : i32 to vector<16xi32>
    %sub3A_655 = arith.subi %get3A_617, %sub3A_654 : vector<16xi32>
    %select_n3A_656 = arith.select %lt3A_620, %select_n3A_645, %sub3A_655 : vector<16xi1>, vector<16xi32>
    %swap3A_657 = arith.constant 4 : i32
    %swap3A_658 = arith.index_cast %swap3A_657 : i32 to index
    %swap3A_659 = arith.constant 0 : index
    %swap3A_660 = tpu.vector_load %arg9[%swap3A_658, %swap3A_659] {strides = array<i32>} : memref<8x32xi32, #tpu.memory_space<vmem>>, vector<1x16xi32>,
    %swap3A_661 = vector.shape_cast %swap3A_660 : vector<1x16xi32> to vector<16xi32>
    %swap3A_662 = vector.shape_cast %select_n3A_656 : vector<16xi32> to vector<1x16xi32>
    tpu.vector_store %arg9[%swap3A_658, %swap3A_659], %swap3A_662 {strides = array<i32>} : memref<8x32xi32, #tpu.memory_space<vmem>>, vector<1x16xi32>,
    %mul3A_663 = arith.constant 256 : i32
    %mul3A_664 = arith.muli %select_n3A_30, %mul3A_663 : i32
    %add3A_665 = arith.constant 20 : i32
    %add3A_666 = arith.addi %add3A_665, %mul3A_664 : i32
    %add3A_667 = arith.constant 128 : i32
    %add3A_668 = arith.addi %add3A_666, %add3A_667 : i32
    %add3A_669 = vector.broadcast %add3A_668 : i32 to vector<16xi32>
    %add3A_670 = arith.addi %add3A_669, %iota3A : vector<16xi32>
    %add3A_671 = arith.constant 32 : i32
    %add3A_672 = vector.broadcast %add3A_671 : i32 to vector<16xi32>
    %add3A_673 = arith.addi %add3A_670, %add3A_672 : vector<16xi32>
    %select_n3A_674 = arith.select %lt3A_620, %add3A_670, %add3A_673 : vector<16xi1>, vector<16xi32>
    %swap3A_675 = arith.constant 4 : i32
    %swap3A_676 = arith.index_cast %swap3A_675 : i32 to index
    %swap3A_677 = arith.constant 0 : index
    %swap3A_678 = tpu.vector_load %arg10[%swap3A_676, %swap3A_677] {strides = array<i32>} : memref<8x32xi32, #tpu.memory_space<vmem>>, vector<1x16xi32>,
    %swap3A_679 = vector.shape_cast %swap3A_678 : vector<1x16xi32> to vector<16xi32>
    %swap3A_680 = vector.shape_cast %select_n3A_674 : vector<16xi32> to vector<1x16xi32>
    tpu.vector_store %arg10[%swap3A_676, %swap3A_677], %swap3A_680 {strides = array<i32>} : memref<8x32xi32, #tpu.memory_space<vmem>>, vector<1x16xi32>,
    %select_n3A_681 = arith.select %lt3A_620, %add3A_673, %add3A_670 : vector<16xi1>, vector<16xi32>
    %swap3A_682 = arith.constant 4 : i32
    %swap3A_683 = arith.index_cast %swap3A_682 : i32 to index
    %swap3A_684 = arith.constant 0 : index
    %swap3A_685 = tpu.vector_load %arg11[%swap3A_683, %swap3A_684] {strides = array<i32>} : memref<8x32xi32, #tpu.memory_space<vmem>>, vector<1x16xi32>,
    %swap3A_686 = vector.shape_cast %swap3A_685 : vector<1x16xi32> to vector<16xi32>
    %swap3A_687 = vector.shape_cast %select_n3A_681 : vector<16xi32> to vector<1x16xi32>
    tpu.vector_store %arg11[%swap3A_683, %swap3A_684], %swap3A_687 {strides = array<i32>} : memref<8x32xi32, #tpu.memory_space<vmem>>, vector<1x16xi32>,
    %get3A_688 = arith.constant 144 : index
    %get3A_689 = tpu.vector_load %arg7[%get3A_688] {strides = array<i32>} : memref<256xi32, #tpu.memory_space<vmem>>, vector<16xi32>,
    %get3A_690 = vector.shape_cast %get3A_689 : vector<16xi32> to vector<16xi32>
    %lt3A_691 = arith.constant 100000 : i32
    %lt3A_692 = vector.broadcast %lt3A_691 : i32 to vector<16xi32>
    %lt3A_693 = arith.cmpi slt, %get3A_690, %lt3A_692 : vector<16xi32>
    %add3A_694 = arith.constant 144 : i32
    %add3A_695 = vector.broadcast %add3A_694 : i32 to vector<16xi32>
    %add3A_696 = arith.addi %add3A_695, %iota3A : vector<16xi32>
    %jit3A_697 = arith.constant 145 : i32
    %eq3A_698 = arith.constant 0 : i32
    %eq3A_699 = arith.cmpi eq, %jit3A_697, %eq3A_698 : i32
    %jit3A_700 = arith.constant 1 : i32
    %select_n3A_701 = arith.select %eq3A_699, %jit3A_700, %jit3A_697 : i32
    %rem3A_702 = vector.broadcast %select_n3A_701 : i32 to vector<16xi32>
    %rem3A_703 = arith.remsi %add3A_696, %rem3A_702 : vector<16xi32>
    %ne3A_704 = arith.constant 0 : i32
    %ne3A_705 = vector.broadcast %ne3A_704 : i32 to vector<16xi32>
    %ne3A_706 = arith.cmpi ne, %rem3A_703, %ne3A_705 : vector<16xi32>
    %lt3A_707 = arith.constant 0 : i32
    %lt3A_708 = vector.broadcast %lt3A_707 : i32 to vector<16xi32>
    %lt3A_709 = arith.cmpi slt, %rem3A_703, %lt3A_708 : vector<16xi32>
    %lt3A_710 = arith.constant 0 : i32
    %lt3A_711 = arith.cmpi slt, %select_n3A_701, %lt3A_710 : i32
    %ne3A_712 = vector.broadcast %lt3A_711 : i1 to vector<16xi1>
    %ne3A_713 = vector.broadcast %ne3A_712 : vector<16xi1> to vector<16xi1>
    %ne3A_714 = arith.xori %lt3A_709, %ne3A_713 : vector<16xi1>
    %and3A_715 = arith.andi %ne3A_714, %ne3A_706 : vector<16xi1>
    %add3A_716 = vector.broadcast %select_n3A_701 : i32 to vector<16xi32>
    %add3A_717 = arith.addi %rem3A_703, %add3A_716 : vector<16xi32>
    %select_n3A_718 = arith.select %and3A_715, %add3A_717, %rem3A_703 : vector<16xi1>, vector<16xi32>
    %select_n3A_719 = arith.select %lt3A_693, %get3A_690, %select_n3A_718 : vector<16xi1>, vector<16xi32>
    %swap3A_720 = arith.constant 4 : i32
    %swap3A_721 = arith.index_cast %swap3A_720 : i32 to index
    %swap3A_722 = arith.constant 16 : index
    %swap3A_723 = tpu.vector_load %arg8[%swap3A_721, %swap3A_722] {strides = array<i32>} : memref<8x32xi32, #tpu.memory_space<vmem>>, vector<1x16xi32>,
    %swap3A_724 = vector.shape_cast %swap3A_723 : vector<1x16xi32> to vector<16xi32>
    %swap3A_725 = vector.shape_cast %select_n3A_719 : vector<16xi32> to vector<1x16xi32>
    tpu.vector_store %arg8[%swap3A_721, %swap3A_722], %swap3A_725 {strides = array<i32>} : memref<8x32xi32, #tpu.memory_space<vmem>>, vector<1x16xi32>,
    %sub3A_726 = arith.constant 99999 : i32
    %sub3A_727 = vector.broadcast %sub3A_726 : i32 to vector<16xi32>
    %sub3A_728 = arith.subi %get3A_690, %sub3A_727 : vector<16xi32>
    %select_n3A_729 = arith.select %lt3A_693, %select_n3A_718, %sub3A_728 : vector<16xi1>, vector<16xi32>
    %swap3A_730 = arith.constant 4 : i32
    %swap3A_731 = arith.index_cast %swap3A_730 : i32 to index
    %swap3A_732 = arith.constant 16 : index
    %swap3A_733 = tpu.vector_load %arg9[%swap3A_731, %swap3A_732] {strides = array<i32>} : memref<8x32xi32, #tpu.memory_space<vmem>>, vector<1x16xi32>,
    %swap3A_734 = vector.shape_cast %swap3A_733 : vector<1x16xi32> to vector<16xi32>
    %swap3A_735 = vector.shape_cast %select_n3A_729 : vector<16xi32> to vector<1x16xi32>
    tpu.vector_store %arg9[%swap3A_731, %swap3A_732], %swap3A_735 {strides = array<i32>} : memref<8x32xi32, #tpu.memory_space<vmem>>, vector<1x16xi32>,
    %mul3A_736 = arith.constant 256 : i32
    %mul3A_737 = arith.muli %select_n3A_30, %mul3A_736 : i32
    %add3A_738 = arith.constant 20 : i32
    %add3A_739 = arith.addi %add3A_738, %mul3A_737 : i32
    %add3A_740 = arith.constant 144 : i32
    %add3A_741 = arith.addi %add3A_739, %add3A_740 : i32
    %add3A_742 = vector.broadcast %add3A_741 : i32 to vector<16xi32>
    %add3A_743 = arith.addi %add3A_742, %iota3A : vector<16xi32>
    %add3A_744 = arith.constant 32 : i32
    %add3A_745 = vector.broadcast %add3A_744 : i32 to vector<16xi32>
    %add3A_746 = arith.addi %add3A_743, %add3A_745 : vector<16xi32>
    %select_n3A_747 = arith.select %lt3A_693, %add3A_743, %add3A_746 : vector<16xi1>, vector<16xi32>
    %swap3A_748 = arith.constant 4 : i32
    %swap3A_749 = arith.index_cast %swap3A_748 : i32 to index
    %swap3A_750 = arith.constant 16 : index
    %swap3A_751 = tpu.vector_load %arg10[%swap3A_749, %swap3A_750] {strides = array<i32>} : memref<8x32xi32, #tpu.memory_space<vmem>>, vector<1x16xi32>,
    %swap3A_752 = vector.shape_cast %swap3A_751 : vector<1x16xi32> to vector<16xi32>
    %swap3A_753 = vector.shape_cast %select_n3A_747 : vector<16xi32> to vector<1x16xi32>
    tpu.vector_store %arg10[%swap3A_749, %swap3A_750], %swap3A_753 {strides = array<i32>} : memref<8x32xi32, #tpu.memory_space<vmem>>, vector<1x16xi32>,
    %select_n3A_754 = arith.select %lt3A_693, %add3A_746, %add3A_743 : vector<16xi1>, vector<16xi32>
    %swap3A_755 = arith.constant 4 : i32
    %swap3A_756 = arith.index_cast %swap3A_755 : i32 to index
    %swap3A_757 = arith.constant 16 : index
    %swap3A_758 = tpu.vector_load %arg11[%swap3A_756, %swap3A_757] {strides = array<i32>} : memref<8x32xi32, #tpu.memory_space<vmem>>, vector<1x16xi32>,
    %swap3A_759 = vector.shape_cast %swap3A_758 : vector<1x16xi32> to vector<16xi32>
    %swap3A_760 = vector.shape_cast %select_n3A_754 : vector<16xi32> to vector<1x16xi32>
    tpu.vector_store %arg11[%swap3A_756, %swap3A_757], %swap3A_760 {strides = array<i32>} : memref<8x32xi32, #tpu.memory_space<vmem>>, vector<1x16xi32>,
    %get3A_761 = arith.constant 160 : index
    %get3A_762 = tpu.vector_load %arg7[%get3A_761] {strides = array<i32>} : memref<256xi32, #tpu.memory_space<vmem>>, vector<16xi32>,
    %get3A_763 = vector.shape_cast %get3A_762 : vector<16xi32> to vector<16xi32>
    %lt3A_764 = arith.constant 100000 : i32
    %lt3A_765 = vector.broadcast %lt3A_764 : i32 to vector<16xi32>
    %lt3A_766 = arith.cmpi slt, %get3A_763, %lt3A_765 : vector<16xi32>
    %add3A_767 = arith.constant 160 : i32
    %add3A_768 = vector.broadcast %add3A_767 : i32 to vector<16xi32>
    %add3A_769 = arith.addi %add3A_768, %iota3A : vector<16xi32>
    %jit3A_770 = arith.constant 145 : i32
    %eq3A_771 = arith.constant 0 : i32
    %eq3A_772 = arith.cmpi eq, %jit3A_770, %eq3A_771 : i32
    %jit3A_773 = arith.constant 1 : i32
    %select_n3A_774 = arith.select %eq3A_772, %jit3A_773, %jit3A_770 : i32
    %rem3A_775 = vector.broadcast %select_n3A_774 : i32 to vector<16xi32>
    %rem3A_776 = arith.remsi %add3A_769, %rem3A_775 : vector<16xi32>
    %ne3A_777 = arith.constant 0 : i32
    %ne3A_778 = vector.broadcast %ne3A_777 : i32 to vector<16xi32>
    %ne3A_779 = arith.cmpi ne, %rem3A_776, %ne3A_778 : vector<16xi32>
    %lt3A_780 = arith.constant 0 : i32
    %lt3A_781 = vector.broadcast %lt3A_780 : i32 to vector<16xi32>
    %lt3A_782 = arith.cmpi slt, %rem3A_776, %lt3A_781 : vector<16xi32>
    %lt3A_783 = arith.constant 0 : i32
    %lt3A_784 = arith.cmpi slt, %select_n3A_774, %lt3A_783 : i32
    %ne3A_785 = vector.broadcast %lt3A_784 : i1 to vector<16xi1>
    %ne3A_786 = vector.broadcast %ne3A_785 : vector<16xi1> to vector<16xi1>
    %ne3A_787 = arith.xori %lt3A_782, %ne3A_786 : vector<16xi1>
    %and3A_788 = arith.andi %ne3A_787, %ne3A_779 : vector<16xi1>
    %add3A_789 = vector.broadcast %select_n3A_774 : i32 to vector<16xi32>
    %add3A_790 = arith.addi %rem3A_776, %add3A_789 : vector<16xi32>
    %select_n3A_791 = arith.select %and3A_788, %add3A_790, %rem3A_776 : vector<16xi1>, vector<16xi32>
    %select_n3A_792 = arith.select %lt3A_766, %get3A_763, %select_n3A_791 : vector<16xi1>, vector<16xi32>
    %swap3A_793 = arith.constant 5 : i32
    %swap3A_794 = arith.index_cast %swap3A_793 : i32 to index
    %swap3A_795 = arith.constant 0 : index
    %swap3A_796 = tpu.vector_load %arg8[%swap3A_794, %swap3A_795] {strides = array<i32>} : memref<8x32xi32, #tpu.memory_space<vmem>>, vector<1x16xi32>,
    %swap3A_797 = vector.shape_cast %swap3A_796 : vector<1x16xi32> to vector<16xi32>
    %swap3A_798 = vector.shape_cast %select_n3A_792 : vector<16xi32> to vector<1x16xi32>
    tpu.vector_store %arg8[%swap3A_794, %swap3A_795], %swap3A_798 {strides = array<i32>} : memref<8x32xi32, #tpu.memory_space<vmem>>, vector<1x16xi32>,
    %sub3A_799 = arith.constant 99999 : i32
    %sub3A_800 = vector.broadcast %sub3A_799 : i32 to vector<16xi32>
    %sub3A_801 = arith.subi %get3A_763, %sub3A_800 : vector<16xi32>
    %select_n3A_802 = arith.select %lt3A_766, %select_n3A_791, %sub3A_801 : vector<16xi1>, vector<16xi32>
    %swap3A_803 = arith.constant 5 : i32
    %swap3A_804 = arith.index_cast %swap3A_803 : i32 to index
    %swap3A_805 = arith.constant 0 : index
    %swap3A_806 = tpu.vector_load %arg9[%swap3A_804, %swap3A_805] {strides = array<i32>} : memref<8x32xi32, #tpu.memory_space<vmem>>, vector<1x16xi32>,
    %swap3A_807 = vector.shape_cast %swap3A_806 : vector<1x16xi32> to vector<16xi32>
    %swap3A_808 = vector.shape_cast %select_n3A_802 : vector<16xi32> to vector<1x16xi32>
    tpu.vector_store %arg9[%swap3A_804, %swap3A_805], %swap3A_808 {strides = array<i32>} : memref<8x32xi32, #tpu.memory_space<vmem>>, vector<1x16xi32>,
    %mul3A_809 = arith.constant 256 : i32
    %mul3A_810 = arith.muli %select_n3A_30, %mul3A_809 : i32
    %add3A_811 = arith.constant 20 : i32
    %add3A_812 = arith.addi %add3A_811, %mul3A_810 : i32
    %add3A_813 = arith.constant 160 : i32
    %add3A_814 = arith.addi %add3A_812, %add3A_813 : i32
    %add3A_815 = vector.broadcast %add3A_814 : i32 to vector<16xi32>
    %add3A_816 = arith.addi %add3A_815, %iota3A : vector<16xi32>
    %add3A_817 = arith.constant 32 : i32
    %add3A_818 = vector.broadcast %add3A_817 : i32 to vector<16xi32>
    %add3A_819 = arith.addi %add3A_816, %add3A_818 : vector<16xi32>
    %select_n3A_820 = arith.select %lt3A_766, %add3A_816, %add3A_819 : vector<16xi1>, vector<16xi32>
    %swap3A_821 = arith.constant 5 : i32
    %swap3A_822 = arith.index_cast %swap3A_821 : i32 to index
    %swap3A_823 = arith.constant 0 : index
    %swap3A_824 = tpu.vector_load %arg10[%swap3A_822, %swap3A_823] {strides = array<i32>} : memref<8x32xi32, #tpu.memory_space<vmem>>, vector<1x16xi32>,
    %swap3A_825 = vector.shape_cast %swap3A_824 : vector<1x16xi32> to vector<16xi32>
    %swap3A_826 = vector.shape_cast %select_n3A_820 : vector<16xi32> to vector<1x16xi32>
    tpu.vector_store %arg10[%swap3A_822, %swap3A_823], %swap3A_826 {strides = array<i32>} : memref<8x32xi32, #tpu.memory_space<vmem>>, vector<1x16xi32>,
    %select_n3A_827 = arith.select %lt3A_766, %add3A_819, %add3A_816 : vector<16xi1>, vector<16xi32>
    %swap3A_828 = arith.constant 5 : i32
    %swap3A_829 = arith.index_cast %swap3A_828 : i32 to index
    %swap3A_830 = arith.constant 0 : index
    %swap3A_831 = tpu.vector_load %arg11[%swap3A_829, %swap3A_830] {strides = array<i32>} : memref<8x32xi32, #tpu.memory_space<vmem>>, vector<1x16xi32>,
    %swap3A_832 = vector.shape_cast %swap3A_831 : vector<1x16xi32> to vector<16xi32>
    %swap3A_833 = vector.shape_cast %select_n3A_827 : vector<16xi32> to vector<1x16xi32>
    tpu.vector_store %arg11[%swap3A_829, %swap3A_830], %swap3A_833 {strides = array<i32>} : memref<8x32xi32, #tpu.memory_space<vmem>>, vector<1x16xi32>,
    %get3A_834 = arith.constant 176 : index
    %get3A_835 = tpu.vector_load %arg7[%get3A_834] {strides = array<i32>} : memref<256xi32, #tpu.memory_space<vmem>>, vector<16xi32>,
    %get3A_836 = vector.shape_cast %get3A_835 : vector<16xi32> to vector<16xi32>
    %lt3A_837 = arith.constant 100000 : i32
    %lt3A_838 = vector.broadcast %lt3A_837 : i32 to vector<16xi32>
    %lt3A_839 = arith.cmpi slt, %get3A_836, %lt3A_838 : vector<16xi32>
    %add3A_840 = arith.constant 176 : i32
    %add3A_841 = vector.broadcast %add3A_840 : i32 to vector<16xi32>
    %add3A_842 = arith.addi %add3A_841, %iota3A : vector<16xi32>
    %jit3A_843 = arith.constant 145 : i32
    %eq3A_844 = arith.constant 0 : i32
    %eq3A_845 = arith.cmpi eq, %jit3A_843, %eq3A_844 : i32
    %jit3A_846 = arith.constant 1 : i32
    %select_n3A_847 = arith.select %eq3A_845, %jit3A_846, %jit3A_843 : i32
    %rem3A_848 = vector.broadcast %select_n3A_847 : i32 to vector<16xi32>
    %rem3A_849 = arith.remsi %add3A_842, %rem3A_848 : vector<16xi32>
    %ne3A_850 = arith.constant 0 : i32
    %ne3A_851 = vector.broadcast %ne3A_850 : i32 to vector<16xi32>
    %ne3A_852 = arith.cmpi ne, %rem3A_849, %ne3A_851 : vector<16xi32>
    %lt3A_853 = arith.constant 0 : i32
    %lt3A_854 = vector.broadcast %lt3A_853 : i32 to vector<16xi32>
    %lt3A_855 = arith.cmpi slt, %rem3A_849, %lt3A_854 : vector<16xi32>
    %lt3A_856 = arith.constant 0 : i32
    %lt3A_857 = arith.cmpi slt, %select_n3A_847, %lt3A_856 : i32
    %ne3A_858 = vector.broadcast %lt3A_857 : i1 to vector<16xi1>
    %ne3A_859 = vector.broadcast %ne3A_858 : vector<16xi1> to vector<16xi1>
    %ne3A_860 = arith.xori %lt3A_855, %ne3A_859 : vector<16xi1>
    %and3A_861 = arith.andi %ne3A_860, %ne3A_852 : vector<16xi1>
    %add3A_862 = vector.broadcast %select_n3A_847 : i32 to vector<16xi32>
    %add3A_863 = arith.addi %rem3A_849, %add3A_862 : vector<16xi32>
    %select_n3A_864 = arith.select %and3A_861, %add3A_863, %rem3A_849 : vector<16xi1>, vector<16xi32>
    %select_n3A_865 = arith.select %lt3A_839, %get3A_836, %select_n3A_864 : vector<16xi1>, vector<16xi32>
    %swap3A_866 = arith.constant 5 : i32
    %swap3A_867 = arith.index_cast %swap3A_866 : i32 to index
    %swap3A_868 = arith.constant 16 : index
    %swap3A_869 = tpu.vector_load %arg8[%swap3A_867, %swap3A_868] {strides = array<i32>} : memref<8x32xi32, #tpu.memory_space<vmem>>, vector<1x16xi32>,
    %swap3A_870 = vector.shape_cast %swap3A_869 : vector<1x16xi32> to vector<16xi32>
    %swap3A_871 = vector.shape_cast %select_n3A_865 : vector<16xi32> to vector<1x16xi32>
    tpu.vector_store %arg8[%swap3A_867, %swap3A_868], %swap3A_871 {strides = array<i32>} : memref<8x32xi32, #tpu.memory_space<vmem>>, vector<1x16xi32>,
    %sub3A_872 = arith.constant 99999 : i32
    %sub3A_873 = vector.broadcast %sub3A_872 : i32 to vector<16xi32>
    %sub3A_874 = arith.subi %get3A_836, %sub3A_873 : vector<16xi32>
    %select_n3A_875 = arith.select %lt3A_839, %select_n3A_864, %sub3A_874 : vector<16xi1>, vector<16xi32>
    %swap3A_876 = arith.constant 5 : i32
    %swap3A_877 = arith.index_cast %swap3A_876 : i32 to index
    %swap3A_878 = arith.constant 16 : index
    %swap3A_879 = tpu.vector_load %arg9[%swap3A_877, %swap3A_878] {strides = array<i32>} : memref<8x32xi32, #tpu.memory_space<vmem>>, vector<1x16xi32>,
    %swap3A_880 = vector.shape_cast %swap3A_879 : vector<1x16xi32> to vector<16xi32>
    %swap3A_881 = vector.shape_cast %select_n3A_875 : vector<16xi32> to vector<1x16xi32>
    tpu.vector_store %arg9[%swap3A_877, %swap3A_878], %swap3A_881 {strides = array<i32>} : memref<8x32xi32, #tpu.memory_space<vmem>>, vector<1x16xi32>,
    %mul3A_882 = arith.constant 256 : i32
    %mul3A_883 = arith.muli %select_n3A_30, %mul3A_882 : i32
    %add3A_884 = arith.constant 20 : i32
    %add3A_885 = arith.addi %add3A_884, %mul3A_883 : i32
    %add3A_886 = arith.constant 176 : i32
    %add3A_887 = arith.addi %add3A_885, %add3A_886 : i32
    %add3A_888 = vector.broadcast %add3A_887 : i32 to vector<16xi32>
    %add3A_889 = arith.addi %add3A_888, %iota3A : vector<16xi32>
    %add3A_890 = arith.constant 32 : i32
    %add3A_891 = vector.broadcast %add3A_890 : i32 to vector<16xi32>
    %add3A_892 = arith.addi %add3A_889, %add3A_891 : vector<16xi32>
    %select_n3A_893 = arith.select %lt3A_839, %add3A_889, %add3A_892 : vector<16xi1>, vector<16xi32>
    %swap3A_894 = arith.constant 5 : i32
    %swap3A_895 = arith.index_cast %swap3A_894 : i32 to index
    %swap3A_896 = arith.constant 16 : index
    %swap3A_897 = tpu.vector_load %arg10[%swap3A_895, %swap3A_896] {strides = array<i32>} : memref<8x32xi32, #tpu.memory_space<vmem>>, vector<1x16xi32>,
    %swap3A_898 = vector.shape_cast %swap3A_897 : vector<1x16xi32> to vector<16xi32>
    %swap3A_899 = vector.shape_cast %select_n3A_893 : vector<16xi32> to vector<1x16xi32>
    tpu.vector_store %arg10[%swap3A_895, %swap3A_896], %swap3A_899 {strides = array<i32>} : memref<8x32xi32, #tpu.memory_space<vmem>>, vector<1x16xi32>,
    %select_n3A_900 = arith.select %lt3A_839, %add3A_892, %add3A_889 : vector<16xi1>, vector<16xi32>
    %swap3A_901 = arith.constant 5 : i32
    %swap3A_902 = arith.index_cast %swap3A_901 : i32 to index
    %swap3A_903 = arith.constant 16 : index
    %swap3A_904 = tpu.vector_load %arg11[%swap3A_902, %swap3A_903] {strides = array<i32>} : memref<8x32xi32, #tpu.memory_space<vmem>>, vector<1x16xi32>,
    %swap3A_905 = vector.shape_cast %swap3A_904 : vector<1x16xi32> to vector<16xi32>
    %swap3A_906 = vector.shape_cast %select_n3A_900 : vector<16xi32> to vector<1x16xi32>
    tpu.vector_store %arg11[%swap3A_902, %swap3A_903], %swap3A_906 {strides = array<i32>} : memref<8x32xi32, #tpu.memory_space<vmem>>, vector<1x16xi32>,
    %get3A_907 = arith.constant 192 : index
    %get3A_908 = tpu.vector_load %arg7[%get3A_907] {strides = array<i32>} : memref<256xi32, #tpu.memory_space<vmem>>, vector<16xi32>,
    %get3A_909 = vector.shape_cast %get3A_908 : vector<16xi32> to vector<16xi32>
    %lt3A_910 = arith.constant 100000 : i32
    %lt3A_911 = vector.broadcast %lt3A_910 : i32 to vector<16xi32>
    %lt3A_912 = arith.cmpi slt, %get3A_909, %lt3A_911 : vector<16xi32>
    %add3A_913 = arith.constant 192 : i32
    %add3A_914 = vector.broadcast %add3A_913 : i32 to vector<16xi32>
    %add3A_915 = arith.addi %add3A_914, %iota3A : vector<16xi32>
    %jit3A_916 = arith.constant 145 : i32
    %eq3A_917 = arith.constant 0 : i32
    %eq3A_918 = arith.cmpi eq, %jit3A_916, %eq3A_917 : i32
    %jit3A_919 = arith.constant 1 : i32
    %select_n3A_920 = arith.select %eq3A_918, %jit3A_919, %jit3A_916 : i32
    %rem3A_921 = vector.broadcast %select_n3A_920 : i32 to vector<16xi32>
    %rem3A_922 = arith.remsi %add3A_915, %rem3A_921 : vector<16xi32>
    %ne3A_923 = arith.constant 0 : i32
    %ne3A_924 = vector.broadcast %ne3A_923 : i32 to vector<16xi32>
    %ne3A_925 = arith.cmpi ne, %rem3A_922, %ne3A_924 : vector<16xi32>
    %lt3A_926 = arith.constant 0 : i32
    %lt3A_927 = vector.broadcast %lt3A_926 : i32 to vector<16xi32>
    %lt3A_928 = arith.cmpi slt, %rem3A_922, %lt3A_927 : vector<16xi32>
    %lt3A_929 = arith.constant 0 : i32
    %lt3A_930 = arith.cmpi slt, %select_n3A_920, %lt3A_929 : i32
    %ne3A_931 = vector.broadcast %lt3A_930 : i1 to vector<16xi1>
    %ne3A_932 = vector.broadcast %ne3A_931 : vector<16xi1> to vector<16xi1>
    %ne3A_933 = arith.xori %lt3A_928, %ne3A_932 : vector<16xi1>
    %and3A_934 = arith.andi %ne3A_933, %ne3A_925 : vector<16xi1>
    %add3A_935 = vector.broadcast %select_n3A_920 : i32 to vector<16xi32>
    %add3A_936 = arith.addi %rem3A_922, %add3A_935 : vector<16xi32>
    %select_n3A_937 = arith.select %and3A_934, %add3A_936, %rem3A_922 : vector<16xi1>, vector<16xi32>
    %select_n3A_938 = arith.select %lt3A_912, %get3A_909, %select_n3A_937 : vector<16xi1>, vector<16xi32>
    %swap3A_939 = arith.constant 6 : i32
    %swap3A_940 = arith.index_cast %swap3A_939 : i32 to index
    %swap3A_941 = arith.constant 0 : index
    %swap3A_942 = tpu.vector_load %arg8[%swap3A_940, %swap3A_941] {strides = array<i32>} : memref<8x32xi32, #tpu.memory_space<vmem>>, vector<1x16xi32>,
    %swap3A_943 = vector.shape_cast %swap3A_942 : vector<1x16xi32> to vector<16xi32>
    %swap3A_944 = vector.shape_cast %select_n3A_938 : vector<16xi32> to vector<1x16xi32>
    tpu.vector_store %arg8[%swap3A_940, %swap3A_941], %swap3A_944 {strides = array<i32>} : memref<8x32xi32, #tpu.memory_space<vmem>>, vector<1x16xi32>,
    %sub3A_945 = arith.constant 99999 : i32
    %sub3A_946 = vector.broadcast %sub3A_945 : i32 to vector<16xi32>
    %sub3A_947 = arith.subi %get3A_909, %sub3A_946 : vector<16xi32>
    %select_n3A_948 = arith.select %lt3A_912, %select_n3A_937, %sub3A_947 : vector<16xi1>, vector<16xi32>
    %swap3A_949 = arith.constant 6 : i32
    %swap3A_950 = arith.index_cast %swap3A_949 : i32 to index
    %swap3A_951 = arith.constant 0 : index
    %swap3A_952 = tpu.vector_load %arg9[%swap3A_950, %swap3A_951] {strides = array<i32>} : memref<8x32xi32, #tpu.memory_space<vmem>>, vector<1x16xi32>,
    %swap3A_953 = vector.shape_cast %swap3A_952 : vector<1x16xi32> to vector<16xi32>
    %swap3A_954 = vector.shape_cast %select_n3A_948 : vector<16xi32> to vector<1x16xi32>
    tpu.vector_store %arg9[%swap3A_950, %swap3A_951], %swap3A_954 {strides = array<i32>} : memref<8x32xi32, #tpu.memory_space<vmem>>, vector<1x16xi32>,
    %mul3A_955 = arith.constant 256 : i32
    %mul3A_956 = arith.muli %select_n3A_30, %mul3A_955 : i32
    %add3A_957 = arith.constant 20 : i32
    %add3A_958 = arith.addi %add3A_957, %mul3A_956 : i32
    %add3A_959 = arith.constant 192 : i32
    %add3A_960 = arith.addi %add3A_958, %add3A_959 : i32
    %add3A_961 = vector.broadcast %add3A_960 : i32 to vector<16xi32>
    %add3A_962 = arith.addi %add3A_961, %iota3A : vector<16xi32>
    %add3A_963 = arith.constant 32 : i32
    %add3A_964 = vector.broadcast %add3A_963 : i32 to vector<16xi32>
    %add3A_965 = arith.addi %add3A_962, %add3A_964 : vector<16xi32>
    %select_n3A_966 = arith.select %lt3A_912, %add3A_962, %add3A_965 : vector<16xi1>, vector<16xi32>
    %swap3A_967 = arith.constant 6 : i32
    %swap3A_968 = arith.index_cast %swap3A_967 : i32 to index
    %swap3A_969 = arith.constant 0 : index
    %swap3A_970 = tpu.vector_load %arg10[%swap3A_968, %swap3A_969] {strides = array<i32>} : memref<8x32xi32, #tpu.memory_space<vmem>>, vector<1x16xi32>,
    %swap3A_971 = vector.shape_cast %swap3A_970 : vector<1x16xi32> to vector<16xi32>
    %swap3A_972 = vector.shape_cast %select_n3A_966 : vector<16xi32> to vector<1x16xi32>
    tpu.vector_store %arg10[%swap3A_968, %swap3A_969], %swap3A_972 {strides = array<i32>} : memref<8x32xi32, #tpu.memory_space<vmem>>, vector<1x16xi32>,
    %select_n3A_973 = arith.select %lt3A_912, %add3A_965, %add3A_962 : vector<16xi1>, vector<16xi32>
    %swap3A_974 = arith.constant 6 : i32
    %swap3A_975 = arith.index_cast %swap3A_974 : i32 to index
    %swap3A_976 = arith.constant 0 : index
    %swap3A_977 = tpu.vector_load %arg11[%swap3A_975, %swap3A_976] {strides = array<i32>} : memref<8x32xi32, #tpu.memory_space<vmem>>, vector<1x16xi32>,
    %swap3A_978 = vector.shape_cast %swap3A_977 : vector<1x16xi32> to vector<16xi32>
    %swap3A_979 = vector.shape_cast %select_n3A_973 : vector<16xi32> to vector<1x16xi32>
    tpu.vector_store %arg11[%swap3A_975, %swap3A_976], %swap3A_979 {strides = array<i32>} : memref<8x32xi32, #tpu.memory_space<vmem>>, vector<1x16xi32>,
    %get3A_980 = arith.constant 208 : index
    %get3A_981 = tpu.vector_load %arg7[%get3A_980] {strides = array<i32>} : memref<256xi32, #tpu.memory_space<vmem>>, vector<16xi32>,
    %get3A_982 = vector.shape_cast %get3A_981 : vector<16xi32> to vector<16xi32>
    %lt3A_983 = arith.constant 100000 : i32
    %lt3A_984 = vector.broadcast %lt3A_983 : i32 to vector<16xi32>
    %lt3A_985 = arith.cmpi slt, %get3A_982, %lt3A_984 : vector<16xi32>
    %add3A_986 = arith.constant 208 : i32
    %add3A_987 = vector.broadcast %add3A_986 : i32 to vector<16xi32>
    %add3A_988 = arith.addi %add3A_987, %iota3A : vector<16xi32>
    %jit3A_989 = arith.constant 145 : i32
    %eq3A_990 = arith.constant 0 : i32
    %eq3A_991 = arith.cmpi eq, %jit3A_989, %eq3A_990 : i32
    %jit3A_992 = arith.constant 1 : i32
    %select_n3A_993 = arith.select %eq3A_991, %jit3A_992, %jit3A_989 : i32
    %rem3A_994 = vector.broadcast %select_n3A_993 : i32 to vector<16xi32>
    %rem3A_995 = arith.remsi %add3A_988, %rem3A_994 : vector<16xi32>
    %ne3A_996 = arith.constant 0 : i32
    %ne3A_997 = vector.broadcast %ne3A_996 : i32 to vector<16xi32>
    %ne3A_998 = arith.cmpi ne, %rem3A_995, %ne3A_997 : vector<16xi32>
    %lt3A_999 = arith.constant 0 : i32
    %lt3A_1000 = vector.broadcast %lt3A_999 : i32 to vector<16xi32>
    %lt3A_1001 = arith.cmpi slt, %rem3A_995, %lt3A_1000 : vector<16xi32>
    %lt3A_1002 = arith.constant 0 : i32
    %lt3A_1003 = arith.cmpi slt, %select_n3A_993, %lt3A_1002 : i32
    %ne3A_1004 = vector.broadcast %lt3A_1003 : i1 to vector<16xi1>
    %ne3A_1005 = vector.broadcast %ne3A_1004 : vector<16xi1> to vector<16xi1>
    %ne3A_1006 = arith.xori %lt3A_1001, %ne3A_1005 : vector<16xi1>
    %and3A_1007 = arith.andi %ne3A_1006, %ne3A_998 : vector<16xi1>
    %add3A_1008 = vector.broadcast %select_n3A_993 : i32 to vector<16xi32>
    %add3A_1009 = arith.addi %rem3A_995, %add3A_1008 : vector<16xi32>
    %select_n3A_1010 = arith.select %and3A_1007, %add3A_1009, %rem3A_995 : vector<16xi1>, vector<16xi32>
    %select_n3A_1011 = arith.select %lt3A_985, %get3A_982, %select_n3A_1010 : vector<16xi1>, vector<16xi32>
    %swap3A_1012 = arith.constant 6 : i32
    %swap3A_1013 = arith.index_cast %swap3A_1012 : i32 to index
    %swap3A_1014 = arith.constant 16 : index
    %swap3A_1015 = tpu.vector_load %arg8[%swap3A_1013, %swap3A_1014] {strides = array<i32>} : memref<8x32xi32, #tpu.memory_space<vmem>>, vector<1x16xi32>,
    %swap3A_1016 = vector.shape_cast %swap3A_1015 : vector<1x16xi32> to vector<16xi32>
    %swap3A_1017 = vector.shape_cast %select_n3A_1011 : vector<16xi32> to vector<1x16xi32>
    tpu.vector_store %arg8[%swap3A_1013, %swap3A_1014], %swap3A_1017 {strides = array<i32>} : memref<8x32xi32, #tpu.memory_space<vmem>>, vector<1x16xi32>,
    %sub3A_1018 = arith.constant 99999 : i32
    %sub3A_1019 = vector.broadcast %sub3A_1018 : i32 to vector<16xi32>
    %sub3A_1020 = arith.subi %get3A_982, %sub3A_1019 : vector<16xi32>
    %select_n3A_1021 = arith.select %lt3A_985, %select_n3A_1010, %sub3A_1020 : vector<16xi1>, vector<16xi32>
    %swap3A_1022 = arith.constant 6 : i32
    %swap3A_1023 = arith.index_cast %swap3A_1022 : i32 to index
    %swap3A_1024 = arith.constant 16 : index
    %swap3A_1025 = tpu.vector_load %arg9[%swap3A_1023, %swap3A_1024] {strides = array<i32>} : memref<8x32xi32, #tpu.memory_space<vmem>>, vector<1x16xi32>,
    %swap3A_1026 = vector.shape_cast %swap3A_1025 : vector<1x16xi32> to vector<16xi32>
    %swap3A_1027 = vector.shape_cast %select_n3A_1021 : vector<16xi32> to vector<1x16xi32>
    tpu.vector_store %arg9[%swap3A_1023, %swap3A_1024], %swap3A_1027 {strides = array<i32>} : memref<8x32xi32, #tpu.memory_space<vmem>>, vector<1x16xi32>,
    %mul3A_1028 = arith.constant 256 : i32
    %mul3A_1029 = arith.muli %select_n3A_30, %mul3A_1028 : i32
    %add3A_1030 = arith.constant 20 : i32
    %add3A_1031 = arith.addi %add3A_1030, %mul3A_1029 : i32
    %add3A_1032 = arith.constant 208 : i32
    %add3A_1033 = arith.addi %add3A_1031, %add3A_1032 : i32
    %add3A_1034 = vector.broadcast %add3A_1033 : i32 to vector<16xi32>
    %add3A_1035 = arith.addi %add3A_1034, %iota3A : vector<16xi32>
    %add3A_1036 = arith.constant 32 : i32
    %add3A_1037 = vector.broadcast %add3A_1036 : i32 to vector<16xi32>
    %add3A_1038 = arith.addi %add3A_1035, %add3A_1037 : vector<16xi32>
    %select_n3A_1039 = arith.select %lt3A_985, %add3A_1035, %add3A_1038 : vector<16xi1>, vector<16xi32>
    %swap3A_1040 = arith.constant 6 : i32
    %swap3A_1041 = arith.index_cast %swap3A_1040 : i32 to index
    %swap3A_1042 = arith.constant 16 : index
    %swap3A_1043 = tpu.vector_load %arg10[%swap3A_1041, %swap3A_1042] {strides = array<i32>} : memref<8x32xi32, #tpu.memory_space<vmem>>, vector<1x16xi32>,
    %swap3A_1044 = vector.shape_cast %swap3A_1043 : vector<1x16xi32> to vector<16xi32>
    %swap3A_1045 = vector.shape_cast %select_n3A_1039 : vector<16xi32> to vector<1x16xi32>
    tpu.vector_store %arg10[%swap3A_1041, %swap3A_1042], %swap3A_1045 {strides = array<i32>} : memref<8x32xi32, #tpu.memory_space<vmem>>, vector<1x16xi32>,
    %select_n3A_1046 = arith.select %lt3A_985, %add3A_1038, %add3A_1035 : vector<16xi1>, vector<16xi32>
    %swap3A_1047 = arith.constant 6 : i32
    %swap3A_1048 = arith.index_cast %swap3A_1047 : i32 to index
    %swap3A_1049 = arith.constant 16 : index
    %swap3A_1050 = tpu.vector_load %arg11[%swap3A_1048, %swap3A_1049] {strides = array<i32>} : memref<8x32xi32, #tpu.memory_space<vmem>>, vector<1x16xi32>,
    %swap3A_1051 = vector.shape_cast %swap3A_1050 : vector<1x16xi32> to vector<16xi32>
    %swap3A_1052 = vector.shape_cast %select_n3A_1046 : vector<16xi32> to vector<1x16xi32>
    tpu.vector_store %arg11[%swap3A_1048, %swap3A_1049], %swap3A_1052 {strides = array<i32>} : memref<8x32xi32, #tpu.memory_space<vmem>>, vector<1x16xi32>,
    %get3A_1053 = arith.constant 224 : index
    %get3A_1054 = tpu.vector_load %arg7[%get3A_1053] {strides = array<i32>} : memref<256xi32, #tpu.memory_space<vmem>>, vector<16xi32>,
    %get3A_1055 = vector.shape_cast %get3A_1054 : vector<16xi32> to vector<16xi32>
    %lt3A_1056 = arith.constant 100000 : i32
    %lt3A_1057 = vector.broadcast %lt3A_1056 : i32 to vector<16xi32>
    %lt3A_1058 = arith.cmpi slt, %get3A_1055, %lt3A_1057 : vector<16xi32>
    %add3A_1059 = arith.constant 224 : i32
    %add3A_1060 = vector.broadcast %add3A_1059 : i32 to vector<16xi32>
    %add3A_1061 = arith.addi %add3A_1060, %iota3A : vector<16xi32>
    %jit3A_1062 = arith.constant 145 : i32
    %eq3A_1063 = arith.constant 0 : i32
    %eq3A_1064 = arith.cmpi eq, %jit3A_1062, %eq3A_1063 : i32
    %jit3A_1065 = arith.constant 1 : i32
    %select_n3A_1066 = arith.select %eq3A_1064, %jit3A_1065, %jit3A_1062 : i32
    %rem3A_1067 = vector.broadcast %select_n3A_1066 : i32 to vector<16xi32>
    %rem3A_1068 = arith.remsi %add3A_1061, %rem3A_1067 : vector<16xi32>
    %ne3A_1069 = arith.constant 0 : i32
    %ne3A_1070 = vector.broadcast %ne3A_1069 : i32 to vector<16xi32>
    %ne3A_1071 = arith.cmpi ne, %rem3A_1068, %ne3A_1070 : vector<16xi32>
    %lt3A_1072 = arith.constant 0 : i32
    %lt3A_1073 = vector.broadcast %lt3A_1072 : i32 to vector<16xi32>
    %lt3A_1074 = arith.cmpi slt, %rem3A_1068, %lt3A_1073 : vector<16xi32>
    %lt3A_1075 = arith.constant 0 : i32
    %lt3A_1076 = arith.cmpi slt, %select_n3A_1066, %lt3A_1075 : i32
    %ne3A_1077 = vector.broadcast %lt3A_1076 : i1 to vector<16xi1>
    %ne3A_1078 = vector.broadcast %ne3A_1077 : vector<16xi1> to vector<16xi1>
    %ne3A_1079 = arith.xori %lt3A_1074, %ne3A_1078 : vector<16xi1>
    %and3A_1080 = arith.andi %ne3A_1079, %ne3A_1071 : vector<16xi1>
    %add3A_1081 = vector.broadcast %select_n3A_1066 : i32 to vector<16xi32>
    %add3A_1082 = arith.addi %rem3A_1068, %add3A_1081 : vector<16xi32>
    %select_n3A_1083 = arith.select %and3A_1080, %add3A_1082, %rem3A_1068 : vector<16xi1>, vector<16xi32>
    %select_n3A_1084 = arith.select %lt3A_1058, %get3A_1055, %select_n3A_1083 : vector<16xi1>, vector<16xi32>
    %swap3A_1085 = arith.constant 7 : i32
    %swap3A_1086 = arith.index_cast %swap3A_1085 : i32 to index
    %swap3A_1087 = arith.constant 0 : index
    %swap3A_1088 = tpu.vector_load %arg8[%swap3A_1086, %swap3A_1087] {strides = array<i32>} : memref<8x32xi32, #tpu.memory_space<vmem>>, vector<1x16xi32>,
    %swap3A_1089 = vector.shape_cast %swap3A_1088 : vector<1x16xi32> to vector<16xi32>
    %swap3A_1090 = vector.shape_cast %select_n3A_1084 : vector<16xi32> to vector<1x16xi32>
    tpu.vector_store %arg8[%swap3A_1086, %swap3A_1087], %swap3A_1090 {strides = array<i32>} : memref<8x32xi32, #tpu.memory_space<vmem>>, vector<1x16xi32>,
    %sub3A_1091 = arith.constant 99999 : i32
    %sub3A_1092 = vector.broadcast %sub3A_1091 : i32 to vector<16xi32>
    %sub3A_1093 = arith.subi %get3A_1055, %sub3A_1092 : vector<16xi32>
    %select_n3A_1094 = arith.select %lt3A_1058, %select_n3A_1083, %sub3A_1093 : vector<16xi1>, vector<16xi32>
    %swap3A_1095 = arith.constant 7 : i32
    %swap3A_1096 = arith.index_cast %swap3A_1095 : i32 to index
    %swap3A_1097 = arith.constant 0 : index
    %swap3A_1098 = tpu.vector_load %arg9[%swap3A_1096, %swap3A_1097] {strides = array<i32>} : memref<8x32xi32, #tpu.memory_space<vmem>>, vector<1x16xi32>,
    %swap3A_1099 = vector.shape_cast %swap3A_1098 : vector<1x16xi32> to vector<16xi32>
    %swap3A_1100 = vector.shape_cast %select_n3A_1094 : vector<16xi32> to vector<1x16xi32>
    tpu.vector_store %arg9[%swap3A_1096, %swap3A_1097], %swap3A_1100 {strides = array<i32>} : memref<8x32xi32, #tpu.memory_space<vmem>>, vector<1x16xi32>,
    %mul3A_1101 = arith.constant 256 : i32
    %mul3A_1102 = arith.muli %select_n3A_30, %mul3A_1101 : i32
    %add3A_1103 = arith.constant 20 : i32
    %add3A_1104 = arith.addi %add3A_1103, %mul3A_1102 : i32
    %add3A_1105 = arith.constant 224 : i32
    %add3A_1106 = arith.addi %add3A_1104, %add3A_1105 : i32
    %add3A_1107 = vector.broadcast %add3A_1106 : i32 to vector<16xi32>
    %add3A_1108 = arith.addi %add3A_1107, %iota3A : vector<16xi32>
    %and3A_1109 = arith.constant 15 : i32
    %and3A_1110 = vector.broadcast %and3A_1109 : i32 to vector<16xi32>
    %and3A_1111 = arith.andi %add3A_1061, %and3A_1110 : vector<16xi32>
    %select_n3A_1112 = arith.select %lt3A_1058, %add3A_1108, %and3A_1111 : vector<16xi1>, vector<16xi32>
    %swap3A_1113 = arith.constant 7 : i32
    %swap3A_1114 = arith.index_cast %swap3A_1113 : i32 to index
    %swap3A_1115 = arith.constant 0 : index
    %swap3A_1116 = tpu.vector_load %arg10[%swap3A_1114, %swap3A_1115] {strides = array<i32>} : memref<8x32xi32, #tpu.memory_space<vmem>>, vector<1x16xi32>,
    %swap3A_1117 = vector.shape_cast %swap3A_1116 : vector<1x16xi32> to vector<16xi32>
    %swap3A_1118 = vector.shape_cast %select_n3A_1112 : vector<16xi32> to vector<1x16xi32>
    tpu.vector_store %arg10[%swap3A_1114, %swap3A_1115], %swap3A_1118 {strides = array<i32>} : memref<8x32xi32, #tpu.memory_space<vmem>>, vector<1x16xi32>,
    %select_n3A_1119 = arith.select %lt3A_1058, %and3A_1111, %add3A_1108 : vector<16xi1>, vector<16xi32>
    %swap3A_1120 = arith.constant 7 : i32
    %swap3A_1121 = arith.index_cast %swap3A_1120 : i32 to index
    %swap3A_1122 = arith.constant 0 : index
    %swap3A_1123 = tpu.vector_load %arg11[%swap3A_1121, %swap3A_1122] {strides = array<i32>} : memref<8x32xi32, #tpu.memory_space<vmem>>, vector<1x16xi32>,
    %swap3A_1124 = vector.shape_cast %swap3A_1123 : vector<1x16xi32> to vector<16xi32>
    %swap3A_1125 = vector.shape_cast %select_n3A_1119 : vector<16xi32> to vector<1x16xi32>
    tpu.vector_store %arg11[%swap3A_1121, %swap3A_1122], %swap3A_1125 {strides = array<i32>} : memref<8x32xi32, #tpu.memory_space<vmem>>, vector<1x16xi32>,
    %get3A_1126 = arith.constant 240 : index
    %get3A_1127 = tpu.vector_load %arg7[%get3A_1126] {strides = array<i32>} : memref<256xi32, #tpu.memory_space<vmem>>, vector<16xi32>,
    %get3A_1128 = vector.shape_cast %get3A_1127 : vector<16xi32> to vector<16xi32>
    %lt3A_1129 = arith.constant 100000 : i32
    %lt3A_1130 = vector.broadcast %lt3A_1129 : i32 to vector<16xi32>
    %lt3A_1131 = arith.cmpi slt, %get3A_1128, %lt3A_1130 : vector<16xi32>
    %add3A_1132 = arith.constant 240 : i32
    %add3A_1133 = vector.broadcast %add3A_1132 : i32 to vector<16xi32>
    %add3A_1134 = arith.addi %add3A_1133, %iota3A : vector<16xi32>
    %jit3A_1135 = arith.constant 145 : i32
    %eq3A_1136 = arith.constant 0 : i32
    %eq3A_1137 = arith.cmpi eq, %jit3A_1135, %eq3A_1136 : i32
    %jit3A_1138 = arith.constant 1 : i32
    %select_n3A_1139 = arith.select %eq3A_1137, %jit3A_1138, %jit3A_1135 : i32
    %rem3A_1140 = vector.broadcast %select_n3A_1139 : i32 to vector<16xi32>
    %rem3A_1141 = arith.remsi %add3A_1134, %rem3A_1140 : vector<16xi32>
    %ne3A_1142 = arith.constant 0 : i32
    %ne3A_1143 = vector.broadcast %ne3A_1142 : i32 to vector<16xi32>
    %ne3A_1144 = arith.cmpi ne, %rem3A_1141, %ne3A_1143 : vector<16xi32>
    %lt3A_1145 = arith.constant 0 : i32
    %lt3A_1146 = vector.broadcast %lt3A_1145 : i32 to vector<16xi32>
    %lt3A_1147 = arith.cmpi slt, %rem3A_1141, %lt3A_1146 : vector<16xi32>
    %lt3A_1148 = arith.constant 0 : i32
    %lt3A_1149 = arith.cmpi slt, %select_n3A_1139, %lt3A_1148 : i32
    %ne3A_1150 = vector.broadcast %lt3A_1149 : i1 to vector<16xi1>
    %ne3A_1151 = vector.broadcast %ne3A_1150 : vector<16xi1> to vector<16xi1>
    %ne3A_1152 = arith.xori %lt3A_1147, %ne3A_1151 : vector<16xi1>
    %and3A_1153 = arith.andi %ne3A_1152, %ne3A_1144 : vector<16xi1>
    %add3A_1154 = vector.broadcast %select_n3A_1139 : i32 to vector<16xi32>
    %add3A_1155 = arith.addi %rem3A_1141, %add3A_1154 : vector<16xi32>
    %select_n3A_1156 = arith.select %and3A_1153, %add3A_1155, %rem3A_1141 : vector<16xi1>, vector<16xi32>
    %select_n3A_1157 = arith.select %lt3A_1131, %get3A_1128, %select_n3A_1156 : vector<16xi1>, vector<16xi32>
    %swap3A_1158 = arith.constant 7 : i32
    %swap3A_1159 = arith.index_cast %swap3A_1158 : i32 to index
    %swap3A_1160 = arith.constant 16 : index
    %swap3A_1161 = tpu.vector_load %arg8[%swap3A_1159, %swap3A_1160] {strides = array<i32>} : memref<8x32xi32, #tpu.memory_space<vmem>>, vector<1x16xi32>,
    %swap3A_1162 = vector.shape_cast %swap3A_1161 : vector<1x16xi32> to vector<16xi32>
    %swap3A_1163 = vector.shape_cast %select_n3A_1157 : vector<16xi32> to vector<1x16xi32>
    tpu.vector_store %arg8[%swap3A_1159, %swap3A_1160], %swap3A_1163 {strides = array<i32>} : memref<8x32xi32, #tpu.memory_space<vmem>>, vector<1x16xi32>,
    %sub3A_1164 = arith.constant 99999 : i32
    %sub3A_1165 = vector.broadcast %sub3A_1164 : i32 to vector<16xi32>
    %sub3A_1166 = arith.subi %get3A_1128, %sub3A_1165 : vector<16xi32>
    %select_n3A_1167 = arith.select %lt3A_1131, %select_n3A_1156, %sub3A_1166 : vector<16xi1>, vector<16xi32>
    %swap3A_1168 = arith.constant 7 : i32
    %swap3A_1169 = arith.index_cast %swap3A_1168 : i32 to index
    %swap3A_1170 = arith.constant 16 : index
    %swap3A_1171 = tpu.vector_load %arg9[%swap3A_1169, %swap3A_1170] {strides = array<i32>} : memref<8x32xi32, #tpu.memory_space<vmem>>, vector<1x16xi32>,
    %swap3A_1172 = vector.shape_cast %swap3A_1171 : vector<1x16xi32> to vector<16xi32>
    %swap3A_1173 = vector.shape_cast %select_n3A_1167 : vector<16xi32> to vector<1x16xi32>
    tpu.vector_store %arg9[%swap3A_1169, %swap3A_1170], %swap3A_1173 {strides = array<i32>} : memref<8x32xi32, #tpu.memory_space<vmem>>, vector<1x16xi32>,
    %mul3A_1174 = arith.constant 256 : i32
    %mul3A_1175 = arith.muli %select_n3A_30, %mul3A_1174 : i32
    %add3A_1176 = arith.constant 20 : i32
    %add3A_1177 = arith.addi %add3A_1176, %mul3A_1175 : i32
    %add3A_1178 = arith.constant 240 : i32
    %add3A_1179 = arith.addi %add3A_1177, %add3A_1178 : i32
    %add3A_1180 = vector.broadcast %add3A_1179 : i32 to vector<16xi32>
    %add3A_1181 = arith.addi %add3A_1180, %iota3A : vector<16xi32>
    %and3A_1182 = arith.constant 15 : i32
    %and3A_1183 = vector.broadcast %and3A_1182 : i32 to vector<16xi32>
    %and3A_1184 = arith.andi %add3A_1134, %and3A_1183 : vector<16xi32>
    %select_n3A_1185 = arith.select %lt3A_1131, %add3A_1181, %and3A_1184 : vector<16xi1>, vector<16xi32>
    %swap3A_1186 = arith.constant 7 : i32
    %swap3A_1187 = arith.index_cast %swap3A_1186 : i32 to index
    %swap3A_1188 = arith.constant 16 : index
    %swap3A_1189 = tpu.vector_load %arg10[%swap3A_1187, %swap3A_1188] {strides = array<i32>} : memref<8x32xi32, #tpu.memory_space<vmem>>, vector<1x16xi32>,
    %swap3A_1190 = vector.shape_cast %swap3A_1189 : vector<1x16xi32> to vector<16xi32>
    %swap3A_1191 = vector.shape_cast %select_n3A_1185 : vector<16xi32> to vector<1x16xi32>
    tpu.vector_store %arg10[%swap3A_1187, %swap3A_1188], %swap3A_1191 {strides = array<i32>} : memref<8x32xi32, #tpu.memory_space<vmem>>, vector<1x16xi32>,
    %select_n3A_1192 = arith.select %lt3A_1131, %and3A_1184, %add3A_1181 : vector<16xi1>, vector<16xi32>
    %swap3A_1193 = arith.constant 7 : i32
    %swap3A_1194 = arith.index_cast %swap3A_1193 : i32 to index
    %swap3A_1195 = arith.constant 16 : index
    %swap3A_1196 = tpu.vector_load %arg11[%swap3A_1194, %swap3A_1195] {strides = array<i32>} : memref<8x32xi32, #tpu.memory_space<vmem>>, vector<1x16xi32>,
    %swap3A_1197 = vector.shape_cast %swap3A_1196 : vector<1x16xi32> to vector<16xi32>
    %swap3A_1198 = vector.shape_cast %select_n3A_1192 : vector<16xi32> to vector<1x16xi32>
    tpu.vector_store %arg11[%swap3A_1194, %swap3A_1195], %swap3A_1198 {strides = array<i32>} : memref<8x32xi32, #tpu.memory_space<vmem>>, vector<1x16xi32>,
    %dma_start3A = arith.constant 0 : i32
    %dma_start3A_1199 = arith.constant 0 : i32
    %dma_start3A_1200 = arith.constant 0 : i32
    %dma_start3A_1201 = arith.constant 0 : i32
    %dma_start3A_1202 = tpu.memref_slice %arg13[%dma_start3A_1199, %dma_start3A_1200, %dma_start3A_1201] : memref<3x32x768xf32, #tpu.memory_space<vmem>> -> memref<1x32x768xf32, #tpu.memory_space<vmem>>
    %dma_start3A_1203 = tpu.memref_squeeze %dma_start3A_1202 : memref<1x32x768xf32, #tpu.memory_space<vmem>> -> memref<32x768xf32, #tpu.memory_space<vmem>>
    %dma_start3A_1204 = arith.constant 0 : i32
    %dma_start3A_1205 = tpu.memref_slice %arg8[%dma_start3A, %dma_start3A_1204] : memref<8x32xi32, #tpu.memory_space<vmem>> -> memref<1x32xi32, #tpu.memory_space<vmem>>
    %dma_start3A_1206 = tpu.memref_squeeze %dma_start3A_1205 : memref<1x32xi32, #tpu.memory_space<vmem>> -> memref<32xi32, #tpu.memory_space<vmem>>
    %dma_start3A_1207 = arith.constant 0 : i32
    %dma_start3A_1208 = arith.constant 0 : i32
    %dma_start3A_1209 = tpu.memref_slice %arg3[%dma_start3A_1207, %dma_start3A_1208] : memref<100000x768xf32, #tpu.memory_space<hbm>> -> memref<100000x768xf32, #tpu.memory_space<hbm>>
    tpu.enqueue_indirect_dma source(%dma_start3A_1209 : memref<100000x768xf32, #tpu.memory_space<hbm>>) target(%dma_start3A_1203 : memref<32x768xf32, #tpu.memory_space<vmem>>) offsets(%dma_start3A_1206 : memref<32xi32, #tpu.memory_space<vmem>>) semaphore(%arg15 : memref<!tpu.dma_semaphore, #tpu.memory_space<semaphore_mem>>)
    %dma_start3A_1210 = arith.constant 0 : i32
    %dma_start3A_1211 = arith.constant 0 : i32
    %dma_start3A_1212 = arith.constant 0 : i32
    %dma_start3A_1213 = arith.constant 0 : i32
    %dma_start3A_1214 = tpu.memref_slice %arg14[%dma_start3A_1211, %dma_start3A_1212, %dma_start3A_1213] : memref<2x32x768xf32, #tpu.memory_space<vmem>> -> memref<1x32x768xf32, #tpu.memory_space<vmem>>
    %dma_start3A_1215 = tpu.memref_squeeze %dma_start3A_1214 : memref<1x32x768xf32, #tpu.memory_space<vmem>> -> memref<32x768xf32, #tpu.memory_space<vmem>>
    %dma_start3A_1216 = arith.constant 0 : i32
    %dma_start3A_1217 = tpu.memref_slice %arg9[%dma_start3A_1210, %dma_start3A_1216] : memref<8x32xi32, #tpu.memory_space<vmem>> -> memref<1x32xi32, #tpu.memory_space<vmem>>
    %dma_start3A_1218 = tpu.memref_squeeze %dma_start3A_1217 : memref<1x32xi32, #tpu.memory_space<vmem>> -> memref<32xi32, #tpu.memory_space<vmem>>
    %dma_start3A_1219 = arith.constant 0 : i32
    %dma_start3A_1220 = arith.constant 0 : i32
    %dma_start3A_1221 = tpu.memref_slice %arg4[%dma_start3A_1219, %dma_start3A_1220] : memref<145x768xf32, #tpu.memory_space<hbm>> -> memref<145x768xf32, #tpu.memory_space<hbm>>
    tpu.enqueue_indirect_dma source(%dma_start3A_1221 : memref<145x768xf32, #tpu.memory_space<hbm>>) target(%dma_start3A_1215 : memref<32x768xf32, #tpu.memory_space<vmem>>) offsets(%dma_start3A_1218 : memref<32xi32, #tpu.memory_space<vmem>>) semaphore(%arg21 : memref<!tpu.dma_semaphore, #tpu.memory_space<semaphore_mem>>)
    %dma_start3A_1222 = arith.constant 1 : i32
    %dma_start3A_1223 = arith.constant 1 : i32
    %dma_start3A_1224 = arith.constant 0 : i32
    %dma_start3A_1225 = arith.constant 0 : i32
    %dma_start3A_1226 = tpu.memref_slice %arg13[%dma_start3A_1223, %dma_start3A_1224, %dma_start3A_1225] : memref<3x32x768xf32, #tpu.memory_space<vmem>> -> memref<1x32x768xf32, #tpu.memory_space<vmem>>
    %dma_start3A_1227 = tpu.memref_squeeze %dma_start3A_1226 : memref<1x32x768xf32, #tpu.memory_space<vmem>> -> memref<32x768xf32, #tpu.memory_space<vmem>>
    %dma_start3A_1228 = arith.constant 0 : i32
    %dma_start3A_1229 = tpu.memref_slice %arg8[%dma_start3A_1222, %dma_start3A_1228] : memref<8x32xi32, #tpu.memory_space<vmem>> -> memref<1x32xi32, #tpu.memory_space<vmem>>
    %dma_start3A_1230 = tpu.memref_squeeze %dma_start3A_1229 : memref<1x32xi32, #tpu.memory_space<vmem>> -> memref<32xi32, #tpu.memory_space<vmem>>
    %dma_start3A_1231 = arith.constant 0 : i32
    %dma_start3A_1232 = arith.constant 0 : i32
    %dma_start3A_1233 = tpu.memref_slice %arg3[%dma_start3A_1231, %dma_start3A_1232] : memref<100000x768xf32, #tpu.memory_space<hbm>> -> memref<100000x768xf32, #tpu.memory_space<hbm>>
    tpu.enqueue_indirect_dma source(%dma_start3A_1233 : memref<100000x768xf32, #tpu.memory_space<hbm>>) target(%dma_start3A_1227 : memref<32x768xf32, #tpu.memory_space<vmem>>) offsets(%dma_start3A_1230 : memref<32xi32, #tpu.memory_space<vmem>>) semaphore(%arg16 : memref<!tpu.dma_semaphore, #tpu.memory_space<semaphore_mem>>)
    %dma_start3A_1234 = arith.constant 1 : i32
    %dma_start3A_1235 = arith.constant 1 : i32
    %dma_start3A_1236 = arith.constant 0 : i32
    %dma_start3A_1237 = arith.constant 0 : i32
    %dma_start3A_1238 = tpu.memref_slice %arg14[%dma_start3A_1235, %dma_start3A_1236, %dma_start3A_1237] : memref<2x32x768xf32, #tpu.memory_space<vmem>> -> memref<1x32x768xf32, #tpu.memory_space<vmem>>
    %dma_start3A_1239 = tpu.memref_squeeze %dma_start3A_1238 : memref<1x32x768xf32, #tpu.memory_space<vmem>> -> memref<32x768xf32, #tpu.memory_space<vmem>>
    %dma_start3A_1240 = arith.constant 0 : i32
    %dma_start3A_1241 = tpu.memref_slice %arg9[%dma_start3A_1234, %dma_start3A_1240] : memref<8x32xi32, #tpu.memory_space<vmem>> -> memref<1x32xi32, #tpu.memory_space<vmem>>
    %dma_start3A_1242 = tpu.memref_squeeze %dma_start3A_1241 : memref<1x32xi32, #tpu.memory_space<vmem>> -> memref<32xi32, #tpu.memory_space<vmem>>
    %dma_start3A_1243 = arith.constant 0 : i32
    %dma_start3A_1244 = arith.constant 0 : i32
    %dma_start3A_1245 = tpu.memref_slice %arg4[%dma_start3A_1243, %dma_start3A_1244] : memref<145x768xf32, #tpu.memory_space<hbm>> -> memref<145x768xf32, #tpu.memory_space<hbm>>
    tpu.enqueue_indirect_dma source(%dma_start3A_1245 : memref<145x768xf32, #tpu.memory_space<hbm>>) target(%dma_start3A_1239 : memref<32x768xf32, #tpu.memory_space<vmem>>) offsets(%dma_start3A_1242 : memref<32xi32, #tpu.memory_space<vmem>>) semaphore(%arg22 : memref<!tpu.dma_semaphore, #tpu.memory_space<semaphore_mem>>)
    %dma_wait3A = arith.constant 0 : i32
    %dma_wait3A_1246 = arith.constant 0 : i32
    %dma_wait3A_1247 = arith.constant 0 : i32
    %dma_wait3A_1248 = arith.constant 0 : i32
    %dma_wait3A_1249 = tpu.memref_slice %arg13[%dma_wait3A_1246, %dma_wait3A_1247, %dma_wait3A_1248] : memref<3x32x768xf32, #tpu.memory_space<vmem>> -> memref<1x32x768xf32, #tpu.memory_space<vmem>>
    %dma_wait3A_1250 = tpu.memref_squeeze %dma_wait3A_1249 : memref<1x32x768xf32, #tpu.memory_space<vmem>> -> memref<32x768xf32, #tpu.memory_space<vmem>>
    %dma_wait3A_1251 = arith.constant 0 : i32
    %dma_wait3A_1252 = tpu.memref_slice %arg8[%dma_wait3A, %dma_wait3A_1251] : memref<8x32xi32, #tpu.memory_space<vmem>> -> memref<1x32xi32, #tpu.memory_space<vmem>>
    %dma_wait3A_1253 = tpu.memref_squeeze %dma_wait3A_1252 : memref<1x32xi32, #tpu.memory_space<vmem>> -> memref<32xi32, #tpu.memory_space<vmem>>
    %dma_wait3A_1254 = arith.constant 0 : i32
    %dma_wait3A_1255 = arith.constant 0 : i32
    %dma_wait3A_1256 = tpu.memref_slice %arg3[%dma_wait3A_1254, %dma_wait3A_1255] : memref<100000x768xf32, #tpu.memory_space<hbm>> -> memref<100000x768xf32, #tpu.memory_space<hbm>>
    tpu.wait_indirect_dma semaphore(%arg15 : memref<!tpu.dma_semaphore, #tpu.memory_space<semaphore_mem>>) src(%dma_wait3A_1256 : memref<100000x768xf32, #tpu.memory_space<hbm>>) dst(%dma_wait3A_1250 : memref<32x768xf32, #tpu.memory_space<vmem>>)
    %dma_wait3A_1257 = arith.constant 0 : i32
    %dma_wait3A_1258 = arith.constant 0 : i32
    %dma_wait3A_1259 = arith.constant 0 : i32
    %dma_wait3A_1260 = arith.constant 0 : i32
    %dma_wait3A_1261 = tpu.memref_slice %arg14[%dma_wait3A_1258, %dma_wait3A_1259, %dma_wait3A_1260] : memref<2x32x768xf32, #tpu.memory_space<vmem>> -> memref<1x32x768xf32, #tpu.memory_space<vmem>>
    %dma_wait3A_1262 = tpu.memref_squeeze %dma_wait3A_1261 : memref<1x32x768xf32, #tpu.memory_space<vmem>> -> memref<32x768xf32, #tpu.memory_space<vmem>>
    %dma_wait3A_1263 = arith.constant 0 : i32
    %dma_wait3A_1264 = tpu.memref_slice %arg9[%dma_wait3A_1257, %dma_wait3A_1263] : memref<8x32xi32, #tpu.memory_space<vmem>> -> memref<1x32xi32, #tpu.memory_space<vmem>>
    %dma_wait3A_1265 = tpu.memref_squeeze %dma_wait3A_1264 : memref<1x32xi32, #tpu.memory_space<vmem>> -> memref<32xi32, #tpu.memory_space<vmem>>
    %dma_wait3A_1266 = arith.constant 0 : i32
    %dma_wait3A_1267 = arith.constant 0 : i32
    %dma_wait3A_1268 = tpu.memref_slice %arg4[%dma_wait3A_1266, %dma_wait3A_1267] : memref<145x768xf32, #tpu.memory_space<hbm>> -> memref<145x768xf32, #tpu.memory_space<hbm>>
    tpu.wait_indirect_dma semaphore(%arg21 : memref<!tpu.dma_semaphore, #tpu.memory_space<semaphore_mem>>) src(%dma_wait3A_1268 : memref<145x768xf32, #tpu.memory_space<hbm>>) dst(%dma_wait3A_1262 : memref<32x768xf32, #tpu.memory_space<vmem>>)
    %dma_start3A_1269 = arith.constant 0 : i32
    %dma_start3A_1270 = arith.constant 0 : i32
    %dma_start3A_1271 = arith.constant 0 : i32
    %dma_start3A_1272 = arith.constant 0 : i32
    %dma_start3A_1273 = tpu.memref_slice %arg13[%dma_start3A_1269, %dma_start3A_1271, %dma_start3A_1272] : memref<3x32x768xf32, #tpu.memory_space<vmem>> -> memref<1x32x768xf32, #tpu.memory_space<vmem>>
    %dma_start3A_1274 = tpu.memref_squeeze %dma_start3A_1273 : memref<1x32x768xf32, #tpu.memory_space<vmem>> -> memref<32x768xf32, #tpu.memory_space<vmem>>
    %dma_start3A_1275 = arith.constant 0 : i32
    %dma_start3A_1276 = tpu.memref_slice %arg10[%dma_start3A_1270, %dma_start3A_1275] : memref<8x32xi32, #tpu.memory_space<vmem>> -> memref<1x32xi32, #tpu.memory_space<vmem>>
    %dma_start3A_1277 = tpu.memref_squeeze %dma_start3A_1276 : memref<1x32xi32, #tpu.memory_space<vmem>> -> memref<32xi32, #tpu.memory_space<vmem>>
    %dma_start3A_1278 = arith.constant 0 : i32
    %dma_start3A_1279 = arith.constant 0 : i32
    %dma_start3A_1280 = tpu.memref_slice %arg6[%select_n3A, %dma_start3A_1278, %dma_start3A_1279] : memref<4x2068x768xf32, #tpu.memory_space<hbm>> -> memref<1x2068x768xf32, #tpu.memory_space<hbm>>
    %dma_start3A_1281 = tpu.memref_squeeze %dma_start3A_1280 : memref<1x2068x768xf32, #tpu.memory_space<hbm>> -> memref<2068x768xf32, #tpu.memory_space<hbm>>
    %dma_start3A_1282 = arith.constant 0 : i32
    %dma_start3A_1283 = arith.constant 0 : i32
    %dma_start3A_1284 = tpu.memref_slice %dma_start3A_1281[%dma_start3A_1282, %dma_start3A_1283] : memref<2068x768xf32, #tpu.memory_space<hbm>> -> memref<2068x768xf32, #tpu.memory_space<hbm>>
    tpu.enqueue_indirect_dma source(%dma_start3A_1274 : memref<32x768xf32, #tpu.memory_space<vmem>>) target(%dma_start3A_1284 : memref<2068x768xf32, #tpu.memory_space<hbm>>) offsets(%dma_start3A_1277 : memref<32xi32, #tpu.memory_space<vmem>>) semaphore(%arg18 : memref<!tpu.dma_semaphore, #tpu.memory_space<semaphore_mem>>)
    %dma_start3A_1285 = arith.constant 0 : i32
    %dma_start3A_1286 = arith.constant 0 : i32
    %dma_start3A_1287 = arith.constant 0 : i32
    %dma_start3A_1288 = arith.constant 0 : i32
    %dma_start3A_1289 = tpu.memref_slice %arg14[%dma_start3A_1285, %dma_start3A_1287, %dma_start3A_1288] : memref<2x32x768xf32, #tpu.memory_space<vmem>> -> memref<1x32x768xf32, #tpu.memory_space<vmem>>
    %dma_start3A_1290 = tpu.memref_squeeze %dma_start3A_1289 : memref<1x32x768xf32, #tpu.memory_space<vmem>> -> memref<32x768xf32, #tpu.memory_space<vmem>>
    %dma_start3A_1291 = arith.constant 0 : i32
    %dma_start3A_1292 = tpu.memref_slice %arg11[%dma_start3A_1286, %dma_start3A_1291] : memref<8x32xi32, #tpu.memory_space<vmem>> -> memref<1x32xi32, #tpu.memory_space<vmem>>
    %dma_start3A_1293 = tpu.memref_squeeze %dma_start3A_1292 : memref<1x32xi32, #tpu.memory_space<vmem>> -> memref<32xi32, #tpu.memory_space<vmem>>
    %dma_start3A_1294 = arith.constant 0 : i32
    %dma_start3A_1295 = arith.constant 0 : i32
    %dma_start3A_1296 = tpu.memref_slice %arg6[%select_n3A, %dma_start3A_1294, %dma_start3A_1295] : memref<4x2068x768xf32, #tpu.memory_space<hbm>> -> memref<1x2068x768xf32, #tpu.memory_space<hbm>>
    %dma_start3A_1297 = tpu.memref_squeeze %dma_start3A_1296 : memref<1x2068x768xf32, #tpu.memory_space<hbm>> -> memref<2068x768xf32, #tpu.memory_space<hbm>>
    %dma_start3A_1298 = arith.constant 0 : i32
    %dma_start3A_1299 = arith.constant 0 : i32
    %dma_start3A_1300 = tpu.memref_slice %dma_start3A_1297[%dma_start3A_1298, %dma_start3A_1299] : memref<2068x768xf32, #tpu.memory_space<hbm>> -> memref<2068x768xf32, #tpu.memory_space<hbm>>
    tpu.enqueue_indirect_dma source(%dma_start3A_1290 : memref<32x768xf32, #tpu.memory_space<vmem>>) target(%dma_start3A_1300 : memref<2068x768xf32, #tpu.memory_space<hbm>>) offsets(%dma_start3A_1293 : memref<32xi32, #tpu.memory_space<vmem>>) semaphore(%arg21 : memref<!tpu.dma_semaphore, #tpu.memory_space<semaphore_mem>>)
    %dma_wait3A_1301 = arith.constant 0 : i32
    %dma_wait3A_1302 = arith.constant 0 : i32
    %dma_wait3A_1303 = arith.constant 0 : i32
    %dma_wait3A_1304 = arith.constant 0 : i32
    %dma_wait3A_1305 = tpu.memref_slice %arg13[%dma_wait3A_1301, %dma_wait3A_1303, %dma_wait3A_1304] : memref<3x32x768xf32, #tpu.memory_space<vmem>> -> memref<1x32x768xf32, #tpu.memory_space<vmem>>
    %dma_wait3A_1306 = tpu.memref_squeeze %dma_wait3A_1305 : memref<1x32x768xf32, #tpu.memory_space<vmem>> -> memref<32x768xf32, #tpu.memory_space<vmem>>
    %dma_wait3A_1307 = arith.constant 0 : i32
    %dma_wait3A_1308 = tpu.memref_slice %arg10[%dma_wait3A_1302, %dma_wait3A_1307] : memref<8x32xi32, #tpu.memory_space<vmem>> -> memref<1x32xi32, #tpu.memory_space<vmem>>
    %dma_wait3A_1309 = tpu.memref_squeeze %dma_wait3A_1308 : memref<1x32xi32, #tpu.memory_space<vmem>> -> memref<32xi32, #tpu.memory_space<vmem>>
    %dma_wait3A_1310 = arith.constant 0 : i32
    %dma_wait3A_1311 = arith.constant 0 : i32
    %dma_wait3A_1312 = tpu.memref_slice %arg6[%select_n3A, %dma_wait3A_1310, %dma_wait3A_1311] : memref<4x2068x768xf32, #tpu.memory_space<hbm>> -> memref<1x2068x768xf32, #tpu.memory_space<hbm>>
    %dma_wait3A_1313 = tpu.memref_squeeze %dma_wait3A_1312 : memref<1x2068x768xf32, #tpu.memory_space<hbm>> -> memref<2068x768xf32, #tpu.memory_space<hbm>>
    %dma_wait3A_1314 = arith.constant 0 : i32
    %dma_wait3A_1315 = arith.constant 0 : i32
    %dma_wait3A_1316 = tpu.memref_slice %dma_wait3A_1313[%dma_wait3A_1314, %dma_wait3A_1315] : memref<2068x768xf32, #tpu.memory_space<hbm>> -> memref<2068x768xf32, #tpu.memory_space<hbm>>
    tpu.wait_indirect_dma semaphore(%arg18 : memref<!tpu.dma_semaphore, #tpu.memory_space<semaphore_mem>>) src(%dma_wait3A_1306 : memref<32x768xf32, #tpu.memory_space<vmem>>) dst(%dma_wait3A_1316 : memref<2068x768xf32, #tpu.memory_space<hbm>>)
    %dma_wait3A_1317 = arith.constant 0 : i32
    %dma_wait3A_1318 = arith.constant 0 : i32
    %dma_wait3A_1319 = arith.constant 0 : i32
    %dma_wait3A_1320 = arith.constant 0 : i32
    %dma_wait3A_1321 = tpu.memref_slice %arg14[%dma_wait3A_1317, %dma_wait3A_1319, %dma_wait3A_1320] : memref<2x32x768xf32, #tpu.memory_space<vmem>> -> memref<1x32x768xf32, #tpu.memory_space<vmem>>
    %dma_wait3A_1322 = tpu.memref_squeeze %dma_wait3A_1321 : memref<1x32x768xf32, #tpu.memory_space<vmem>> -> memref<32x768xf32, #tpu.memory_space<vmem>>
    %dma_wait3A_1323 = arith.constant 0 : i32
    %dma_wait3A_1324 = tpu.memref_slice %arg11[%dma_wait3A_1318, %dma_wait3A_1323] : memref<8x32xi32, #tpu.memory_space<vmem>> -> memref<1x32xi32, #tpu.memory_space<vmem>>
    %dma_wait3A_1325 = tpu.memref_squeeze %dma_wait3A_1324 : memref<1x32xi32, #tpu.memory_space<vmem>> -> memref<32xi32, #tpu.memory_space<vmem>>
    %dma_wait3A_1326 = arith.constant 0 : i32
    %dma_wait3A_1327 = arith.constant 0 : i32
    %dma_wait3A_1328 = tpu.memref_slice %arg6[%select_n3A, %dma_wait3A_1326, %dma_wait3A_1327] : memref<4x2068x768xf32, #tpu.memory_space<hbm>> -> memref<1x2068x768xf32, #tpu.memory_space<hbm>>
    %dma_wait3A_1329 = tpu.memref_squeeze %dma_wait3A_1328 : memref<1x2068x768xf32, #tpu.memory_space<hbm>> -> memref<2068x768xf32, #tpu.memory_space<hbm>>
    %dma_wait3A_1330 = arith.constant 0 : i32
    %dma_wait3A_1331 = arith.constant 0 : i32
    %dma_wait3A_1332 = tpu.memref_slice %dma_wait3A_1329[%dma_wait3A_1330, %dma_wait3A_1331] : memref<2068x768xf32, #tpu.memory_space<hbm>> -> memref<2068x768xf32, #tpu.memory_space<hbm>>
    tpu.wait_indirect_dma semaphore(%arg21 : memref<!tpu.dma_semaphore, #tpu.memory_space<semaphore_mem>>) src(%dma_wait3A_1322 : memref<32x768xf32, #tpu.memory_space<vmem>>) dst(%dma_wait3A_1332 : memref<2068x768xf32, #tpu.memory_space<hbm>>)
    %dma_start3A_1333 = arith.constant 2 : i32
    %dma_start3A_1334 = arith.constant 2 : i32
    %dma_start3A_1335 = arith.constant 0 : i32
    %dma_start3A_1336 = arith.constant 0 : i32
    %dma_start3A_1337 = tpu.memref_slice %arg13[%dma_start3A_1334, %dma_start3A_1335, %dma_start3A_1336] : memref<3x32x768xf32, #tpu.memory_space<vmem>> -> memref<1x32x768xf32, #tpu.memory_space<vmem>>
    %dma_start3A_1338 = tpu.memref_squeeze %dma_start3A_1337 : memref<1x32x768xf32, #tpu.memory_space<vmem>> -> memref<32x768xf32, #tpu.memory_space<vmem>>
    %dma_start3A_1339 = arith.constant 0 : i32
    %dma_start3A_1340 = tpu.memref_slice %arg8[%dma_start3A_1333, %dma_start3A_1339] : memref<8x32xi32, #tpu.memory_space<vmem>> -> memref<1x32xi32, #tpu.memory_space<vmem>>
    %dma_start3A_1341 = tpu.memref_squeeze %dma_start3A_1340 : memref<1x32xi32, #tpu.memory_space<vmem>> -> memref<32xi32, #tpu.memory_space<vmem>>
    %dma_start3A_1342 = arith.constant 0 : i32
    %dma_start3A_1343 = arith.constant 0 : i32
    %dma_start3A_1344 = tpu.memref_slice %arg3[%dma_start3A_1342, %dma_start3A_1343] : memref<100000x768xf32, #tpu.memory_space<hbm>> -> memref<100000x768xf32, #tpu.memory_space<hbm>>
    tpu.enqueue_indirect_dma source(%dma_start3A_1344 : memref<100000x768xf32, #tpu.memory_space<hbm>>) target(%dma_start3A_1338 : memref<32x768xf32, #tpu.memory_space<vmem>>) offsets(%dma_start3A_1341 : memref<32xi32, #tpu.memory_space<vmem>>) semaphore(%arg17 : memref<!tpu.dma_semaphore, #tpu.memory_space<semaphore_mem>>)
    %dma_start3A_1345 = arith.constant 2 : i32
    %dma_start3A_1346 = arith.constant 0 : i32
    %dma_start3A_1347 = arith.constant 0 : i32
    %dma_start3A_1348 = arith.constant 0 : i32
    %dma_start3A_1349 = tpu.memref_slice %arg14[%dma_start3A_1346, %dma_start3A_1347, %dma_start3A_1348] : memref<2x32x768xf32, #tpu.memory_space<vmem>> -> memref<1x32x768xf32, #tpu.memory_space<vmem>>
    %dma_start3A_1350 = tpu.memref_squeeze %dma_start3A_1349 : memref<1x32x768xf32, #tpu.memory_space<vmem>> -> memref<32x768xf32, #tpu.memory_space<vmem>>
    %dma_start3A_1351 = arith.constant 0 : i32
    %dma_start3A_1352 = tpu.memref_slice %arg9[%dma_start3A_1345, %dma_start3A_1351] : memref<8x32xi32, #tpu.memory_space<vmem>> -> memref<1x32xi32, #tpu.memory_space<vmem>>
    %dma_start3A_1353 = tpu.memref_squeeze %dma_start3A_1352 : memref<1x32xi32, #tpu.memory_space<vmem>> -> memref<32xi32, #tpu.memory_space<vmem>>
    %dma_start3A_1354 = arith.constant 0 : i32
    %dma_start3A_1355 = arith.constant 0 : i32
    %dma_start3A_1356 = tpu.memref_slice %arg4[%dma_start3A_1354, %dma_start3A_1355] : memref<145x768xf32, #tpu.memory_space<hbm>> -> memref<145x768xf32, #tpu.memory_space<hbm>>
    tpu.enqueue_indirect_dma source(%dma_start3A_1356 : memref<145x768xf32, #tpu.memory_space<hbm>>) target(%dma_start3A_1350 : memref<32x768xf32, #tpu.memory_space<vmem>>) offsets(%dma_start3A_1353 : memref<32xi32, #tpu.memory_space<vmem>>) semaphore(%arg21 : memref<!tpu.dma_semaphore, #tpu.memory_space<semaphore_mem>>)
    %dma_wait3A_1357 = arith.constant 1 : i32
    %dma_wait3A_1358 = arith.constant 1 : i32
    %dma_wait3A_1359 = arith.constant 0 : i32
    %dma_wait3A_1360 = arith.constant 0 : i32
    %dma_wait3A_1361 = tpu.memref_slice %arg13[%dma_wait3A_1358, %dma_wait3A_1359, %dma_wait3A_1360] : memref<3x32x768xf32, #tpu.memory_space<vmem>> -> memref<1x32x768xf32, #tpu.memory_space<vmem>>
    %dma_wait3A_1362 = tpu.memref_squeeze %dma_wait3A_1361 : memref<1x32x768xf32, #tpu.memory_space<vmem>> -> memref<32x768xf32, #tpu.memory_space<vmem>>
    %dma_wait3A_1363 = arith.constant 0 : i32
    %dma_wait3A_1364 = tpu.memref_slice %arg8[%dma_wait3A_1357, %dma_wait3A_1363] : memref<8x32xi32, #tpu.memory_space<vmem>> -> memref<1x32xi32, #tpu.memory_space<vmem>>
    %dma_wait3A_1365 = tpu.memref_squeeze %dma_wait3A_1364 : memref<1x32xi32, #tpu.memory_space<vmem>> -> memref<32xi32, #tpu.memory_space<vmem>>
    %dma_wait3A_1366 = arith.constant 0 : i32
    %dma_wait3A_1367 = arith.constant 0 : i32
    %dma_wait3A_1368 = tpu.memref_slice %arg3[%dma_wait3A_1366, %dma_wait3A_1367] : memref<100000x768xf32, #tpu.memory_space<hbm>> -> memref<100000x768xf32, #tpu.memory_space<hbm>>
    tpu.wait_indirect_dma semaphore(%arg16 : memref<!tpu.dma_semaphore, #tpu.memory_space<semaphore_mem>>) src(%dma_wait3A_1368 : memref<100000x768xf32, #tpu.memory_space<hbm>>) dst(%dma_wait3A_1362 : memref<32x768xf32, #tpu.memory_space<vmem>>)
    %dma_wait3A_1369 = arith.constant 1 : i32
    %dma_wait3A_1370 = arith.constant 1 : i32
    %dma_wait3A_1371 = arith.constant 0 : i32
    %dma_wait3A_1372 = arith.constant 0 : i32
    %dma_wait3A_1373 = tpu.memref_slice %arg14[%dma_wait3A_1370, %dma_wait3A_1371, %dma_wait3A_1372] : memref<2x32x768xf32, #tpu.memory_space<vmem>> -> memref<1x32x768xf32, #tpu.memory_space<vmem>>
    %dma_wait3A_1374 = tpu.memref_squeeze %dma_wait3A_1373 : memref<1x32x768xf32, #tpu.memory_space<vmem>> -> memref<32x768xf32, #tpu.memory_space<vmem>>
    %dma_wait3A_1375 = arith.constant 0 : i32
    %dma_wait3A_1376 = tpu.memref_slice %arg9[%dma_wait3A_1369, %dma_wait3A_1375] : memref<8x32xi32, #tpu.memory_space<vmem>> -> memref<1x32xi32, #tpu.memory_space<vmem>>
    %dma_wait3A_1377 = tpu.memref_squeeze %dma_wait3A_1376 : memref<1x32xi32, #tpu.memory_space<vmem>> -> memref<32xi32, #tpu.memory_space<vmem>>
    %dma_wait3A_1378 = arith.constant 0 : i32
    %dma_wait3A_1379 = arith.constant 0 : i32
    %dma_wait3A_1380 = tpu.memref_slice %arg4[%dma_wait3A_1378, %dma_wait3A_1379] : memref<145x768xf32, #tpu.memory_space<hbm>> -> memref<145x768xf32, #tpu.memory_space<hbm>>
    tpu.wait_indirect_dma semaphore(%arg22 : memref<!tpu.dma_semaphore, #tpu.memory_space<semaphore_mem>>) src(%dma_wait3A_1380 : memref<145x768xf32, #tpu.memory_space<hbm>>) dst(%dma_wait3A_1374 : memref<32x768xf32, #tpu.memory_space<vmem>>)
    %dma_start3A_1381 = arith.constant 1 : i32
    %dma_start3A_1382 = arith.constant 1 : i32
    %dma_start3A_1383 = arith.constant 0 : i32
    %dma_start3A_1384 = arith.constant 0 : i32
    %dma_start3A_1385 = tpu.memref_slice %arg13[%dma_start3A_1381, %dma_start3A_1383, %dma_start3A_1384] : memref<3x32x768xf32, #tpu.memory_space<vmem>> -> memref<1x32x768xf32, #tpu.memory_space<vmem>>
    %dma_start3A_1386 = tpu.memref_squeeze %dma_start3A_1385 : memref<1x32x768xf32, #tpu.memory_space<vmem>> -> memref<32x768xf32, #tpu.memory_space<vmem>>
    %dma_start3A_1387 = arith.constant 0 : i32
    %dma_start3A_1388 = tpu.memref_slice %arg10[%dma_start3A_1382, %dma_start3A_1387] : memref<8x32xi32, #tpu.memory_space<vmem>> -> memref<1x32xi32, #tpu.memory_space<vmem>>
    %dma_start3A_1389 = tpu.memref_squeeze %dma_start3A_1388 : memref<1x32xi32, #tpu.memory_space<vmem>> -> memref<32xi32, #tpu.memory_space<vmem>>
    %dma_start3A_1390 = arith.constant 0 : i32
    %dma_start3A_1391 = arith.constant 0 : i32
    %dma_start3A_1392 = tpu.memref_slice %arg6[%select_n3A, %dma_start3A_1390, %dma_start3A_1391] : memref<4x2068x768xf32, #tpu.memory_space<hbm>> -> memref<1x2068x768xf32, #tpu.memory_space<hbm>>
    %dma_start3A_1393 = tpu.memref_squeeze %dma_start3A_1392 : memref<1x2068x768xf32, #tpu.memory_space<hbm>> -> memref<2068x768xf32, #tpu.memory_space<hbm>>
    %dma_start3A_1394 = arith.constant 0 : i32
    %dma_start3A_1395 = arith.constant 0 : i32
    %dma_start3A_1396 = tpu.memref_slice %dma_start3A_1393[%dma_start3A_1394, %dma_start3A_1395] : memref<2068x768xf32, #tpu.memory_space<hbm>> -> memref<2068x768xf32, #tpu.memory_space<hbm>>
    tpu.enqueue_indirect_dma source(%dma_start3A_1386 : memref<32x768xf32, #tpu.memory_space<vmem>>) target(%dma_start3A_1396 : memref<2068x768xf32, #tpu.memory_space<hbm>>) offsets(%dma_start3A_1389 : memref<32xi32, #tpu.memory_space<vmem>>) semaphore(%arg19 : memref<!tpu.dma_semaphore, #tpu.memory_space<semaphore_mem>>)
    %dma_start3A_1397 = arith.constant 1 : i32
    %dma_start3A_1398 = arith.constant 1 : i32
    %dma_start3A_1399 = arith.constant 0 : i32
    %dma_start3A_1400 = arith.constant 0 : i32
    %dma_start3A_1401 = tpu.memref_slice %arg14[%dma_start3A_1397, %dma_start3A_1399, %dma_start3A_1400] : memref<2x32x768xf32, #tpu.memory_space<vmem>> -> memref<1x32x768xf32, #tpu.memory_space<vmem>>
    %dma_start3A_1402 = tpu.memref_squeeze %dma_start3A_1401 : memref<1x32x768xf32, #tpu.memory_space<vmem>> -> memref<32x768xf32, #tpu.memory_space<vmem>>
    %dma_start3A_1403 = arith.constant 0 : i32
    %dma_start3A_1404 = tpu.memref_slice %arg11[%dma_start3A_1398, %dma_start3A_1403] : memref<8x32xi32, #tpu.memory_space<vmem>> -> memref<1x32xi32, #tpu.memory_space<vmem>>
    %dma_start3A_1405 = tpu.memref_squeeze %dma_start3A_1404 : memref<1x32xi32, #tpu.memory_space<vmem>> -> memref<32xi32, #tpu.memory_space<vmem>>
    %dma_start3A_1406 = arith.constant 0 : i32
    %dma_start3A_1407 = arith.constant 0 : i32
    %dma_start3A_1408 = tpu.memref_slice %arg6[%select_n3A, %dma_start3A_1406, %dma_start3A_1407] : memref<4x2068x768xf32, #tpu.memory_space<hbm>> -> memref<1x2068x768xf32, #tpu.memory_space<hbm>>
    %dma_start3A_1409 = tpu.memref_squeeze %dma_start3A_1408 : memref<1x2068x768xf32, #tpu.memory_space<hbm>> -> memref<2068x768xf32, #tpu.memory_space<hbm>>
    %dma_start3A_1410 = arith.constant 0 : i32
    %dma_start3A_1411 = arith.constant 0 : i32
    %dma_start3A_1412 = tpu.memref_slice %dma_start3A_1409[%dma_start3A_1410, %dma_start3A_1411] : memref<2068x768xf32, #tpu.memory_space<hbm>> -> memref<2068x768xf32, #tpu.memory_space<hbm>>
    tpu.enqueue_indirect_dma source(%dma_start3A_1402 : memref<32x768xf32, #tpu.memory_space<vmem>>) target(%dma_start3A_1412 : memref<2068x768xf32, #tpu.memory_space<hbm>>) offsets(%dma_start3A_1405 : memref<32xi32, #tpu.memory_space<vmem>>) semaphore(%arg22 : memref<!tpu.dma_semaphore, #tpu.memory_space<semaphore_mem>>)
    %dma_wait3A_1413 = arith.constant 1 : i32
    %dma_wait3A_1414 = arith.constant 1 : i32
    %dma_wait3A_1415 = arith.constant 0 : i32
    %dma_wait3A_1416 = arith.constant 0 : i32
    %dma_wait3A_1417 = tpu.memref_slice %arg13[%dma_wait3A_1413, %dma_wait3A_1415, %dma_wait3A_1416] : memref<3x32x768xf32, #tpu.memory_space<vmem>> -> memref<1x32x768xf32, #tpu.memory_space<vmem>>
    %dma_wait3A_1418 = tpu.memref_squeeze %dma_wait3A_1417 : memref<1x32x768xf32, #tpu.memory_space<vmem>> -> memref<32x768xf32, #tpu.memory_space<vmem>>
    %dma_wait3A_1419 = arith.constant 0 : i32
    %dma_wait3A_1420 = tpu.memref_slice %arg10[%dma_wait3A_1414, %dma_wait3A_1419] : memref<8x32xi32, #tpu.memory_space<vmem>> -> memref<1x32xi32, #tpu.memory_space<vmem>>
    %dma_wait3A_1421 = tpu.memref_squeeze %dma_wait3A_1420 : memref<1x32xi32, #tpu.memory_space<vmem>> -> memref<32xi32, #tpu.memory_space<vmem>>
    %dma_wait3A_1422 = arith.constant 0 : i32
    %dma_wait3A_1423 = arith.constant 0 : i32
    %dma_wait3A_1424 = tpu.memref_slice %arg6[%select_n3A, %dma_wait3A_1422, %dma_wait3A_1423] : memref<4x2068x768xf32, #tpu.memory_space<hbm>> -> memref<1x2068x768xf32, #tpu.memory_space<hbm>>
    %dma_wait3A_1425 = tpu.memref_squeeze %dma_wait3A_1424 : memref<1x2068x768xf32, #tpu.memory_space<hbm>> -> memref<2068x768xf32, #tpu.memory_space<hbm>>
    %dma_wait3A_1426 = arith.constant 0 : i32
    %dma_wait3A_1427 = arith.constant 0 : i32
    %dma_wait3A_1428 = tpu.memref_slice %dma_wait3A_1425[%dma_wait3A_1426, %dma_wait3A_1427] : memref<2068x768xf32, #tpu.memory_space<hbm>> -> memref<2068x768xf32, #tpu.memory_space<hbm>>
    tpu.wait_indirect_dma semaphore(%arg19 : memref<!tpu.dma_semaphore, #tpu.memory_space<semaphore_mem>>) src(%dma_wait3A_1418 : memref<32x768xf32, #tpu.memory_space<vmem>>) dst(%dma_wait3A_1428 : memref<2068x768xf32, #tpu.memory_space<hbm>>)
    %dma_wait3A_1429 = arith.constant 1 : i32
    %dma_wait3A_1430 = arith.constant 1 : i32
    %dma_wait3A_1431 = arith.constant 0 : i32
    %dma_wait3A_1432 = arith.constant 0 : i32
    %dma_wait3A_1433 = tpu.memref_slice %arg14[%dma_wait3A_1429, %dma_wait3A_1431, %dma_wait3A_1432] : memref<2x32x768xf32, #tpu.memory_space<vmem>> -> memref<1x32x768xf32, #tpu.memory_space<vmem>>
    %dma_wait3A_1434 = tpu.memref_squeeze %dma_wait3A_1433 : memref<1x32x768xf32, #tpu.memory_space<vmem>> -> memref<32x768xf32, #tpu.memory_space<vmem>>
    %dma_wait3A_1435 = arith.constant 0 : i32
    %dma_wait3A_1436 = tpu.memref_slice %arg11[%dma_wait3A_1430, %dma_wait3A_1435] : memref<8x32xi32, #tpu.memory_space<vmem>> -> memref<1x32xi32, #tpu.memory_space<vmem>>
    %dma_wait3A_1437 = tpu.memref_squeeze %dma_wait3A_1436 : memref<1x32xi32, #tpu.memory_space<vmem>> -> memref<32xi32, #tpu.memory_space<vmem>>
    %dma_wait3A_1438 = arith.constant 0 : i32
    %dma_wait3A_1439 = arith.constant 0 : i32
    %dma_wait3A_1440 = tpu.memref_slice %arg6[%select_n3A, %dma_wait3A_1438, %dma_wait3A_1439] : memref<4x2068x768xf32, #tpu.memory_space<hbm>> -> memref<1x2068x768xf32, #tpu.memory_space<hbm>>
    %dma_wait3A_1441 = tpu.memref_squeeze %dma_wait3A_1440 : memref<1x2068x768xf32, #tpu.memory_space<hbm>> -> memref<2068x768xf32, #tpu.memory_space<hbm>>
    %dma_wait3A_1442 = arith.constant 0 : i32
    %dma_wait3A_1443 = arith.constant 0 : i32
    %dma_wait3A_1444 = tpu.memref_slice %dma_wait3A_1441[%dma_wait3A_1442, %dma_wait3A_1443] : memref<2068x768xf32, #tpu.memory_space<hbm>> -> memref<2068x768xf32, #tpu.memory_space<hbm>>
    tpu.wait_indirect_dma semaphore(%arg22 : memref<!tpu.dma_semaphore, #tpu.memory_space<semaphore_mem>>) src(%dma_wait3A_1434 : memref<32x768xf32, #tpu.memory_space<vmem>>) dst(%dma_wait3A_1444 : memref<2068x768xf32, #tpu.memory_space<hbm>>)
    %dma_start3A_1445 = arith.constant 3 : i32
    %dma_start3A_1446 = arith.constant 0 : i32
    %dma_start3A_1447 = arith.constant 0 : i32
    %dma_start3A_1448 = arith.constant 0 : i32
    %dma_start3A_1449 = tpu.memref_slice %arg13[%dma_start3A_1446, %dma_start3A_1447, %dma_start3A_1448] : memref<3x32x768xf32, #tpu.memory_space<vmem>> -> memref<1x32x768xf32, #tpu.memory_space<vmem>>
    %dma_start3A_1450 = tpu.memref_squeeze %dma_start3A_1449 : memref<1x32x768xf32, #tpu.memory_space<vmem>> -> memref<32x768xf32, #tpu.memory_space<vmem>>
    %dma_start3A_1451 = arith.constant 0 : i32
    %dma_start3A_1452 = tpu.memref_slice %arg8[%dma_start3A_1445, %dma_start3A_1451] : memref<8x32xi32, #tpu.memory_space<vmem>> -> memref<1x32xi32, #tpu.memory_space<vmem>>
    %dma_start3A_1453 = tpu.memref_squeeze %dma_start3A_1452 : memref<1x32xi32, #tpu.memory_space<vmem>> -> memref<32xi32, #tpu.memory_space<vmem>>
    %dma_start3A_1454 = arith.constant 0 : i32
    %dma_start3A_1455 = arith.constant 0 : i32
    %dma_start3A_1456 = tpu.memref_slice %arg3[%dma_start3A_1454, %dma_start3A_1455] : memref<100000x768xf32, #tpu.memory_space<hbm>> -> memref<100000x768xf32, #tpu.memory_space<hbm>>
    tpu.enqueue_indirect_dma source(%dma_start3A_1456 : memref<100000x768xf32, #tpu.memory_space<hbm>>) target(%dma_start3A_1450 : memref<32x768xf32, #tpu.memory_space<vmem>>) offsets(%dma_start3A_1453 : memref<32xi32, #tpu.memory_space<vmem>>) semaphore(%arg15 : memref<!tpu.dma_semaphore, #tpu.memory_space<semaphore_mem>>)
    %dma_start3A_1457 = arith.constant 3 : i32
    %dma_start3A_1458 = arith.constant 1 : i32
    %dma_start3A_1459 = arith.constant 0 : i32
    %dma_start3A_1460 = arith.constant 0 : i32
    %dma_start3A_1461 = tpu.memref_slice %arg14[%dma_start3A_1458, %dma_start3A_1459, %dma_start3A_1460] : memref<2x32x768xf32, #tpu.memory_space<vmem>> -> memref<1x32x768xf32, #tpu.memory_space<vmem>>
    %dma_start3A_1462 = tpu.memref_squeeze %dma_start3A_1461 : memref<1x32x768xf32, #tpu.memory_space<vmem>> -> memref<32x768xf32, #tpu.memory_space<vmem>>
    %dma_start3A_1463 = arith.constant 0 : i32
    %dma_start3A_1464 = tpu.memref_slice %arg9[%dma_start3A_1457, %dma_start3A_1463] : memref<8x32xi32, #tpu.memory_space<vmem>> -> memref<1x32xi32, #tpu.memory_space<vmem>>
    %dma_start3A_1465 = tpu.memref_squeeze %dma_start3A_1464 : memref<1x32xi32, #tpu.memory_space<vmem>> -> memref<32xi32, #tpu.memory_space<vmem>>
    %dma_start3A_1466 = arith.constant 0 : i32
    %dma_start3A_1467 = arith.constant 0 : i32
    %dma_start3A_1468 = tpu.memref_slice %arg4[%dma_start3A_1466, %dma_start3A_1467] : memref<145x768xf32, #tpu.memory_space<hbm>> -> memref<145x768xf32, #tpu.memory_space<hbm>>
    tpu.enqueue_indirect_dma source(%dma_start3A_1468 : memref<145x768xf32, #tpu.memory_space<hbm>>) target(%dma_start3A_1462 : memref<32x768xf32, #tpu.memory_space<vmem>>) offsets(%dma_start3A_1465 : memref<32xi32, #tpu.memory_space<vmem>>) semaphore(%arg22 : memref<!tpu.dma_semaphore, #tpu.memory_space<semaphore_mem>>)
    %dma_wait3A_1469 = arith.constant 2 : i32
    %dma_wait3A_1470 = arith.constant 2 : i32
    %dma_wait3A_1471 = arith.constant 0 : i32
    %dma_wait3A_1472 = arith.constant 0 : i32
    %dma_wait3A_1473 = tpu.memref_slice %arg13[%dma_wait3A_1470, %dma_wait3A_1471, %dma_wait3A_1472] : memref<3x32x768xf32, #tpu.memory_space<vmem>> -> memref<1x32x768xf32, #tpu.memory_space<vmem>>
    %dma_wait3A_1474 = tpu.memref_squeeze %dma_wait3A_1473 : memref<1x32x768xf32, #tpu.memory_space<vmem>> -> memref<32x768xf32, #tpu.memory_space<vmem>>
    %dma_wait3A_1475 = arith.constant 0 : i32
    %dma_wait3A_1476 = tpu.memref_slice %arg8[%dma_wait3A_1469, %dma_wait3A_1475] : memref<8x32xi32, #tpu.memory_space<vmem>> -> memref<1x32xi32, #tpu.memory_space<vmem>>
    %dma_wait3A_1477 = tpu.memref_squeeze %dma_wait3A_1476 : memref<1x32xi32, #tpu.memory_space<vmem>> -> memref<32xi32, #tpu.memory_space<vmem>>
    %dma_wait3A_1478 = arith.constant 0 : i32
    %dma_wait3A_1479 = arith.constant 0 : i32
    %dma_wait3A_1480 = tpu.memref_slice %arg3[%dma_wait3A_1478, %dma_wait3A_1479] : memref<100000x768xf32, #tpu.memory_space<hbm>> -> memref<100000x768xf32, #tpu.memory_space<hbm>>
    tpu.wait_indirect_dma semaphore(%arg17 : memref<!tpu.dma_semaphore, #tpu.memory_space<semaphore_mem>>) src(%dma_wait3A_1480 : memref<100000x768xf32, #tpu.memory_space<hbm>>) dst(%dma_wait3A_1474 : memref<32x768xf32, #tpu.memory_space<vmem>>)
    %dma_wait3A_1481 = arith.constant 2 : i32
    %dma_wait3A_1482 = arith.constant 0 : i32
    %dma_wait3A_1483 = arith.constant 0 : i32
    %dma_wait3A_1484 = arith.constant 0 : i32
    %dma_wait3A_1485 = tpu.memref_slice %arg14[%dma_wait3A_1482, %dma_wait3A_1483, %dma_wait3A_1484] : memref<2x32x768xf32, #tpu.memory_space<vmem>> -> memref<1x32x768xf32, #tpu.memory_space<vmem>>
    %dma_wait3A_1486 = tpu.memref_squeeze %dma_wait3A_1485 : memref<1x32x768xf32, #tpu.memory_space<vmem>> -> memref<32x768xf32, #tpu.memory_space<vmem>>
    %dma_wait3A_1487 = arith.constant 0 : i32
    %dma_wait3A_1488 = tpu.memref_slice %arg9[%dma_wait3A_1481, %dma_wait3A_1487] : memref<8x32xi32, #tpu.memory_space<vmem>> -> memref<1x32xi32, #tpu.memory_space<vmem>>
    %dma_wait3A_1489 = tpu.memref_squeeze %dma_wait3A_1488 : memref<1x32xi32, #tpu.memory_space<vmem>> -> memref<32xi32, #tpu.memory_space<vmem>>
    %dma_wait3A_1490 = arith.constant 0 : i32
    %dma_wait3A_1491 = arith.constant 0 : i32
    %dma_wait3A_1492 = tpu.memref_slice %arg4[%dma_wait3A_1490, %dma_wait3A_1491] : memref<145x768xf32, #tpu.memory_space<hbm>> -> memref<145x768xf32, #tpu.memory_space<hbm>>
    tpu.wait_indirect_dma semaphore(%arg21 : memref<!tpu.dma_semaphore, #tpu.memory_space<semaphore_mem>>) src(%dma_wait3A_1492 : memref<145x768xf32, #tpu.memory_space<hbm>>) dst(%dma_wait3A_1486 : memref<32x768xf32, #tpu.memory_space<vmem>>)
    %dma_start3A_1493 = arith.constant 2 : i32
    %dma_start3A_1494 = arith.constant 2 : i32
    %dma_start3A_1495 = arith.constant 0 : i32
    %dma_start3A_1496 = arith.constant 0 : i32
    %dma_start3A_1497 = tpu.memref_slice %arg13[%dma_start3A_1493, %dma_start3A_1495, %dma_start3A_1496] : memref<3x32x768xf32, #tpu.memory_space<vmem>> -> memref<1x32x768xf32, #tpu.memory_space<vmem>>
    %dma_start3A_1498 = tpu.memref_squeeze %dma_start3A_1497 : memref<1x32x768xf32, #tpu.memory_space<vmem>> -> memref<32x768xf32, #tpu.memory_space<vmem>>
    %dma_start3A_1499 = arith.constant 0 : i32
    %dma_start3A_1500 = tpu.memref_slice %arg10[%dma_start3A_1494, %dma_start3A_1499] : memref<8x32xi32, #tpu.memory_space<vmem>> -> memref<1x32xi32, #tpu.memory_space<vmem>>
    %dma_start3A_1501 = tpu.memref_squeeze %dma_start3A_1500 : memref<1x32xi32, #tpu.memory_space<vmem>> -> memref<32xi32, #tpu.memory_space<vmem>>
    %dma_start3A_1502 = arith.constant 0 : i32
    %dma_start3A_1503 = arith.constant 0 : i32
    %dma_start3A_1504 = tpu.memref_slice %arg6[%select_n3A, %dma_start3A_1502, %dma_start3A_1503] : memref<4x2068x768xf32, #tpu.memory_space<hbm>> -> memref<1x2068x768xf32, #tpu.memory_space<hbm>>
    %dma_start3A_1505 = tpu.memref_squeeze %dma_start3A_1504 : memref<1x2068x768xf32, #tpu.memory_space<hbm>> -> memref<2068x768xf32, #tpu.memory_space<hbm>>
    %dma_start3A_1506 = arith.constant 0 : i32
    %dma_start3A_1507 = arith.constant 0 : i32
    %dma_start3A_1508 = tpu.memref_slice %dma_start3A_1505[%dma_start3A_1506, %dma_start3A_1507] : memref<2068x768xf32, #tpu.memory_space<hbm>> -> memref<2068x768xf32, #tpu.memory_space<hbm>>
    tpu.enqueue_indirect_dma source(%dma_start3A_1498 : memref<32x768xf32, #tpu.memory_space<vmem>>) target(%dma_start3A_1508 : memref<2068x768xf32, #tpu.memory_space<hbm>>) offsets(%dma_start3A_1501 : memref<32xi32, #tpu.memory_space<vmem>>) semaphore(%arg20 : memref<!tpu.dma_semaphore, #tpu.memory_space<semaphore_mem>>)
    %dma_start3A_1509 = arith.constant 0 : i32
    %dma_start3A_1510 = arith.constant 2 : i32
    %dma_start3A_1511 = arith.constant 0 : i32
    %dma_start3A_1512 = arith.constant 0 : i32
    %dma_start3A_1513 = tpu.memref_slice %arg14[%dma_start3A_1509, %dma_start3A_1511, %dma_start3A_1512] : memref<2x32x768xf32, #tpu.memory_space<vmem>> -> memref<1x32x768xf32, #tpu.memory_space<vmem>>
    %dma_start3A_1514 = tpu.memref_squeeze %dma_start3A_1513 : memref<1x32x768xf32, #tpu.memory_space<vmem>> -> memref<32x768xf32, #tpu.memory_space<vmem>>
    %dma_start3A_1515 = arith.constant 0 : i32
    %dma_start3A_1516 = tpu.memref_slice %arg11[%dma_start3A_1510, %dma_start3A_1515] : memref<8x32xi32, #tpu.memory_space<vmem>> -> memref<1x32xi32, #tpu.memory_space<vmem>>
    %dma_start3A_1517 = tpu.memref_squeeze %dma_start3A_1516 : memref<1x32xi32, #tpu.memory_space<vmem>> -> memref<32xi32, #tpu.memory_space<vmem>>
    %dma_start3A_1518 = arith.constant 0 : i32
    %dma_start3A_1519 = arith.constant 0 : i32
    %dma_start3A_1520 = tpu.memref_slice %arg6[%select_n3A, %dma_start3A_1518, %dma_start3A_1519] : memref<4x2068x768xf32, #tpu.memory_space<hbm>> -> memref<1x2068x768xf32, #tpu.memory_space<hbm>>
    %dma_start3A_1521 = tpu.memref_squeeze %dma_start3A_1520 : memref<1x2068x768xf32, #tpu.memory_space<hbm>> -> memref<2068x768xf32, #tpu.memory_space<hbm>>
    %dma_start3A_1522 = arith.constant 0 : i32
    %dma_start3A_1523 = arith.constant 0 : i32
    %dma_start3A_1524 = tpu.memref_slice %dma_start3A_1521[%dma_start3A_1522, %dma_start3A_1523] : memref<2068x768xf32, #tpu.memory_space<hbm>> -> memref<2068x768xf32, #tpu.memory_space<hbm>>
    tpu.enqueue_indirect_dma source(%dma_start3A_1514 : memref<32x768xf32, #tpu.memory_space<vmem>>) target(%dma_start3A_1524 : memref<2068x768xf32, #tpu.memory_space<hbm>>) offsets(%dma_start3A_1517 : memref<32xi32, #tpu.memory_space<vmem>>) semaphore(%arg21 : memref<!tpu.dma_semaphore, #tpu.memory_space<semaphore_mem>>)
    %dma_wait3A_1525 = arith.constant 2 : i32
    %dma_wait3A_1526 = arith.constant 2 : i32
    %dma_wait3A_1527 = arith.constant 0 : i32
    %dma_wait3A_1528 = arith.constant 0 : i32
    %dma_wait3A_1529 = tpu.memref_slice %arg13[%dma_wait3A_1525, %dma_wait3A_1527, %dma_wait3A_1528] : memref<3x32x768xf32, #tpu.memory_space<vmem>> -> memref<1x32x768xf32, #tpu.memory_space<vmem>>
    %dma_wait3A_1530 = tpu.memref_squeeze %dma_wait3A_1529 : memref<1x32x768xf32, #tpu.memory_space<vmem>> -> memref<32x768xf32, #tpu.memory_space<vmem>>
    %dma_wait3A_1531 = arith.constant 0 : i32
    %dma_wait3A_1532 = tpu.memref_slice %arg10[%dma_wait3A_1526, %dma_wait3A_1531] : memref<8x32xi32, #tpu.memory_space<vmem>> -> memref<1x32xi32, #tpu.memory_space<vmem>>
    %dma_wait3A_1533 = tpu.memref_squeeze %dma_wait3A_1532 : memref<1x32xi32, #tpu.memory_space<vmem>> -> memref<32xi32, #tpu.memory_space<vmem>>
    %dma_wait3A_1534 = arith.constant 0 : i32
    %dma_wait3A_1535 = arith.constant 0 : i32
    %dma_wait3A_1536 = tpu.memref_slice %arg6[%select_n3A, %dma_wait3A_1534, %dma_wait3A_1535] : memref<4x2068x768xf32, #tpu.memory_space<hbm>> -> memref<1x2068x768xf32, #tpu.memory_space<hbm>>
    %dma_wait3A_1537 = tpu.memref_squeeze %dma_wait3A_1536 : memref<1x2068x768xf32, #tpu.memory_space<hbm>> -> memref<2068x768xf32, #tpu.memory_space<hbm>>
    %dma_wait3A_1538 = arith.constant 0 : i32
    %dma_wait3A_1539 = arith.constant 0 : i32
    %dma_wait3A_1540 = tpu.memref_slice %dma_wait3A_1537[%dma_wait3A_1538, %dma_wait3A_1539] : memref<2068x768xf32, #tpu.memory_space<hbm>> -> memref<2068x768xf32, #tpu.memory_space<hbm>>
    tpu.wait_indirect_dma semaphore(%arg20 : memref<!tpu.dma_semaphore, #tpu.memory_space<semaphore_mem>>) src(%dma_wait3A_1530 : memref<32x768xf32, #tpu.memory_space<vmem>>) dst(%dma_wait3A_1540 : memref<2068x768xf32, #tpu.memory_space<hbm>>)
    %dma_wait3A_1541 = arith.constant 0 : i32
    %dma_wait3A_1542 = arith.constant 2 : i32
    %dma_wait3A_1543 = arith.constant 0 : i32
    %dma_wait3A_1544 = arith.constant 0 : i32
    %dma_wait3A_1545 = tpu.memref_slice %arg14[%dma_wait3A_1541, %dma_wait3A_1543, %dma_wait3A_1544] : memref<2x32x768xf32, #tpu.memory_space<vmem>> -> memref<1x32x768xf32, #tpu.memory_space<vmem>>
    %dma_wait3A_1546 = tpu.memref_squeeze %dma_wait3A_1545 : memref<1x32x768xf32, #tpu.memory_space<vmem>> -> memref<32x768xf32, #tpu.memory_space<vmem>>
    %dma_wait3A_1547 = arith.constant 0 : i32
    %dma_wait3A_1548 = tpu.memref_slice %arg11[%dma_wait3A_1542, %dma_wait3A_1547] : memref<8x32xi32, #tpu.memory_space<vmem>> -> memref<1x32xi32, #tpu.memory_space<vmem>>
    %dma_wait3A_1549 = tpu.memref_squeeze %dma_wait3A_1548 : memref<1x32xi32, #tpu.memory_space<vmem>> -> memref<32xi32, #tpu.memory_space<vmem>>
    %dma_wait3A_1550 = arith.constant 0 : i32
    %dma_wait3A_1551 = arith.constant 0 : i32
    %dma_wait3A_1552 = tpu.memref_slice %arg6[%select_n3A, %dma_wait3A_1550, %dma_wait3A_1551] : memref<4x2068x768xf32, #tpu.memory_space<hbm>> -> memref<1x2068x768xf32, #tpu.memory_space<hbm>>
    %dma_wait3A_1553 = tpu.memref_squeeze %dma_wait3A_1552 : memref<1x2068x768xf32, #tpu.memory_space<hbm>> -> memref<2068x768xf32, #tpu.memory_space<hbm>>
    %dma_wait3A_1554 = arith.constant 0 : i32
    %dma_wait3A_1555 = arith.constant 0 : i32
    %dma_wait3A_1556 = tpu.memref_slice %dma_wait3A_1553[%dma_wait3A_1554, %dma_wait3A_1555] : memref<2068x768xf32, #tpu.memory_space<hbm>> -> memref<2068x768xf32, #tpu.memory_space<hbm>>
    tpu.wait_indirect_dma semaphore(%arg21 : memref<!tpu.dma_semaphore, #tpu.memory_space<semaphore_mem>>) src(%dma_wait3A_1546 : memref<32x768xf32, #tpu.memory_space<vmem>>) dst(%dma_wait3A_1556 : memref<2068x768xf32, #tpu.memory_space<hbm>>)
    %dma_start3A_1557 = arith.constant 4 : i32
    %dma_start3A_1558 = arith.constant 1 : i32
    %dma_start3A_1559 = arith.constant 0 : i32
    %dma_start3A_1560 = arith.constant 0 : i32
    %dma_start3A_1561 = tpu.memref_slice %arg13[%dma_start3A_1558, %dma_start3A_1559, %dma_start3A_1560] : memref<3x32x768xf32, #tpu.memory_space<vmem>> -> memref<1x32x768xf32, #tpu.memory_space<vmem>>
    %dma_start3A_1562 = tpu.memref_squeeze %dma_start3A_1561 : memref<1x32x768xf32, #tpu.memory_space<vmem>> -> memref<32x768xf32, #tpu.memory_space<vmem>>
    %dma_start3A_1563 = arith.constant 0 : i32
    %dma_start3A_1564 = tpu.memref_slice %arg8[%dma_start3A_1557, %dma_start3A_1563] : memref<8x32xi32, #tpu.memory_space<vmem>> -> memref<1x32xi32, #tpu.memory_space<vmem>>
    %dma_start3A_1565 = tpu.memref_squeeze %dma_start3A_1564 : memref<1x32xi32, #tpu.memory_space<vmem>> -> memref<32xi32, #tpu.memory_space<vmem>>
    %dma_start3A_1566 = arith.constant 0 : i32
    %dma_start3A_1567 = arith.constant 0 : i32
    %dma_start3A_1568 = tpu.memref_slice %arg3[%dma_start3A_1566, %dma_start3A_1567] : memref<100000x768xf32, #tpu.memory_space<hbm>> -> memref<100000x768xf32, #tpu.memory_space<hbm>>
    tpu.enqueue_indirect_dma source(%dma_start3A_1568 : memref<100000x768xf32, #tpu.memory_space<hbm>>) target(%dma_start3A_1562 : memref<32x768xf32, #tpu.memory_space<vmem>>) offsets(%dma_start3A_1565 : memref<32xi32, #tpu.memory_space<vmem>>) semaphore(%arg16 : memref<!tpu.dma_semaphore, #tpu.memory_space<semaphore_mem>>)
    %dma_start3A_1569 = arith.constant 4 : i32
    %dma_start3A_1570 = arith.constant 0 : i32
    %dma_start3A_1571 = arith.constant 0 : i32
    %dma_start3A_1572 = arith.constant 0 : i32
    %dma_start3A_1573 = tpu.memref_slice %arg14[%dma_start3A_1570, %dma_start3A_1571, %dma_start3A_1572] : memref<2x32x768xf32, #tpu.memory_space<vmem>> -> memref<1x32x768xf32, #tpu.memory_space<vmem>>
    %dma_start3A_1574 = tpu.memref_squeeze %dma_start3A_1573 : memref<1x32x768xf32, #tpu.memory_space<vmem>> -> memref<32x768xf32, #tpu.memory_space<vmem>>
    %dma_start3A_1575 = arith.constant 0 : i32
    %dma_start3A_1576 = tpu.memref_slice %arg9[%dma_start3A_1569, %dma_start3A_1575] : memref<8x32xi32, #tpu.memory_space<vmem>> -> memref<1x32xi32, #tpu.memory_space<vmem>>
    %dma_start3A_1577 = tpu.memref_squeeze %dma_start3A_1576 : memref<1x32xi32, #tpu.memory_space<vmem>> -> memref<32xi32, #tpu.memory_space<vmem>>
    %dma_start3A_1578 = arith.constant 0 : i32
    %dma_start3A_1579 = arith.constant 0 : i32
    %dma_start3A_1580 = tpu.memref_slice %arg4[%dma_start3A_1578, %dma_start3A_1579] : memref<145x768xf32, #tpu.memory_space<hbm>> -> memref<145x768xf32, #tpu.memory_space<hbm>>
    tpu.enqueue_indirect_dma source(%dma_start3A_1580 : memref<145x768xf32, #tpu.memory_space<hbm>>) target(%dma_start3A_1574 : memref<32x768xf32, #tpu.memory_space<vmem>>) offsets(%dma_start3A_1577 : memref<32xi32, #tpu.memory_space<vmem>>) semaphore(%arg21 : memref<!tpu.dma_semaphore, #tpu.memory_space<semaphore_mem>>)
    %dma_wait3A_1581 = arith.constant 3 : i32
    %dma_wait3A_1582 = arith.constant 0 : i32
    %dma_wait3A_1583 = arith.constant 0 : i32
    %dma_wait3A_1584 = arith.constant 0 : i32
    %dma_wait3A_1585 = tpu.memref_slice %arg13[%dma_wait3A_1582, %dma_wait3A_1583, %dma_wait3A_1584] : memref<3x32x768xf32, #tpu.memory_space<vmem>> -> memref<1x32x768xf32, #tpu.memory_space<vmem>>
    %dma_wait3A_1586 = tpu.memref_squeeze %dma_wait3A_1585 : memref<1x32x768xf32, #tpu.memory_space<vmem>> -> memref<32x768xf32, #tpu.memory_space<vmem>>
    %dma_wait3A_1587 = arith.constant 0 : i32
    %dma_wait3A_1588 = tpu.memref_slice %arg8[%dma_wait3A_1581, %dma_wait3A_1587] : memref<8x32xi32, #tpu.memory_space<vmem>> -> memref<1x32xi32, #tpu.memory_space<vmem>>
    %dma_wait3A_1589 = tpu.memref_squeeze %dma_wait3A_1588 : memref<1x32xi32, #tpu.memory_space<vmem>> -> memref<32xi32, #tpu.memory_space<vmem>>
    %dma_wait3A_1590 = arith.constant 0 : i32
    %dma_wait3A_1591 = arith.constant 0 : i32
    %dma_wait3A_1592 = tpu.memref_slice %arg3[%dma_wait3A_1590, %dma_wait3A_1591] : memref<100000x768xf32, #tpu.memory_space<hbm>> -> memref<100000x768xf32, #tpu.memory_space<hbm>>
    tpu.wait_indirect_dma semaphore(%arg15 : memref<!tpu.dma_semaphore, #tpu.memory_space<semaphore_mem>>) src(%dma_wait3A_1592 : memref<100000x768xf32, #tpu.memory_space<hbm>>) dst(%dma_wait3A_1586 : memref<32x768xf32, #tpu.memory_space<vmem>>)
    %dma_wait3A_1593 = arith.constant 3 : i32
    %dma_wait3A_1594 = arith.constant 1 : i32
    %dma_wait3A_1595 = arith.constant 0 : i32
    %dma_wait3A_1596 = arith.constant 0 : i32
    %dma_wait3A_1597 = tpu.memref_slice %arg14[%dma_wait3A_1594, %dma_wait3A_1595, %dma_wait3A_1596] : memref<2x32x768xf32, #tpu.memory_space<vmem>> -> memref<1x32x768xf32, #tpu.memory_space<vmem>>
    %dma_wait3A_1598 = tpu.memref_squeeze %dma_wait3A_1597 : memref<1x32x768xf32, #tpu.memory_space<vmem>> -> memref<32x768xf32, #tpu.memory_space<vmem>>
    %dma_wait3A_1599 = arith.constant 0 : i32
    %dma_wait3A_1600 = tpu.memref_slice %arg9[%dma_wait3A_1593, %dma_wait3A_1599] : memref<8x32xi32, #tpu.memory_space<vmem>> -> memref<1x32xi32, #tpu.memory_space<vmem>>
    %dma_wait3A_1601 = tpu.memref_squeeze %dma_wait3A_1600 : memref<1x32xi32, #tpu.memory_space<vmem>> -> memref<32xi32, #tpu.memory_space<vmem>>
    %dma_wait3A_1602 = arith.constant 0 : i32
    %dma_wait3A_1603 = arith.constant 0 : i32
    %dma_wait3A_1604 = tpu.memref_slice %arg4[%dma_wait3A_1602, %dma_wait3A_1603] : memref<145x768xf32, #tpu.memory_space<hbm>> -> memref<145x768xf32, #tpu.memory_space<hbm>>
    tpu.wait_indirect_dma semaphore(%arg22 : memref<!tpu.dma_semaphore, #tpu.memory_space<semaphore_mem>>) src(%dma_wait3A_1604 : memref<145x768xf32, #tpu.memory_space<hbm>>) dst(%dma_wait3A_1598 : memref<32x768xf32, #tpu.memory_space<vmem>>)
    %dma_start3A_1605 = arith.constant 0 : i32
    %dma_start3A_1606 = arith.constant 3 : i32
    %dma_start3A_1607 = arith.constant 0 : i32
    %dma_start3A_1608 = arith.constant 0 : i32
    %dma_start3A_1609 = tpu.memref_slice %arg13[%dma_start3A_1605, %dma_start3A_1607, %dma_start3A_1608] : memref<3x32x768xf32, #tpu.memory_space<vmem>> -> memref<1x32x768xf32, #tpu.memory_space<vmem>>
    %dma_start3A_1610 = tpu.memref_squeeze %dma_start3A_1609 : memref<1x32x768xf32, #tpu.memory_space<vmem>> -> memref<32x768xf32, #tpu.memory_space<vmem>>
    %dma_start3A_1611 = arith.constant 0 : i32
    %dma_start3A_1612 = tpu.memref_slice %arg10[%dma_start3A_1606, %dma_start3A_1611] : memref<8x32xi32, #tpu.memory_space<vmem>> -> memref<1x32xi32, #tpu.memory_space<vmem>>
    %dma_start3A_1613 = tpu.memref_squeeze %dma_start3A_1612 : memref<1x32xi32, #tpu.memory_space<vmem>> -> memref<32xi32, #tpu.memory_space<vmem>>
    %dma_start3A_1614 = arith.constant 0 : i32
    %dma_start3A_1615 = arith.constant 0 : i32
    %dma_start3A_1616 = tpu.memref_slice %arg6[%select_n3A, %dma_start3A_1614, %dma_start3A_1615] : memref<4x2068x768xf32, #tpu.memory_space<hbm>> -> memref<1x2068x768xf32, #tpu.memory_space<hbm>>
    %dma_start3A_1617 = tpu.memref_squeeze %dma_start3A_1616 : memref<1x2068x768xf32, #tpu.memory_space<hbm>> -> memref<2068x768xf32, #tpu.memory_space<hbm>>
    %dma_start3A_1618 = arith.constant 0 : i32
    %dma_start3A_1619 = arith.constant 0 : i32
    %dma_start3A_1620 = tpu.memref_slice %dma_start3A_1617[%dma_start3A_1618, %dma_start3A_1619] : memref<2068x768xf32, #tpu.memory_space<hbm>> -> memref<2068x768xf32, #tpu.memory_space<hbm>>
    tpu.enqueue_indirect_dma source(%dma_start3A_1610 : memref<32x768xf32, #tpu.memory_space<vmem>>) target(%dma_start3A_1620 : memref<2068x768xf32, #tpu.memory_space<hbm>>) offsets(%dma_start3A_1613 : memref<32xi32, #tpu.memory_space<vmem>>) semaphore(%arg18 : memref<!tpu.dma_semaphore, #tpu.memory_space<semaphore_mem>>)
    %dma_start3A_1621 = arith.constant 1 : i32
    %dma_start3A_1622 = arith.constant 3 : i32
    %dma_start3A_1623 = arith.constant 0 : i32
    %dma_start3A_1624 = arith.constant 0 : i32
    %dma_start3A_1625 = tpu.memref_slice %arg14[%dma_start3A_1621, %dma_start3A_1623, %dma_start3A_1624] : memref<2x32x768xf32, #tpu.memory_space<vmem>> -> memref<1x32x768xf32, #tpu.memory_space<vmem>>
    %dma_start3A_1626 = tpu.memref_squeeze %dma_start3A_1625 : memref<1x32x768xf32, #tpu.memory_space<vmem>> -> memref<32x768xf32, #tpu.memory_space<vmem>>
    %dma_start3A_1627 = arith.constant 0 : i32
    %dma_start3A_1628 = tpu.memref_slice %arg11[%dma_start3A_1622, %dma_start3A_1627] : memref<8x32xi32, #tpu.memory_space<vmem>> -> memref<1x32xi32, #tpu.memory_space<vmem>>
    %dma_start3A_1629 = tpu.memref_squeeze %dma_start3A_1628 : memref<1x32xi32, #tpu.memory_space<vmem>> -> memref<32xi32, #tpu.memory_space<vmem>>
    %dma_start3A_1630 = arith.constant 0 : i32
    %dma_start3A_1631 = arith.constant 0 : i32
    %dma_start3A_1632 = tpu.memref_slice %arg6[%select_n3A, %dma_start3A_1630, %dma_start3A_1631] : memref<4x2068x768xf32, #tpu.memory_space<hbm>> -> memref<1x2068x768xf32, #tpu.memory_space<hbm>>
    %dma_start3A_1633 = tpu.memref_squeeze %dma_start3A_1632 : memref<1x2068x768xf32, #tpu.memory_space<hbm>> -> memref<2068x768xf32, #tpu.memory_space<hbm>>
    %dma_start3A_1634 = arith.constant 0 : i32
    %dma_start3A_1635 = arith.constant 0 : i32
    %dma_start3A_1636 = tpu.memref_slice %dma_start3A_1633[%dma_start3A_1634, %dma_start3A_1635] : memref<2068x768xf32, #tpu.memory_space<hbm>> -> memref<2068x768xf32, #tpu.memory_space<hbm>>
    tpu.enqueue_indirect_dma source(%dma_start3A_1626 : memref<32x768xf32, #tpu.memory_space<vmem>>) target(%dma_start3A_1636 : memref<2068x768xf32, #tpu.memory_space<hbm>>) offsets(%dma_start3A_1629 : memref<32xi32, #tpu.memory_space<vmem>>) semaphore(%arg22 : memref<!tpu.dma_semaphore, #tpu.memory_space<semaphore_mem>>)
    %dma_wait3A_1637 = arith.constant 0 : i32
    %dma_wait3A_1638 = arith.constant 3 : i32
    %dma_wait3A_1639 = arith.constant 0 : i32
    %dma_wait3A_1640 = arith.constant 0 : i32
    %dma_wait3A_1641 = tpu.memref_slice %arg13[%dma_wait3A_1637, %dma_wait3A_1639, %dma_wait3A_1640] : memref<3x32x768xf32, #tpu.memory_space<vmem>> -> memref<1x32x768xf32, #tpu.memory_space<vmem>>
    %dma_wait3A_1642 = tpu.memref_squeeze %dma_wait3A_1641 : memref<1x32x768xf32, #tpu.memory_space<vmem>> -> memref<32x768xf32, #tpu.memory_space<vmem>>
    %dma_wait3A_1643 = arith.constant 0 : i32
    %dma_wait3A_1644 = tpu.memref_slice %arg10[%dma_wait3A_1638, %dma_wait3A_1643] : memref<8x32xi32, #tpu.memory_space<vmem>> -> memref<1x32xi32, #tpu.memory_space<vmem>>
    %dma_wait3A_1645 = tpu.memref_squeeze %dma_wait3A_1644 : memref<1x32xi32, #tpu.memory_space<vmem>> -> memref<32xi32, #tpu.memory_space<vmem>>
    %dma_wait3A_1646 = arith.constant 0 : i32
    %dma_wait3A_1647 = arith.constant 0 : i32
    %dma_wait3A_1648 = tpu.memref_slice %arg6[%select_n3A, %dma_wait3A_1646, %dma_wait3A_1647] : memref<4x2068x768xf32, #tpu.memory_space<hbm>> -> memref<1x2068x768xf32, #tpu.memory_space<hbm>>
    %dma_wait3A_1649 = tpu.memref_squeeze %dma_wait3A_1648 : memref<1x2068x768xf32, #tpu.memory_space<hbm>> -> memref<2068x768xf32, #tpu.memory_space<hbm>>
    %dma_wait3A_1650 = arith.constant 0 : i32
    %dma_wait3A_1651 = arith.constant 0 : i32
    %dma_wait3A_1652 = tpu.memref_slice %dma_wait3A_1649[%dma_wait3A_1650, %dma_wait3A_1651] : memref<2068x768xf32, #tpu.memory_space<hbm>> -> memref<2068x768xf32, #tpu.memory_space<hbm>>
    tpu.wait_indirect_dma semaphore(%arg18 : memref<!tpu.dma_semaphore, #tpu.memory_space<semaphore_mem>>) src(%dma_wait3A_1642 : memref<32x768xf32, #tpu.memory_space<vmem>>) dst(%dma_wait3A_1652 : memref<2068x768xf32, #tpu.memory_space<hbm>>)
    %dma_wait3A_1653 = arith.constant 1 : i32
    %dma_wait3A_1654 = arith.constant 3 : i32
    %dma_wait3A_1655 = arith.constant 0 : i32
    %dma_wait3A_1656 = arith.constant 0 : i32
    %dma_wait3A_1657 = tpu.memref_slice %arg14[%dma_wait3A_1653, %dma_wait3A_1655, %dma_wait3A_1656] : memref<2x32x768xf32, #tpu.memory_space<vmem>> -> memref<1x32x768xf32, #tpu.memory_space<vmem>>
    %dma_wait3A_1658 = tpu.memref_squeeze %dma_wait3A_1657 : memref<1x32x768xf32, #tpu.memory_space<vmem>> -> memref<32x768xf32, #tpu.memory_space<vmem>>
    %dma_wait3A_1659 = arith.constant 0 : i32
    %dma_wait3A_1660 = tpu.memref_slice %arg11[%dma_wait3A_1654, %dma_wait3A_1659] : memref<8x32xi32, #tpu.memory_space<vmem>> -> memref<1x32xi32, #tpu.memory_space<vmem>>
    %dma_wait3A_1661 = tpu.memref_squeeze %dma_wait3A_1660 : memref<1x32xi32, #tpu.memory_space<vmem>> -> memref<32xi32, #tpu.memory_space<vmem>>
    %dma_wait3A_1662 = arith.constant 0 : i32
    %dma_wait3A_1663 = arith.constant 0 : i32
    %dma_wait3A_1664 = tpu.memref_slice %arg6[%select_n3A, %dma_wait3A_1662, %dma_wait3A_1663] : memref<4x2068x768xf32, #tpu.memory_space<hbm>> -> memref<1x2068x768xf32, #tpu.memory_space<hbm>>
    %dma_wait3A_1665 = tpu.memref_squeeze %dma_wait3A_1664 : memref<1x2068x768xf32, #tpu.memory_space<hbm>> -> memref<2068x768xf32, #tpu.memory_space<hbm>>
    %dma_wait3A_1666 = arith.constant 0 : i32
    %dma_wait3A_1667 = arith.constant 0 : i32
    %dma_wait3A_1668 = tpu.memref_slice %dma_wait3A_1665[%dma_wait3A_1666, %dma_wait3A_1667] : memref<2068x768xf32, #tpu.memory_space<hbm>> -> memref<2068x768xf32, #tpu.memory_space<hbm>>
    tpu.wait_indirect_dma semaphore(%arg22 : memref<!tpu.dma_semaphore, #tpu.memory_space<semaphore_mem>>) src(%dma_wait3A_1658 : memref<32x768xf32, #tpu.memory_space<vmem>>) dst(%dma_wait3A_1668 : memref<2068x768xf32, #tpu.memory_space<hbm>>)
    %dma_start3A_1669 = arith.constant 5 : i32
    %dma_start3A_1670 = arith.constant 2 : i32
    %dma_start3A_1671 = arith.constant 0 : i32
    %dma_start3A_1672 = arith.constant 0 : i32
    %dma_start3A_1673 = tpu.memref_slice %arg13[%dma_start3A_1670, %dma_start3A_1671, %dma_start3A_1672] : memref<3x32x768xf32, #tpu.memory_space<vmem>> -> memref<1x32x768xf32, #tpu.memory_space<vmem>>
    %dma_start3A_1674 = tpu.memref_squeeze %dma_start3A_1673 : memref<1x32x768xf32, #tpu.memory_space<vmem>> -> memref<32x768xf32, #tpu.memory_space<vmem>>
    %dma_start3A_1675 = arith.constant 0 : i32
    %dma_start3A_1676 = tpu.memref_slice %arg8[%dma_start3A_1669, %dma_start3A_1675] : memref<8x32xi32, #tpu.memory_space<vmem>> -> memref<1x32xi32, #tpu.memory_space<vmem>>
    %dma_start3A_1677 = tpu.memref_squeeze %dma_start3A_1676 : memref<1x32xi32, #tpu.memory_space<vmem>> -> memref<32xi32, #tpu.memory_space<vmem>>
    %dma_start3A_1678 = arith.constant 0 : i32
    %dma_start3A_1679 = arith.constant 0 : i32
    %dma_start3A_1680 = tpu.memref_slice %arg3[%dma_start3A_1678, %dma_start3A_1679] : memref<100000x768xf32, #tpu.memory_space<hbm>> -> memref<100000x768xf32, #tpu.memory_space<hbm>>
    tpu.enqueue_indirect_dma source(%dma_start3A_1680 : memref<100000x768xf32, #tpu.memory_space<hbm>>) target(%dma_start3A_1674 : memref<32x768xf32, #tpu.memory_space<vmem>>) offsets(%dma_start3A_1677 : memref<32xi32, #tpu.memory_space<vmem>>) semaphore(%arg17 : memref<!tpu.dma_semaphore, #tpu.memory_space<semaphore_mem>>)
    %dma_start3A_1681 = arith.constant 5 : i32
    %dma_start3A_1682 = arith.constant 1 : i32
    %dma_start3A_1683 = arith.constant 0 : i32
    %dma_start3A_1684 = arith.constant 0 : i32
    %dma_start3A_1685 = tpu.memref_slice %arg14[%dma_start3A_1682, %dma_start3A_1683, %dma_start3A_1684] : memref<2x32x768xf32, #tpu.memory_space<vmem>> -> memref<1x32x768xf32, #tpu.memory_space<vmem>>
    %dma_start3A_1686 = tpu.memref_squeeze %dma_start3A_1685 : memref<1x32x768xf32, #tpu.memory_space<vmem>> -> memref<32x768xf32, #tpu.memory_space<vmem>>
    %dma_start3A_1687 = arith.constant 0 : i32
    %dma_start3A_1688 = tpu.memref_slice %arg9[%dma_start3A_1681, %dma_start3A_1687] : memref<8x32xi32, #tpu.memory_space<vmem>> -> memref<1x32xi32, #tpu.memory_space<vmem>>
    %dma_start3A_1689 = tpu.memref_squeeze %dma_start3A_1688 : memref<1x32xi32, #tpu.memory_space<vmem>> -> memref<32xi32, #tpu.memory_space<vmem>>
    %dma_start3A_1690 = arith.constant 0 : i32
    %dma_start3A_1691 = arith.constant 0 : i32
    %dma_start3A_1692 = tpu.memref_slice %arg4[%dma_start3A_1690, %dma_start3A_1691] : memref<145x768xf32, #tpu.memory_space<hbm>> -> memref<145x768xf32, #tpu.memory_space<hbm>>
    tpu.enqueue_indirect_dma source(%dma_start3A_1692 : memref<145x768xf32, #tpu.memory_space<hbm>>) target(%dma_start3A_1686 : memref<32x768xf32, #tpu.memory_space<vmem>>) offsets(%dma_start3A_1689 : memref<32xi32, #tpu.memory_space<vmem>>) semaphore(%arg22 : memref<!tpu.dma_semaphore, #tpu.memory_space<semaphore_mem>>)
    %dma_wait3A_1693 = arith.constant 4 : i32
    %dma_wait3A_1694 = arith.constant 1 : i32
    %dma_wait3A_1695 = arith.constant 0 : i32
    %dma_wait3A_1696 = arith.constant 0 : i32
    %dma_wait3A_1697 = tpu.memref_slice %arg13[%dma_wait3A_1694, %dma_wait3A_1695, %dma_wait3A_1696] : memref<3x32x768xf32, #tpu.memory_space<vmem>> -> memref<1x32x768xf32, #tpu.memory_space<vmem>>
    %dma_wait3A_1698 = tpu.memref_squeeze %dma_wait3A_1697 : memref<1x32x768xf32, #tpu.memory_space<vmem>> -> memref<32x768xf32, #tpu.memory_space<vmem>>
    %dma_wait3A_1699 = arith.constant 0 : i32
    %dma_wait3A_1700 = tpu.memref_slice %arg8[%dma_wait3A_1693, %dma_wait3A_1699] : memref<8x32xi32, #tpu.memory_space<vmem>> -> memref<1x32xi32, #tpu.memory_space<vmem>>
    %dma_wait3A_1701 = tpu.memref_squeeze %dma_wait3A_1700 : memref<1x32xi32, #tpu.memory_space<vmem>> -> memref<32xi32, #tpu.memory_space<vmem>>
    %dma_wait3A_1702 = arith.constant 0 : i32
    %dma_wait3A_1703 = arith.constant 0 : i32
    %dma_wait3A_1704 = tpu.memref_slice %arg3[%dma_wait3A_1702, %dma_wait3A_1703] : memref<100000x768xf32, #tpu.memory_space<hbm>> -> memref<100000x768xf32, #tpu.memory_space<hbm>>
    tpu.wait_indirect_dma semaphore(%arg16 : memref<!tpu.dma_semaphore, #tpu.memory_space<semaphore_mem>>) src(%dma_wait3A_1704 : memref<100000x768xf32, #tpu.memory_space<hbm>>) dst(%dma_wait3A_1698 : memref<32x768xf32, #tpu.memory_space<vmem>>)
    %dma_wait3A_1705 = arith.constant 4 : i32
    %dma_wait3A_1706 = arith.constant 0 : i32
    %dma_wait3A_1707 = arith.constant 0 : i32
    %dma_wait3A_1708 = arith.constant 0 : i32
    %dma_wait3A_1709 = tpu.memref_slice %arg14[%dma_wait3A_1706, %dma_wait3A_1707, %dma_wait3A_1708] : memref<2x32x768xf32, #tpu.memory_space<vmem>> -> memref<1x32x768xf32, #tpu.memory_space<vmem>>
    %dma_wait3A_1710 = tpu.memref_squeeze %dma_wait3A_1709 : memref<1x32x768xf32, #tpu.memory_space<vmem>> -> memref<32x768xf32, #tpu.memory_space<vmem>>
    %dma_wait3A_1711 = arith.constant 0 : i32
    %dma_wait3A_1712 = tpu.memref_slice %arg9[%dma_wait3A_1705, %dma_wait3A_1711] : memref<8x32xi32, #tpu.memory_space<vmem>> -> memref<1x32xi32, #tpu.memory_space<vmem>>
    %dma_wait3A_1713 = tpu.memref_squeeze %dma_wait3A_1712 : memref<1x32xi32, #tpu.memory_space<vmem>> -> memref<32xi32, #tpu.memory_space<vmem>>
    %dma_wait3A_1714 = arith.constant 0 : i32
    %dma_wait3A_1715 = arith.constant 0 : i32
    %dma_wait3A_1716 = tpu.memref_slice %arg4[%dma_wait3A_1714, %dma_wait3A_1715] : memref<145x768xf32, #tpu.memory_space<hbm>> -> memref<145x768xf32, #tpu.memory_space<hbm>>
    tpu.wait_indirect_dma semaphore(%arg21 : memref<!tpu.dma_semaphore, #tpu.memory_space<semaphore_mem>>) src(%dma_wait3A_1716 : memref<145x768xf32, #tpu.memory_space<hbm>>) dst(%dma_wait3A_1710 : memref<32x768xf32, #tpu.memory_space<vmem>>)
    %dma_start3A_1717 = arith.constant 1 : i32
    %dma_start3A_1718 = arith.constant 4 : i32
    %dma_start3A_1719 = arith.constant 0 : i32
    %dma_start3A_1720 = arith.constant 0 : i32
    %dma_start3A_1721 = tpu.memref_slice %arg13[%dma_start3A_1717, %dma_start3A_1719, %dma_start3A_1720] : memref<3x32x768xf32, #tpu.memory_space<vmem>> -> memref<1x32x768xf32, #tpu.memory_space<vmem>>
    %dma_start3A_1722 = tpu.memref_squeeze %dma_start3A_1721 : memref<1x32x768xf32, #tpu.memory_space<vmem>> -> memref<32x768xf32, #tpu.memory_space<vmem>>
    %dma_start3A_1723 = arith.constant 0 : i32
    %dma_start3A_1724 = tpu.memref_slice %arg10[%dma_start3A_1718, %dma_start3A_1723] : memref<8x32xi32, #tpu.memory_space<vmem>> -> memref<1x32xi32, #tpu.memory_space<vmem>>
    %dma_start3A_1725 = tpu.memref_squeeze %dma_start3A_1724 : memref<1x32xi32, #tpu.memory_space<vmem>> -> memref<32xi32, #tpu.memory_space<vmem>>
    %dma_start3A_1726 = arith.constant 0 : i32
    %dma_start3A_1727 = arith.constant 0 : i32
    %dma_start3A_1728 = tpu.memref_slice %arg6[%select_n3A, %dma_start3A_1726, %dma_start3A_1727] : memref<4x2068x768xf32, #tpu.memory_space<hbm>> -> memref<1x2068x768xf32, #tpu.memory_space<hbm>>
    %dma_start3A_1729 = tpu.memref_squeeze %dma_start3A_1728 : memref<1x2068x768xf32, #tpu.memory_space<hbm>> -> memref<2068x768xf32, #tpu.memory_space<hbm>>
    %dma_start3A_1730 = arith.constant 0 : i32
    %dma_start3A_1731 = arith.constant 0 : i32
    %dma_start3A_1732 = tpu.memref_slice %dma_start3A_1729[%dma_start3A_1730, %dma_start3A_1731] : memref<2068x768xf32, #tpu.memory_space<hbm>> -> memref<2068x768xf32, #tpu.memory_space<hbm>>
    tpu.enqueue_indirect_dma source(%dma_start3A_1722 : memref<32x768xf32, #tpu.memory_space<vmem>>) target(%dma_start3A_1732 : memref<2068x768xf32, #tpu.memory_space<hbm>>) offsets(%dma_start3A_1725 : memref<32xi32, #tpu.memory_space<vmem>>) semaphore(%arg19 : memref<!tpu.dma_semaphore, #tpu.memory_space<semaphore_mem>>)
    %dma_start3A_1733 = arith.constant 0 : i32
    %dma_start3A_1734 = arith.constant 4 : i32
    %dma_start3A_1735 = arith.constant 0 : i32
    %dma_start3A_1736 = arith.constant 0 : i32
    %dma_start3A_1737 = tpu.memref_slice %arg14[%dma_start3A_1733, %dma_start3A_1735, %dma_start3A_1736] : memref<2x32x768xf32, #tpu.memory_space<vmem>> -> memref<1x32x768xf32, #tpu.memory_space<vmem>>
    %dma_start3A_1738 = tpu.memref_squeeze %dma_start3A_1737 : memref<1x32x768xf32, #tpu.memory_space<vmem>> -> memref<32x768xf32, #tpu.memory_space<vmem>>
    %dma_start3A_1739 = arith.constant 0 : i32
    %dma_start3A_1740 = tpu.memref_slice %arg11[%dma_start3A_1734, %dma_start3A_1739] : memref<8x32xi32, #tpu.memory_space<vmem>> -> memref<1x32xi32, #tpu.memory_space<vmem>>
    %dma_start3A_1741 = tpu.memref_squeeze %dma_start3A_1740 : memref<1x32xi32, #tpu.memory_space<vmem>> -> memref<32xi32, #tpu.memory_space<vmem>>
    %dma_start3A_1742 = arith.constant 0 : i32
    %dma_start3A_1743 = arith.constant 0 : i32
    %dma_start3A_1744 = tpu.memref_slice %arg6[%select_n3A, %dma_start3A_1742, %dma_start3A_1743] : memref<4x2068x768xf32, #tpu.memory_space<hbm>> -> memref<1x2068x768xf32, #tpu.memory_space<hbm>>
    %dma_start3A_1745 = tpu.memref_squeeze %dma_start3A_1744 : memref<1x2068x768xf32, #tpu.memory_space<hbm>> -> memref<2068x768xf32, #tpu.memory_space<hbm>>
    %dma_start3A_1746 = arith.constant 0 : i32
    %dma_start3A_1747 = arith.constant 0 : i32
    %dma_start3A_1748 = tpu.memref_slice %dma_start3A_1745[%dma_start3A_1746, %dma_start3A_1747] : memref<2068x768xf32, #tpu.memory_space<hbm>> -> memref<2068x768xf32, #tpu.memory_space<hbm>>
    tpu.enqueue_indirect_dma source(%dma_start3A_1738 : memref<32x768xf32, #tpu.memory_space<vmem>>) target(%dma_start3A_1748 : memref<2068x768xf32, #tpu.memory_space<hbm>>) offsets(%dma_start3A_1741 : memref<32xi32, #tpu.memory_space<vmem>>) semaphore(%arg21 : memref<!tpu.dma_semaphore, #tpu.memory_space<semaphore_mem>>)
    %dma_wait3A_1749 = arith.constant 1 : i32
    %dma_wait3A_1750 = arith.constant 4 : i32
    %dma_wait3A_1751 = arith.constant 0 : i32
    %dma_wait3A_1752 = arith.constant 0 : i32
    %dma_wait3A_1753 = tpu.memref_slice %arg13[%dma_wait3A_1749, %dma_wait3A_1751, %dma_wait3A_1752] : memref<3x32x768xf32, #tpu.memory_space<vmem>> -> memref<1x32x768xf32, #tpu.memory_space<vmem>>
    %dma_wait3A_1754 = tpu.memref_squeeze %dma_wait3A_1753 : memref<1x32x768xf32, #tpu.memory_space<vmem>> -> memref<32x768xf32, #tpu.memory_space<vmem>>
    %dma_wait3A_1755 = arith.constant 0 : i32
    %dma_wait3A_1756 = tpu.memref_slice %arg10[%dma_wait3A_1750, %dma_wait3A_1755] : memref<8x32xi32, #tpu.memory_space<vmem>> -> memref<1x32xi32, #tpu.memory_space<vmem>>
    %dma_wait3A_1757 = tpu.memref_squeeze %dma_wait3A_1756 : memref<1x32xi32, #tpu.memory_space<vmem>> -> memref<32xi32, #tpu.memory_space<vmem>>
    %dma_wait3A_1758 = arith.constant 0 : i32
    %dma_wait3A_1759 = arith.constant 0 : i32
    %dma_wait3A_1760 = tpu.memref_slice %arg6[%select_n3A, %dma_wait3A_1758, %dma_wait3A_1759] : memref<4x2068x768xf32, #tpu.memory_space<hbm>> -> memref<1x2068x768xf32, #tpu.memory_space<hbm>>
    %dma_wait3A_1761 = tpu.memref_squeeze %dma_wait3A_1760 : memref<1x2068x768xf32, #tpu.memory_space<hbm>> -> memref<2068x768xf32, #tpu.memory_space<hbm>>
    %dma_wait3A_1762 = arith.constant 0 : i32
    %dma_wait3A_1763 = arith.constant 0 : i32
    %dma_wait3A_1764 = tpu.memref_slice %dma_wait3A_1761[%dma_wait3A_1762, %dma_wait3A_1763] : memref<2068x768xf32, #tpu.memory_space<hbm>> -> memref<2068x768xf32, #tpu.memory_space<hbm>>
    tpu.wait_indirect_dma semaphore(%arg19 : memref<!tpu.dma_semaphore, #tpu.memory_space<semaphore_mem>>) src(%dma_wait3A_1754 : memref<32x768xf32, #tpu.memory_space<vmem>>) dst(%dma_wait3A_1764 : memref<2068x768xf32, #tpu.memory_space<hbm>>)
    %dma_wait3A_1765 = arith.constant 0 : i32
    %dma_wait3A_1766 = arith.constant 4 : i32
    %dma_wait3A_1767 = arith.constant 0 : i32
    %dma_wait3A_1768 = arith.constant 0 : i32
    %dma_wait3A_1769 = tpu.memref_slice %arg14[%dma_wait3A_1765, %dma_wait3A_1767, %dma_wait3A_1768] : memref<2x32x768xf32, #tpu.memory_space<vmem>> -> memref<1x32x768xf32, #tpu.memory_space<vmem>>
    %dma_wait3A_1770 = tpu.memref_squeeze %dma_wait3A_1769 : memref<1x32x768xf32, #tpu.memory_space<vmem>> -> memref<32x768xf32, #tpu.memory_space<vmem>>
    %dma_wait3A_1771 = arith.constant 0 : i32
    %dma_wait3A_1772 = tpu.memref_slice %arg11[%dma_wait3A_1766, %dma_wait3A_1771] : memref<8x32xi32, #tpu.memory_space<vmem>> -> memref<1x32xi32, #tpu.memory_space<vmem>>
    %dma_wait3A_1773 = tpu.memref_squeeze %dma_wait3A_1772 : memref<1x32xi32, #tpu.memory_space<vmem>> -> memref<32xi32, #tpu.memory_space<vmem>>
    %dma_wait3A_1774 = arith.constant 0 : i32
    %dma_wait3A_1775 = arith.constant 0 : i32
    %dma_wait3A_1776 = tpu.memref_slice %arg6[%select_n3A, %dma_wait3A_1774, %dma_wait3A_1775] : memref<4x2068x768xf32, #tpu.memory_space<hbm>> -> memref<1x2068x768xf32, #tpu.memory_space<hbm>>
    %dma_wait3A_1777 = tpu.memref_squeeze %dma_wait3A_1776 : memref<1x2068x768xf32, #tpu.memory_space<hbm>> -> memref<2068x768xf32, #tpu.memory_space<hbm>>
    %dma_wait3A_1778 = arith.constant 0 : i32
    %dma_wait3A_1779 = arith.constant 0 : i32
    %dma_wait3A_1780 = tpu.memref_slice %dma_wait3A_1777[%dma_wait3A_1778, %dma_wait3A_1779] : memref<2068x768xf32, #tpu.memory_space<hbm>> -> memref<2068x768xf32, #tpu.memory_space<hbm>>
    tpu.wait_indirect_dma semaphore(%arg21 : memref<!tpu.dma_semaphore, #tpu.memory_space<semaphore_mem>>) src(%dma_wait3A_1770 : memref<32x768xf32, #tpu.memory_space<vmem>>) dst(%dma_wait3A_1780 : memref<2068x768xf32, #tpu.memory_space<hbm>>)
    %dma_start3A_1781 = arith.constant 6 : i32
    %dma_start3A_1782 = arith.constant 0 : i32
    %dma_start3A_1783 = arith.constant 0 : i32
    %dma_start3A_1784 = arith.constant 0 : i32
    %dma_start3A_1785 = tpu.memref_slice %arg13[%dma_start3A_1782, %dma_start3A_1783, %dma_start3A_1784] : memref<3x32x768xf32, #tpu.memory_space<vmem>> -> memref<1x32x768xf32, #tpu.memory_space<vmem>>
    %dma_start3A_1786 = tpu.memref_squeeze %dma_start3A_1785 : memref<1x32x768xf32, #tpu.memory_space<vmem>> -> memref<32x768xf32, #tpu.memory_space<vmem>>
    %dma_start3A_1787 = arith.constant 0 : i32
    %dma_start3A_1788 = tpu.memref_slice %arg8[%dma_start3A_1781, %dma_start3A_1787] : memref<8x32xi32, #tpu.memory_space<vmem>> -> memref<1x32xi32, #tpu.memory_space<vmem>>
    %dma_start3A_1789 = tpu.memref_squeeze %dma_start3A_1788 : memref<1x32xi32, #tpu.memory_space<vmem>> -> memref<32xi32, #tpu.memory_space<vmem>>
    %dma_start3A_1790 = arith.constant 0 : i32
    %dma_start3A_1791 = arith.constant 0 : i32
    %dma_start3A_1792 = tpu.memref_slice %arg3[%dma_start3A_1790, %dma_start3A_1791] : memref<100000x768xf32, #tpu.memory_space<hbm>> -> memref<100000x768xf32, #tpu.memory_space<hbm>>
    tpu.enqueue_indirect_dma source(%dma_start3A_1792 : memref<100000x768xf32, #tpu.memory_space<hbm>>) target(%dma_start3A_1786 : memref<32x768xf32, #tpu.memory_space<vmem>>) offsets(%dma_start3A_1789 : memref<32xi32, #tpu.memory_space<vmem>>) semaphore(%arg15 : memref<!tpu.dma_semaphore, #tpu.memory_space<semaphore_mem>>)
    %dma_start3A_1793 = arith.constant 6 : i32
    %dma_start3A_1794 = arith.constant 0 : i32
    %dma_start3A_1795 = arith.constant 0 : i32
    %dma_start3A_1796 = arith.constant 0 : i32
    %dma_start3A_1797 = tpu.memref_slice %arg14[%dma_start3A_1794, %dma_start3A_1795, %dma_start3A_1796] : memref<2x32x768xf32, #tpu.memory_space<vmem>> -> memref<1x32x768xf32, #tpu.memory_space<vmem>>
    %dma_start3A_1798 = tpu.memref_squeeze %dma_start3A_1797 : memref<1x32x768xf32, #tpu.memory_space<vmem>> -> memref<32x768xf32, #tpu.memory_space<vmem>>
    %dma_start3A_1799 = arith.constant 0 : i32
    %dma_start3A_1800 = tpu.memref_slice %arg9[%dma_start3A_1793, %dma_start3A_1799] : memref<8x32xi32, #tpu.memory_space<vmem>> -> memref<1x32xi32, #tpu.memory_space<vmem>>
    %dma_start3A_1801 = tpu.memref_squeeze %dma_start3A_1800 : memref<1x32xi32, #tpu.memory_space<vmem>> -> memref<32xi32, #tpu.memory_space<vmem>>
    %dma_start3A_1802 = arith.constant 0 : i32
    %dma_start3A_1803 = arith.constant 0 : i32
    %dma_start3A_1804 = tpu.memref_slice %arg4[%dma_start3A_1802, %dma_start3A_1803] : memref<145x768xf32, #tpu.memory_space<hbm>> -> memref<145x768xf32, #tpu.memory_space<hbm>>
    tpu.enqueue_indirect_dma source(%dma_start3A_1804 : memref<145x768xf32, #tpu.memory_space<hbm>>) target(%dma_start3A_1798 : memref<32x768xf32, #tpu.memory_space<vmem>>) offsets(%dma_start3A_1801 : memref<32xi32, #tpu.memory_space<vmem>>) semaphore(%arg21 : memref<!tpu.dma_semaphore, #tpu.memory_space<semaphore_mem>>)
    %dma_wait3A_1805 = arith.constant 5 : i32
    %dma_wait3A_1806 = arith.constant 2 : i32
    %dma_wait3A_1807 = arith.constant 0 : i32
    %dma_wait3A_1808 = arith.constant 0 : i32
    %dma_wait3A_1809 = tpu.memref_slice %arg13[%dma_wait3A_1806, %dma_wait3A_1807, %dma_wait3A_1808] : memref<3x32x768xf32, #tpu.memory_space<vmem>> -> memref<1x32x768xf32, #tpu.memory_space<vmem>>
    %dma_wait3A_1810 = tpu.memref_squeeze %dma_wait3A_1809 : memref<1x32x768xf32, #tpu.memory_space<vmem>> -> memref<32x768xf32, #tpu.memory_space<vmem>>
    %dma_wait3A_1811 = arith.constant 0 : i32
    %dma_wait3A_1812 = tpu.memref_slice %arg8[%dma_wait3A_1805, %dma_wait3A_1811] : memref<8x32xi32, #tpu.memory_space<vmem>> -> memref<1x32xi32, #tpu.memory_space<vmem>>
    %dma_wait3A_1813 = tpu.memref_squeeze %dma_wait3A_1812 : memref<1x32xi32, #tpu.memory_space<vmem>> -> memref<32xi32, #tpu.memory_space<vmem>>
    %dma_wait3A_1814 = arith.constant 0 : i32
    %dma_wait3A_1815 = arith.constant 0 : i32
    %dma_wait3A_1816 = tpu.memref_slice %arg3[%dma_wait3A_1814, %dma_wait3A_1815] : memref<100000x768xf32, #tpu.memory_space<hbm>> -> memref<100000x768xf32, #tpu.memory_space<hbm>>
    tpu.wait_indirect_dma semaphore(%arg17 : memref<!tpu.dma_semaphore, #tpu.memory_space<semaphore_mem>>) src(%dma_wait3A_1816 : memref<100000x768xf32, #tpu.memory_space<hbm>>) dst(%dma_wait3A_1810 : memref<32x768xf32, #tpu.memory_space<vmem>>)
    %dma_wait3A_1817 = arith.constant 5 : i32
    %dma_wait3A_1818 = arith.constant 1 : i32
    %dma_wait3A_1819 = arith.constant 0 : i32
    %dma_wait3A_1820 = arith.constant 0 : i32
    %dma_wait3A_1821 = tpu.memref_slice %arg14[%dma_wait3A_1818, %dma_wait3A_1819, %dma_wait3A_1820] : memref<2x32x768xf32, #tpu.memory_space<vmem>> -> memref<1x32x768xf32, #tpu.memory_space<vmem>>
    %dma_wait3A_1822 = tpu.memref_squeeze %dma_wait3A_1821 : memref<1x32x768xf32, #tpu.memory_space<vmem>> -> memref<32x768xf32, #tpu.memory_space<vmem>>
    %dma_wait3A_1823 = arith.constant 0 : i32
    %dma_wait3A_1824 = tpu.memref_slice %arg9[%dma_wait3A_1817, %dma_wait3A_1823] : memref<8x32xi32, #tpu.memory_space<vmem>> -> memref<1x32xi32, #tpu.memory_space<vmem>>
    %dma_wait3A_1825 = tpu.memref_squeeze %dma_wait3A_1824 : memref<1x32xi32, #tpu.memory_space<vmem>> -> memref<32xi32, #tpu.memory_space<vmem>>
    %dma_wait3A_1826 = arith.constant 0 : i32
    %dma_wait3A_1827 = arith.constant 0 : i32
    %dma_wait3A_1828 = tpu.memref_slice %arg4[%dma_wait3A_1826, %dma_wait3A_1827] : memref<145x768xf32, #tpu.memory_space<hbm>> -> memref<145x768xf32, #tpu.memory_space<hbm>>
    tpu.wait_indirect_dma semaphore(%arg22 : memref<!tpu.dma_semaphore, #tpu.memory_space<semaphore_mem>>) src(%dma_wait3A_1828 : memref<145x768xf32, #tpu.memory_space<hbm>>) dst(%dma_wait3A_1822 : memref<32x768xf32, #tpu.memory_space<vmem>>)
    %dma_start3A_1829 = arith.constant 2 : i32
    %dma_start3A_1830 = arith.constant 5 : i32
    %dma_start3A_1831 = arith.constant 0 : i32
    %dma_start3A_1832 = arith.constant 0 : i32
    %dma_start3A_1833 = tpu.memref_slice %arg13[%dma_start3A_1829, %dma_start3A_1831, %dma_start3A_1832] : memref<3x32x768xf32, #tpu.memory_space<vmem>> -> memref<1x32x768xf32, #tpu.memory_space<vmem>>
    %dma_start3A_1834 = tpu.memref_squeeze %dma_start3A_1833 : memref<1x32x768xf32, #tpu.memory_space<vmem>> -> memref<32x768xf32, #tpu.memory_space<vmem>>
    %dma_start3A_1835 = arith.constant 0 : i32
    %dma_start3A_1836 = tpu.memref_slice %arg10[%dma_start3A_1830, %dma_start3A_1835] : memref<8x32xi32, #tpu.memory_space<vmem>> -> memref<1x32xi32, #tpu.memory_space<vmem>>
    %dma_start3A_1837 = tpu.memref_squeeze %dma_start3A_1836 : memref<1x32xi32, #tpu.memory_space<vmem>> -> memref<32xi32, #tpu.memory_space<vmem>>
    %dma_start3A_1838 = arith.constant 0 : i32
    %dma_start3A_1839 = arith.constant 0 : i32
    %dma_start3A_1840 = tpu.memref_slice %arg6[%select_n3A, %dma_start3A_1838, %dma_start3A_1839] : memref<4x2068x768xf32, #tpu.memory_space<hbm>> -> memref<1x2068x768xf32, #tpu.memory_space<hbm>>
    %dma_start3A_1841 = tpu.memref_squeeze %dma_start3A_1840 : memref<1x2068x768xf32, #tpu.memory_space<hbm>> -> memref<2068x768xf32, #tpu.memory_space<hbm>>
    %dma_start3A_1842 = arith.constant 0 : i32
    %dma_start3A_1843 = arith.constant 0 : i32
    %dma_start3A_1844 = tpu.memref_slice %dma_start3A_1841[%dma_start3A_1842, %dma_start3A_1843] : memref<2068x768xf32, #tpu.memory_space<hbm>> -> memref<2068x768xf32, #tpu.memory_space<hbm>>
    tpu.enqueue_indirect_dma source(%dma_start3A_1834 : memref<32x768xf32, #tpu.memory_space<vmem>>) target(%dma_start3A_1844 : memref<2068x768xf32, #tpu.memory_space<hbm>>) offsets(%dma_start3A_1837 : memref<32xi32, #tpu.memory_space<vmem>>) semaphore(%arg20 : memref<!tpu.dma_semaphore, #tpu.memory_space<semaphore_mem>>)
    %dma_start3A_1845 = arith.constant 1 : i32
    %dma_start3A_1846 = arith.constant 5 : i32
    %dma_start3A_1847 = arith.constant 0 : i32
    %dma_start3A_1848 = arith.constant 0 : i32
    %dma_start3A_1849 = tpu.memref_slice %arg14[%dma_start3A_1845, %dma_start3A_1847, %dma_start3A_1848] : memref<2x32x768xf32, #tpu.memory_space<vmem>> -> memref<1x32x768xf32, #tpu.memory_space<vmem>>
    %dma_start3A_1850 = tpu.memref_squeeze %dma_start3A_1849 : memref<1x32x768xf32, #tpu.memory_space<vmem>> -> memref<32x768xf32, #tpu.memory_space<vmem>>
    %dma_start3A_1851 = arith.constant 0 : i32
    %dma_start3A_1852 = tpu.memref_slice %arg11[%dma_start3A_1846, %dma_start3A_1851] : memref<8x32xi32, #tpu.memory_space<vmem>> -> memref<1x32xi32, #tpu.memory_space<vmem>>
    %dma_start3A_1853 = tpu.memref_squeeze %dma_start3A_1852 : memref<1x32xi32, #tpu.memory_space<vmem>> -> memref<32xi32, #tpu.memory_space<vmem>>
    %dma_start3A_1854 = arith.constant 0 : i32
    %dma_start3A_1855 = arith.constant 0 : i32
    %dma_start3A_1856 = tpu.memref_slice %arg6[%select_n3A, %dma_start3A_1854, %dma_start3A_1855] : memref<4x2068x768xf32, #tpu.memory_space<hbm>> -> memref<1x2068x768xf32, #tpu.memory_space<hbm>>
    %dma_start3A_1857 = tpu.memref_squeeze %dma_start3A_1856 : memref<1x2068x768xf32, #tpu.memory_space<hbm>> -> memref<2068x768xf32, #tpu.memory_space<hbm>>
    %dma_start3A_1858 = arith.constant 0 : i32
    %dma_start3A_1859 = arith.constant 0 : i32
    %dma_start3A_1860 = tpu.memref_slice %dma_start3A_1857[%dma_start3A_1858, %dma_start3A_1859] : memref<2068x768xf32, #tpu.memory_space<hbm>> -> memref<2068x768xf32, #tpu.memory_space<hbm>>
    tpu.enqueue_indirect_dma source(%dma_start3A_1850 : memref<32x768xf32, #tpu.memory_space<vmem>>) target(%dma_start3A_1860 : memref<2068x768xf32, #tpu.memory_space<hbm>>) offsets(%dma_start3A_1853 : memref<32xi32, #tpu.memory_space<vmem>>) semaphore(%arg22 : memref<!tpu.dma_semaphore, #tpu.memory_space<semaphore_mem>>)
    %dma_wait3A_1861 = arith.constant 2 : i32
    %dma_wait3A_1862 = arith.constant 5 : i32
    %dma_wait3A_1863 = arith.constant 0 : i32
    %dma_wait3A_1864 = arith.constant 0 : i32
    %dma_wait3A_1865 = tpu.memref_slice %arg13[%dma_wait3A_1861, %dma_wait3A_1863, %dma_wait3A_1864] : memref<3x32x768xf32, #tpu.memory_space<vmem>> -> memref<1x32x768xf32, #tpu.memory_space<vmem>>
    %dma_wait3A_1866 = tpu.memref_squeeze %dma_wait3A_1865 : memref<1x32x768xf32, #tpu.memory_space<vmem>> -> memref<32x768xf32, #tpu.memory_space<vmem>>
    %dma_wait3A_1867 = arith.constant 0 : i32
    %dma_wait3A_1868 = tpu.memref_slice %arg10[%dma_wait3A_1862, %dma_wait3A_1867] : memref<8x32xi32, #tpu.memory_space<vmem>> -> memref<1x32xi32, #tpu.memory_space<vmem>>
    %dma_wait3A_1869 = tpu.memref_squeeze %dma_wait3A_1868 : memref<1x32xi32, #tpu.memory_space<vmem>> -> memref<32xi32, #tpu.memory_space<vmem>>
    %dma_wait3A_1870 = arith.constant 0 : i32
    %dma_wait3A_1871 = arith.constant 0 : i32
    %dma_wait3A_1872 = tpu.memref_slice %arg6[%select_n3A, %dma_wait3A_1870, %dma_wait3A_1871] : memref<4x2068x768xf32, #tpu.memory_space<hbm>> -> memref<1x2068x768xf32, #tpu.memory_space<hbm>>
    %dma_wait3A_1873 = tpu.memref_squeeze %dma_wait3A_1872 : memref<1x2068x768xf32, #tpu.memory_space<hbm>> -> memref<2068x768xf32, #tpu.memory_space<hbm>>
    %dma_wait3A_1874 = arith.constant 0 : i32
    %dma_wait3A_1875 = arith.constant 0 : i32
    %dma_wait3A_1876 = tpu.memref_slice %dma_wait3A_1873[%dma_wait3A_1874, %dma_wait3A_1875] : memref<2068x768xf32, #tpu.memory_space<hbm>> -> memref<2068x768xf32, #tpu.memory_space<hbm>>
    tpu.wait_indirect_dma semaphore(%arg20 : memref<!tpu.dma_semaphore, #tpu.memory_space<semaphore_mem>>) src(%dma_wait3A_1866 : memref<32x768xf32, #tpu.memory_space<vmem>>) dst(%dma_wait3A_1876 : memref<2068x768xf32, #tpu.memory_space<hbm>>)
    %dma_wait3A_1877 = arith.constant 1 : i32
    %dma_wait3A_1878 = arith.constant 5 : i32
    %dma_wait3A_1879 = arith.constant 0 : i32
    %dma_wait3A_1880 = arith.constant 0 : i32
    %dma_wait3A_1881 = tpu.memref_slice %arg14[%dma_wait3A_1877, %dma_wait3A_1879, %dma_wait3A_1880] : memref<2x32x768xf32, #tpu.memory_space<vmem>> -> memref<1x32x768xf32, #tpu.memory_space<vmem>>
    %dma_wait3A_1882 = tpu.memref_squeeze %dma_wait3A_1881 : memref<1x32x768xf32, #tpu.memory_space<vmem>> -> memref<32x768xf32, #tpu.memory_space<vmem>>
    %dma_wait3A_1883 = arith.constant 0 : i32
    %dma_wait3A_1884 = tpu.memref_slice %arg11[%dma_wait3A_1878, %dma_wait3A_1883] : memref<8x32xi32, #tpu.memory_space<vmem>> -> memref<1x32xi32, #tpu.memory_space<vmem>>
    %dma_wait3A_1885 = tpu.memref_squeeze %dma_wait3A_1884 : memref<1x32xi32, #tpu.memory_space<vmem>> -> memref<32xi32, #tpu.memory_space<vmem>>
    %dma_wait3A_1886 = arith.constant 0 : i32
    %dma_wait3A_1887 = arith.constant 0 : i32
    %dma_wait3A_1888 = tpu.memref_slice %arg6[%select_n3A, %dma_wait3A_1886, %dma_wait3A_1887] : memref<4x2068x768xf32, #tpu.memory_space<hbm>> -> memref<1x2068x768xf32, #tpu.memory_space<hbm>>
    %dma_wait3A_1889 = tpu.memref_squeeze %dma_wait3A_1888 : memref<1x2068x768xf32, #tpu.memory_space<hbm>> -> memref<2068x768xf32, #tpu.memory_space<hbm>>
    %dma_wait3A_1890 = arith.constant 0 : i32
    %dma_wait3A_1891 = arith.constant 0 : i32
    %dma_wait3A_1892 = tpu.memref_slice %dma_wait3A_1889[%dma_wait3A_1890, %dma_wait3A_1891] : memref<2068x768xf32, #tpu.memory_space<hbm>> -> memref<2068x768xf32, #tpu.memory_space<hbm>>
    tpu.wait_indirect_dma semaphore(%arg22 : memref<!tpu.dma_semaphore, #tpu.memory_space<semaphore_mem>>) src(%dma_wait3A_1882 : memref<32x768xf32, #tpu.memory_space<vmem>>) dst(%dma_wait3A_1892 : memref<2068x768xf32, #tpu.memory_space<hbm>>)
    %dma_start3A_1893 = arith.constant 7 : i32
    %dma_start3A_1894 = arith.constant 1 : i32
    %dma_start3A_1895 = arith.constant 0 : i32
    %dma_start3A_1896 = arith.constant 0 : i32
    %dma_start3A_1897 = tpu.memref_slice %arg13[%dma_start3A_1894, %dma_start3A_1895, %dma_start3A_1896] : memref<3x32x768xf32, #tpu.memory_space<vmem>> -> memref<1x32x768xf32, #tpu.memory_space<vmem>>
    %dma_start3A_1898 = tpu.memref_squeeze %dma_start3A_1897 : memref<1x32x768xf32, #tpu.memory_space<vmem>> -> memref<32x768xf32, #tpu.memory_space<vmem>>
    %dma_start3A_1899 = arith.constant 0 : i32
    %dma_start3A_1900 = tpu.memref_slice %arg8[%dma_start3A_1893, %dma_start3A_1899] : memref<8x32xi32, #tpu.memory_space<vmem>> -> memref<1x32xi32, #tpu.memory_space<vmem>>
    %dma_start3A_1901 = tpu.memref_squeeze %dma_start3A_1900 : memref<1x32xi32, #tpu.memory_space<vmem>> -> memref<32xi32, #tpu.memory_space<vmem>>
    %dma_start3A_1902 = arith.constant 0 : i32
    %dma_start3A_1903 = arith.constant 0 : i32
    %dma_start3A_1904 = tpu.memref_slice %arg3[%dma_start3A_1902, %dma_start3A_1903] : memref<100000x768xf32, #tpu.memory_space<hbm>> -> memref<100000x768xf32, #tpu.memory_space<hbm>>
    tpu.enqueue_indirect_dma source(%dma_start3A_1904 : memref<100000x768xf32, #tpu.memory_space<hbm>>) target(%dma_start3A_1898 : memref<32x768xf32, #tpu.memory_space<vmem>>) offsets(%dma_start3A_1901 : memref<32xi32, #tpu.memory_space<vmem>>) semaphore(%arg16 : memref<!tpu.dma_semaphore, #tpu.memory_space<semaphore_mem>>)
    %dma_start3A_1905 = arith.constant 7 : i32
    %dma_start3A_1906 = arith.constant 1 : i32
    %dma_start3A_1907 = arith.constant 0 : i32
    %dma_start3A_1908 = arith.constant 0 : i32
    %dma_start3A_1909 = tpu.memref_slice %arg14[%dma_start3A_1906, %dma_start3A_1907, %dma_start3A_1908] : memref<2x32x768xf32, #tpu.memory_space<vmem>> -> memref<1x32x768xf32, #tpu.memory_space<vmem>>
    %dma_start3A_1910 = tpu.memref_squeeze %dma_start3A_1909 : memref<1x32x768xf32, #tpu.memory_space<vmem>> -> memref<32x768xf32, #tpu.memory_space<vmem>>
    %dma_start3A_1911 = arith.constant 0 : i32
    %dma_start3A_1912 = tpu.memref_slice %arg9[%dma_start3A_1905, %dma_start3A_1911] : memref<8x32xi32, #tpu.memory_space<vmem>> -> memref<1x32xi32, #tpu.memory_space<vmem>>
    %dma_start3A_1913 = tpu.memref_squeeze %dma_start3A_1912 : memref<1x32xi32, #tpu.memory_space<vmem>> -> memref<32xi32, #tpu.memory_space<vmem>>
    %dma_start3A_1914 = arith.constant 0 : i32
    %dma_start3A_1915 = arith.constant 0 : i32
    %dma_start3A_1916 = tpu.memref_slice %arg4[%dma_start3A_1914, %dma_start3A_1915] : memref<145x768xf32, #tpu.memory_space<hbm>> -> memref<145x768xf32, #tpu.memory_space<hbm>>
    tpu.enqueue_indirect_dma source(%dma_start3A_1916 : memref<145x768xf32, #tpu.memory_space<hbm>>) target(%dma_start3A_1910 : memref<32x768xf32, #tpu.memory_space<vmem>>) offsets(%dma_start3A_1913 : memref<32xi32, #tpu.memory_space<vmem>>) semaphore(%arg22 : memref<!tpu.dma_semaphore, #tpu.memory_space<semaphore_mem>>)
    %dma_wait3A_1917 = arith.constant 6 : i32
    %dma_wait3A_1918 = arith.constant 0 : i32
    %dma_wait3A_1919 = arith.constant 0 : i32
    %dma_wait3A_1920 = arith.constant 0 : i32
    %dma_wait3A_1921 = tpu.memref_slice %arg13[%dma_wait3A_1918, %dma_wait3A_1919, %dma_wait3A_1920] : memref<3x32x768xf32, #tpu.memory_space<vmem>> -> memref<1x32x768xf32, #tpu.memory_space<vmem>>
    %dma_wait3A_1922 = tpu.memref_squeeze %dma_wait3A_1921 : memref<1x32x768xf32, #tpu.memory_space<vmem>> -> memref<32x768xf32, #tpu.memory_space<vmem>>
    %dma_wait3A_1923 = arith.constant 0 : i32
    %dma_wait3A_1924 = tpu.memref_slice %arg8[%dma_wait3A_1917, %dma_wait3A_1923] : memref<8x32xi32, #tpu.memory_space<vmem>> -> memref<1x32xi32, #tpu.memory_space<vmem>>
    %dma_wait3A_1925 = tpu.memref_squeeze %dma_wait3A_1924 : memref<1x32xi32, #tpu.memory_space<vmem>> -> memref<32xi32, #tpu.memory_space<vmem>>
    %dma_wait3A_1926 = arith.constant 0 : i32
    %dma_wait3A_1927 = arith.constant 0 : i32
    %dma_wait3A_1928 = tpu.memref_slice %arg3[%dma_wait3A_1926, %dma_wait3A_1927] : memref<100000x768xf32, #tpu.memory_space<hbm>> -> memref<100000x768xf32, #tpu.memory_space<hbm>>
    tpu.wait_indirect_dma semaphore(%arg15 : memref<!tpu.dma_semaphore, #tpu.memory_space<semaphore_mem>>) src(%dma_wait3A_1928 : memref<100000x768xf32, #tpu.memory_space<hbm>>) dst(%dma_wait3A_1922 : memref<32x768xf32, #tpu.memory_space<vmem>>)
    %dma_wait3A_1929 = arith.constant 6 : i32
    %dma_wait3A_1930 = arith.constant 0 : i32
    %dma_wait3A_1931 = arith.constant 0 : i32
    %dma_wait3A_1932 = arith.constant 0 : i32
    %dma_wait3A_1933 = tpu.memref_slice %arg14[%dma_wait3A_1930, %dma_wait3A_1931, %dma_wait3A_1932] : memref<2x32x768xf32, #tpu.memory_space<vmem>> -> memref<1x32x768xf32, #tpu.memory_space<vmem>>
    %dma_wait3A_1934 = tpu.memref_squeeze %dma_wait3A_1933 : memref<1x32x768xf32, #tpu.memory_space<vmem>> -> memref<32x768xf32, #tpu.memory_space<vmem>>
    %dma_wait3A_1935 = arith.constant 0 : i32
    %dma_wait3A_1936 = tpu.memref_slice %arg9[%dma_wait3A_1929, %dma_wait3A_1935] : memref<8x32xi32, #tpu.memory_space<vmem>> -> memref<1x32xi32, #tpu.memory_space<vmem>>
    %dma_wait3A_1937 = tpu.memref_squeeze %dma_wait3A_1936 : memref<1x32xi32, #tpu.memory_space<vmem>> -> memref<32xi32, #tpu.memory_space<vmem>>
    %dma_wait3A_1938 = arith.constant 0 : i32
    %dma_wait3A_1939 = arith.constant 0 : i32
    %dma_wait3A_1940 = tpu.memref_slice %arg4[%dma_wait3A_1938, %dma_wait3A_1939] : memref<145x768xf32, #tpu.memory_space<hbm>> -> memref<145x768xf32, #tpu.memory_space<hbm>>
    tpu.wait_indirect_dma semaphore(%arg21 : memref<!tpu.dma_semaphore, #tpu.memory_space<semaphore_mem>>) src(%dma_wait3A_1940 : memref<145x768xf32, #tpu.memory_space<hbm>>) dst(%dma_wait3A_1934 : memref<32x768xf32, #tpu.memory_space<vmem>>)
    %dma_start3A_1941 = arith.constant 0 : i32
    %dma_start3A_1942 = arith.constant 6 : i32
    %dma_start3A_1943 = arith.constant 0 : i32
    %dma_start3A_1944 = arith.constant 0 : i32
    %dma_start3A_1945 = tpu.memref_slice %arg13[%dma_start3A_1941, %dma_start3A_1943, %dma_start3A_1944] : memref<3x32x768xf32, #tpu.memory_space<vmem>> -> memref<1x32x768xf32, #tpu.memory_space<vmem>>
    %dma_start3A_1946 = tpu.memref_squeeze %dma_start3A_1945 : memref<1x32x768xf32, #tpu.memory_space<vmem>> -> memref<32x768xf32, #tpu.memory_space<vmem>>
    %dma_start3A_1947 = arith.constant 0 : i32
    %dma_start3A_1948 = tpu.memref_slice %arg10[%dma_start3A_1942, %dma_start3A_1947] : memref<8x32xi32, #tpu.memory_space<vmem>> -> memref<1x32xi32, #tpu.memory_space<vmem>>
    %dma_start3A_1949 = tpu.memref_squeeze %dma_start3A_1948 : memref<1x32xi32, #tpu.memory_space<vmem>> -> memref<32xi32, #tpu.memory_space<vmem>>
    %dma_start3A_1950 = arith.constant 0 : i32
    %dma_start3A_1951 = arith.constant 0 : i32
    %dma_start3A_1952 = tpu.memref_slice %arg6[%select_n3A, %dma_start3A_1950, %dma_start3A_1951] : memref<4x2068x768xf32, #tpu.memory_space<hbm>> -> memref<1x2068x768xf32, #tpu.memory_space<hbm>>
    %dma_start3A_1953 = tpu.memref_squeeze %dma_start3A_1952 : memref<1x2068x768xf32, #tpu.memory_space<hbm>> -> memref<2068x768xf32, #tpu.memory_space<hbm>>
    %dma_start3A_1954 = arith.constant 0 : i32
    %dma_start3A_1955 = arith.constant 0 : i32
    %dma_start3A_1956 = tpu.memref_slice %dma_start3A_1953[%dma_start3A_1954, %dma_start3A_1955] : memref<2068x768xf32, #tpu.memory_space<hbm>> -> memref<2068x768xf32, #tpu.memory_space<hbm>>
    tpu.enqueue_indirect_dma source(%dma_start3A_1946 : memref<32x768xf32, #tpu.memory_space<vmem>>) target(%dma_start3A_1956 : memref<2068x768xf32, #tpu.memory_space<hbm>>) offsets(%dma_start3A_1949 : memref<32xi32, #tpu.memory_space<vmem>>) semaphore(%arg18 : memref<!tpu.dma_semaphore, #tpu.memory_space<semaphore_mem>>)
    %dma_start3A_1957 = arith.constant 0 : i32
    %dma_start3A_1958 = arith.constant 6 : i32
    %dma_start3A_1959 = arith.constant 0 : i32
    %dma_start3A_1960 = arith.constant 0 : i32
    %dma_start3A_1961 = tpu.memref_slice %arg14[%dma_start3A_1957, %dma_start3A_1959, %dma_start3A_1960] : memref<2x32x768xf32, #tpu.memory_space<vmem>> -> memref<1x32x768xf32, #tpu.memory_space<vmem>>
    %dma_start3A_1962 = tpu.memref_squeeze %dma_start3A_1961 : memref<1x32x768xf32, #tpu.memory_space<vmem>> -> memref<32x768xf32, #tpu.memory_space<vmem>>
    %dma_start3A_1963 = arith.constant 0 : i32
    %dma_start3A_1964 = tpu.memref_slice %arg11[%dma_start3A_1958, %dma_start3A_1963] : memref<8x32xi32, #tpu.memory_space<vmem>> -> memref<1x32xi32, #tpu.memory_space<vmem>>
    %dma_start3A_1965 = tpu.memref_squeeze %dma_start3A_1964 : memref<1x32xi32, #tpu.memory_space<vmem>> -> memref<32xi32, #tpu.memory_space<vmem>>
    %dma_start3A_1966 = arith.constant 0 : i32
    %dma_start3A_1967 = arith.constant 0 : i32
    %dma_start3A_1968 = tpu.memref_slice %arg6[%select_n3A, %dma_start3A_1966, %dma_start3A_1967] : memref<4x2068x768xf32, #tpu.memory_space<hbm>> -> memref<1x2068x768xf32, #tpu.memory_space<hbm>>
    %dma_start3A_1969 = tpu.memref_squeeze %dma_start3A_1968 : memref<1x2068x768xf32, #tpu.memory_space<hbm>> -> memref<2068x768xf32, #tpu.memory_space<hbm>>
    %dma_start3A_1970 = arith.constant 0 : i32
    %dma_start3A_1971 = arith.constant 0 : i32
    %dma_start3A_1972 = tpu.memref_slice %dma_start3A_1969[%dma_start3A_1970, %dma_start3A_1971] : memref<2068x768xf32, #tpu.memory_space<hbm>> -> memref<2068x768xf32, #tpu.memory_space<hbm>>
    tpu.enqueue_indirect_dma source(%dma_start3A_1962 : memref<32x768xf32, #tpu.memory_space<vmem>>) target(%dma_start3A_1972 : memref<2068x768xf32, #tpu.memory_space<hbm>>) offsets(%dma_start3A_1965 : memref<32xi32, #tpu.memory_space<vmem>>) semaphore(%arg21 : memref<!tpu.dma_semaphore, #tpu.memory_space<semaphore_mem>>)
    %dma_wait3A_1973 = arith.constant 0 : i32
    %dma_wait3A_1974 = arith.constant 6 : i32
    %dma_wait3A_1975 = arith.constant 0 : i32
    %dma_wait3A_1976 = arith.constant 0 : i32
    %dma_wait3A_1977 = tpu.memref_slice %arg13[%dma_wait3A_1973, %dma_wait3A_1975, %dma_wait3A_1976] : memref<3x32x768xf32, #tpu.memory_space<vmem>> -> memref<1x32x768xf32, #tpu.memory_space<vmem>>
    %dma_wait3A_1978 = tpu.memref_squeeze %dma_wait3A_1977 : memref<1x32x768xf32, #tpu.memory_space<vmem>> -> memref<32x768xf32, #tpu.memory_space<vmem>>
    %dma_wait3A_1979 = arith.constant 0 : i32
    %dma_wait3A_1980 = tpu.memref_slice %arg10[%dma_wait3A_1974, %dma_wait3A_1979] : memref<8x32xi32, #tpu.memory_space<vmem>> -> memref<1x32xi32, #tpu.memory_space<vmem>>
    %dma_wait3A_1981 = tpu.memref_squeeze %dma_wait3A_1980 : memref<1x32xi32, #tpu.memory_space<vmem>> -> memref<32xi32, #tpu.memory_space<vmem>>
    %dma_wait3A_1982 = arith.constant 0 : i32
    %dma_wait3A_1983 = arith.constant 0 : i32
    %dma_wait3A_1984 = tpu.memref_slice %arg6[%select_n3A, %dma_wait3A_1982, %dma_wait3A_1983] : memref<4x2068x768xf32, #tpu.memory_space<hbm>> -> memref<1x2068x768xf32, #tpu.memory_space<hbm>>
    %dma_wait3A_1985 = tpu.memref_squeeze %dma_wait3A_1984 : memref<1x2068x768xf32, #tpu.memory_space<hbm>> -> memref<2068x768xf32, #tpu.memory_space<hbm>>
    %dma_wait3A_1986 = arith.constant 0 : i32
    %dma_wait3A_1987 = arith.constant 0 : i32
    %dma_wait3A_1988 = tpu.memref_slice %dma_wait3A_1985[%dma_wait3A_1986, %dma_wait3A_1987] : memref<2068x768xf32, #tpu.memory_space<hbm>> -> memref<2068x768xf32, #tpu.memory_space<hbm>>
    tpu.wait_indirect_dma semaphore(%arg18 : memref<!tpu.dma_semaphore, #tpu.memory_space<semaphore_mem>>) src(%dma_wait3A_1978 : memref<32x768xf32, #tpu.memory_space<vmem>>) dst(%dma_wait3A_1988 : memref<2068x768xf32, #tpu.memory_space<hbm>>)
    %dma_wait3A_1989 = arith.constant 0 : i32
    %dma_wait3A_1990 = arith.constant 6 : i32
    %dma_wait3A_1991 = arith.constant 0 : i32
    %dma_wait3A_1992 = arith.constant 0 : i32
    %dma_wait3A_1993 = tpu.memref_slice %arg14[%dma_wait3A_1989, %dma_wait3A_1991, %dma_wait3A_1992] : memref<2x32x768xf32, #tpu.memory_space<vmem>> -> memref<1x32x768xf32, #tpu.memory_space<vmem>>
    %dma_wait3A_1994 = tpu.memref_squeeze %dma_wait3A_1993 : memref<1x32x768xf32, #tpu.memory_space<vmem>> -> memref<32x768xf32, #tpu.memory_space<vmem>>
    %dma_wait3A_1995 = arith.constant 0 : i32
    %dma_wait3A_1996 = tpu.memref_slice %arg11[%dma_wait3A_1990, %dma_wait3A_1995] : memref<8x32xi32, #tpu.memory_space<vmem>> -> memref<1x32xi32, #tpu.memory_space<vmem>>
    %dma_wait3A_1997 = tpu.memref_squeeze %dma_wait3A_1996 : memref<1x32xi32, #tpu.memory_space<vmem>> -> memref<32xi32, #tpu.memory_space<vmem>>
    %dma_wait3A_1998 = arith.constant 0 : i32
    %dma_wait3A_1999 = arith.constant 0 : i32
    %dma_wait3A_2000 = tpu.memref_slice %arg6[%select_n3A, %dma_wait3A_1998, %dma_wait3A_1999] : memref<4x2068x768xf32, #tpu.memory_space<hbm>> -> memref<1x2068x768xf32, #tpu.memory_space<hbm>>
    %dma_wait3A_2001 = tpu.memref_squeeze %dma_wait3A_2000 : memref<1x2068x768xf32, #tpu.memory_space<hbm>> -> memref<2068x768xf32, #tpu.memory_space<hbm>>
    %dma_wait3A_2002 = arith.constant 0 : i32
    %dma_wait3A_2003 = arith.constant 0 : i32
    %dma_wait3A_2004 = tpu.memref_slice %dma_wait3A_2001[%dma_wait3A_2002, %dma_wait3A_2003] : memref<2068x768xf32, #tpu.memory_space<hbm>> -> memref<2068x768xf32, #tpu.memory_space<hbm>>
    tpu.wait_indirect_dma semaphore(%arg21 : memref<!tpu.dma_semaphore, #tpu.memory_space<semaphore_mem>>) src(%dma_wait3A_1994 : memref<32x768xf32, #tpu.memory_space<vmem>>) dst(%dma_wait3A_2004 : memref<2068x768xf32, #tpu.memory_space<hbm>>)
    %dma_wait3A_2005 = arith.constant 7 : i32
    %dma_wait3A_2006 = arith.constant 1 : i32
    %dma_wait3A_2007 = arith.constant 0 : i32
    %dma_wait3A_2008 = arith.constant 0 : i32
    %dma_wait3A_2009 = tpu.memref_slice %arg13[%dma_wait3A_2006, %dma_wait3A_2007, %dma_wait3A_2008] : memref<3x32x768xf32, #tpu.memory_space<vmem>> -> memref<1x32x768xf32, #tpu.memory_space<vmem>>
    %dma_wait3A_2010 = tpu.memref_squeeze %dma_wait3A_2009 : memref<1x32x768xf32, #tpu.memory_space<vmem>> -> memref<32x768xf32, #tpu.memory_space<vmem>>
    %dma_wait3A_2011 = arith.constant 0 : i32
    %dma_wait3A_2012 = tpu.memref_slice %arg8[%dma_wait3A_2005, %dma_wait3A_2011] : memref<8x32xi32, #tpu.memory_space<vmem>> -> memref<1x32xi32, #tpu.memory_space<vmem>>
    %dma_wait3A_2013 = tpu.memref_squeeze %dma_wait3A_2012 : memref<1x32xi32, #tpu.memory_space<vmem>> -> memref<32xi32, #tpu.memory_space<vmem>>
    %dma_wait3A_2014 = arith.constant 0 : i32
    %dma_wait3A_2015 = arith.constant 0 : i32
    %dma_wait3A_2016 = tpu.memref_slice %arg3[%dma_wait3A_2014, %dma_wait3A_2015] : memref<100000x768xf32, #tpu.memory_space<hbm>> -> memref<100000x768xf32, #tpu.memory_space<hbm>>
    tpu.wait_indirect_dma semaphore(%arg16 : memref<!tpu.dma_semaphore, #tpu.memory_space<semaphore_mem>>) src(%dma_wait3A_2016 : memref<100000x768xf32, #tpu.memory_space<hbm>>) dst(%dma_wait3A_2010 : memref<32x768xf32, #tpu.memory_space<vmem>>)
    %dma_wait3A_2017 = arith.constant 7 : i32
    %dma_wait3A_2018 = arith.constant 1 : i32
    %dma_wait3A_2019 = arith.constant 0 : i32
    %dma_wait3A_2020 = arith.constant 0 : i32
    %dma_wait3A_2021 = tpu.memref_slice %arg14[%dma_wait3A_2018, %dma_wait3A_2019, %dma_wait3A_2020] : memref<2x32x768xf32, #tpu.memory_space<vmem>> -> memref<1x32x768xf32, #tpu.memory_space<vmem>>
    %dma_wait3A_2022 = tpu.memref_squeeze %dma_wait3A_2021 : memref<1x32x768xf32, #tpu.memory_space<vmem>> -> memref<32x768xf32, #tpu.memory_space<vmem>>
    %dma_wait3A_2023 = arith.constant 0 : i32
    %dma_wait3A_2024 = tpu.memref_slice %arg9[%dma_wait3A_2017, %dma_wait3A_2023] : memref<8x32xi32, #tpu.memory_space<vmem>> -> memref<1x32xi32, #tpu.memory_space<vmem>>
    %dma_wait3A_2025 = tpu.memref_squeeze %dma_wait3A_2024 : memref<1x32xi32, #tpu.memory_space<vmem>> -> memref<32xi32, #tpu.memory_space<vmem>>
    %dma_wait3A_2026 = arith.constant 0 : i32
    %dma_wait3A_2027 = arith.constant 0 : i32
    %dma_wait3A_2028 = tpu.memref_slice %arg4[%dma_wait3A_2026, %dma_wait3A_2027] : memref<145x768xf32, #tpu.memory_space<hbm>> -> memref<145x768xf32, #tpu.memory_space<hbm>>
    tpu.wait_indirect_dma semaphore(%arg22 : memref<!tpu.dma_semaphore, #tpu.memory_space<semaphore_mem>>) src(%dma_wait3A_2028 : memref<145x768xf32, #tpu.memory_space<hbm>>) dst(%dma_wait3A_2022 : memref<32x768xf32, #tpu.memory_space<vmem>>)
    %dma_start3A_2029 = arith.constant 1 : i32
    %dma_start3A_2030 = arith.constant 7 : i32
    %dma_start3A_2031 = arith.constant 0 : i32
    %dma_start3A_2032 = arith.constant 0 : i32
    %dma_start3A_2033 = tpu.memref_slice %arg13[%dma_start3A_2029, %dma_start3A_2031, %dma_start3A_2032] : memref<3x32x768xf32, #tpu.memory_space<vmem>> -> memref<1x32x768xf32, #tpu.memory_space<vmem>>
    %dma_start3A_2034 = tpu.memref_squeeze %dma_start3A_2033 : memref<1x32x768xf32, #tpu.memory_space<vmem>> -> memref<32x768xf32, #tpu.memory_space<vmem>>
    %dma_start3A_2035 = arith.constant 0 : i32
    %dma_start3A_2036 = tpu.memref_slice %arg10[%dma_start3A_2030, %dma_start3A_2035] : memref<8x32xi32, #tpu.memory_space<vmem>> -> memref<1x32xi32, #tpu.memory_space<vmem>>
    %dma_start3A_2037 = tpu.memref_squeeze %dma_start3A_2036 : memref<1x32xi32, #tpu.memory_space<vmem>> -> memref<32xi32, #tpu.memory_space<vmem>>
    %dma_start3A_2038 = arith.constant 0 : i32
    %dma_start3A_2039 = arith.constant 0 : i32
    %dma_start3A_2040 = tpu.memref_slice %arg6[%select_n3A, %dma_start3A_2038, %dma_start3A_2039] : memref<4x2068x768xf32, #tpu.memory_space<hbm>> -> memref<1x2068x768xf32, #tpu.memory_space<hbm>>
    %dma_start3A_2041 = tpu.memref_squeeze %dma_start3A_2040 : memref<1x2068x768xf32, #tpu.memory_space<hbm>> -> memref<2068x768xf32, #tpu.memory_space<hbm>>
    %dma_start3A_2042 = arith.constant 0 : i32
    %dma_start3A_2043 = arith.constant 0 : i32
    %dma_start3A_2044 = tpu.memref_slice %dma_start3A_2041[%dma_start3A_2042, %dma_start3A_2043] : memref<2068x768xf32, #tpu.memory_space<hbm>> -> memref<2068x768xf32, #tpu.memory_space<hbm>>
    tpu.enqueue_indirect_dma source(%dma_start3A_2034 : memref<32x768xf32, #tpu.memory_space<vmem>>) target(%dma_start3A_2044 : memref<2068x768xf32, #tpu.memory_space<hbm>>) offsets(%dma_start3A_2037 : memref<32xi32, #tpu.memory_space<vmem>>) semaphore(%arg19 : memref<!tpu.dma_semaphore, #tpu.memory_space<semaphore_mem>>)
    %dma_start3A_2045 = arith.constant 1 : i32
    %dma_start3A_2046 = arith.constant 7 : i32
    %dma_start3A_2047 = arith.constant 0 : i32
    %dma_start3A_2048 = arith.constant 0 : i32
    %dma_start3A_2049 = tpu.memref_slice %arg14[%dma_start3A_2045, %dma_start3A_2047, %dma_start3A_2048] : memref<2x32x768xf32, #tpu.memory_space<vmem>> -> memref<1x32x768xf32, #tpu.memory_space<vmem>>
    %dma_start3A_2050 = tpu.memref_squeeze %dma_start3A_2049 : memref<1x32x768xf32, #tpu.memory_space<vmem>> -> memref<32x768xf32, #tpu.memory_space<vmem>>
    %dma_start3A_2051 = arith.constant 0 : i32
    %dma_start3A_2052 = tpu.memref_slice %arg11[%dma_start3A_2046, %dma_start3A_2051] : memref<8x32xi32, #tpu.memory_space<vmem>> -> memref<1x32xi32, #tpu.memory_space<vmem>>
    %dma_start3A_2053 = tpu.memref_squeeze %dma_start3A_2052 : memref<1x32xi32, #tpu.memory_space<vmem>> -> memref<32xi32, #tpu.memory_space<vmem>>
    %dma_start3A_2054 = arith.constant 0 : i32
    %dma_start3A_2055 = arith.constant 0 : i32
    %dma_start3A_2056 = tpu.memref_slice %arg6[%select_n3A, %dma_start3A_2054, %dma_start3A_2055] : memref<4x2068x768xf32, #tpu.memory_space<hbm>> -> memref<1x2068x768xf32, #tpu.memory_space<hbm>>
    %dma_start3A_2057 = tpu.memref_squeeze %dma_start3A_2056 : memref<1x2068x768xf32, #tpu.memory_space<hbm>> -> memref<2068x768xf32, #tpu.memory_space<hbm>>
    %dma_start3A_2058 = arith.constant 0 : i32
    %dma_start3A_2059 = arith.constant 0 : i32
    %dma_start3A_2060 = tpu.memref_slice %dma_start3A_2057[%dma_start3A_2058, %dma_start3A_2059] : memref<2068x768xf32, #tpu.memory_space<hbm>> -> memref<2068x768xf32, #tpu.memory_space<hbm>>
    tpu.enqueue_indirect_dma source(%dma_start3A_2050 : memref<32x768xf32, #tpu.memory_space<vmem>>) target(%dma_start3A_2060 : memref<2068x768xf32, #tpu.memory_space<hbm>>) offsets(%dma_start3A_2053 : memref<32xi32, #tpu.memory_space<vmem>>) semaphore(%arg22 : memref<!tpu.dma_semaphore, #tpu.memory_space<semaphore_mem>>)
    %dma_wait3A_2061 = arith.constant 1 : i32
    %dma_wait3A_2062 = arith.constant 7 : i32
    %dma_wait3A_2063 = arith.constant 0 : i32
    %dma_wait3A_2064 = arith.constant 0 : i32
    %dma_wait3A_2065 = tpu.memref_slice %arg13[%dma_wait3A_2061, %dma_wait3A_2063, %dma_wait3A_2064] : memref<3x32x768xf32, #tpu.memory_space<vmem>> -> memref<1x32x768xf32, #tpu.memory_space<vmem>>
    %dma_wait3A_2066 = tpu.memref_squeeze %dma_wait3A_2065 : memref<1x32x768xf32, #tpu.memory_space<vmem>> -> memref<32x768xf32, #tpu.memory_space<vmem>>
    %dma_wait3A_2067 = arith.constant 0 : i32
    %dma_wait3A_2068 = tpu.memref_slice %arg10[%dma_wait3A_2062, %dma_wait3A_2067] : memref<8x32xi32, #tpu.memory_space<vmem>> -> memref<1x32xi32, #tpu.memory_space<vmem>>
    %dma_wait3A_2069 = tpu.memref_squeeze %dma_wait3A_2068 : memref<1x32xi32, #tpu.memory_space<vmem>> -> memref<32xi32, #tpu.memory_space<vmem>>
    %dma_wait3A_2070 = arith.constant 0 : i32
    %dma_wait3A_2071 = arith.constant 0 : i32
    %dma_wait3A_2072 = tpu.memref_slice %arg6[%select_n3A, %dma_wait3A_2070, %dma_wait3A_2071] : memref<4x2068x768xf32, #tpu.memory_space<hbm>> -> memref<1x2068x768xf32, #tpu.memory_space<hbm>>
    %dma_wait3A_2073 = tpu.memref_squeeze %dma_wait3A_2072 : memref<1x2068x768xf32, #tpu.memory_space<hbm>> -> memref<2068x768xf32, #tpu.memory_space<hbm>>
    %dma_wait3A_2074 = arith.constant 0 : i32
    %dma_wait3A_2075 = arith.constant 0 : i32
    %dma_wait3A_2076 = tpu.memref_slice %dma_wait3A_2073[%dma_wait3A_2074, %dma_wait3A_2075] : memref<2068x768xf32, #tpu.memory_space<hbm>> -> memref<2068x768xf32, #tpu.memory_space<hbm>>
    tpu.wait_indirect_dma semaphore(%arg19 : memref<!tpu.dma_semaphore, #tpu.memory_space<semaphore_mem>>) src(%dma_wait3A_2066 : memref<32x768xf32, #tpu.memory_space<vmem>>) dst(%dma_wait3A_2076 : memref<2068x768xf32, #tpu.memory_space<hbm>>)
    %dma_wait3A_2077 = arith.constant 1 : i32
    %dma_wait3A_2078 = arith.constant 7 : i32
    %dma_wait3A_2079 = arith.constant 0 : i32
    %dma_wait3A_2080 = arith.constant 0 : i32
    %dma_wait3A_2081 = tpu.memref_slice %arg14[%dma_wait3A_2077, %dma_wait3A_2079, %dma_wait3A_2080] : memref<2x32x768xf32, #tpu.memory_space<vmem>> -> memref<1x32x768xf32, #tpu.memory_space<vmem>>
    %dma_wait3A_2082 = tpu.memref_squeeze %dma_wait3A_2081 : memref<1x32x768xf32, #tpu.memory_space<vmem>> -> memref<32x768xf32, #tpu.memory_space<vmem>>
    %dma_wait3A_2083 = arith.constant 0 : i32
    %dma_wait3A_2084 = tpu.memref_slice %arg11[%dma_wait3A_2078, %dma_wait3A_2083] : memref<8x32xi32, #tpu.memory_space<vmem>> -> memref<1x32xi32, #tpu.memory_space<vmem>>
    %dma_wait3A_2085 = tpu.memref_squeeze %dma_wait3A_2084 : memref<1x32xi32, #tpu.memory_space<vmem>> -> memref<32xi32, #tpu.memory_space<vmem>>
    %dma_wait3A_2086 = arith.constant 0 : i32
    %dma_wait3A_2087 = arith.constant 0 : i32
    %dma_wait3A_2088 = tpu.memref_slice %arg6[%select_n3A, %dma_wait3A_2086, %dma_wait3A_2087] : memref<4x2068x768xf32, #tpu.memory_space<hbm>> -> memref<1x2068x768xf32, #tpu.memory_space<hbm>>
    %dma_wait3A_2089 = tpu.memref_squeeze %dma_wait3A_2088 : memref<1x2068x768xf32, #tpu.memory_space<hbm>> -> memref<2068x768xf32, #tpu.memory_space<hbm>>
    %dma_wait3A_2090 = arith.constant 0 : i32
    %dma_wait3A_2091 = arith.constant 0 : i32
    %dma_wait3A_2092 = tpu.memref_slice %dma_wait3A_2089[%dma_wait3A_2090, %dma_wait3A_2091] : memref<2068x768xf32, #tpu.memory_space<hbm>> -> memref<2068x768xf32, #tpu.memory_space<hbm>>
    tpu.wait_indirect_dma semaphore(%arg22 : memref<!tpu.dma_semaphore, #tpu.memory_space<semaphore_mem>>) src(%dma_wait3A_2082 : memref<32x768xf32, #tpu.memory_space<vmem>>) dst(%dma_wait3A_2092 : memref<2068x768xf32, #tpu.memory_space<hbm>>)
    %barrier3A = arith.constant 0 : index
    tpu.barrier barrier_id(%barrier3A)
    %eq3A_2093 = arith.constant 0 : i32
    %eq3A_2094 = arith.cmpi eq, %select_n3A_30, %eq3A_2093 : i32
    %convert_element_type3A = arith.extui %eq3A_2094 : i1 to i32
    %cond3A = arith.constant 0 : i32
    %cond3A_2095 = arith.cmpi ne, %convert_element_type3A, %cond3A : i32
    scf.if %cond3A_2095 {
      %min3A = arith.constant 19 : i32
      %min3A_2096 = vector.broadcast %min3A : i32 to vector<16xi32>
      %min3A_2097 = arith.minsi %iota3A, %min3A_2096 : vector<16xi32>
      %add3A_2098 = arith.constant 16 : i32
      %add3A_2099 = vector.broadcast %add3A_2098 : i32 to vector<16xi32>
      %add3A_2100 = arith.addi %add3A_2099, %iota3A : vector<16xi32>
      %min3A_2101 = arith.constant 19 : i32
      %min3A_2102 = vector.broadcast %min3A_2101 : i32 to vector<16xi32>
      %min3A_2103 = arith.minsi %add3A_2100, %min3A_2102 : vector<16xi32>
      %swap3A_2104 = arith.constant 0 : i32
      %swap3A_2105 = arith.index_cast %swap3A_2104 : i32 to index
      %swap3A_2106 = arith.constant 0 : index
      %swap3A_2107 = tpu.vector_load %arg12[%swap3A_2105, %swap3A_2106] {strides = array<i32>} : memref<2x32xi32, #tpu.memory_space<vmem>>, vector<1x16xi32>,
      %swap3A_2108 = vector.shape_cast %swap3A_2107 : vector<1x16xi32> to vector<16xi32>
      %swap3A_2109 = vector.shape_cast %min3A_2097 : vector<16xi32> to vector<1x16xi32>
      tpu.vector_store %arg12[%swap3A_2105, %swap3A_2106], %swap3A_2109 {strides = array<i32>} : memref<2x32xi32, #tpu.memory_space<vmem>>, vector<1x16xi32>,
      %swap3A_2110 = arith.constant 0 : i32
      %swap3A_2111 = arith.index_cast %swap3A_2110 : i32 to index
      %swap3A_2112 = arith.constant 16 : index
      %swap3A_2113 = tpu.vector_load %arg12[%swap3A_2111, %swap3A_2112] {strides = array<i32>} : memref<2x32xi32, #tpu.memory_space<vmem>>, vector<1x16xi32>,
      %swap3A_2114 = vector.shape_cast %swap3A_2113 : vector<1x16xi32> to vector<16xi32>
      %swap3A_2115 = vector.shape_cast %min3A_2103 : vector<16xi32> to vector<1x16xi32>
      tpu.vector_store %arg12[%swap3A_2111, %swap3A_2112], %swap3A_2115 {strides = array<i32>} : memref<2x32xi32, #tpu.memory_space<vmem>>, vector<1x16xi32>,
      %swap3A_2116 = arith.constant 1 : i32
      %swap3A_2117 = arith.index_cast %swap3A_2116 : i32 to index
      %swap3A_2118 = arith.constant 0 : index
      %swap3A_2119 = tpu.vector_load %arg12[%swap3A_2117, %swap3A_2118] {strides = array<i32>} : memref<2x32xi32, #tpu.memory_space<vmem>>, vector<1x16xi32>,
      %swap3A_2120 = vector.shape_cast %swap3A_2119 : vector<1x16xi32> to vector<16xi32>
      %swap3A_2121 = vector.shape_cast %min3A_2097 : vector<16xi32> to vector<1x16xi32>
      tpu.vector_store %arg12[%swap3A_2117, %swap3A_2118], %swap3A_2121 {strides = array<i32>} : memref<2x32xi32, #tpu.memory_space<vmem>>, vector<1x16xi32>,
      %swap3A_2122 = arith.constant 1 : i32
      %swap3A_2123 = arith.index_cast %swap3A_2122 : i32 to index
      %swap3A_2124 = arith.constant 16 : index
      %swap3A_2125 = tpu.vector_load %arg12[%swap3A_2123, %swap3A_2124] {strides = array<i32>} : memref<2x32xi32, #tpu.memory_space<vmem>>, vector<1x16xi32>,
      %swap3A_2126 = vector.shape_cast %swap3A_2125 : vector<1x16xi32> to vector<16xi32>
      %swap3A_2127 = vector.shape_cast %min3A_2103 : vector<16xi32> to vector<1x16xi32>
      tpu.vector_store %arg12[%swap3A_2123, %swap3A_2124], %swap3A_2127 {strides = array<i32>} : memref<2x32xi32, #tpu.memory_space<vmem>>, vector<1x16xi32>,
      %dma_start3A_2128 = arith.constant 0 : i32
      %dma_start3A_2129 = arith.constant 0 : i32
      %dma_start3A_2130 = arith.constant 0 : i32
      %dma_start3A_2131 = arith.constant 0 : i32
      %dma_start3A_2132 = tpu.memref_slice %arg14[%dma_start3A_2129, %dma_start3A_2130, %dma_start3A_2131] : memref<2x32x768xf32, #tpu.memory_space<vmem>> -> memref<1x32x768xf32, #tpu.memory_space<vmem>>
      %dma_start3A_2133 = tpu.memref_squeeze %dma_start3A_2132 : memref<1x32x768xf32, #tpu.memory_space<vmem>> -> memref<32x768xf32, #tpu.memory_space<vmem>>
      %dma_start3A_2134 = arith.constant 0 : i32
      %dma_start3A_2135 = tpu.memref_slice %arg12[%dma_start3A_2128, %dma_start3A_2134] : memref<2x32xi32, #tpu.memory_space<vmem>> -> memref<1x32xi32, #tpu.memory_space<vmem>>
      %dma_start3A_2136 = tpu.memref_squeeze %dma_start3A_2135 : memref<1x32xi32, #tpu.memory_space<vmem>> -> memref<32xi32, #tpu.memory_space<vmem>>
      %dma_start3A_2137 = arith.constant 0 : i32
      %dma_start3A_2138 = arith.constant 0 : i32
      %dma_start3A_2139 = tpu.memref_slice %arg5[%dma_start3A_2137, %dma_start3A_2138] : memref<20x768xf32, #tpu.memory_space<hbm>> -> memref<20x768xf32, #tpu.memory_space<hbm>>
      tpu.enqueue_indirect_dma source(%dma_start3A_2139 : memref<20x768xf32, #tpu.memory_space<hbm>>) target(%dma_start3A_2133 : memref<32x768xf32, #tpu.memory_space<vmem>>) offsets(%dma_start3A_2136 : memref<32xi32, #tpu.memory_space<vmem>>) semaphore(%arg21 : memref<!tpu.dma_semaphore, #tpu.memory_space<semaphore_mem>>)
      %dma_wait3A_2140 = arith.constant 0 : i32
      %dma_wait3A_2141 = arith.constant 0 : i32
      %dma_wait3A_2142 = arith.constant 0 : i32
      %dma_wait3A_2143 = arith.constant 0 : i32
      %dma_wait3A_2144 = tpu.memref_slice %arg14[%dma_wait3A_2141, %dma_wait3A_2142, %dma_wait3A_2143] : memref<2x32x768xf32, #tpu.memory_space<vmem>> -> memref<1x32x768xf32, #tpu.memory_space<vmem>>
      %dma_wait3A_2145 = tpu.memref_squeeze %dma_wait3A_2144 : memref<1x32x768xf32, #tpu.memory_space<vmem>> -> memref<32x768xf32, #tpu.memory_space<vmem>>
      %dma_wait3A_2146 = arith.constant 0 : i32
      %dma_wait3A_2147 = tpu.memref_slice %arg12[%dma_wait3A_2140, %dma_wait3A_2146] : memref<2x32xi32, #tpu.memory_space<vmem>> -> memref<1x32xi32, #tpu.memory_space<vmem>>
      %dma_wait3A_2148 = tpu.memref_squeeze %dma_wait3A_2147 : memref<1x32xi32, #tpu.memory_space<vmem>> -> memref<32xi32, #tpu.memory_space<vmem>>
      %dma_wait3A_2149 = arith.constant 0 : i32
      %dma_wait3A_2150 = arith.constant 0 : i32
      %dma_wait3A_2151 = tpu.memref_slice %arg5[%dma_wait3A_2149, %dma_wait3A_2150] : memref<20x768xf32, #tpu.memory_space<hbm>> -> memref<20x768xf32, #tpu.memory_space<hbm>>
      tpu.wait_indirect_dma semaphore(%arg21 : memref<!tpu.dma_semaphore, #tpu.memory_space<semaphore_mem>>) src(%dma_wait3A_2151 : memref<20x768xf32, #tpu.memory_space<hbm>>) dst(%dma_wait3A_2145 : memref<32x768xf32, #tpu.memory_space<vmem>>)
      %dma_start3A_2152 = arith.constant 0 : i32
      %dma_start3A_2153 = arith.constant 1 : i32
      %dma_start3A_2154 = arith.constant 0 : i32
      %dma_start3A_2155 = arith.constant 0 : i32
      %dma_start3A_2156 = tpu.memref_slice %arg14[%dma_start3A_2152, %dma_start3A_2154, %dma_start3A_2155] : memref<2x32x768xf32, #tpu.memory_space<vmem>> -> memref<1x32x768xf32, #tpu.memory_space<vmem>>
      %dma_start3A_2157 = tpu.memref_squeeze %dma_start3A_2156 : memref<1x32x768xf32, #tpu.memory_space<vmem>> -> memref<32x768xf32, #tpu.memory_space<vmem>>
      %dma_start3A_2158 = arith.constant 0 : i32
      %dma_start3A_2159 = tpu.memref_slice %arg12[%dma_start3A_2153, %dma_start3A_2158] : memref<2x32xi32, #tpu.memory_space<vmem>> -> memref<1x32xi32, #tpu.memory_space<vmem>>
      %dma_start3A_2160 = tpu.memref_squeeze %dma_start3A_2159 : memref<1x32xi32, #tpu.memory_space<vmem>> -> memref<32xi32, #tpu.memory_space<vmem>>
      %dma_start3A_2161 = arith.constant 0 : i32
      %dma_start3A_2162 = arith.constant 0 : i32
      %dma_start3A_2163 = tpu.memref_slice %arg6[%select_n3A, %dma_start3A_2161, %dma_start3A_2162] : memref<4x2068x768xf32, #tpu.memory_space<hbm>> -> memref<1x2068x768xf32, #tpu.memory_space<hbm>>
      %dma_start3A_2164 = tpu.memref_squeeze %dma_start3A_2163 : memref<1x2068x768xf32, #tpu.memory_space<hbm>> -> memref<2068x768xf32, #tpu.memory_space<hbm>>
      %dma_start3A_2165 = arith.constant 0 : i32
      %dma_start3A_2166 = arith.constant 0 : i32
      %dma_start3A_2167 = tpu.memref_slice %dma_start3A_2164[%dma_start3A_2165, %dma_start3A_2166] : memref<2068x768xf32, #tpu.memory_space<hbm>> -> memref<2068x768xf32, #tpu.memory_space<hbm>>
      tpu.enqueue_indirect_dma source(%dma_start3A_2157 : memref<32x768xf32, #tpu.memory_space<vmem>>) target(%dma_start3A_2167 : memref<2068x768xf32, #tpu.memory_space<hbm>>) offsets(%dma_start3A_2160 : memref<32xi32, #tpu.memory_space<vmem>>) semaphore(%arg21 : memref<!tpu.dma_semaphore, #tpu.memory_space<semaphore_mem>>)
      %dma_wait3A_2168 = arith.constant 0 : i32
      %dma_wait3A_2169 = arith.constant 1 : i32
      %dma_wait3A_2170 = arith.constant 0 : i32
      %dma_wait3A_2171 = arith.constant 0 : i32
      %dma_wait3A_2172 = tpu.memref_slice %arg14[%dma_wait3A_2168, %dma_wait3A_2170, %dma_wait3A_2171] : memref<2x32x768xf32, #tpu.memory_space<vmem>> -> memref<1x32x768xf32, #tpu.memory_space<vmem>>
      %dma_wait3A_2173 = tpu.memref_squeeze %dma_wait3A_2172 : memref<1x32x768xf32, #tpu.memory_space<vmem>> -> memref<32x768xf32, #tpu.memory_space<vmem>>
      %dma_wait3A_2174 = arith.constant 0 : i32
      %dma_wait3A_2175 = tpu.memref_slice %arg12[%dma_wait3A_2169, %dma_wait3A_2174] : memref<2x32xi32, #tpu.memory_space<vmem>> -> memref<1x32xi32, #tpu.memory_space<vmem>>
      %dma_wait3A_2176 = tpu.memref_squeeze %dma_wait3A_2175 : memref<1x32xi32, #tpu.memory_space<vmem>> -> memref<32xi32, #tpu.memory_space<vmem>>
      %dma_wait3A_2177 = arith.constant 0 : i32
      %dma_wait3A_2178 = arith.constant 0 : i32
      %dma_wait3A_2179 = tpu.memref_slice %arg6[%select_n3A, %dma_wait3A_2177, %dma_wait3A_2178] : memref<4x2068x768xf32, #tpu.memory_space<hbm>> -> memref<1x2068x768xf32, #tpu.memory_space<hbm>>
      %dma_wait3A_2180 = tpu.memref_squeeze %dma_wait3A_2179 : memref<1x2068x768xf32, #tpu.memory_space<hbm>> -> memref<2068x768xf32, #tpu.memory_space<hbm>>
      %dma_wait3A_2181 = arith.constant 0 : i32
      %dma_wait3A_2182 = arith.constant 0 : i32
      %dma_wait3A_2183 = tpu.memref_slice %dma_wait3A_2180[%dma_wait3A_2181, %dma_wait3A_2182] : memref<2068x768xf32, #tpu.memory_space<hbm>> -> memref<2068x768xf32, #tpu.memory_space<hbm>>
      tpu.wait_indirect_dma semaphore(%arg21 : memref<!tpu.dma_semaphore, #tpu.memory_space<semaphore_mem>>) src(%dma_wait3A_2173 : memref<32x768xf32, #tpu.memory_space<vmem>>) dst(%dma_wait3A_2183 : memref<2068x768xf32, #tpu.memory_space<hbm>>)
    } else {
    }
    return
  }
}

</mosaic_0001>

<sc_bundles>
// kernel: kernel.3.cloned.1.call-start
scs
__scs_entry_jumppad:
0x0: {  	(pc) =	sbr.rel $0x88, $3  }
0x1: {  	(tag) =	ssettag $0x0;
	lr =	simm.s32 $0x1  }
0x2: {  	[smem:$0x3F9D] =	sst lr;
	_ =	strace $0xD0000000  }
0x3: {  	_ = 	snop  }
0x4: {  	_ = 	snop  }
0x5: {  	_ = 	snop  }
0x6: {  	_ = 	snop  }
0x7: {  	_ = 	snop  }
__scs_overlays_trampoline_lowered:
0x8: {  	[smem:$0x3FAC] =	sst s0  }
0x9: {  	[smem:$0x3FAD] =	sst s1  }
0xa: {  	[smem:$0x3FAE] =	sst s2  }
0xb: {  	[smem:$0x3FAF] =	sst s3  }
0xc: {  	[smem:$0x3FB0] =	sst s4  }
0xd: {  	[smem:$0x3FB1] =	sst s5  }
0xe: {  	[smem:$0x3FB2] =	sst s6  }
0xf: {  	[smem:$0x3FB3] =	sst s7  }
0x10: {  	[smem:$0x3FB4] =	sst s8  }
0x11: {  	[smem:$0x3FB5] =	sst s9;
	s0 =	simm.s32 @!p0 $0x0  }
0x12: {  	s1 =	sld [smem:$0x3F9B];
	s0 =	simm.s32 @p0 $0x1  }
0x13: {  	[smem:$0x3FB6] =	sst s0;
	s0 =	simm.s32 @!p1 $0x0  }
0x14: {  	s2 =	sld [smem:$0x3F9A];
	s0 =	simm.s32 @p1 $0x1  }
0x15: {  	[smem:$0x3FB7] =	sst s0;
	s0 =	simm.s32 @!p2 $0x0  }
0x16: {  	s3 =	sld [smem:$0x3FDB];
	s0 =	simm.s32 @p2 $0x1  }
0x17: {  	s4 =	simm.s32 $0x1BF5;
	[smem:$0x3FB9] =	sst s0  }
0x18: {  	s0 =	sld [smem:$0x3F9C];
	_ =	swait.ge [sflag:s4], $0x0  }
0x19: {  	s7 =	sld [smem:$0x3F9D]  }
0x1a: {  	s8 =	sadd.s32 $0xFFFFE003, lr  }
0x1b: {  	s9 =	sadd.s32 $0xFFFFFEF7, lr;
	s5 =	simm.s32 $0xFFFFFFFF;
	p2 =	slt.u32 s8, $0xFFFFF086  }
0x1c: {  	p1 =	slt.u32 s9, $0xF7A;
	s5 =	simm.s32 @!p2 $0x0  }
0x1d: {  	s5 =	simm.s32 @p1 $0x1;
	p0 =	seq.s32 s7, s2  }
0x1e: {  	s7 =	smul.u32 @!p0 $0xF7A, s2;
	p2 =	seq.s32 @!p0 s5, $0x0  }
0x1f: {  	s9 =	smul.u32 $0xF7A, s1;
	s8 =	simm.s32 @!p0 $0x1BF5;
	p2 =	por !p2, p0  }
0x20: {  	[sflag:s8] =	ssyncset.s32 @!p0 $0xFFFFF086;
	s6 =	sadd.s32 @!p0 s3, s7;
	s7 =	simm.s32 @!p0 $0x108  }
0x21: {  	s3 =	sadd.s32 s3, s9;
	s6 =	sadd.s32 @!p0 $0x88, s6;
	s7 =	simm.s32 @p2 $0x1082  }
0x22: {  	[simem:s7], [sflag:s8] =	dma.local @!p0 [hbm:s6], $0xF7A  }
0x23: {  	s9 =	sor.u32 $0xD0000000, s2;
	s6 =	simm.s32 $0x108;
	_ =	swait.ge @!p0 [sflag:s8], $0x0  }
0x24: {  	s3 =	sadd.s32 $0x88, s3;
	s6 =	simm.s32 @!p1 $0x1082;
	[sflag:s4] =	ssyncset.s32 $0xFFFFF086  }
0x25: {  	[simem:s6], [sflag:s4] =	dma.local [hbm:s3], $0xF7A  }
0x26: {  	[smem:$0x3F9D] =	sst s1;
	(tag) =	ssettag s2;
	_ =	strace s9  }
0x27: {  	s1 =	sld [smem:$0x3FAD]  }
0x28: {  	s2 =	sld [smem:$0x3FAE]  }
0x29: {  	s4 =	sld [smem:$0x3FB0]  }
0x2a: {  	p0 =	seq.s32 s5, $0x0;
	s5 =	sld [smem:$0x3FB1]  }
0x2b: {  	s6 =	sld [smem:$0x3FB2]  }
0x2c: {  	s7 =	sld [smem:$0x3FB3]  }
0x2d: {  	s3 =	simm.s32 $0x108;
	s8 =	sld [smem:$0x3FB4]  }
0x2e: {  	s3 =	simm.s32 @!p0 $0x1082;
	s9 =	sld [smem:$0x3FB5]  }
0x2f: {  	lr =	sadd.s32 s0, s3;
	s0 =	sld [smem:$0x3FAC]  }
0x30: {  	s3 =	sld [smem:$0x3FAF]  }
0x31: {  	[smem:$0x3FB8] =	sst s10  }
0x32: {  	s10 =	sld [smem:$0x3FB6];
	_ =	sdelay $0x3  }
0x33: {  	p0 =	seq.s32 s10, $0x1;
	s10 =	sld [smem:$0x3FB8];
	_ =	sdelay $0x3  }
0x34: {  	[smem:$0x3FB8] =	sst s10  }
0x35: {  	s10 =	sld [smem:$0x3FB7];
	_ =	sdelay $0x3  }
0x36: {  	p1 =	seq.s32 s10, $0x1;
	s10 =	sld [smem:$0x3FB8];
	_ =	sdelay $0x3  }
0x37: {  	[smem:$0x3FB8] =	sst s10  }
0x38: {  	s10 =	sld [smem:$0x3FB9]  }
0x39: {  	_ = 	snop;
	(pc) =	sbr.ind lr, $3  }
0x3a: {  	_ = 	snop  }
0x3b: {  	_ = 	snop  }
0x3c: {  	p2 =	seq.s32 s10, $0x1;
	s10 =	sld [smem:$0x3FB8]  }
0x3d: {  	_ =	shalt  }
0x3e: {  	_ =	shalt  }
0x3f: {  	_ =	shalt  }
0x40: {  	_ =	shalt  }
0x41: {  	_ =	shalt  }
0x42: {  	_ =	shalt  }
0x43: {  	_ =	shalt  }
0x44: {  	_ =	shalt  }
0x45: {  	_ =	shalt  }
0x46: {  	_ =	shalt  }
0x47: {  	_ =	shalt  }
0x48: {  	_ =	shalt  }
0x49: {  	_ =	shalt  }
0x4a: {  	_ =	shalt  }
0x4b: {  	_ =	shalt  }
0x4c: {  	_ =	shalt  }
0x4d: {  	_ =	shalt  }
0x4e: {  	_ =	shalt  }
0x4f: {  	_ =	shalt  }
0x50: {  	_ =	shalt  }
0x51: {  	_ =	shalt  }
0x52: {  	_ =	shalt  }
0x53: {  	_ =	shalt  }
0x54: {  	_ =	shalt  }
0x55: {  	_ =	shalt  }
0x56: {  	_ =	shalt  }
0x57: {  	_ =	shalt  }
0x58: {  	_ =	shalt  }
0x59: {  	_ =	shalt  }
0x5a: {  	_ =	shalt  }
0x5b: {  	_ =	shalt  }
0x5c: {  	_ =	shalt  }
0x5d: {  	_ =	shalt  }
0x5e: {  	_ =	shalt  }
0x5f: {  	_ =	shalt  }
0x60: {  	_ =	shalt  }
0x61: {  	_ =	shalt  }
0x62: {  	_ =	shalt  }
0x63: {  	_ =	shalt  }
0x64: {  	_ =	shalt  }
0x65: {  	_ =	shalt  }
0x66: {  	_ =	shalt  }
0x67: {  	_ =	shalt  }
0x68: {  	_ =	shalt  }
0x69: {  	_ =	shalt  }
0x6a: {  	_ =	shalt  }
0x6b: {  	_ =	shalt  }
0x6c: {  	_ =	shalt  }
0x6d: {  	_ =	shalt  }
0x6e: {  	_ =	shalt  }
0x6f: {  	_ =	shalt  }
0x70: {  	_ =	shalt  }
0x71: {  	_ =	shalt  }
0x72: {  	_ =	shalt  }
0x73: {  	_ =	shalt  }
0x74: {  	_ =	shalt  }
0x75: {  	_ =	shalt  }
0x76: {  	_ =	shalt  }
0x77: {  	_ =	shalt  }
0x78: {  	_ =	shalt  }
0x79: {  	_ =	shalt  }
0x7a: {  	_ =	shalt  }
0x7b: {  	_ =	shalt  }
0x7c: {  	_ =	shalt  }
0x7d: {  	_ =	shalt  }
0x7e: {  	_ =	shalt  }
0x7f: {  	_ =	shalt  }
0x80: {  	_ =	shalt  }
0x81: {  	_ =	shalt  }
0x82: {  	_ =	shalt  }
0x83: {  	_ =	shalt  }
0x84: {  	_ =	shalt  }
0x85: {  	_ =	shalt  }
0x86: {  	_ =	shalt  }
0x87: {  	_ =	shalt  }
.Lfunc_end0:
.L_simem_size_0:
called_computation_lowered:
.L_overlay_start_0:
0x88: {  	s2 =	sld [smem:$0x3FD9]  }
0x89: {  	s3 =	sld [smem:$0x3FFE];
	_ =	sdelay $0x1  }
0x8a: {  	s1 =	srdreg.scid  }
0x8b: {  	s0 =	sand.u32 $0x1, s1  }
0x8c: {  	s17 =	sshll.u32 s0, $0xA;
	s2 =	sadd.s32 s3, s2  }
0x8d: {  	s2 =	sadd.s32 s2, s17  }
0x8e: {  	[smem:$0x3FC4] =	sst s2  }
0x8f: {  	_ = 	snop  }
0x90: {  	s2 =	sld [smem:$0x3FC8]  }
0x91: {  	s18 =	sld [smem:$0x3FC7]  }
0x92: {  	s4 =	sld [smem:$0x3FC6]  }
0x93: {  	s5 =	sld [smem:$0x3FD0];
	(tm) =	ssettm $0x1  }
0x94: {  	s6 =	sld [smem:$0x3FFB];
	_ =	sdelay $0x3  }
0x95: {  	_ =	strace s6  }
0x96: {  	s6 =	sld [smem:$0x3FFC];
	_ =	sdelay $0x3  }
0x97: {  	_ =	strace s6  }
0x98: {  	s6 =	sld [smem:$0x3FFD];
	_ =	sdelay $0x3  }
0x99: {  	_ =	strace s6  }
0x9a: {  	_ =	strace $0x8FFFFFFF  }
0x9b: {  	s19 =	sld [smem:$0x3FDB];
	_ =	sdelay $0x1  }
0x9c: {  	s7 =	simm.s32 $_scs_section_size  }
0x9d: {  	s8 =	simm.s32 $_size__tile_overlayer_lowered;
	s9 =	simm.s32 $_tile_overlayer_lowered  }
0x9e: {  	s22 =	simm.s32 $0x1BFF;
	s21 =	sshll.u32 s9, $0x1;
	s6 =	sadd.s32 s7, s19  }
0x9f: {  	s10 =	simm.s32 $0x0;
	s20 =	sshll.u32 s8, $0x1;
	s8 =	sadd.s32 s21, s6  }
0xa0: {  	[timem:s10], [sflag:s22] =	dma.local [hbm:s8], s20  }
0xa1: {  	_ =	swait.ge [sflag:s22], s20  }
0xa2: {  	s7 =	ssub.s32 $0x0, s20;
	[sflag:s22] =	ssyncset.done $0x0  }
0xa3: {  	[sflag:s22] =	ssyncadd.s32 s7;
	_ =	sdelay $0x1  }
0xa4: {  	s23 =	simm.s32 $0x1B8B  }
0xa5: {  	_ =	swait.ge [sflag:s23], $0x1  }
0xa6: {  	[sflag:s23] =	ssyncset.done $0x0  }
0xa7: {  	s25 =	simm.s32 $0x1B8E;
	s24 =	sld [smem:$0x3FFE];
	[sflag:s23] =	ssyncadd.s32 $0xFFFFFFFF  }
0xa8: {  	s26 =	simm.s32 $execute0_lowered;
	[smem:$0x3FD2] =	sst s25  }
0xa9: {  	s8 =	sshll.u32 s26, $0x1;
	_ =	strace $0x80000046;
	[dreg:$0x1] =	wrdreg $0xFFFFFFFF  }
0xaa: {  	s28 =	simm.s32 $_size_execute0_lowered;
	s6 =	sadd.s32 s6, s8;
	[dreg:$0x0] =	wrdreg $0x0  }
0xab: {  	s8 =	sshll.u32 s28, $0x1;
	[dreg:$0x2] =	wrdreg s6  }
0xac: {  	[dreg:$0x3] =	wrdreg s8  }
0xad: {  	[dreg:$0x4] =	wrdreg $0xC0  }
0xae: {  	_ =	task [dreg:s10], $0x5FFFF  }
0xaf: {  	[dreg:$0x1] =	wrdreg $0xFFFFFFFF  }
0xb0: {  	[dreg:$0x0] =	wrdreg $0x60  }
0xb1: {  	[dreg:$0x2] =	wrdreg s5  }
0xb2: {  	[dreg:$0x3] =	wrdreg s2  }
0xb3: {  	[dreg:$0x4] =	wrdreg s18  }
0xb4: {  	[dreg:$0x5] =	wrdreg s4  }
0xb5: {  	[dreg:$0x6] =	wrdreg s24  }
0xb6: {  	[dreg:$0x7] =	wrdreg $0x9  }
0xb7: {  	_ =	task.clear_ibuf [dreg:s10], $0x8FFFF;
	_ =	strace $0x90000046  }
0xb8: {  	s29 =	simm.s32 $0x9;
	_ =	strace $0x80000048  }
0xb9: {  	_ =	swait.ge [sflag:s29], $0x1  }
0xba: {  	[sflag:s29] =	ssyncadd.s32 $0xFFFFFFFF  }
0xbb: {  	_ =	strace $0x90000048  }
0xbc: {  	_ =	sfence  }
0xbd: {  	s30 =	sld [smem:$0x0];
	_ =	sdelay $0x2  }
0xbe: {  	s31 =	sshll.u32 s1, $0xD;
	s1 =	sshrl.u32 s1, $0x2  }
0xbf: {  	s3 =	sand.u32 $0x4000, s31;
	s1 =	sadd.s32 s1, s30  }
0xc0: {  	s0 =	sor.u32 s3, s0;
	s1 =	sshll.u32 s1, $0x11  }
0xc1: {  	s0 =	sor.u32 s1, s0  }
0xc2: {  	s0 =	sadd.s32 $0x8F2B, s0  }
0xc3: {  	[sflag:s0] =	ssyncadd.remote.s32 $0x1  }
0xc4: {  	_ =	sfence.sel $0xFFFF  }
0xc5: {  	[dreg:$0x0] =	wrdreg $0xFFFFFFFF;
	(pc) =	sbr.abs _section_cstart, $3  }
0xc6: {  	[dreg:$0x1] =	wrdreg $0xFFFFFFFF  }
0xc7: {  	_ =	task.clear_ibuf [dreg:s10], $0x2FFFF;
	_ =	strace $0x9FFFFFFF  }
0xc8: {  	(tm) =	ssettm $0x7FFFFFFF  }
0xc9: {  	_ =	shalt  }
tec
execute0_lowered:
.L_overlay_start_1:
0x0: {  	(tag) =	ssettag $0x1  }
0x1: {  	v0 =	vlaneseq.u32;
	v32 =	vimm.s32 $0x6543A987  }
0x2: {  	v34 =	vimm.s32 $0x2010090;
	v63 =	vimm.s32 $0xE0D0C0B;
	vm0 =	vcmask $0x2F10  }
0x3: {  	v48 =	vimm.s32 $0x33323130;
	v49 =	vimm.s32 $0x76543210;
	v50 =	vimm.s32 $0x37363534  }
0x4: {  	v51 =	vimm.s32 $0x13121110;
	vm1 =	vcmask $0x1F10;
	v1 =	vor.u32 $0x20, v0  }
0x5: {  	v31 =	vor.u32 $0x10, v0;
	v36 =	vunpack.c.l.s4.s8 v32;
	v32 =	vor.u32 $0x30, v0  }
0x6: {  	s7 =	rddreg [dreg:$0x0];
	v33 =	vor.u32 $0x40, v0;
	v37 =	vunpack.c.0.s8.s32 v34;
	v34 =	vor.u32 $0x50, v0  }
0x7: {  	s0 =	srdreg.scid;
	s18 =	rddreg [dreg:$0x2];
	v35 =	vor.u32 $0x60, v0;
	v40 =	vunpack.c.0.s8.s32 v63;
	v41 =	vadd.s32 $0x1F, v0  }
0x8: {  	s2 =	stileid.u32;
	s25 =	rddreg [dreg:$0x3];
	v42 =	vadd.s32 $0x2F, v0;
	v43 =	vadd.s32 $0x3F, v0;
	v44 =	vadd.s32 $0x4F, v0  }
0x9: {  	s5 =	simm.s32 $0x1;
	s8 =	rddreg [dreg:$0x4];
	s0 =	sand.u32 $0x1, s0;
	v45 =	vadd.s32 $0x5F, v0;
	v46 =	vand.u32 $0x7, v0;
	v47 =	vshrl.u32 v0, $0x3  }
0xa: {  	s3 =	sand.u32 $0x7, s2;
	s30 =	sadd.s32 $0x100, s25;
	s31 =	sadd.s32 $0x200, s25;
	v49 =	vunpack.c.l.s4.s8 v49;
	v48 =	vunpack.c.0.s8.s32 v48;
	v50 =	vunpack.c.0.s8.s32 v50  }
0xb: {  	v51 =	vunpack.c.0.s8.s32 v51;
	s1 =	sshll.u32 s0, $0x4;
	p0 =	sne.s32 s3, $0x0;
	s0 =	ssub.s32 $0x2, s0;
	v47 =	vmul.u32 $0x8, v47;
	v38 =	vunpack.c.0.s8.s32 v36  }
0xc: {  	s3 =	sshll.u32 s3, $0x8;
	s4 =	sor.u32 s2, s1;
	s1 =	rddreg [dreg:$0x1];
	v39 =	vand.u32 $0xFF, v37;
	v37 =	vor.u32 $0x70, v0;
	v52 =	vunpack.c.0.s8.s32 v49  }
0xd: {  	s10 =	sshrl.u32 s0, $0x1;
	s11 =	sor.u32 $0x14, s3;
	s19 =	sor.u32 $0x24, s3;
	v50 =	vsel vm1, v50, v48;
	vm1 =	vcmask $0xF00;
	v48 =	vor.u32 $0x8, v0  }
0xe: {  	s13 =	sor.u32 $0x34, s3;
	s14 =	sor.u32 $0x44, s3;
	s17 =	sor.u32 $0x54, s3;
	v2 =	vadd.s32 s11, v0;
	v3 =	vadd.s32 s11, v1;
	v4 =	vadd.s32 s19, v0  }
0xf: {  	s28 =	sor.u32 $0x64, s3;
	s12 =	sor.u32 $0x74, s3;
	s16 =	sor.u32 $0x84, s3;
	v5 =	vadd.s32 s19, v1;
	v6 =	vadd.s32 s13, v0;
	v7 =	vadd.s32 s13, v1  }
0x10: {  	s15 =	sor.u32 $0x94, s3;
	s21 =	sor.u32 $0xA4, s3;
	p1 =	seq.s32 s4, $0x0;
	v8 =	vadd.s32 s14, v0;
	v9 =	vadd.s32 s14, v1;
	v10 =	vadd.s32 s17, v0  }
0x11: {  	s22 =	sor.u32 $0xB4, s3;
	s23 =	sor.u32 $0xC4, s3;
	v11 =	vadd.s32 s17, v1;
	v12 =	vadd.s32 s28, v0;
	v13 =	vadd.s32 s28, v1;
	p1 =	por !p0, !p1  }
0x12: {  	s24 =	sor.u32 $0xD4, s3;
	s29 =	sor.u32 $0xE4, s3;
	v14 =	vadd.s32 s12, v0;
	v15 =	vadd.s32 s12, v1;
	v16 =	vadd.s32 s16, v0;
	p1 =	por !p1, !p1  }
0x13: {  	s26 =	sor.u32 $0xF4, s3;
	s6 =	sshrl.u32 s4, $0x3;
	v17 =	vadd.s32 s16, v1;
	v18 =	vadd.s32 s15, v0;
	v19 =	vadd.s32 s15, v1;
	s5 =	simm.s32 @!p1 $0x0  }
0x14: {  	s20 =	sadd.s32 $0x104, s3;
	s0 =	ssub.s32 s0, s10;
	v20 =	vadd.s32 s21, v0;
	v21 =	vadd.s32 s21, v1;
	v22 =	vadd.s32 s22, v0;
	s6 =	ssub.s32 s6, s5  }
0x15: {  	s4 =	sshll.u32 s4, $0x5;
	s10 =	sadd.s32 $0x200, s1;
	v23 =	vadd.s32 s22, v1;
	v24 =	vadd.s32 s23, v0;
	v25 =	vadd.s32 s23, v1;
	s6 =	smul.u32 $0x184800, s6  }
.Ltmp0:
0x16: {  	s11 =	sadd.s32 $0x100, s18;
	v26 =	vadd.s32 s24, v0;
	v27 =	vadd.s32 s24, v1;
	v28 =	vadd.s32 s29, v0;
	s5 =	simm.s32 $0x0;
	(pc) =	sbr.rel .LBB2_1-.Ltmp0, $4  }
0x17: {  	s13 =	sadd.s32 $0x200, s18;
	v29 =	vadd.s32 s29, v1;
	v30 =	vadd.s32 s26, v0;
	v36 =	vadd.s32 s20, v0;
	s4 =	sadd.s32 s7, s4;
	[smem:$0x7FF] =	sst s5  }
0x18: {  	v49 =	vnsel vm1, $0x13, v51;
	v38 =	vand.u32 $0xF, v38;
	v50 =	vcombine.low v52, v50;
	_ =	strace $0x80000047;
	[dreg:$0x8] =	wrdreg s4;
	s9 =	sshrl.u32 s6, $0x3  }
0x19: {  	s3 =	smax.u32 s0, $0x1;
	v39 =	vsel vm0, v38, v39;
	vm0 =	vcmask $0x3F30;
	v38 =	vor.u32 $0x80, v0;
	[dreg:$0x6] =	wrdreg s30;
	s9 =	sadd.s32 s9, s8  }
0x1a: {  	v39 =	vsel vm0, v40, v39;
	v40 =	vadd.s32 $0xF, v0;
	vm0 =	vmmov $0xffff;
	[dreg:$0x7] =	wrdreg s31;
	s8 =	sadd.s32 $0x100, s1;
	s9 =	sadd.s32 $0x400, s9  }
.LBB2_3:
0x1b: {  	s0 =	rddreg [dreg:$0x9]  }
0x1c: {  	s3 =	sadd.s32 $0xFFFFFFFF, s0  }
0x1d: {  	p1 =	sne.s32 s3, $0x0  }
.Ltmp1:
0x1e: {  	_ = 	snop;
	(pc) =	sbr.rel @!p1 .LBB2_4-.Ltmp1, $1  }
0x1f: {  	_ =	sdelay $0x3  }
.LBB2_1:
0x20: {  	[dreg:$0x9] =	wrdreg s3  }
0x21: {  	s22 =	rddreg [dreg:$0x8];
	s23 =	simm.s32 $0x9  }
0x22: {  	[tilespmem:s5], [sflag:$0x9] =	stream.linear.gather [hbm4b:s22+s5], $0x100, $0x38;
	[tilespmem:$0x1F200] =	vst v63  }
0x23: {  	_ =	swait.ge [sflag:s23], $0x100  }
0x24: {  	[sflag:s23] =	ssyncset.done $0x0  }
0x25: {  	[sflag:s23] =	ssyncadd.s32 $0xFFFFFF00  }
0x26: {  	v51 =	vld [tilespmem:$0x0];
	_ =	sdelay $0x3  }
0x27: {  	v52 =	vld [tilespmem:$0x10]  }
0x28: {  	vm1 =	vlt.s32 v51, $0x186A0  }
0x29: {  	v53 =	vsel vm1, v51, v0  }
0x2a: {  	v57 =	vsel vm1, v2, v3;
	[tilespmem:$0x100] =	vst v53  }
0x2b: {  	v58 =	vld [tilespmem:$0x20];
	v51 =	vadd.s32 $0xFFFE7961, v51;
	v59 =	vsel vm1, v3, v2;
	[tilespmem:$0x900] =	vst v57  }
0x2c: {  	v51 =	vsel vm1, v0, v51;
	vm1 =	vlt.s32 v52, $0x186A0;
	[tilespmem:$0xD00] =	vst v59  }
0x2d: {  	[tilespmem:$0x500] =	vst v51;
	v60 =	vsel vm1, v52, v31  }
0x2e: {  	v62 =	vsel vm1, v4, v5;
	[tilespmem:$0x110] =	vst v60  }
0x2f: {  	v63 =	vld [tilespmem:$0x30];
	v52 =	vadd.s32 $0xFFFE7961, v52;
	v55 =	vsel vm1, v5, v4;
	[tilespmem:$0x910] =	vst v62  }
0x30: {  	v61 =	vsel vm1, v31, v52;
	vm1 =	vlt.s32 v58, $0x186A0;
	[tilespmem:$0xD10] =	vst v55  }
0x31: {  	v53 =	vadd.s32 $0xFFFE7961, v58;
	[tilespmem:$0x510] =	vst v61;
	v56 =	vsel vm1, v58, v1  }
0x32: {  	v57 =	vsel vm1, v1, v53;
	[tilespmem:$0x180] =	vst v56  }
0x33: {  	v59 =	vld [tilespmem:$0x40];
	v58 =	vsel vm1, v6, v7;
	[tilespmem:$0x580] =	vst v57  }
0x34: {  	v60 =	vsel vm1, v7, v6;
	vm1 =	vlt.s32 v63, $0x186A0;
	[tilespmem:$0x980] =	vst v58  }
0x35: {  	v52 =	vadd.s32 $0xFFFE7961, v63;
	[tilespmem:$0xD80] =	vst v60;
	v61 =	vsel vm1, v63, v32  }
0x36: {  	v62 =	vsel vm1, v32, v52;
	[tilespmem:$0x190] =	vst v61  }
0x37: {  	v63 =	vsel vm1, v8, v9;
	v56 =	vld [tilespmem:$0x50];
	[tilespmem:$0x590] =	vst v62  }
0x38: {  	v57 =	vsel vm1, v9, v8;
	[tilespmem:$0x990] =	vst v63;
	vm1 =	vlt.s32 v59, $0x186A0  }
0x39: {  	[tilespmem:$0xD90] =	vst v57;
	v53 =	vadd.s32 $0xFFFE7961, v59;
	v58 =	vsel vm1, v59, v33  }
0x3a: {  	v59 =	vsel vm1, v33, v53;
	[tilespmem:$0x200] =	vst v58  }
0x3b: {  	v61 =	vld [tilespmem:$0x60];
	v60 =	vsel vm1, v10, v11;
	[tilespmem:$0x600] =	vst v59  }
0x3c: {  	v62 =	vsel vm1, v11, v10;
	[tilespmem:$0xA00] =	vst v60;
	vm1 =	vlt.s32 v56, $0x186A0  }
0x3d: {  	[tilespmem:$0xE00] =	vst v62;
	v52 =	vadd.s32 $0xFFFE7961, v56;
	v63 =	vsel vm1, v56, v34  }
0x3e: {  	v56 =	vsel vm1, v34, v52;
	[tilespmem:$0x210] =	vst v63  }
0x3f: {  	v58 =	vld [tilespmem:$0x70];
	v57 =	vsel vm1, v12, v13;
	[tilespmem:$0x610] =	vst v56  }
0x40: {  	v59 =	vsel vm1, v13, v12;
	vm1 =	vlt.s32 v61, $0x186A0;
	[tilespmem:$0xA10] =	vst v57  }
0x41: {  	v53 =	vadd.s32 $0xFFFE7961, v61;
	[tilespmem:$0xE10] =	vst v59;
	v60 =	vsel vm1, v61, v35  }
0x42: {  	v61 =	vsel vm1, v35, v53;
	[tilespmem:$0x280] =	vst v60  }
0x43: {  	v62 =	vsel vm1, v14, v15;
	v63 =	vld [tilespmem:$0x80];
	[tilespmem:$0x680] =	vst v61  }
0x44: {  	v55 =	vsel vm1, v15, v14;
	[tilespmem:$0xA80] =	vst v62;
	vm1 =	vlt.s32 v58, $0x186A0  }
0x45: {  	[tilespmem:$0xE80] =	vst v55;
	v52 =	vadd.s32 $0xFFFE7961, v58;
	v56 =	vsel vm1, v58, v37  }
0x46: {  	v57 =	vsel vm1, v37, v52;
	[tilespmem:$0x290] =	vst v56  }
0x47: {  	v59 =	vld [tilespmem:$0x90];
	v58 =	vsel vm1, v16, v17;
	[tilespmem:$0x690] =	vst v57  }
0x48: {  	v60 =	vsel vm1, v17, v16;
	[tilespmem:$0xA90] =	vst v58;
	vm1 =	vlt.s32 v63, $0x186A0  }
0x49: {  	[tilespmem:$0xE90] =	vst v60;
	v53 =	vadd.s32 $0xFFFE7961, v63;
	v61 =	vsel vm1, v63, v38  }
0x4a: {  	v62 =	vsel vm1, v38, v53;
	[tilespmem:$0x300] =	vst v61  }
0x4b: {  	v56 =	vld [tilespmem:$0xA0];
	v63 =	vsel vm1, v18, v19;
	[tilespmem:$0x700] =	vst v62  }
0x4c: {  	v57 =	vsel vm1, v19, v18;
	vm1 =	vlt.s32 v59, $0x186A0;
	[tilespmem:$0xB00] =	vst v63  }
0x4d: {  	v52 =	vadd.s32 $0xFFFE7961, v59;
	[tilespmem:$0xF00] =	vst v57;
	v58 =	vsel vm1, v59, v39  }
0x4e: {  	v59 =	vsel vm1, v39, v52;
	[tilespmem:$0x310] =	vst v58  }
0x4f: {  	v60 =	vsel vm1, v20, v21;
	v61 =	vld [tilespmem:$0xB0];
	[tilespmem:$0x710] =	vst v59  }
0x50: {  	v62 =	vsel vm1, v21, v20;
	[tilespmem:$0xB10] =	vst v60;
	vm1 =	vlt.s32 v56, $0x186A0  }
0x51: {  	[tilespmem:$0xF10] =	vst v62;
	v53 =	vadd.s32 $0xFFFE7961, v56;
	v63 =	vsel vm1, v56, v40  }
0x52: {  	v56 =	vsel vm1, v40, v53;
	[tilespmem:$0x380] =	vst v63  }
0x53: {  	v58 =	vld [tilespmem:$0xC0];
	v57 =	vsel vm1, v22, v23;
	[tilespmem:$0x780] =	vst v56  }
0x54: {  	v59 =	vsel vm1, v23, v22;
	[tilespmem:$0xB80] =	vst v57;
	vm1 =	vlt.s32 v61, $0x186A0  }
0x55: {  	[tilespmem:$0xF80] =	vst v59;
	v52 =	vadd.s32 $0xFFFE7961, v61;
	v60 =	vsel vm1, v61, v41  }
0x56: {  	v61 =	vsel vm1, v41, v52;
	[tilespmem:$0x390] =	vst v60  }
0x57: {  	v63 =	vld [tilespmem:$0xD0];
	v62 =	vsel vm1, v24, v25;
	[tilespmem:$0x790] =	vst v61  }
0x58: {  	v56 =	vsel vm1, v25, v24;
	vm1 =	vlt.s32 v58, $0x186A0;
	[tilespmem:$0xB90] =	vst v62  }
0x59: {  	v53 =	vadd.s32 $0xFFFE7961, v58;
	[tilespmem:$0xF90] =	vst v56;
	v57 =	vsel vm1, v58, v42  }
0x5a: {  	v58 =	vsel vm1, v42, v53;
	v53 =	vld [tilespmem:$0x100];
	[tilespmem:$0x400] =	vst v57  }
0x5b: {  	v54 =	vld [tilespmem:$0xE0];
	v59 =	vsel vm1, v26, v27;
	[tilespmem:$0x800] =	vst v58  }
0x5c: {  	v60 =	vsel vm1, v27, v26;
	[tilespmem:$0xC00] =	vst v59;
	vm1 =	vlt.s32 v63, $0x186A0  }
0x5d: {  	[tilespmem:$0x1000] =	vst v60;
	v52 =	vadd.s32 $0xFFFE7961, v63;
	v61 =	vsel vm1, v63, v43  }
0x5e: {  	v62 =	vsel vm1, v43, v52;
	[tilespmem:$0x410] =	vst v61  }
0x5f: {  	v63 =	vsel vm1, v28, v29;
	v52 =	vld [tilespmem:$0xF0];
	[tilespmem:$0x810] =	vst v62;
	v55 =	vshrl.u32 v53, $0x3  }
0x60: {  	v57 =	vsel vm1, v29, v28;
	vm1 =	vlt.s32 v54, $0x186A0;
	[tilespmem:$0xC10] =	vst v63;
	v55 =	vmul.u32 $0x30, v55  }
0x61: {  	[tilespmem:$0x1010] =	vst v57;
	v58 =	vsel vm1, v54, v44;
	v53 =	vand.u32 $0x7, v53  }
0x62: {  	v60 =	vsel vm1, v30, v0;
	[tilespmem:$0x480] =	vst v58;
	v53 =	vor.u32 v53, v55  }
0x63: {  	v54 =	vadd.s32 $0xFFFE7961, v54;
	v62 =	vsel vm1, v0, v30;
	[tilespmem:$0xC80] =	vst v60;
	v61 =	vperm.xlane v53, v46  }
0x64: {  	v59 =	vsel vm1, v44, v54;
	[tilespmem:$0x1080] =	vst v62;
	vm1 =	vlt.s32 v52, $0x186A0  }
0x65: {  	[tilespmem:$0x880] =	vst v59;
	v63 =	vsel vm1, v52, v45;
	v54 =	vadd.s32 v47, v61  }
0x66: {  	v56 =	vsel vm1, v36, v0;
	[tilespmem:$0x490] =	vst v63  }
0x67: {  	v52 =	vadd.s32 $0xFFFE7961, v52;
	v57 =	vsel vm1, v0, v36;
	[tilespmem:$0xC90] =	vst v56  }
0x68: {  	v55 =	vsel vm1, v45, v52;
	[tilespmem:$0x1090] =	vst v57  }
0x69: {  	s0 =	simm.s32 $0x1200;
	s2 =	rddreg [dreg:$0x1];
	v58 =	vperm.xlane v53, v48;
	[tilespmem:$0x890] =	vst v55  }
0x6a: {  	[tilespmem:s0], [sflag:$0x1] =	stream.indirect_vreg.gather [hbm4b:s2+s5], $0x80, v54, vm0, $0xb8;
	[tilespmem:$0x1F200] =	vst v63  }
0x6b: {  	s24 =	simm.s32 $0x1A00;
	v51 =	vadd.s32 v47, v58  }
0x6c: {  	[tilespmem:s24], [sflag:$0x1] =	stream.indirect_vreg.gather [hbm4b:s8+s5], $0x80, v54, vm0, $0xb8;
	[tilespmem:$0x1F200] =	vst v63  }
0x6d: {  	s25 =	simm.s32 $0x2200  }
0x6e: {  	[tilespmem:s25], [sflag:$0x1] =	stream.indirect_vreg.gather [hbm4b:s10+s5], $0x80, v54, vm0, $0xb8;
	[tilespmem:$0x1F200] =	vst v63  }
0x6f: {  	s26 =	simm.s32 $0x2A00  }
0x70: {  	[tilespmem:s26], [sflag:$0x1] =	stream.indirect_vreg.gather [hbm4b:s2+s5], $0x80, v51, vm0, $0xb8;
	[tilespmem:$0x1F200] =	vst v63  }
0x71: {  	s28 =	simm.s32 $0x3200  }
0x72: {  	[tilespmem:s28], [sflag:$0x1] =	stream.indirect_vreg.gather [hbm4b:s8+s5], $0x80, v51, vm0, $0xb8;
	[tilespmem:$0x1F200] =	vst v63  }
0x73: {  	s29 =	simm.s32 $0x3A00  }
0x74: {  	[tilespmem:s29], [sflag:$0x1] =	stream.indirect_vreg.gather [hbm4b:s10+s5], $0x80, v51, vm0, $0xb8;
	[tilespmem:$0x1F200] =	vst v63  }
0x75: {  	v51 =	vld [tilespmem:$0x110];
	_ =	sdelay $0x4  }
0x76: {  	v59 =	vshrl.u32 v51, $0x3  }
0x77: {  	v52 =	vmul.u32 $0x30, v59  }
0x78: {  	v51 =	vand.u32 $0x7, v51  }
0x79: {  	v51 =	vor.u32 v51, v52  }
0x7a: {  	v52 =	vperm.xlane v51, v46;
	_ =	sdelay $0x1  }
0x7b: {  	v52 =	vadd.s32 v47, v52;
	_ =	sdelay $0x3  }
0x7c: {  	s30 =	simm.s32 $0x4200;
	v51 =	vperm.xlane v51, v48  }
0x7d: {  	[tilespmem:s30], [sflag:$0x1] =	stream.indirect_vreg.gather [hbm4b:s2+s5], $0x80, v52, vm0, $0xb8;
	[tilespmem:$0x1F200] =	vst v63  }
0x7e: {  	s31 =	simm.s32 $0x4A00;
	v51 =	vadd.s32 v47, v51  }
0x7f: {  	[tilespmem:s31], [sflag:$0x1] =	stream.indirect_vreg.gather [hbm4b:s8+s5], $0x80, v52, vm0, $0xb8;
	[tilespmem:$0x1F200] =	vst v63  }
0x80: {  	s1 =	simm.s32 $0x5200  }
0x81: {  	[tilespmem:s1], [sflag:$0x1] =	stream.indirect_vreg.gather [hbm4b:s10+s5], $0x80, v52, vm0, $0xb8;
	[tilespmem:$0x1F200] =	vst v63  }
0x82: {  	s3 =	simm.s32 $0x5A00  }
0x83: {  	[tilespmem:s3], [sflag:$0x1] =	stream.indirect_vreg.gather [hbm4b:s2+s5], $0x80, v51, vm0, $0xb8;
	[tilespmem:$0x1F200] =	vst v63  }
0x84: {  	s4 =	simm.s32 $0x6200  }
0x85: {  	[tilespmem:s4], [sflag:$0x1] =	stream.indirect_vreg.gather [hbm4b:s8+s5], $0x80, v51, vm0, $0xb8;
	[tilespmem:$0x1F200] =	vst v63  }
0x86: {  	s6 =	simm.s32 $0x6A00  }
0x87: {  	[tilespmem:s6], [sflag:$0x1] =	stream.indirect_vreg.gather [hbm4b:s10+s5], $0x80, v51, vm0, $0xb8;
	[tilespmem:$0x1F200] =	vst v63  }
0x88: {  	v51 =	vld [tilespmem:$0x500];
	_ =	sdelay $0x4  }
0x89: {  	v60 =	vshrl.u32 v51, $0x3  }
0x8a: {  	v52 =	vmul.u32 $0x30, v60  }
0x8b: {  	v51 =	vand.u32 $0x7, v51  }
0x8c: {  	v51 =	vor.u32 v51, v52  }
0x8d: {  	v52 =	vperm.xlane v51, v46;
	_ =	sdelay $0x1  }
0x8e: {  	v52 =	vadd.s32 v47, v52;
	_ =	sdelay $0x3  }
0x8f: {  	s7 =	simm.s32 $0x13200;
	s1 =	rddreg [dreg:$0x2];
	v51 =	vperm.xlane v51, v48  }
0x90: {  	[tilespmem:s7], [sflag:$0x7] =	stream.indirect_vreg.gather [hbm4b:s1+s5], $0x80, v52, vm0, $0xb8;
	[tilespmem:$0x1F200] =	vst v63  }
0x91: {  	s12 =	simm.s32 $0x13A00;
	v51 =	vadd.s32 v47, v51  }
0x92: {  	[tilespmem:s12], [sflag:$0x7] =	stream.indirect_vreg.gather [hbm4b:s11+s5], $0x80, v52, vm0, $0xb8;
	[tilespmem:$0x1F200] =	vst v63  }
0x93: {  	s16 =	simm.s32 $0x14200  }
0x94: {  	[tilespmem:s16], [sflag:$0x7] =	stream.indirect_vreg.gather [hbm4b:s13+s5], $0x80, v52, vm0, $0xb8;
	[tilespmem:$0x1F200] =	vst v63  }
0x95: {  	s19 =	simm.s32 $0x14A00  }
0x96: {  	[tilespmem:s19], [sflag:$0x7] =	stream.indirect_vreg.gather [hbm4b:s1+s5], $0x80, v51, vm0, $0xb8;
	[tilespmem:$0x1F200] =	vst v63  }
0x97: {  	s23 =	simm.s32 $0x15200  }
0x98: {  	[tilespmem:s23], [sflag:$0x7] =	stream.indirect_vreg.gather [hbm4b:s11+s5], $0x80, v51, vm0, $0xb8;
	[tilespmem:$0x1F200] =	vst v63  }
0x99: {  	s25 =	simm.s32 $0x15A00  }
0x9a: {  	[tilespmem:s25], [sflag:$0x7] =	stream.indirect_vreg.gather [hbm4b:s13+s5], $0x80, v51, vm0, $0xb8;
	[tilespmem:$0x1F200] =	vst v63  }
0x9b: {  	v51 =	vld [tilespmem:$0x510];
	_ =	sdelay $0x4  }
0x9c: {  	v61 =	vshrl.u32 v51, $0x3  }
0x9d: {  	v52 =	vmul.u32 $0x30, v61  }
0x9e: {  	v51 =	vand.u32 $0x7, v51  }
0x9f: {  	v51 =	vor.u32 v51, v52  }
0xa0: {  	v52 =	vperm.xlane v51, v46;
	_ =	sdelay $0x1  }
0xa1: {  	v52 =	vadd.s32 v47, v52;
	_ =	sdelay $0x3  }
0xa2: {  	s31 =	simm.s32 $0x16200;
	v51 =	vperm.xlane v51, v48  }
0xa3: {  	[tilespmem:s31], [sflag:$0x7] =	stream.indirect_vreg.gather [hbm4b:s1+s5], $0x80, v52, vm0, $0xb8;
	[tilespmem:$0x1F200] =	vst v63  }
0xa4: {  	s3 =	simm.s32 $0x16A00;
	v51 =	vadd.s32 v47, v51  }
0xa5: {  	[tilespmem:s3], [sflag:$0x7] =	stream.indirect_vreg.gather [hbm4b:s11+s5], $0x80, v52, vm0, $0xb8;
	[tilespmem:$0x1F200] =	vst v63  }
0xa6: {  	s4 =	simm.s32 $0x17200  }
0xa7: {  	[tilespmem:s4], [sflag:$0x7] =	stream.indirect_vreg.gather [hbm4b:s13+s5], $0x80, v52, vm0, $0xb8;
	[tilespmem:$0x1F200] =	vst v63  }
0xa8: {  	s6 =	simm.s32 $0x17A00  }
0xa9: {  	[tilespmem:s6], [sflag:$0x7] =	stream.indirect_vreg.gather [hbm4b:s1+s5], $0x80, v51, vm0, $0xb8;
	[tilespmem:$0x1F200] =	vst v63  }
0xaa: {  	s7 =	simm.s32 $0x18200  }
0xab: {  	[tilespmem:s7], [sflag:$0x7] =	stream.indirect_vreg.gather [hbm4b:s11+s5], $0x80, v51, vm0, $0xb8;
	[tilespmem:$0x1F200] =	vst v63  }
0xac: {  	s12 =	simm.s32 $0x18A00  }
0xad: {  	[tilespmem:s12], [sflag:$0x7] =	stream.indirect_vreg.gather [hbm4b:s13+s5], $0x80, v51, vm0, $0xb8;
	[tilespmem:$0x1F200] =	vst v63  }
0xae: {  	v51 =	vld [tilespmem:$0x180];
	_ =	sdelay $0x4  }
0xaf: {  	v62 =	vshrl.u32 v51, $0x3  }
0xb0: {  	v52 =	vmul.u32 $0x30, v62  }
0xb1: {  	v51 =	vand.u32 $0x7, v51  }
0xb2: {  	v51 =	vor.u32 v51, v52  }
0xb3: {  	v52 =	vperm.xlane v51, v46;
	_ =	sdelay $0x1  }
0xb4: {  	v52 =	vadd.s32 v47, v52;
	_ =	sdelay $0x3  }
0xb5: {  	s16 =	simm.s32 $0x7200;
	v51 =	vperm.xlane v51, v48  }
0xb6: {  	[tilespmem:s16], [sflag:$0x2] =	stream.indirect_vreg.gather [hbm4b:s2+s5], $0x80, v52, vm0, $0xb8;
	[tilespmem:$0x1F200] =	vst v63  }
0xb7: {  	s19 =	simm.s32 $0x7A00;
	v51 =	vadd.s32 v47, v51  }
0xb8: {  	[tilespmem:s19], [sflag:$0x2] =	stream.indirect_vreg.gather [hbm4b:s8+s5], $0x80, v52, vm0, $0xb8;
	[tilespmem:$0x1F200] =	vst v63  }
0xb9: {  	s23 =	simm.s32 $0x8200  }
0xba: {  	[tilespmem:s23], [sflag:$0x2] =	stream.indirect_vreg.gather [hbm4b:s10+s5], $0x80, v52, vm0, $0xb8;
	[tilespmem:$0x1F200] =	vst v63  }
0xbb: {  	s25 =	simm.s32 $0x8A00  }
0xbc: {  	[tilespmem:s25], [sflag:$0x2] =	stream.indirect_vreg.gather [hbm4b:s2+s5], $0x80, v51, vm0, $0xb8;
	[tilespmem:$0x1F200] =	vst v63  }
0xbd: {  	s31 =	simm.s32 $0x9200  }
0xbe: {  	[tilespmem:s31], [sflag:$0x2] =	stream.indirect_vreg.gather [hbm4b:s8+s5], $0x80, v51, vm0, $0xb8;
	[tilespmem:$0x1F200] =	vst v63  }
0xbf: {  	s6 =	simm.s32 $0x9A00  }
0xc0: {  	[tilespmem:s6], [sflag:$0x2] =	stream.indirect_vreg.gather [hbm4b:s10+s5], $0x80, v51, vm0, $0xb8;
	[tilespmem:$0x1F200] =	vst v63  }
0xc1: {  	v51 =	vld [tilespmem:$0x190];
	_ =	sdelay $0x4  }
0xc2: {  	v63 =	vshrl.u32 v51, $0x3  }
0xc3: {  	v52 =	vmul.u32 $0x30, v63  }
0xc4: {  	v51 =	vand.u32 $0x7, v51  }
0xc5: {  	v51 =	vor.u32 v51, v52  }
0xc6: {  	v52 =	vperm.xlane v51, v46;
	_ =	sdelay $0x1  }
0xc7: {  	v52 =	vadd.s32 v47, v52;
	_ =	sdelay $0x3  }
0xc8: {  	s12 =	simm.s32 $0xA200;
	v51 =	vperm.xlane v51, v48  }
0xc9: {  	[tilespmem:s12], [sflag:$0x2] =	stream.indirect_vreg.gather [hbm4b:s2+s5], $0x80, v52, vm0, $0xb8;
	[tilespmem:$0x1F200] =	vst v63  }
0xca: {  	s16 =	simm.s32 $0xAA00;
	v51 =	vadd.s32 v47, v51  }
0xcb: {  	[tilespmem:s16], [sflag:$0x2] =	stream.indirect_vreg.gather [hbm4b:s8+s5], $0x80, v52, vm0, $0xb8;
	[tilespmem:$0x1F200] =	vst v63  }
0xcc: {  	s19 =	simm.s32 $0xB200  }
0xcd: {  	[tilespmem:s19], [sflag:$0x2] =	stream.indirect_vreg.gather [hbm4b:s10+s5], $0x80, v52, vm0, $0xb8;
	[tilespmem:$0x1F200] =	vst v63  }
0xce: {  	s23 =	simm.s32 $0xBA00  }
0xcf: {  	[tilespmem:s23], [sflag:$0x2] =	stream.indirect_vreg.gather [hbm4b:s2+s5], $0x80, v51, vm0, $0xb8;
	[tilespmem:$0x1F200] =	vst v63  }
0xd0: {  	s31 =	simm.s32 $0xC200  }
0xd1: {  	[tilespmem:s31], [sflag:$0x2] =	stream.indirect_vreg.gather [hbm4b:s8+s5], $0x80, v51, vm0, $0xb8;
	[tilespmem:$0x1F200] =	vst v63  }
0xd2: {  	s16 =	simm.s32 $0xCA00  }
0xd3: {  	[tilespmem:s16], [sflag:$0x2] =	stream.indirect_vreg.gather [hbm4b:s10+s5], $0x80, v51, vm0, $0xb8;
	[tilespmem:$0x1F200] =	vst v63  }
0xd4: {  	v51 =	vld [tilespmem:$0x580];
	_ =	sdelay $0x4  }
0xd5: {  	v56 =	vshrl.u32 v51, $0x3  }
0xd6: {  	v52 =	vmul.u32 $0x30, v56  }
0xd7: {  	v51 =	vand.u32 $0x7, v51  }
0xd8: {  	v51 =	vor.u32 v51, v52  }
0xd9: {  	v52 =	vperm.xlane v51, v46;
	_ =	sdelay $0x1  }
0xda: {  	v52 =	vadd.s32 v47, v52;
	_ =	sdelay $0x3  }
0xdb: {  	s19 =	simm.s32 $0x19200;
	v51 =	vperm.xlane v51, v48  }
0xdc: {  	[tilespmem:s19], [sflag:$0x8] =	stream.indirect_vreg.gather [hbm4b:s1+s5], $0x80, v52, vm0, $0xb8;
	[tilespmem:$0x1F200] =	vst v63  }
0xdd: {  	s23 =	simm.s32 $0x19A00;
	v51 =	vadd.s32 v47, v51  }
0xde: {  	[tilespmem:s23], [sflag:$0x8] =	stream.indirect_vreg.gather [hbm4b:s11+s5], $0x80, v52, vm0, $0xb8;
	[tilespmem:$0x1F200] =	vst v63  }
0xdf: {  	s31 =	simm.s32 $0x1A200  }
0xe0: {  	[tilespmem:s31], [sflag:$0x8] =	stream.indirect_vreg.gather [hbm4b:s13+s5], $0x80, v52, vm0, $0xb8;
	[tilespmem:$0x1F200] =	vst v63  }
0xe1: {  	s19 =	simm.s32 $0x1AA00  }
0xe2: {  	[tilespmem:s19], [sflag:$0x8] =	stream.indirect_vreg.gather [hbm4b:s1+s5], $0x80, v51, vm0, $0xb8;
	[tilespmem:$0x1F200] =	vst v63  }
0xe3: {  	s23 =	simm.s32 $0x1B200  }
0xe4: {  	[tilespmem:s23], [sflag:$0x8] =	stream.indirect_vreg.gather [hbm4b:s11+s5], $0x80, v51, vm0, $0xb8;
	[tilespmem:$0x1F200] =	vst v63  }
0xe5: {  	s31 =	simm.s32 $0x1BA00  }
0xe6: {  	[tilespmem:s31], [sflag:$0x8] =	stream.indirect_vreg.gather [hbm4b:s13+s5], $0x80, v51, vm0, $0xb8;
	[tilespmem:$0x1F200] =	vst v63  }
0xe7: {  	v51 =	vld [tilespmem:$0x590];
	_ =	sdelay $0x4  }
0xe8: {  	v57 =	vshrl.u32 v51, $0x3  }
0xe9: {  	v52 =	vmul.u32 $0x30, v57  }
0xea: {  	v51 =	vand.u32 $0x7, v51  }
0xeb: {  	v51 =	vor.u32 v51, v52  }
0xec: {  	v52 =	vperm.xlane v51, v46;
	_ =	sdelay $0x1  }
0xed: {  	v52 =	vadd.s32 v47, v52;
	_ =	sdelay $0x3  }
0xee: {  	s19 =	simm.s32 $0x1C200;
	v51 =	vperm.xlane v51, v48  }
0xef: {  	[tilespmem:s19], [sflag:$0x8] =	stream.indirect_vreg.gather [hbm4b:s1+s5], $0x80, v52, vm0, $0xb8;
	[tilespmem:$0x1F200] =	vst v63  }
0xf0: {  	s23 =	simm.s32 $0x1CA00;
	v51 =	vadd.s32 v47, v51  }
0xf1: {  	[tilespmem:s23], [sflag:$0x8] =	stream.indirect_vreg.gather [hbm4b:s11+s5], $0x80, v52, vm0, $0xb8;
	[tilespmem:$0x1F200] =	vst v63  }
0xf2: {  	s31 =	simm.s32 $0x1D200  }
0xf3: {  	[tilespmem:s31], [sflag:$0x8] =	stream.indirect_vreg.gather [hbm4b:s13+s5], $0x80, v52, vm0, $0xb8;
	[tilespmem:$0x1F200] =	vst v63  }
0xf4: {  	s19 =	simm.s32 $0x1DA00  }
0xf5: {  	[tilespmem:s19], [sflag:$0x8] =	stream.indirect_vreg.gather [hbm4b:s1+s5], $0x80, v51, vm0, $0xb8;
	[tilespmem:$0x1F200] =	vst v63  }
0xf6: {  	s23 =	simm.s32 $0x1E200  }
0xf7: {  	[tilespmem:s23], [sflag:$0x8] =	stream.indirect_vreg.gather [hbm4b:s11+s5], $0x80, v51, vm0, $0xb8;
	[tilespmem:$0x1F200] =	vst v63  }
0xf8: {  	s31 =	simm.s32 $0x1EA00;
	s19 =	simm.s32 $0x1  }
0xf9: {  	[tilespmem:s31], [sflag:$0x8] =	stream.indirect_vreg.gather [hbm4b:s13+s5], $0x80, v51, vm0, $0xb8;
	[tilespmem:$0x1F200] =	vst v63  }
0xfa: {  	_ =	swait.ge [sflag:s19], $0x6000  }
0xfb: {  	[sflag:s19] =	ssyncset.done $0x0  }
0xfc: {  	s23 =	simm.s32 $0x7;
	[sflag:s19] =	ssyncadd.s32 $0xFFFFA000  }
0xfd: {  	_ =	swait.ge [sflag:s23], $0x6000  }
0xfe: {  	[sflag:s23] =	ssyncset.done $0x0  }
0xff: {  	[sflag:s23] =	ssyncadd.s32 $0xFFFFA000  }
0x100: {  	v58 =	vld [tilespmem:$0x900];
	_ =	sdelay $0x4  }
0x101: {  	v59 =	vshrl.u32 v58, $0x3  }
0x102: {  	v52 =	vmul.u32 $0x30, v59  }
0x103: {  	v51 =	vand.u32 $0x7, v58  }
0x104: {  	v51 =	vor.u32 v51, v52  }
0x105: {  	v52 =	vperm.xlane v51, v46;
	_ =	sdelay $0x1  }
0x106: {  	v52 =	vadd.s32 v47, v52;
	_ =	sdelay $0x3  }
0x107: {  	s22 =	simm.s32 $0x1200;
	v51 =	vperm.xlane v51, v48  }
0x108: {  	[hbm4b:s9+s5] =	stream.indirect_vreg.scatter [tilespmem:s22], [sflag:$0x4], $0x80, v52, vm0, $0xb8;
	[tilespmem:$0x1F200] =	vst v63  }
0x109: {  	s14 =	simm.s32 $0x1A00;
	v51 =	vadd.s32 v47, v51;
	s22 =	sadd.s32 $0x100, s9  }
0x10a: {  	[hbm4b:s22+s5] =	stream.indirect_vreg.scatter [tilespmem:s14], [sflag:$0x4], $0x80, v52, vm0, $0xb8;
	[tilespmem:$0x1F200] =	vst v63  }
0x10b: {  	s15 =	simm.s32 $0x2200;
	s23 =	sadd.s32 $0x200, s9  }
0x10c: {  	[hbm4b:s23+s5] =	stream.indirect_vreg.scatter [tilespmem:s15], [sflag:$0x4], $0x80, v52, vm0, $0xb8;
	[tilespmem:$0x1F200] =	vst v63  }
0x10d: {  	s17 =	simm.s32 $0x2A00  }
0x10e: {  	[hbm4b:s9+s5] =	stream.indirect_vreg.scatter [tilespmem:s17], [sflag:$0x4], $0x80, v51, vm0, $0xb8;
	[tilespmem:$0x1F200] =	vst v63  }
0x10f: {  	s18 =	simm.s32 $0x3200  }
0x110: {  	[hbm4b:s22+s5] =	stream.indirect_vreg.scatter [tilespmem:s18], [sflag:$0x4], $0x80, v51, vm0, $0xb8;
	[tilespmem:$0x1F200] =	vst v63  }
0x111: {  	s28 =	simm.s32 $0x3A00  }
0x112: {  	[hbm4b:s23+s5] =	stream.indirect_vreg.scatter [tilespmem:s28], [sflag:$0x4], $0x80, v51, vm0, $0xb8;
	[tilespmem:$0x1F200] =	vst v63  }
0x113: {  	v51 =	vld [tilespmem:$0x910];
	_ =	sdelay $0x4  }
0x114: {  	v60 =	vshrl.u32 v51, $0x3  }
0x115: {  	v52 =	vmul.u32 $0x30, v60  }
0x116: {  	v51 =	vand.u32 $0x7, v51  }
0x117: {  	v51 =	vor.u32 v51, v52  }
0x118: {  	v52 =	vperm.xlane v51, v46;
	_ =	sdelay $0x1  }
0x119: {  	v52 =	vadd.s32 v47, v52;
	_ =	sdelay $0x3  }
0x11a: {  	s29 =	simm.s32 $0x4200;
	v51 =	vperm.xlane v51, v48  }
0x11b: {  	[hbm4b:s9+s5] =	stream.indirect_vreg.scatter [tilespmem:s29], [sflag:$0x4], $0x80, v52, vm0, $0xb8;
	[tilespmem:$0x1F200] =	vst v63  }
0x11c: {  	s20 =	simm.s32 $0x4A00;
	v51 =	vadd.s32 v47, v51  }
0x11d: {  	[hbm4b:s22+s5] =	stream.indirect_vreg.scatter [tilespmem:s20], [sflag:$0x4], $0x80, v52, vm0, $0xb8;
	[tilespmem:$0x1F200] =	vst v63  }
0x11e: {  	s21 =	simm.s32 $0x5200  }
0x11f: {  	[hbm4b:s23+s5] =	stream.indirect_vreg.scatter [tilespmem:s21], [sflag:$0x4], $0x80, v52, vm0, $0xb8;
	[tilespmem:$0x1F200] =	vst v63  }
0x120: {  	s24 =	simm.s32 $0x5A00  }
0x121: {  	[hbm4b:s9+s5] =	stream.indirect_vreg.scatter [tilespmem:s24], [sflag:$0x4], $0x80, v51, vm0, $0xb8;
	[tilespmem:$0x1F200] =	vst v63  }
0x122: {  	s26 =	simm.s32 $0x6200  }
0x123: {  	[hbm4b:s22+s5] =	stream.indirect_vreg.scatter [tilespmem:s26], [sflag:$0x4], $0x80, v51, vm0, $0xb8;
	[tilespmem:$0x1F200] =	vst v63  }
0x124: {  	s30 =	simm.s32 $0x6A00  }
0x125: {  	[hbm4b:s23+s5] =	stream.indirect_vreg.scatter [tilespmem:s30], [sflag:$0x4], $0x80, v51, vm0, $0xb8;
	[tilespmem:$0x1F200] =	vst v63  }
0x126: {  	v51 =	vld [tilespmem:$0xD00];
	_ =	sdelay $0x4  }
0x127: {  	v61 =	vshrl.u32 v51, $0x3  }
0x128: {  	v52 =	vmul.u32 $0x30, v61  }
0x129: {  	v51 =	vand.u32 $0x7, v51  }
0x12a: {  	v51 =	vor.u32 v51, v52  }
0x12b: {  	v52 =	vperm.xlane v51, v46;
	_ =	sdelay $0x1  }
0x12c: {  	v52 =	vadd.s32 v47, v52;
	_ =	sdelay $0x3  }
0x12d: {  	s26 =	simm.s32 $0x13200;
	v51 =	vperm.xlane v51, v48  }
0x12e: {  	[hbm4b:s9+s5] =	stream.indirect_vreg.scatter [tilespmem:s26], [sflag:$0x7], $0x80, v52, vm0, $0xb8;
	[tilespmem:$0x1F200] =	vst v63  }
0x12f: {  	s0 =	simm.s32 $0x13A00;
	v51 =	vadd.s32 v47, v51  }
0x130: {  	[hbm4b:s22+s5] =	stream.indirect_vreg.scatter [tilespmem:s0], [sflag:$0x7], $0x80, v52, vm0, $0xb8;
	[tilespmem:$0x1F200] =	vst v63  }
0x131: {  	s14 =	simm.s32 $0x14200  }
0x132: {  	[hbm4b:s23+s5] =	stream.indirect_vreg.scatter [tilespmem:s14], [sflag:$0x7], $0x80, v52, vm0, $0xb8;
	[tilespmem:$0x1F200] =	vst v63  }
0x133: {  	s15 =	simm.s32 $0x14A00  }
0x134: {  	[hbm4b:s9+s5] =	stream.indirect_vreg.scatter [tilespmem:s15], [sflag:$0x7], $0x80, v51, vm0, $0xb8;
	[tilespmem:$0x1F200] =	vst v63  }
0x135: {  	s17 =	simm.s32 $0x15200  }
0x136: {  	[hbm4b:s22+s5] =	stream.indirect_vreg.scatter [tilespmem:s17], [sflag:$0x7], $0x80, v51, vm0, $0xb8;
	[tilespmem:$0x1F200] =	vst v63  }
0x137: {  	s28 =	simm.s32 $0x15A00  }
0x138: {  	[hbm4b:s23+s5] =	stream.indirect_vreg.scatter [tilespmem:s28], [sflag:$0x7], $0x80, v51, vm0, $0xb8;
	[tilespmem:$0x1F200] =	vst v63  }
0x139: {  	v51 =	vld [tilespmem:$0xD10];
	_ =	sdelay $0x4  }
0x13a: {  	v62 =	vshrl.u32 v51, $0x3  }
0x13b: {  	v52 =	vmul.u32 $0x30, v62  }
0x13c: {  	v51 =	vand.u32 $0x7, v51  }
0x13d: {  	v51 =	vor.u32 v51, v52  }
0x13e: {  	v52 =	vperm.xlane v51, v46;
	_ =	sdelay $0x1  }
0x13f: {  	v52 =	vadd.s32 v47, v52;
	_ =	sdelay $0x3  }
0x140: {  	s29 =	simm.s32 $0x16200;
	v51 =	vperm.xlane v51, v48  }
0x141: {  	[hbm4b:s9+s5] =	stream.indirect_vreg.scatter [tilespmem:s29], [sflag:$0x7], $0x80, v52, vm0, $0xb8;
	[tilespmem:$0x1F200] =	vst v63  }
0x142: {  	s18 =	simm.s32 $0x16A00;
	v51 =	vadd.s32 v47, v51  }
0x143: {  	[hbm4b:s22+s5] =	stream.indirect_vreg.scatter [tilespmem:s18], [sflag:$0x7], $0x80, v52, vm0, $0xb8;
	[tilespmem:$0x1F200] =	vst v63  }
0x144: {  	s20 =	simm.s32 $0x17200  }
0x145: {  	[hbm4b:s23+s5] =	stream.indirect_vreg.scatter [tilespmem:s20], [sflag:$0x7], $0x80, v52, vm0, $0xb8;
	[tilespmem:$0x1F200] =	vst v63  }
0x146: {  	s21 =	simm.s32 $0x17A00  }
0x147: {  	[hbm4b:s9+s5] =	stream.indirect_vreg.scatter [tilespmem:s21], [sflag:$0x7], $0x80, v51, vm0, $0xb8;
	[tilespmem:$0x1F200] =	vst v63  }
0x148: {  	s24 =	simm.s32 $0x18200  }
0x149: {  	[hbm4b:s22+s5] =	stream.indirect_vreg.scatter [tilespmem:s24], [sflag:$0x7], $0x80, v51, vm0, $0xb8;
	[tilespmem:$0x1F200] =	vst v63  }
0x14a: {  	s31 =	simm.s32 $0x4;
	s30 =	simm.s32 $0x18A00  }
0x14b: {  	[hbm4b:s23+s5] =	stream.indirect_vreg.scatter [tilespmem:s30], [sflag:$0x7], $0x80, v51, vm0, $0xb8;
	[tilespmem:$0x1F200] =	vst v63  }
0x14c: {  	_ =	swait.ge [sflag:s31], $0x6000  }
0x14d: {  	[sflag:s31] =	ssyncset.done $0x0  }
0x14e: {  	s19 =	simm.s32 $0x7;
	[sflag:s31] =	ssyncadd.s32 $0xFFFFA000  }
0x14f: {  	_ =	swait.ge [sflag:s19], $0x6000  }
0x150: {  	[sflag:s19] =	ssyncset.done $0x0  }
0x151: {  	[sflag:s19] =	ssyncadd.s32 $0xFFFFA000  }
0x152: {  	v63 =	vld [tilespmem:$0x200];
	_ =	sdelay $0x4  }
0x153: {  	v56 =	vshrl.u32 v63, $0x3  }
0x154: {  	v52 =	vmul.u32 $0x30, v56  }
0x155: {  	v51 =	vand.u32 $0x7, v63  }
0x156: {  	v51 =	vor.u32 v51, v52  }
0x157: {  	v52 =	vperm.xlane v51, v46;
	_ =	sdelay $0x1  }
0x158: {  	v52 =	vadd.s32 v47, v52;
	_ =	sdelay $0x3  }
0x159: {  	s31 =	simm.s32 $0xD200;
	v51 =	vperm.xlane v51, v48  }
0x15a: {  	[tilespmem:s31], [sflag:$0x3] =	stream.indirect_vreg.gather [hbm4b:s2+s5], $0x80, v52, vm0, $0xb8;
	[tilespmem:$0x1F200] =	vst v63  }
0x15b: {  	v51 =	vadd.s32 v47, v51;
	s31 =	simm.s32 $0xDA00  }
0x15c: {  	[tilespmem:s31], [sflag:$0x3] =	stream.indirect_vreg.gather [hbm4b:s8+s5], $0x80, v52, vm0, $0xb8;
	[tilespmem:$0x1F200] =	vst v63  }
0x15d: {  	s31 =	simm.s32 $0xE200  }
0x15e: {  	[tilespmem:s31], [sflag:$0x3] =	stream.indirect_vreg.gather [hbm4b:s10+s5], $0x80, v52, vm0, $0xb8;
	[tilespmem:$0x1F200] =	vst v63  }
0x15f: {  	s31 =	simm.s32 $0xEA00  }
0x160: {  	[tilespmem:s31], [sflag:$0x3] =	stream.indirect_vreg.gather [hbm4b:s2+s5], $0x80, v51, vm0, $0xb8;
	[tilespmem:$0x1F200] =	vst v63  }
0x161: {  	s31 =	simm.s32 $0xF200  }
0x162: {  	[tilespmem:s31], [sflag:$0x3] =	stream.indirect_vreg.gather [hbm4b:s8+s5], $0x80, v51, vm0, $0xb8;
	[tilespmem:$0x1F200] =	vst v63  }
0x163: {  	s31 =	simm.s32 $0xFA00  }
0x164: {  	[tilespmem:s31], [sflag:$0x3] =	stream.indirect_vreg.gather [hbm4b:s10+s5], $0x80, v51, vm0, $0xb8;
	[tilespmem:$0x1F200] =	vst v63  }
0x165: {  	v51 =	vld [tilespmem:$0x210];
	_ =	sdelay $0x4  }
0x166: {  	v57 =	vshrl.u32 v51, $0x3  }
0x167: {  	v52 =	vmul.u32 $0x30, v57  }
0x168: {  	v51 =	vand.u32 $0x7, v51  }
0x169: {  	v51 =	vor.u32 v51, v52  }
0x16a: {  	v52 =	vperm.xlane v51, v46;
	_ =	sdelay $0x1  }
0x16b: {  	v52 =	vadd.s32 v47, v52;
	_ =	sdelay $0x3  }
0x16c: {  	s31 =	simm.s32 $0x10200;
	v51 =	vperm.xlane v51, v48  }
0x16d: {  	[tilespmem:s31], [sflag:$0x3] =	stream.indirect_vreg.gather [hbm4b:s2+s5], $0x80, v52, vm0, $0xb8;
	[tilespmem:$0x1F200] =	vst v63  }
0x16e: {  	v51 =	vadd.s32 v47, v51;
	s31 =	simm.s32 $0x10A00  }
0x16f: {  	[tilespmem:s31], [sflag:$0x3] =	stream.indirect_vreg.gather [hbm4b:s8+s5], $0x80, v52, vm0, $0xb8;
	[tilespmem:$0x1F200] =	vst v63  }
0x170: {  	s31 =	simm.s32 $0x11200  }
0x171: {  	[tilespmem:s31], [sflag:$0x3] =	stream.indirect_vreg.gather [hbm4b:s10+s5], $0x80, v52, vm0, $0xb8;
	[tilespmem:$0x1F200] =	vst v63  }
0x172: {  	s31 =	simm.s32 $0x11A00  }
0x173: {  	[tilespmem:s31], [sflag:$0x3] =	stream.indirect_vreg.gather [hbm4b:s2+s5], $0x80, v51, vm0, $0xb8;
	[tilespmem:$0x1F200] =	vst v63  }
0x174: {  	s31 =	simm.s32 $0x12200  }
0x175: {  	[tilespmem:s31], [sflag:$0x3] =	stream.indirect_vreg.gather [hbm4b:s8+s5], $0x80, v51, vm0, $0xb8;
	[tilespmem:$0x1F200] =	vst v63  }
0x176: {  	s31 =	simm.s32 $0x12A00  }
0x177: {  	[tilespmem:s31], [sflag:$0x3] =	stream.indirect_vreg.gather [hbm4b:s10+s5], $0x80, v51, vm0, $0xb8;
	[tilespmem:$0x1F200] =	vst v63  }
0x178: {  	v51 =	vld [tilespmem:$0x600];
	_ =	sdelay $0x4  }
0x179: {  	v58 =	vshrl.u32 v51, $0x3  }
0x17a: {  	v52 =	vmul.u32 $0x30, v58  }
0x17b: {  	v51 =	vand.u32 $0x7, v51  }
0x17c: {  	v51 =	vor.u32 v51, v52  }
0x17d: {  	v52 =	vperm.xlane v51, v46;
	_ =	sdelay $0x1  }
0x17e: {  	v52 =	vadd.s32 v47, v52;
	_ =	sdelay $0x3  }
0x17f: {  	v51 =	vperm.xlane v51, v48  }
0x180: {  	[tilespmem:s26], [sflag:$0x7] =	stream.indirect_vreg.gather [hbm4b:s1+s5], $0x80, v52, vm0, $0xb8;
	[tilespmem:$0x1F200] =	vst v63  }
0x181: {  	v51 =	vadd.s32 v47, v51  }
0x182: {  	[tilespmem:s0], [sflag:$0x7] =	stream.indirect_vreg.gather [hbm4b:s11+s5], $0x80, v52, vm0, $0xb8;
	[tilespmem:$0x1F200] =	vst v63  }
0x183: {  	_ = 	snop  }
0x184: {  	[tilespmem:s14], [sflag:$0x7] =	stream.indirect_vreg.gather [hbm4b:s13+s5], $0x80, v52, vm0, $0xb8;
	[tilespmem:$0x1F200] =	vst v63  }
0x185: {  	_ = 	snop  }
0x186: {  	[tilespmem:s15], [sflag:$0x7] =	stream.indirect_vreg.gather [hbm4b:s1+s5], $0x80, v51, vm0, $0xb8;
	[tilespmem:$0x1F200] =	vst v63  }
0x187: {  	_ = 	snop  }
0x188: {  	[tilespmem:s17], [sflag:$0x7] =	stream.indirect_vreg.gather [hbm4b:s11+s5], $0x80, v51, vm0, $0xb8;
	[tilespmem:$0x1F200] =	vst v63  }
0x189: {  	_ = 	snop  }
0x18a: {  	[tilespmem:s28], [sflag:$0x7] =	stream.indirect_vreg.gather [hbm4b:s13+s5], $0x80, v51, vm0, $0xb8;
	[tilespmem:$0x1F200] =	vst v63  }
0x18b: {  	v51 =	vld [tilespmem:$0x610];
	_ =	sdelay $0x4  }
0x18c: {  	v59 =	vshrl.u32 v51, $0x3  }
0x18d: {  	v52 =	vmul.u32 $0x30, v59  }
0x18e: {  	v51 =	vand.u32 $0x7, v51  }
0x18f: {  	v51 =	vor.u32 v51, v52  }
0x190: {  	v52 =	vperm.xlane v51, v46;
	_ =	sdelay $0x1  }
0x191: {  	v52 =	vadd.s32 v47, v52;
	_ =	sdelay $0x3  }
0x192: {  	v51 =	vperm.xlane v51, v48  }
0x193: {  	[tilespmem:s29], [sflag:$0x7] =	stream.indirect_vreg.gather [hbm4b:s1+s5], $0x80, v52, vm0, $0xb8;
	[tilespmem:$0x1F200] =	vst v63  }
0x194: {  	v51 =	vadd.s32 v47, v51  }
0x195: {  	[tilespmem:s18], [sflag:$0x7] =	stream.indirect_vreg.gather [hbm4b:s11+s5], $0x80, v52, vm0, $0xb8;
	[tilespmem:$0x1F200] =	vst v63  }
0x196: {  	_ = 	snop  }
0x197: {  	[tilespmem:s20], [sflag:$0x7] =	stream.indirect_vreg.gather [hbm4b:s13+s5], $0x80, v52, vm0, $0xb8;
	[tilespmem:$0x1F200] =	vst v63  }
0x198: {  	_ = 	snop  }
0x199: {  	[tilespmem:s21], [sflag:$0x7] =	stream.indirect_vreg.gather [hbm4b:s1+s5], $0x80, v51, vm0, $0xb8;
	[tilespmem:$0x1F200] =	vst v63  }
0x19a: {  	_ = 	snop  }
0x19b: {  	[tilespmem:s24], [sflag:$0x7] =	stream.indirect_vreg.gather [hbm4b:s11+s5], $0x80, v51, vm0, $0xb8;
	[tilespmem:$0x1F200] =	vst v63  }
0x19c: {  	s18 =	simm.s32 $0x2  }
0x19d: {  	[tilespmem:s30], [sflag:$0x7] =	stream.indirect_vreg.gather [hbm4b:s13+s5], $0x80, v51, vm0, $0xb8;
	[tilespmem:$0x1F200] =	vst v63  }
0x19e: {  	_ =	swait.ge [sflag:s18], $0x6000  }
0x19f: {  	[sflag:s18] =	ssyncset.done $0x0  }
0x1a0: {  	s26 =	simm.s32 $0x8;
	[sflag:s18] =	ssyncadd.s32 $0xFFFFA000  }
0x1a1: {  	_ =	swait.ge [sflag:s26], $0x6000  }
0x1a2: {  	[sflag:s26] =	ssyncset.done $0x0  }
0x1a3: {  	[sflag:s26] =	ssyncadd.s32 $0xFFFFA000  }
0x1a4: {  	v60 =	vld [tilespmem:$0x980];
	_ =	sdelay $0x4  }
0x1a5: {  	v61 =	vshrl.u32 v60, $0x3  }
0x1a6: {  	v52 =	vmul.u32 $0x30, v61  }
0x1a7: {  	v51 =	vand.u32 $0x7, v60  }
0x1a8: {  	v51 =	vor.u32 v51, v52  }
0x1a9: {  	v52 =	vperm.xlane v51, v46;
	_ =	sdelay $0x1  }
0x1aa: {  	v52 =	vadd.s32 v47, v52;
	_ =	sdelay $0x3  }
0x1ab: {  	s4 =	simm.s32 $0x7200;
	v51 =	vperm.xlane v51, v48  }
0x1ac: {  	[hbm4b:s9+s5] =	stream.indirect_vreg.scatter [tilespmem:s4], [sflag:$0x5], $0x80, v52, vm0, $0xb8;
	[tilespmem:$0x1F200] =	vst v63  }
0x1ad: {  	s3 =	simm.s32 $0x7A00;
	v51 =	vadd.s32 v47, v51  }
0x1ae: {  	[hbm4b:s22+s5] =	stream.indirect_vreg.scatter [tilespmem:s3], [sflag:$0x5], $0x80, v52, vm0, $0xb8;
	[tilespmem:$0x1F200] =	vst v63  }
0x1af: {  	s7 =	simm.s32 $0x8200  }
0x1b0: {  	[hbm4b:s23+s5] =	stream.indirect_vreg.scatter [tilespmem:s7], [sflag:$0x5], $0x80, v52, vm0, $0xb8;
	[tilespmem:$0x1F200] =	vst v63  }
0x1b1: {  	s25 =	simm.s32 $0x8A00  }
0x1b2: {  	[hbm4b:s9+s5] =	stream.indirect_vreg.scatter [tilespmem:s25], [sflag:$0x5], $0x80, v51, vm0, $0xb8;
	[tilespmem:$0x1F200] =	vst v63  }
0x1b3: {  	s7 =	simm.s32 $0x9200  }
0x1b4: {  	[hbm4b:s22+s5] =	stream.indirect_vreg.scatter [tilespmem:s7], [sflag:$0x5], $0x80, v51, vm0, $0xb8;
	[tilespmem:$0x1F200] =	vst v63  }
0x1b5: {  	s6 =	simm.s32 $0x9A00  }
0x1b6: {  	[hbm4b:s23+s5] =	stream.indirect_vreg.scatter [tilespmem:s6], [sflag:$0x5], $0x80, v51, vm0, $0xb8;
	[tilespmem:$0x1F200] =	vst v63  }
0x1b7: {  	v51 =	vld [tilespmem:$0x990];
	_ =	sdelay $0x4  }
0x1b8: {  	v62 =	vshrl.u32 v51, $0x3  }
0x1b9: {  	v52 =	vmul.u32 $0x30, v62  }
0x1ba: {  	v51 =	vand.u32 $0x7, v51  }
0x1bb: {  	v51 =	vor.u32 v51, v52  }
0x1bc: {  	v52 =	vperm.xlane v51, v46;
	_ =	sdelay $0x1  }
0x1bd: {  	v52 =	vadd.s32 v47, v52;
	_ =	sdelay $0x3  }
0x1be: {  	s12 =	simm.s32 $0xA200;
	v51 =	vperm.xlane v51, v48  }
0x1bf: {  	[hbm4b:s9+s5] =	stream.indirect_vreg.scatter [tilespmem:s12], [sflag:$0x5], $0x80, v52, vm0, $0xb8;
	[tilespmem:$0x1F200] =	vst v63  }
0x1c0: {  	s19 =	simm.s32 $0xAA00;
	v51 =	vadd.s32 v47, v51  }
0x1c1: {  	[hbm4b:s22+s5] =	stream.indirect_vreg.scatter [tilespmem:s19], [sflag:$0x5], $0x80, v52, vm0, $0xb8;
	[tilespmem:$0x1F200] =	vst v63  }
0x1c2: {  	s14 =	simm.s32 $0xB200  }
0x1c3: {  	[hbm4b:s23+s5] =	stream.indirect_vreg.scatter [tilespmem:s14], [sflag:$0x5], $0x80, v52, vm0, $0xb8;
	[tilespmem:$0x1F200] =	vst v63  }
0x1c4: {  	s19 =	simm.s32 $0xBA00  }
0x1c5: {  	[hbm4b:s9+s5] =	stream.indirect_vreg.scatter [tilespmem:s19], [sflag:$0x5], $0x80, v51, vm0, $0xb8;
	[tilespmem:$0x1F200] =	vst v63  }
0x1c6: {  	s20 =	simm.s32 $0xC200  }
0x1c7: {  	[hbm4b:s22+s5] =	stream.indirect_vreg.scatter [tilespmem:s20], [sflag:$0x5], $0x80, v51, vm0, $0xb8;
	[tilespmem:$0x1F200] =	vst v63  }
0x1c8: {  	s16 =	simm.s32 $0xCA00  }
0x1c9: {  	[hbm4b:s23+s5] =	stream.indirect_vreg.scatter [tilespmem:s16], [sflag:$0x5], $0x80, v51, vm0, $0xb8;
	[tilespmem:$0x1F200] =	vst v63  }
0x1ca: {  	v51 =	vld [tilespmem:$0xD80];
	_ =	sdelay $0x4  }
0x1cb: {  	v63 =	vshrl.u32 v51, $0x3  }
0x1cc: {  	v52 =	vmul.u32 $0x30, v63  }
0x1cd: {  	v51 =	vand.u32 $0x7, v51  }
0x1ce: {  	v51 =	vor.u32 v51, v52  }
0x1cf: {  	v52 =	vperm.xlane v51, v46;
	_ =	sdelay $0x1  }
0x1d0: {  	v52 =	vadd.s32 v47, v52;
	_ =	sdelay $0x3  }
0x1d1: {  	s16 =	simm.s32 $0x19200;
	v51 =	vperm.xlane v51, v48  }
0x1d2: {  	[hbm4b:s9+s5] =	stream.indirect_vreg.scatter [tilespmem:s16], [sflag:$0x8], $0x80, v52, vm0, $0xb8;
	[tilespmem:$0x1F200] =	vst v63  }
0x1d3: {  	s6 =	simm.s32 $0x19A00;
	v51 =	vadd.s32 v47, v51  }
0x1d4: {  	[hbm4b:s22+s5] =	stream.indirect_vreg.scatter [tilespmem:s6], [sflag:$0x8], $0x80, v52, vm0, $0xb8;
	[tilespmem:$0x1F200] =	vst v63  }
0x1d5: {  	s25 =	simm.s32 $0x1A200  }
0x1d6: {  	[hbm4b:s23+s5] =	stream.indirect_vreg.scatter [tilespmem:s25], [sflag:$0x8], $0x80, v52, vm0, $0xb8;
	[tilespmem:$0x1F200] =	vst v63  }
0x1d7: {  	s0 =	simm.s32 $0x1AA00  }
0x1d8: {  	[hbm4b:s9+s5] =	stream.indirect_vreg.scatter [tilespmem:s0], [sflag:$0x8], $0x80, v51, vm0, $0xb8;
	[tilespmem:$0x1F200] =	vst v63  }
0x1d9: {  	s28 =	simm.s32 $0x1B200  }
0x1da: {  	[hbm4b:s22+s5] =	stream.indirect_vreg.scatter [tilespmem:s28], [sflag:$0x8], $0x80, v51, vm0, $0xb8;
	[tilespmem:$0x1F200] =	vst v63  }
0x1db: {  	s17 =	simm.s32 $0x1BA00  }
0x1dc: {  	[hbm4b:s23+s5] =	stream.indirect_vreg.scatter [tilespmem:s17], [sflag:$0x8], $0x80, v51, vm0, $0xb8;
	[tilespmem:$0x1F200] =	vst v63  }
0x1dd: {  	v51 =	vld [tilespmem:$0xD90];
	_ =	sdelay $0x4  }
0x1de: {  	v56 =	vshrl.u32 v51, $0x3  }
0x1df: {  	v52 =	vmul.u32 $0x30, v56  }
0x1e0: {  	v51 =	vand.u32 $0x7, v51  }
0x1e1: {  	v51 =	vor.u32 v51, v52  }
0x1e2: {  	v52 =	vperm.xlane v51, v46;
	_ =	sdelay $0x1  }
0x1e3: {  	v52 =	vadd.s32 v47, v52;
	_ =	sdelay $0x3  }
0x1e4: {  	s18 =	simm.s32 $0x1C200;
	v51 =	vperm.xlane v51, v48  }
0x1e5: {  	[hbm4b:s9+s5] =	stream.indirect_vreg.scatter [tilespmem:s18], [sflag:$0x8], $0x80, v52, vm0, $0xb8;
	[tilespmem:$0x1F200] =	vst v63  }
0x1e6: {  	s20 =	simm.s32 $0x1CA00;
	v51 =	vadd.s32 v47, v51  }
0x1e7: {  	[hbm4b:s22+s5] =	stream.indirect_vreg.scatter [tilespmem:s20], [sflag:$0x8], $0x80, v52, vm0, $0xb8;
	[tilespmem:$0x1F200] =	vst v63  }
0x1e8: {  	s12 =	simm.s32 $0x1D200  }
0x1e9: {  	[hbm4b:s23+s5] =	stream.indirect_vreg.scatter [tilespmem:s12], [sflag:$0x8], $0x80, v52, vm0, $0xb8;
	[tilespmem:$0x1F200] =	vst v63  }
0x1ea: {  	s29 =	simm.s32 $0x1DA00  }
0x1eb: {  	[hbm4b:s9+s5] =	stream.indirect_vreg.scatter [tilespmem:s29], [sflag:$0x8], $0x80, v51, vm0, $0xb8;
	[tilespmem:$0x1F200] =	vst v63  }
0x1ec: {  	s31 =	simm.s32 $0x1E200  }
0x1ed: {  	[hbm4b:s22+s5] =	stream.indirect_vreg.scatter [tilespmem:s31], [sflag:$0x8], $0x80, v51, vm0, $0xb8;
	[tilespmem:$0x1F200] =	vst v63  }
0x1ee: {  	s15 =	simm.s32 $0x1EA00;
	s21 =	simm.s32 $0x5  }
0x1ef: {  	[hbm4b:s23+s5] =	stream.indirect_vreg.scatter [tilespmem:s15], [sflag:$0x8], $0x80, v51, vm0, $0xb8;
	[tilespmem:$0x1F200] =	vst v63  }
0x1f0: {  	_ =	swait.ge [sflag:s21], $0x6000  }
0x1f1: {  	[sflag:s21] =	ssyncset.done $0x0  }
0x1f2: {  	[sflag:s21] =	ssyncadd.s32 $0xFFFFA000  }
0x1f3: {  	_ =	swait.ge [sflag:s26], $0x6000  }
0x1f4: {  	[sflag:s26] =	ssyncset.done $0x0  }
0x1f5: {  	[sflag:s26] =	ssyncadd.s32 $0xFFFFA000  }
0x1f6: {  	v57 =	vld [tilespmem:$0x280];
	_ =	sdelay $0x4  }
0x1f7: {  	v58 =	vshrl.u32 v57, $0x3  }
0x1f8: {  	v52 =	vmul.u32 $0x30, v58  }
0x1f9: {  	v51 =	vand.u32 $0x7, v57  }
0x1fa: {  	v51 =	vor.u32 v51, v52  }
0x1fb: {  	v52 =	vperm.xlane v51, v46;
	_ =	sdelay $0x1  }
0x1fc: {  	v52 =	vadd.s32 v47, v52;
	_ =	sdelay $0x3  }
0x1fd: {  	s30 =	simm.s32 $0x1200;
	v51 =	vperm.xlane v51, v48  }
0x1fe: {  	[tilespmem:s30], [sflag:$0x1] =	stream.indirect_vreg.gather [hbm4b:s2+s5], $0x80, v52, vm0, $0xb8;
	[tilespmem:$0x1F200] =	vst v63  }
0x1ff: {  	s4 =	simm.s32 $0x1A00;
	v51 =	vadd.s32 v47, v51  }
0x200: {  	[tilespmem:s4], [sflag:$0x1] =	stream.indirect_vreg.gather [hbm4b:s8+s5], $0x80, v52, vm0, $0xb8;
	[tilespmem:$0x1F200] =	vst v63  }
0x201: {  	s21 =	simm.s32 $0x2200  }
0x202: {  	[tilespmem:s21], [sflag:$0x1] =	stream.indirect_vreg.gather [hbm4b:s10+s5], $0x80, v52, vm0, $0xb8;
	[tilespmem:$0x1F200] =	vst v63  }
0x203: {  	s24 =	simm.s32 $0x2A00  }
0x204: {  	[tilespmem:s24], [sflag:$0x1] =	stream.indirect_vreg.gather [hbm4b:s2+s5], $0x80, v51, vm0, $0xb8;
	[tilespmem:$0x1F200] =	vst v63  }
0x205: {  	s30 =	simm.s32 $0x3200  }
0x206: {  	[tilespmem:s30], [sflag:$0x1] =	stream.indirect_vreg.gather [hbm4b:s8+s5], $0x80, v51, vm0, $0xb8;
	[tilespmem:$0x1F200] =	vst v63  }
0x207: {  	s4 =	simm.s32 $0x3A00  }
0x208: {  	[tilespmem:s4], [sflag:$0x1] =	stream.indirect_vreg.gather [hbm4b:s10+s5], $0x80, v51, vm0, $0xb8;
	[tilespmem:$0x1F200] =	vst v63  }
0x209: {  	v51 =	vld [tilespmem:$0x290];
	_ =	sdelay $0x4  }
0x20a: {  	v59 =	vshrl.u32 v51, $0x3  }
0x20b: {  	v52 =	vmul.u32 $0x30, v59  }
0x20c: {  	v51 =	vand.u32 $0x7, v51  }
0x20d: {  	v51 =	vor.u32 v51, v52  }
0x20e: {  	v52 =	vperm.xlane v51, v46;
	_ =	sdelay $0x1  }
0x20f: {  	v52 =	vadd.s32 v47, v52;
	_ =	sdelay $0x3  }
0x210: {  	s21 =	simm.s32 $0x4200;
	v51 =	vperm.xlane v51, v48  }
0x211: {  	[tilespmem:s21], [sflag:$0x1] =	stream.indirect_vreg.gather [hbm4b:s2+s5], $0x80, v52, vm0, $0xb8;
	[tilespmem:$0x1F200] =	vst v63  }
0x212: {  	s24 =	simm.s32 $0x4A00;
	v51 =	vadd.s32 v47, v51  }
0x213: {  	[tilespmem:s24], [sflag:$0x1] =	stream.indirect_vreg.gather [hbm4b:s8+s5], $0x80, v52, vm0, $0xb8;
	[tilespmem:$0x1F200] =	vst v63  }
0x214: {  	s30 =	simm.s32 $0x5200  }
0x215: {  	[tilespmem:s30], [sflag:$0x1] =	stream.indirect_vreg.gather [hbm4b:s10+s5], $0x80, v52, vm0, $0xb8;
	[tilespmem:$0x1F200] =	vst v63  }
0x216: {  	s4 =	simm.s32 $0x5A00  }
0x217: {  	[tilespmem:s4], [sflag:$0x1] =	stream.indirect_vreg.gather [hbm4b:s2+s5], $0x80, v51, vm0, $0xb8;
	[tilespmem:$0x1F200] =	vst v63  }
0x218: {  	s21 =	simm.s32 $0x6200  }
0x219: {  	[tilespmem:s21], [sflag:$0x1] =	stream.indirect_vreg.gather [hbm4b:s8+s5], $0x80, v51, vm0, $0xb8;
	[tilespmem:$0x1F200] =	vst v63  }
0x21a: {  	s24 =	simm.s32 $0x6A00  }
0x21b: {  	[tilespmem:s24], [sflag:$0x1] =	stream.indirect_vreg.gather [hbm4b:s10+s5], $0x80, v51, vm0, $0xb8;
	[tilespmem:$0x1F200] =	vst v63  }
0x21c: {  	v51 =	vld [tilespmem:$0x680];
	_ =	sdelay $0x4  }
0x21d: {  	v60 =	vshrl.u32 v51, $0x3  }
0x21e: {  	v52 =	vmul.u32 $0x30, v60  }
0x21f: {  	v51 =	vand.u32 $0x7, v51  }
0x220: {  	v51 =	vor.u32 v51, v52  }
0x221: {  	v52 =	vperm.xlane v51, v46;
	_ =	sdelay $0x1  }
0x222: {  	v52 =	vadd.s32 v47, v52;
	_ =	sdelay $0x3  }
0x223: {  	v51 =	vperm.xlane v51, v48  }
0x224: {  	[tilespmem:s16], [sflag:$0x8] =	stream.indirect_vreg.gather [hbm4b:s1+s5], $0x80, v52, vm0, $0xb8;
	[tilespmem:$0x1F200] =	vst v63  }
0x225: {  	v51 =	vadd.s32 v47, v51  }
0x226: {  	[tilespmem:s6], [sflag:$0x8] =	stream.indirect_vreg.gather [hbm4b:s11+s5], $0x80, v52, vm0, $0xb8;
	[tilespmem:$0x1F200] =	vst v63  }
0x227: {  	_ = 	snop  }
0x228: {  	[tilespmem:s25], [sflag:$0x8] =	stream.indirect_vreg.gather [hbm4b:s13+s5], $0x80, v52, vm0, $0xb8;
	[tilespmem:$0x1F200] =	vst v63  }
0x229: {  	_ = 	snop  }
0x22a: {  	[tilespmem:s0], [sflag:$0x8] =	stream.indirect_vreg.gather [hbm4b:s1+s5], $0x80, v51, vm0, $0xb8;
	[tilespmem:$0x1F200] =	vst v63  }
0x22b: {  	_ = 	snop  }
0x22c: {  	[tilespmem:s28], [sflag:$0x8] =	stream.indirect_vreg.gather [hbm4b:s11+s5], $0x80, v51, vm0, $0xb8;
	[tilespmem:$0x1F200] =	vst v63  }
0x22d: {  	_ = 	snop  }
0x22e: {  	[tilespmem:s17], [sflag:$0x8] =	stream.indirect_vreg.gather [hbm4b:s13+s5], $0x80, v51, vm0, $0xb8;
	[tilespmem:$0x1F200] =	vst v63  }
0x22f: {  	v51 =	vld [tilespmem:$0x690];
	_ =	sdelay $0x4  }
0x230: {  	v61 =	vshrl.u32 v51, $0x3  }
0x231: {  	v52 =	vmul.u32 $0x30, v61  }
0x232: {  	v51 =	vand.u32 $0x7, v51  }
0x233: {  	v51 =	vor.u32 v51, v52  }
0x234: {  	v52 =	vperm.xlane v51, v46;
	_ =	sdelay $0x1  }
0x235: {  	v52 =	vadd.s32 v47, v52;
	_ =	sdelay $0x3  }
0x236: {  	v51 =	vperm.xlane v51, v48  }
0x237: {  	[tilespmem:s18], [sflag:$0x8] =	stream.indirect_vreg.gather [hbm4b:s1+s5], $0x80, v52, vm0, $0xb8;
	[tilespmem:$0x1F200] =	vst v63  }
0x238: {  	v51 =	vadd.s32 v47, v51  }
0x239: {  	[tilespmem:s20], [sflag:$0x8] =	stream.indirect_vreg.gather [hbm4b:s11+s5], $0x80, v52, vm0, $0xb8;
	[tilespmem:$0x1F200] =	vst v63  }
0x23a: {  	_ = 	snop  }
0x23b: {  	[tilespmem:s12], [sflag:$0x8] =	stream.indirect_vreg.gather [hbm4b:s13+s5], $0x80, v52, vm0, $0xb8;
	[tilespmem:$0x1F200] =	vst v63  }
0x23c: {  	_ = 	snop  }
0x23d: {  	[tilespmem:s29], [sflag:$0x8] =	stream.indirect_vreg.gather [hbm4b:s1+s5], $0x80, v51, vm0, $0xb8;
	[tilespmem:$0x1F200] =	vst v63  }
0x23e: {  	_ = 	snop  }
0x23f: {  	[tilespmem:s31], [sflag:$0x8] =	stream.indirect_vreg.gather [hbm4b:s11+s5], $0x80, v51, vm0, $0xb8;
	[tilespmem:$0x1F200] =	vst v63  }
0x240: {  	s31 =	simm.s32 $0x3  }
0x241: {  	[tilespmem:s15], [sflag:$0x8] =	stream.indirect_vreg.gather [hbm4b:s13+s5], $0x80, v51, vm0, $0xb8;
	[tilespmem:$0x1F200] =	vst v63  }
0x242: {  	_ =	swait.ge [sflag:s31], $0x6000  }
0x243: {  	[sflag:s31] =	ssyncset.done $0x0  }
0x244: {  	s29 =	simm.s32 $0x7;
	[sflag:s31] =	ssyncadd.s32 $0xFFFFA000  }
0x245: {  	_ =	swait.ge [sflag:s29], $0x6000  }
0x246: {  	[sflag:s29] =	ssyncset.done $0x0  }
0x247: {  	[sflag:s29] =	ssyncadd.s32 $0xFFFFA000  }
0x248: {  	v62 =	vld [tilespmem:$0xA00];
	_ =	sdelay $0x4  }
0x249: {  	v63 =	vshrl.u32 v62, $0x3  }
0x24a: {  	v52 =	vmul.u32 $0x30, v63  }
0x24b: {  	v51 =	vand.u32 $0x7, v62  }
0x24c: {  	v51 =	vor.u32 v51, v52  }
0x24d: {  	v52 =	vperm.xlane v51, v46;
	_ =	sdelay $0x1  }
0x24e: {  	v52 =	vadd.s32 v47, v52;
	_ =	sdelay $0x3  }
0x24f: {  	s30 =	simm.s32 $0xD200;
	v51 =	vperm.xlane v51, v48  }
0x250: {  	[hbm4b:s9+s5] =	stream.indirect_vreg.scatter [tilespmem:s30], [sflag:$0x6], $0x80, v52, vm0, $0xb8;
	[tilespmem:$0x1F200] =	vst v63  }
0x251: {  	s3 =	simm.s32 $0xDA00;
	v51 =	vadd.s32 v47, v51  }
0x252: {  	[hbm4b:s22+s5] =	stream.indirect_vreg.scatter [tilespmem:s3], [sflag:$0x6], $0x80, v52, vm0, $0xb8;
	[tilespmem:$0x1F200] =	vst v63  }
0x253: {  	s4 =	simm.s32 $0xE200  }
0x254: {  	[hbm4b:s23+s5] =	stream.indirect_vreg.scatter [tilespmem:s4], [sflag:$0x6], $0x80, v52, vm0, $0xb8;
	[tilespmem:$0x1F200] =	vst v63  }
0x255: {  	s6 =	simm.s32 $0xEA00  }
0x256: {  	[hbm4b:s9+s5] =	stream.indirect_vreg.scatter [tilespmem:s6], [sflag:$0x6], $0x80, v51, vm0, $0xb8;
	[tilespmem:$0x1F200] =	vst v63  }
0x257: {  	s12 =	simm.s32 $0xF200  }
0x258: {  	[hbm4b:s22+s5] =	stream.indirect_vreg.scatter [tilespmem:s12], [sflag:$0x6], $0x80, v51, vm0, $0xb8;
	[tilespmem:$0x1F200] =	vst v63  }
0x259: {  	s15 =	simm.s32 $0xFA00  }
0x25a: {  	[hbm4b:s23+s5] =	stream.indirect_vreg.scatter [tilespmem:s15], [sflag:$0x6], $0x80, v51, vm0, $0xb8;
	[tilespmem:$0x1F200] =	vst v63  }
0x25b: {  	v51 =	vld [tilespmem:$0xA10];
	_ =	sdelay $0x4  }
0x25c: {  	v56 =	vshrl.u32 v51, $0x3  }
0x25d: {  	v52 =	vmul.u32 $0x30, v56  }
0x25e: {  	v51 =	vand.u32 $0x7, v51  }
0x25f: {  	v51 =	vor.u32 v51, v52  }
0x260: {  	v52 =	vperm.xlane v51, v46;
	_ =	sdelay $0x1  }
0x261: {  	v52 =	vadd.s32 v47, v52;
	_ =	sdelay $0x3  }
0x262: {  	s16 =	simm.s32 $0x10200;
	v51 =	vperm.xlane v51, v48  }
0x263: {  	[hbm4b:s9+s5] =	stream.indirect_vreg.scatter [tilespmem:s16], [sflag:$0x6], $0x80, v52, vm0, $0xb8;
	[tilespmem:$0x1F200] =	vst v63  }
0x264: {  	s17 =	simm.s32 $0x10A00;
	v51 =	vadd.s32 v47, v51  }
0x265: {  	[hbm4b:s22+s5] =	stream.indirect_vreg.scatter [tilespmem:s17], [sflag:$0x6], $0x80, v52, vm0, $0xb8;
	[tilespmem:$0x1F200] =	vst v63  }
0x266: {  	s18 =	simm.s32 $0x11200  }
0x267: {  	[hbm4b:s23+s5] =	stream.indirect_vreg.scatter [tilespmem:s18], [sflag:$0x6], $0x80, v52, vm0, $0xb8;
	[tilespmem:$0x1F200] =	vst v63  }
0x268: {  	s20 =	simm.s32 $0x11A00  }
0x269: {  	[hbm4b:s9+s5] =	stream.indirect_vreg.scatter [tilespmem:s20], [sflag:$0x6], $0x80, v51, vm0, $0xb8;
	[tilespmem:$0x1F200] =	vst v63  }
0x26a: {  	s24 =	simm.s32 $0x12200  }
0x26b: {  	[hbm4b:s22+s5] =	stream.indirect_vreg.scatter [tilespmem:s24], [sflag:$0x6], $0x80, v51, vm0, $0xb8;
	[tilespmem:$0x1F200] =	vst v63  }
0x26c: {  	s25 =	simm.s32 $0x12A00  }
0x26d: {  	[hbm4b:s23+s5] =	stream.indirect_vreg.scatter [tilespmem:s25], [sflag:$0x6], $0x80, v51, vm0, $0xb8;
	[tilespmem:$0x1F200] =	vst v63  }
0x26e: {  	v51 =	vld [tilespmem:$0xE00];
	_ =	sdelay $0x4  }
0x26f: {  	v57 =	vshrl.u32 v51, $0x3  }
0x270: {  	v52 =	vmul.u32 $0x30, v57  }
0x271: {  	v51 =	vand.u32 $0x7, v51  }
0x272: {  	v51 =	vor.u32 v51, v52  }
0x273: {  	v52 =	vperm.xlane v51, v46;
	_ =	sdelay $0x1  }
0x274: {  	v52 =	vadd.s32 v47, v52;
	_ =	sdelay $0x3  }
0x275: {  	s30 =	simm.s32 $0x13200;
	v51 =	vperm.xlane v51, v48  }
0x276: {  	[hbm4b:s9+s5] =	stream.indirect_vreg.scatter [tilespmem:s30], [sflag:$0x7], $0x80, v52, vm0, $0xb8;
	[tilespmem:$0x1F200] =	vst v63  }
0x277: {  	s12 =	simm.s32 $0x13A00;
	v51 =	vadd.s32 v47, v51  }
0x278: {  	[hbm4b:s22+s5] =	stream.indirect_vreg.scatter [tilespmem:s12], [sflag:$0x7], $0x80, v52, vm0, $0xb8;
	[tilespmem:$0x1F200] =	vst v63  }
0x279: {  	s15 =	simm.s32 $0x14200  }
0x27a: {  	[hbm4b:s23+s5] =	stream.indirect_vreg.scatter [tilespmem:s15], [sflag:$0x7], $0x80, v52, vm0, $0xb8;
	[tilespmem:$0x1F200] =	vst v63  }
0x27b: {  	s16 =	simm.s32 $0x14A00  }
0x27c: {  	[hbm4b:s9+s5] =	stream.indirect_vreg.scatter [tilespmem:s16], [sflag:$0x7], $0x80, v51, vm0, $0xb8;
	[tilespmem:$0x1F200] =	vst v63  }
0x27d: {  	s17 =	simm.s32 $0x15200  }
0x27e: {  	[hbm4b:s22+s5] =	stream.indirect_vreg.scatter [tilespmem:s17], [sflag:$0x7], $0x80, v51, vm0, $0xb8;
	[tilespmem:$0x1F200] =	vst v63  }
0x27f: {  	s3 =	simm.s32 $0x15A00  }
0x280: {  	[hbm4b:s23+s5] =	stream.indirect_vreg.scatter [tilespmem:s3], [sflag:$0x7], $0x80, v51, vm0, $0xb8;
	[tilespmem:$0x1F200] =	vst v63  }
0x281: {  	v51 =	vld [tilespmem:$0xE10];
	_ =	sdelay $0x4  }
0x282: {  	v58 =	vshrl.u32 v51, $0x3  }
0x283: {  	v52 =	vmul.u32 $0x30, v58  }
0x284: {  	v51 =	vand.u32 $0x7, v51  }
0x285: {  	v51 =	vor.u32 v51, v52  }
0x286: {  	v52 =	vperm.xlane v51, v46;
	_ =	sdelay $0x1  }
0x287: {  	v52 =	vadd.s32 v47, v52;
	_ =	sdelay $0x3  }
0x288: {  	s4 =	simm.s32 $0x16200;
	v51 =	vperm.xlane v51, v48  }
0x289: {  	[hbm4b:s9+s5] =	stream.indirect_vreg.scatter [tilespmem:s4], [sflag:$0x7], $0x80, v52, vm0, $0xb8;
	[tilespmem:$0x1F200] =	vst v63  }
0x28a: {  	s18 =	simm.s32 $0x16A00;
	v51 =	vadd.s32 v47, v51  }
0x28b: {  	[hbm4b:s22+s5] =	stream.indirect_vreg.scatter [tilespmem:s18], [sflag:$0x7], $0x80, v52, vm0, $0xb8;
	[tilespmem:$0x1F200] =	vst v63  }
0x28c: {  	s20 =	simm.s32 $0x17200  }
0x28d: {  	[hbm4b:s23+s5] =	stream.indirect_vreg.scatter [tilespmem:s20], [sflag:$0x7], $0x80, v52, vm0, $0xb8;
	[tilespmem:$0x1F200] =	vst v63  }
0x28e: {  	s24 =	simm.s32 $0x17A00  }
0x28f: {  	[hbm4b:s9+s5] =	stream.indirect_vreg.scatter [tilespmem:s24], [sflag:$0x7], $0x80, v51, vm0, $0xb8;
	[tilespmem:$0x1F200] =	vst v63  }
0x290: {  	s29 =	simm.s32 $0x18200  }
0x291: {  	[hbm4b:s22+s5] =	stream.indirect_vreg.scatter [tilespmem:s29], [sflag:$0x7], $0x80, v51, vm0, $0xb8;
	[tilespmem:$0x1F200] =	vst v63  }
0x292: {  	s0 =	simm.s32 $0x18A00;
	s25 =	simm.s32 $0x6  }
0x293: {  	[hbm4b:s23+s5] =	stream.indirect_vreg.scatter [tilespmem:s0], [sflag:$0x7], $0x80, v51, vm0, $0xb8;
	[tilespmem:$0x1F200] =	vst v63  }
0x294: {  	_ =	swait.ge [sflag:s25], $0x6000  }
0x295: {  	[sflag:s25] =	ssyncset.done $0x0  }
0x296: {  	s21 =	simm.s32 $0x7;
	[sflag:s25] =	ssyncadd.s32 $0xFFFFA000  }
0x297: {  	_ =	swait.ge [sflag:s21], $0x6000  }
0x298: {  	[sflag:s21] =	ssyncset.done $0x0  }
0x299: {  	[sflag:s21] =	ssyncadd.s32 $0xFFFFA000  }
0x29a: {  	v59 =	vld [tilespmem:$0x300];
	_ =	sdelay $0x4  }
0x29b: {  	v60 =	vshrl.u32 v59, $0x3  }
0x29c: {  	v52 =	vmul.u32 $0x30, v60  }
0x29d: {  	v51 =	vand.u32 $0x7, v59  }
0x29e: {  	v51 =	vor.u32 v51, v52  }
0x29f: {  	v52 =	vperm.xlane v51, v46;
	_ =	sdelay $0x1  }
0x2a0: {  	v52 =	vadd.s32 v47, v52;
	_ =	sdelay $0x3  }
0x2a1: {  	s28 =	simm.s32 $0x7200;
	v51 =	vperm.xlane v51, v48  }
0x2a2: {  	[tilespmem:s28], [sflag:$0x2] =	stream.indirect_vreg.gather [hbm4b:s2+s5], $0x80, v52, vm0, $0xb8;
	[tilespmem:$0x1F200] =	vst v63  }
0x2a3: {  	v51 =	vadd.s32 v47, v51;
	s28 =	simm.s32 $0x7A00  }
0x2a4: {  	[tilespmem:s28], [sflag:$0x2] =	stream.indirect_vreg.gather [hbm4b:s8+s5], $0x80, v52, vm0, $0xb8;
	[tilespmem:$0x1F200] =	vst v63  }
0x2a5: {  	s28 =	simm.s32 $0x8200  }
0x2a6: {  	[tilespmem:s28], [sflag:$0x2] =	stream.indirect_vreg.gather [hbm4b:s10+s5], $0x80, v52, vm0, $0xb8;
	[tilespmem:$0x1F200] =	vst v63  }
0x2a7: {  	s28 =	simm.s32 $0x8A00  }
0x2a8: {  	[tilespmem:s28], [sflag:$0x2] =	stream.indirect_vreg.gather [hbm4b:s2+s5], $0x80, v51, vm0, $0xb8;
	[tilespmem:$0x1F200] =	vst v63  }
0x2a9: {  	_ = 	snop  }
0x2aa: {  	[tilespmem:s7], [sflag:$0x2] =	stream.indirect_vreg.gather [hbm4b:s8+s5], $0x80, v51, vm0, $0xb8;
	[tilespmem:$0x1F200] =	vst v63  }
0x2ab: {  	s28 =	simm.s32 $0x9A00  }
0x2ac: {  	[tilespmem:s28], [sflag:$0x2] =	stream.indirect_vreg.gather [hbm4b:s10+s5], $0x80, v51, vm0, $0xb8;
	[tilespmem:$0x1F200] =	vst v63  }
0x2ad: {  	v51 =	vld [tilespmem:$0x310];
	_ =	sdelay $0x4  }
0x2ae: {  	v61 =	vshrl.u32 v51, $0x3  }
0x2af: {  	v52 =	vmul.u32 $0x30, v61  }
0x2b0: {  	v51 =	vand.u32 $0x7, v51  }
0x2b1: {  	v51 =	vor.u32 v51, v52  }
0x2b2: {  	v52 =	vperm.xlane v51, v46;
	_ =	sdelay $0x1  }
0x2b3: {  	v52 =	vadd.s32 v47, v52;
	_ =	sdelay $0x3  }
0x2b4: {  	s7 =	simm.s32 $0xA200;
	v51 =	vperm.xlane v51, v48  }
0x2b5: {  	[tilespmem:s7], [sflag:$0x2] =	stream.indirect_vreg.gather [hbm4b:s2+s5], $0x80, v52, vm0, $0xb8;
	[tilespmem:$0x1F200] =	vst v63  }
0x2b6: {  	v51 =	vadd.s32 v47, v51;
	s7 =	simm.s32 $0xAA00  }
0x2b7: {  	[tilespmem:s7], [sflag:$0x2] =	stream.indirect_vreg.gather [hbm4b:s8+s5], $0x80, v52, vm0, $0xb8;
	[tilespmem:$0x1F200] =	vst v63  }
0x2b8: {  	_ = 	snop  }
0x2b9: {  	[tilespmem:s14], [sflag:$0x2] =	stream.indirect_vreg.gather [hbm4b:s10+s5], $0x80, v52, vm0, $0xb8;
	[tilespmem:$0x1F200] =	vst v63  }
0x2ba: {  	_ = 	snop  }
0x2bb: {  	[tilespmem:s19], [sflag:$0x2] =	stream.indirect_vreg.gather [hbm4b:s2+s5], $0x80, v51, vm0, $0xb8;
	[tilespmem:$0x1F200] =	vst v63  }
0x2bc: {  	s14 =	simm.s32 $0xC200  }
0x2bd: {  	[tilespmem:s14], [sflag:$0x2] =	stream.indirect_vreg.gather [hbm4b:s8+s5], $0x80, v51, vm0, $0xb8;
	[tilespmem:$0x1F200] =	vst v63  }
0x2be: {  	s19 =	simm.s32 $0xCA00  }
0x2bf: {  	[tilespmem:s19], [sflag:$0x2] =	stream.indirect_vreg.gather [hbm4b:s10+s5], $0x80, v51, vm0, $0xb8;
	[tilespmem:$0x1F200] =	vst v63  }
0x2c0: {  	v51 =	vld [tilespmem:$0x700];
	_ =	sdelay $0x4  }
0x2c1: {  	v62 =	vshrl.u32 v51, $0x3  }
0x2c2: {  	v52 =	vmul.u32 $0x30, v62  }
0x2c3: {  	v51 =	vand.u32 $0x7, v51  }
0x2c4: {  	v51 =	vor.u32 v51, v52  }
0x2c5: {  	v52 =	vperm.xlane v51, v46;
	_ =	sdelay $0x1  }
0x2c6: {  	v52 =	vadd.s32 v47, v52;
	_ =	sdelay $0x3  }
0x2c7: {  	v51 =	vperm.xlane v51, v48  }
0x2c8: {  	[tilespmem:s30], [sflag:$0x7] =	stream.indirect_vreg.gather [hbm4b:s1+s5], $0x80, v52, vm0, $0xb8;
	[tilespmem:$0x1F200] =	vst v63  }
0x2c9: {  	v51 =	vadd.s32 v47, v51  }
0x2ca: {  	[tilespmem:s12], [sflag:$0x7] =	stream.indirect_vreg.gather [hbm4b:s11+s5], $0x80, v52, vm0, $0xb8;
	[tilespmem:$0x1F200] =	vst v63  }
0x2cb: {  	_ = 	snop  }
0x2cc: {  	[tilespmem:s15], [sflag:$0x7] =	stream.indirect_vreg.gather [hbm4b:s13+s5], $0x80, v52, vm0, $0xb8;
	[tilespmem:$0x1F200] =	vst v63  }
0x2cd: {  	_ = 	snop  }
0x2ce: {  	[tilespmem:s16], [sflag:$0x7] =	stream.indirect_vreg.gather [hbm4b:s1+s5], $0x80, v51, vm0, $0xb8;
	[tilespmem:$0x1F200] =	vst v63  }
0x2cf: {  	_ = 	snop  }
0x2d0: {  	[tilespmem:s17], [sflag:$0x7] =	stream.indirect_vreg.gather [hbm4b:s11+s5], $0x80, v51, vm0, $0xb8;
	[tilespmem:$0x1F200] =	vst v63  }
0x2d1: {  	_ = 	snop  }
0x2d2: {  	[tilespmem:s3], [sflag:$0x7] =	stream.indirect_vreg.gather [hbm4b:s13+s5], $0x80, v51, vm0, $0xb8;
	[tilespmem:$0x1F200] =	vst v63  }
0x2d3: {  	v51 =	vld [tilespmem:$0x710];
	_ =	sdelay $0x4  }
0x2d4: {  	v63 =	vshrl.u32 v51, $0x3  }
0x2d5: {  	v52 =	vmul.u32 $0x30, v63  }
0x2d6: {  	v51 =	vand.u32 $0x7, v51  }
0x2d7: {  	v51 =	vor.u32 v51, v52  }
0x2d8: {  	v52 =	vperm.xlane v51, v46;
	_ =	sdelay $0x1  }
0x2d9: {  	v52 =	vadd.s32 v47, v52;
	_ =	sdelay $0x3  }
0x2da: {  	v51 =	vperm.xlane v51, v48  }
0x2db: {  	[tilespmem:s4], [sflag:$0x7] =	stream.indirect_vreg.gather [hbm4b:s1+s5], $0x80, v52, vm0, $0xb8;
	[tilespmem:$0x1F200] =	vst v63  }
0x2dc: {  	v51 =	vadd.s32 v47, v51  }
0x2dd: {  	[tilespmem:s18], [sflag:$0x7] =	stream.indirect_vreg.gather [hbm4b:s11+s5], $0x80, v52, vm0, $0xb8;
	[tilespmem:$0x1F200] =	vst v63  }
0x2de: {  	_ = 	snop  }
0x2df: {  	[tilespmem:s20], [sflag:$0x7] =	stream.indirect_vreg.gather [hbm4b:s13+s5], $0x80, v52, vm0, $0xb8;
	[tilespmem:$0x1F200] =	vst v63  }
0x2e0: {  	_ = 	snop  }
0x2e1: {  	[tilespmem:s24], [sflag:$0x7] =	stream.indirect_vreg.gather [hbm4b:s1+s5], $0x80, v51, vm0, $0xb8;
	[tilespmem:$0x1F200] =	vst v63  }
0x2e2: {  	_ = 	snop  }
0x2e3: {  	[tilespmem:s29], [sflag:$0x7] =	stream.indirect_vreg.gather [hbm4b:s11+s5], $0x80, v51, vm0, $0xb8;
	[tilespmem:$0x1F200] =	vst v63  }
0x2e4: {  	s4 =	simm.s32 $0x1  }
0x2e5: {  	[tilespmem:s0], [sflag:$0x7] =	stream.indirect_vreg.gather [hbm4b:s13+s5], $0x80, v51, vm0, $0xb8;
	[tilespmem:$0x1F200] =	vst v63  }
0x2e6: {  	_ =	swait.ge [sflag:s4], $0x6000  }
0x2e7: {  	[sflag:s4] =	ssyncset.done $0x0  }
0x2e8: {  	[sflag:s4] =	ssyncadd.s32 $0xFFFFA000  }
0x2e9: {  	_ =	swait.ge [sflag:s26], $0x6000  }
0x2ea: {  	[sflag:s26] =	ssyncset.done $0x0  }
0x2eb: {  	[sflag:s26] =	ssyncadd.s32 $0xFFFFA000  }
0x2ec: {  	v56 =	vld [tilespmem:$0xA80];
	_ =	sdelay $0x4  }
0x2ed: {  	v57 =	vshrl.u32 v56, $0x3  }
0x2ee: {  	v52 =	vmul.u32 $0x30, v57  }
0x2ef: {  	v51 =	vand.u32 $0x7, v56  }
0x2f0: {  	v51 =	vor.u32 v51, v52  }
0x2f1: {  	v52 =	vperm.xlane v51, v46;
	_ =	sdelay $0x1  }
0x2f2: {  	v52 =	vadd.s32 v47, v52;
	_ =	sdelay $0x3  }
0x2f3: {  	s6 =	simm.s32 $0x1200;
	v51 =	vperm.xlane v51, v48  }
0x2f4: {  	[hbm4b:s9+s5] =	stream.indirect_vreg.scatter [tilespmem:s6], [sflag:$0x4], $0x80, v52, vm0, $0xb8;
	[tilespmem:$0x1F200] =	vst v63  }
0x2f5: {  	s7 =	simm.s32 $0x1A00;
	v51 =	vadd.s32 v47, v51  }
0x2f6: {  	[hbm4b:s22+s5] =	stream.indirect_vreg.scatter [tilespmem:s7], [sflag:$0x4], $0x80, v52, vm0, $0xb8;
	[tilespmem:$0x1F200] =	vst v63  }
0x2f7: {  	s12 =	simm.s32 $0x2200  }
0x2f8: {  	[hbm4b:s23+s5] =	stream.indirect_vreg.scatter [tilespmem:s12], [sflag:$0x4], $0x80, v52, vm0, $0xb8;
	[tilespmem:$0x1F200] =	vst v63  }
0x2f9: {  	s14 =	simm.s32 $0x2A00  }
0x2fa: {  	[hbm4b:s9+s5] =	stream.indirect_vreg.scatter [tilespmem:s14], [sflag:$0x4], $0x80, v51, vm0, $0xb8;
	[tilespmem:$0x1F200] =	vst v63  }
0x2fb: {  	s15 =	simm.s32 $0x3200  }
0x2fc: {  	[hbm4b:s22+s5] =	stream.indirect_vreg.scatter [tilespmem:s15], [sflag:$0x4], $0x80, v51, vm0, $0xb8;
	[tilespmem:$0x1F200] =	vst v63  }
0x2fd: {  	s24 =	simm.s32 $0x3A00  }
0x2fe: {  	[hbm4b:s23+s5] =	stream.indirect_vreg.scatter [tilespmem:s24], [sflag:$0x4], $0x80, v51, vm0, $0xb8;
	[tilespmem:$0x1F200] =	vst v63  }
0x2ff: {  	v51 =	vld [tilespmem:$0xA90];
	_ =	sdelay $0x4  }
0x300: {  	v58 =	vshrl.u32 v51, $0x3  }
0x301: {  	v52 =	vmul.u32 $0x30, v58  }
0x302: {  	v51 =	vand.u32 $0x7, v51  }
0x303: {  	v51 =	vor.u32 v51, v52  }
0x304: {  	v52 =	vperm.xlane v51, v46;
	_ =	sdelay $0x1  }
0x305: {  	v52 =	vadd.s32 v47, v52;
	_ =	sdelay $0x3  }
0x306: {  	s29 =	simm.s32 $0x4200;
	v51 =	vperm.xlane v51, v48  }
0x307: {  	[hbm4b:s9+s5] =	stream.indirect_vreg.scatter [tilespmem:s29], [sflag:$0x4], $0x80, v52, vm0, $0xb8;
	[tilespmem:$0x1F200] =	vst v63  }
0x308: {  	s16 =	simm.s32 $0x4A00;
	v51 =	vadd.s32 v47, v51  }
0x309: {  	[hbm4b:s22+s5] =	stream.indirect_vreg.scatter [tilespmem:s16], [sflag:$0x4], $0x80, v52, vm0, $0xb8;
	[tilespmem:$0x1F200] =	vst v63  }
0x30a: {  	s17 =	simm.s32 $0x5200  }
0x30b: {  	[hbm4b:s23+s5] =	stream.indirect_vreg.scatter [tilespmem:s17], [sflag:$0x4], $0x80, v52, vm0, $0xb8;
	[tilespmem:$0x1F200] =	vst v63  }
0x30c: {  	s18 =	simm.s32 $0x5A00  }
0x30d: {  	[hbm4b:s9+s5] =	stream.indirect_vreg.scatter [tilespmem:s18], [sflag:$0x4], $0x80, v51, vm0, $0xb8;
	[tilespmem:$0x1F200] =	vst v63  }
0x30e: {  	s19 =	simm.s32 $0x6200  }
0x30f: {  	[hbm4b:s22+s5] =	stream.indirect_vreg.scatter [tilespmem:s19], [sflag:$0x4], $0x80, v51, vm0, $0xb8;
	[tilespmem:$0x1F200] =	vst v63  }
0x310: {  	s30 =	simm.s32 $0x6A00  }
0x311: {  	[hbm4b:s23+s5] =	stream.indirect_vreg.scatter [tilespmem:s30], [sflag:$0x4], $0x80, v51, vm0, $0xb8;
	[tilespmem:$0x1F200] =	vst v63  }
0x312: {  	v51 =	vld [tilespmem:$0xE80];
	_ =	sdelay $0x4  }
0x313: {  	v59 =	vshrl.u32 v51, $0x3  }
0x314: {  	v52 =	vmul.u32 $0x30, v59  }
0x315: {  	v51 =	vand.u32 $0x7, v51  }
0x316: {  	v51 =	vor.u32 v51, v52  }
0x317: {  	v52 =	vperm.xlane v51, v46;
	_ =	sdelay $0x1  }
0x318: {  	v52 =	vadd.s32 v47, v52;
	_ =	sdelay $0x3  }
0x319: {  	s6 =	simm.s32 $0x19200;
	v51 =	vperm.xlane v51, v48  }
0x31a: {  	[hbm4b:s9+s5] =	stream.indirect_vreg.scatter [tilespmem:s6], [sflag:$0x8], $0x80, v52, vm0, $0xb8;
	[tilespmem:$0x1F200] =	vst v63  }
0x31b: {  	s16 =	simm.s32 $0x19A00;
	v51 =	vadd.s32 v47, v51  }
0x31c: {  	[hbm4b:s22+s5] =	stream.indirect_vreg.scatter [tilespmem:s16], [sflag:$0x8], $0x80, v52, vm0, $0xb8;
	[tilespmem:$0x1F200] =	vst v63  }
0x31d: {  	s17 =	simm.s32 $0x1A200  }
0x31e: {  	[hbm4b:s23+s5] =	stream.indirect_vreg.scatter [tilespmem:s17], [sflag:$0x8], $0x80, v52, vm0, $0xb8;
	[tilespmem:$0x1F200] =	vst v63  }
0x31f: {  	s18 =	simm.s32 $0x1AA00  }
0x320: {  	[hbm4b:s9+s5] =	stream.indirect_vreg.scatter [tilespmem:s18], [sflag:$0x8], $0x80, v51, vm0, $0xb8;
	[tilespmem:$0x1F200] =	vst v63  }
0x321: {  	s4 =	simm.s32 $0x1B200  }
0x322: {  	[hbm4b:s22+s5] =	stream.indirect_vreg.scatter [tilespmem:s4], [sflag:$0x8], $0x80, v51, vm0, $0xb8;
	[tilespmem:$0x1F200] =	vst v63  }
0x323: {  	s7 =	simm.s32 $0x1BA00  }
0x324: {  	[hbm4b:s23+s5] =	stream.indirect_vreg.scatter [tilespmem:s7], [sflag:$0x8], $0x80, v51, vm0, $0xb8;
	[tilespmem:$0x1F200] =	vst v63  }
0x325: {  	v51 =	vld [tilespmem:$0xE90];
	_ =	sdelay $0x4  }
0x326: {  	v60 =	vshrl.u32 v51, $0x3  }
0x327: {  	v52 =	vmul.u32 $0x30, v60  }
0x328: {  	v51 =	vand.u32 $0x7, v51  }
0x329: {  	v51 =	vor.u32 v51, v52  }
0x32a: {  	v52 =	vperm.xlane v51, v46;
	_ =	sdelay $0x1  }
0x32b: {  	v52 =	vadd.s32 v47, v52;
	_ =	sdelay $0x3  }
0x32c: {  	s12 =	simm.s32 $0x1C200;
	v51 =	vperm.xlane v51, v48  }
0x32d: {  	[hbm4b:s9+s5] =	stream.indirect_vreg.scatter [tilespmem:s12], [sflag:$0x8], $0x80, v52, vm0, $0xb8;
	[tilespmem:$0x1F200] =	vst v63  }
0x32e: {  	s14 =	simm.s32 $0x1CA00;
	v51 =	vadd.s32 v47, v51  }
0x32f: {  	[hbm4b:s22+s5] =	stream.indirect_vreg.scatter [tilespmem:s14], [sflag:$0x8], $0x80, v52, vm0, $0xb8;
	[tilespmem:$0x1F200] =	vst v63  }
0x330: {  	s20 =	simm.s32 $0x1D200  }
0x331: {  	[hbm4b:s23+s5] =	stream.indirect_vreg.scatter [tilespmem:s20], [sflag:$0x8], $0x80, v52, vm0, $0xb8;
	[tilespmem:$0x1F200] =	vst v63  }
0x332: {  	s19 =	simm.s32 $0x1DA00  }
0x333: {  	[hbm4b:s9+s5] =	stream.indirect_vreg.scatter [tilespmem:s19], [sflag:$0x8], $0x80, v51, vm0, $0xb8;
	[tilespmem:$0x1F200] =	vst v63  }
0x334: {  	s3 =	simm.s32 $0x1E200  }
0x335: {  	[hbm4b:s22+s5] =	stream.indirect_vreg.scatter [tilespmem:s3], [sflag:$0x8], $0x80, v51, vm0, $0xb8;
	[tilespmem:$0x1F200] =	vst v63  }
0x336: {  	s0 =	simm.s32 $0x4;
	s15 =	simm.s32 $0x1EA00  }
0x337: {  	[hbm4b:s23+s5] =	stream.indirect_vreg.scatter [tilespmem:s15], [sflag:$0x8], $0x80, v51, vm0, $0xb8;
	[tilespmem:$0x1F200] =	vst v63  }
0x338: {  	_ =	swait.ge [sflag:s0], $0x6000  }
0x339: {  	[sflag:s0] =	ssyncset.done $0x0  }
0x33a: {  	[sflag:s0] =	ssyncadd.s32 $0xFFFFA000  }
0x33b: {  	_ =	swait.ge [sflag:s26], $0x6000  }
0x33c: {  	[sflag:s26] =	ssyncset.done $0x0  }
0x33d: {  	[sflag:s26] =	ssyncadd.s32 $0xFFFFA000  }
0x33e: {  	v61 =	vld [tilespmem:$0x380];
	_ =	sdelay $0x4  }
0x33f: {  	v62 =	vshrl.u32 v61, $0x3  }
0x340: {  	v52 =	vmul.u32 $0x30, v62  }
0x341: {  	v51 =	vand.u32 $0x7, v61  }
0x342: {  	v51 =	vor.u32 v51, v52  }
0x343: {  	v52 =	vperm.xlane v51, v46;
	_ =	sdelay $0x1  }
0x344: {  	v52 =	vadd.s32 v47, v52;
	_ =	sdelay $0x3  }
0x345: {  	s0 =	simm.s32 $0xD200;
	v51 =	vperm.xlane v51, v48  }
0x346: {  	[tilespmem:s0], [sflag:$0x3] =	stream.indirect_vreg.gather [hbm4b:s2+s5], $0x80, v52, vm0, $0xb8;
	[tilespmem:$0x1F200] =	vst v63  }
0x347: {  	v51 =	vadd.s32 v47, v51;
	s0 =	simm.s32 $0xDA00  }
0x348: {  	[tilespmem:s0], [sflag:$0x3] =	stream.indirect_vreg.gather [hbm4b:s8+s5], $0x80, v52, vm0, $0xb8;
	[tilespmem:$0x1F200] =	vst v63  }
0x349: {  	s0 =	simm.s32 $0xE200  }
0x34a: {  	[tilespmem:s0], [sflag:$0x3] =	stream.indirect_vreg.gather [hbm4b:s10+s5], $0x80, v52, vm0, $0xb8;
	[tilespmem:$0x1F200] =	vst v63  }
0x34b: {  	s0 =	simm.s32 $0xEA00  }
0x34c: {  	[tilespmem:s0], [sflag:$0x3] =	stream.indirect_vreg.gather [hbm4b:s2+s5], $0x80, v51, vm0, $0xb8;
	[tilespmem:$0x1F200] =	vst v63  }
0x34d: {  	s0 =	simm.s32 $0xF200  }
0x34e: {  	[tilespmem:s0], [sflag:$0x3] =	stream.indirect_vreg.gather [hbm4b:s8+s5], $0x80, v51, vm0, $0xb8;
	[tilespmem:$0x1F200] =	vst v63  }
0x34f: {  	s0 =	simm.s32 $0xFA00  }
0x350: {  	[tilespmem:s0], [sflag:$0x3] =	stream.indirect_vreg.gather [hbm4b:s10+s5], $0x80, v51, vm0, $0xb8;
	[tilespmem:$0x1F200] =	vst v63  }
0x351: {  	v51 =	vld [tilespmem:$0x390];
	_ =	sdelay $0x4  }
0x352: {  	v63 =	vshrl.u32 v51, $0x3  }
0x353: {  	v52 =	vmul.u32 $0x30, v63  }
0x354: {  	v51 =	vand.u32 $0x7, v51  }
0x355: {  	v51 =	vor.u32 v51, v52  }
0x356: {  	v52 =	vperm.xlane v51, v46;
	_ =	sdelay $0x1  }
0x357: {  	v52 =	vadd.s32 v47, v52;
	_ =	sdelay $0x3  }
0x358: {  	s0 =	simm.s32 $0x10200;
	v51 =	vperm.xlane v51, v48  }
0x359: {  	[tilespmem:s0], [sflag:$0x3] =	stream.indirect_vreg.gather [hbm4b:s2+s5], $0x80, v52, vm0, $0xb8;
	[tilespmem:$0x1F200] =	vst v63  }
0x35a: {  	v51 =	vadd.s32 v47, v51;
	s0 =	simm.s32 $0x10A00  }
0x35b: {  	[tilespmem:s0], [sflag:$0x3] =	stream.indirect_vreg.gather [hbm4b:s8+s5], $0x80, v52, vm0, $0xb8;
	[tilespmem:$0x1F200] =	vst v63  }
0x35c: {  	s0 =	simm.s32 $0x11200  }
0x35d: {  	[tilespmem:s0], [sflag:$0x3] =	stream.indirect_vreg.gather [hbm4b:s10+s5], $0x80, v52, vm0, $0xb8;
	[tilespmem:$0x1F200] =	vst v63  }
0x35e: {  	s0 =	simm.s32 $0x11A00  }
0x35f: {  	[tilespmem:s0], [sflag:$0x3] =	stream.indirect_vreg.gather [hbm4b:s2+s5], $0x80, v51, vm0, $0xb8;
	[tilespmem:$0x1F200] =	vst v63  }
0x360: {  	s0 =	simm.s32 $0x12200  }
0x361: {  	[tilespmem:s0], [sflag:$0x3] =	stream.indirect_vreg.gather [hbm4b:s8+s5], $0x80, v51, vm0, $0xb8;
	[tilespmem:$0x1F200] =	vst v63  }
0x362: {  	s0 =	simm.s32 $0x12A00  }
0x363: {  	[tilespmem:s0], [sflag:$0x3] =	stream.indirect_vreg.gather [hbm4b:s10+s5], $0x80, v51, vm0, $0xb8;
	[tilespmem:$0x1F200] =	vst v63  }
0x364: {  	v51 =	vld [tilespmem:$0x780];
	_ =	sdelay $0x4  }
0x365: {  	v56 =	vshrl.u32 v51, $0x3  }
0x366: {  	v52 =	vmul.u32 $0x30, v56  }
0x367: {  	v51 =	vand.u32 $0x7, v51  }
0x368: {  	v51 =	vor.u32 v51, v52  }
0x369: {  	v52 =	vperm.xlane v51, v46;
	_ =	sdelay $0x1  }
0x36a: {  	v52 =	vadd.s32 v47, v52;
	_ =	sdelay $0x3  }
0x36b: {  	v51 =	vperm.xlane v51, v48  }
0x36c: {  	[tilespmem:s6], [sflag:$0x8] =	stream.indirect_vreg.gather [hbm4b:s1+s5], $0x80, v52, vm0, $0xb8;
	[tilespmem:$0x1F200] =	vst v63  }
0x36d: {  	v51 =	vadd.s32 v47, v51  }
0x36e: {  	[tilespmem:s16], [sflag:$0x8] =	stream.indirect_vreg.gather [hbm4b:s11+s5], $0x80, v52, vm0, $0xb8;
	[tilespmem:$0x1F200] =	vst v63  }
0x36f: {  	_ = 	snop  }
0x370: {  	[tilespmem:s17], [sflag:$0x8] =	stream.indirect_vreg.gather [hbm4b:s13+s5], $0x80, v52, vm0, $0xb8;
	[tilespmem:$0x1F200] =	vst v63  }
0x371: {  	_ = 	snop  }
0x372: {  	[tilespmem:s18], [sflag:$0x8] =	stream.indirect_vreg.gather [hbm4b:s1+s5], $0x80, v51, vm0, $0xb8;
	[tilespmem:$0x1F200] =	vst v63  }
0x373: {  	_ = 	snop  }
0x374: {  	[tilespmem:s4], [sflag:$0x8] =	stream.indirect_vreg.gather [hbm4b:s11+s5], $0x80, v51, vm0, $0xb8;
	[tilespmem:$0x1F200] =	vst v63  }
0x375: {  	_ = 	snop  }
0x376: {  	[tilespmem:s7], [sflag:$0x8] =	stream.indirect_vreg.gather [hbm4b:s13+s5], $0x80, v51, vm0, $0xb8;
	[tilespmem:$0x1F200] =	vst v63  }
0x377: {  	v51 =	vld [tilespmem:$0x790];
	_ =	sdelay $0x4  }
0x378: {  	v57 =	vshrl.u32 v51, $0x3  }
0x379: {  	v52 =	vmul.u32 $0x30, v57  }
0x37a: {  	v51 =	vand.u32 $0x7, v51  }
0x37b: {  	v51 =	vor.u32 v51, v52  }
0x37c: {  	v52 =	vperm.xlane v51, v46;
	_ =	sdelay $0x1  }
0x37d: {  	v52 =	vadd.s32 v47, v52;
	_ =	sdelay $0x3  }
0x37e: {  	v51 =	vperm.xlane v51, v48  }
0x37f: {  	[tilespmem:s12], [sflag:$0x8] =	stream.indirect_vreg.gather [hbm4b:s1+s5], $0x80, v52, vm0, $0xb8;
	[tilespmem:$0x1F200] =	vst v63  }
0x380: {  	v51 =	vadd.s32 v47, v51  }
0x381: {  	[tilespmem:s14], [sflag:$0x8] =	stream.indirect_vreg.gather [hbm4b:s11+s5], $0x80, v52, vm0, $0xb8;
	[tilespmem:$0x1F200] =	vst v63  }
0x382: {  	_ = 	snop  }
0x383: {  	[tilespmem:s20], [sflag:$0x8] =	stream.indirect_vreg.gather [hbm4b:s13+s5], $0x80, v52, vm0, $0xb8;
	[tilespmem:$0x1F200] =	vst v63  }
0x384: {  	_ = 	snop  }
0x385: {  	[tilespmem:s19], [sflag:$0x8] =	stream.indirect_vreg.gather [hbm4b:s1+s5], $0x80, v51, vm0, $0xb8;
	[tilespmem:$0x1F200] =	vst v63  }
0x386: {  	_ = 	snop  }
0x387: {  	[tilespmem:s3], [sflag:$0x8] =	stream.indirect_vreg.gather [hbm4b:s11+s5], $0x80, v51, vm0, $0xb8;
	[tilespmem:$0x1F200] =	vst v63  }
0x388: {  	s20 =	simm.s32 $0x2  }
0x389: {  	[tilespmem:s15], [sflag:$0x8] =	stream.indirect_vreg.gather [hbm4b:s13+s5], $0x80, v51, vm0, $0xb8;
	[tilespmem:$0x1F200] =	vst v63  }
0x38a: {  	_ =	swait.ge [sflag:s20], $0x6000  }
0x38b: {  	[sflag:s20] =	ssyncset.done $0x0  }
0x38c: {  	[sflag:s20] =	ssyncadd.s32 $0xFFFFA000  }
0x38d: {  	_ =	swait.ge [sflag:s21], $0x6000  }
0x38e: {  	[sflag:s21] =	ssyncset.done $0x0  }
0x38f: {  	[sflag:s21] =	ssyncadd.s32 $0xFFFFA000  }
0x390: {  	v58 =	vld [tilespmem:$0xB00];
	_ =	sdelay $0x4  }
0x391: {  	v59 =	vshrl.u32 v58, $0x3  }
0x392: {  	v52 =	vmul.u32 $0x30, v59  }
0x393: {  	v51 =	vand.u32 $0x7, v58  }
0x394: {  	v51 =	vor.u32 v51, v52  }
0x395: {  	v52 =	vperm.xlane v51, v46;
	_ =	sdelay $0x1  }
0x396: {  	v52 =	vadd.s32 v47, v52;
	_ =	sdelay $0x3  }
0x397: {  	s3 =	simm.s32 $0x7200;
	v51 =	vperm.xlane v51, v48  }
0x398: {  	[hbm4b:s9+s5] =	stream.indirect_vreg.scatter [tilespmem:s3], [sflag:$0x5], $0x80, v52, vm0, $0xb8;
	[tilespmem:$0x1F200] =	vst v63  }
0x399: {  	s4 =	simm.s32 $0x7A00;
	v51 =	vadd.s32 v47, v51  }
0x39a: {  	[hbm4b:s22+s5] =	stream.indirect_vreg.scatter [tilespmem:s4], [sflag:$0x5], $0x80, v52, vm0, $0xb8;
	[tilespmem:$0x1F200] =	vst v63  }
0x39b: {  	s6 =	simm.s32 $0x8200  }
0x39c: {  	[hbm4b:s23+s5] =	stream.indirect_vreg.scatter [tilespmem:s6], [sflag:$0x5], $0x80, v52, vm0, $0xb8;
	[tilespmem:$0x1F200] =	vst v63  }
0x39d: {  	s7 =	simm.s32 $0x8A00  }
0x39e: {  	[hbm4b:s9+s5] =	stream.indirect_vreg.scatter [tilespmem:s7], [sflag:$0x5], $0x80, v51, vm0, $0xb8;
	[tilespmem:$0x1F200] =	vst v63  }
0x39f: {  	s12 =	simm.s32 $0x9200  }
0x3a0: {  	[hbm4b:s22+s5] =	stream.indirect_vreg.scatter [tilespmem:s12], [sflag:$0x5], $0x80, v51, vm0, $0xb8;
	[tilespmem:$0x1F200] =	vst v63  }
0x3a1: {  	_ = 	snop  }
0x3a2: {  	[hbm4b:s23+s5] =	stream.indirect_vreg.scatter [tilespmem:s28], [sflag:$0x5], $0x80, v51, vm0, $0xb8;
	[tilespmem:$0x1F200] =	vst v63  }
0x3a3: {  	v51 =	vld [tilespmem:$0xB10];
	_ =	sdelay $0x4  }
0x3a4: {  	v60 =	vshrl.u32 v51, $0x3  }
0x3a5: {  	v52 =	vmul.u32 $0x30, v60  }
0x3a6: {  	v51 =	vand.u32 $0x7, v51  }
0x3a7: {  	v51 =	vor.u32 v51, v52  }
0x3a8: {  	v52 =	vperm.xlane v51, v46;
	_ =	sdelay $0x1  }
0x3a9: {  	v52 =	vadd.s32 v47, v52;
	_ =	sdelay $0x3  }
0x3aa: {  	s14 =	simm.s32 $0xA200;
	v51 =	vperm.xlane v51, v48  }
0x3ab: {  	[hbm4b:s9+s5] =	stream.indirect_vreg.scatter [tilespmem:s14], [sflag:$0x5], $0x80, v52, vm0, $0xb8;
	[tilespmem:$0x1F200] =	vst v63  }
0x3ac: {  	s15 =	simm.s32 $0xAA00;
	v51 =	vadd.s32 v47, v51  }
0x3ad: {  	[hbm4b:s22+s5] =	stream.indirect_vreg.scatter [tilespmem:s15], [sflag:$0x5], $0x80, v52, vm0, $0xb8;
	[tilespmem:$0x1F200] =	vst v63  }
0x3ae: {  	s16 =	simm.s32 $0xB200  }
0x3af: {  	[hbm4b:s23+s5] =	stream.indirect_vreg.scatter [tilespmem:s16], [sflag:$0x5], $0x80, v52, vm0, $0xb8;
	[tilespmem:$0x1F200] =	vst v63  }
0x3b0: {  	s17 =	simm.s32 $0xBA00  }
0x3b1: {  	[hbm4b:s9+s5] =	stream.indirect_vreg.scatter [tilespmem:s17], [sflag:$0x5], $0x80, v51, vm0, $0xb8;
	[tilespmem:$0x1F200] =	vst v63  }
0x3b2: {  	s18 =	simm.s32 $0xC200  }
0x3b3: {  	[hbm4b:s22+s5] =	stream.indirect_vreg.scatter [tilespmem:s18], [sflag:$0x5], $0x80, v51, vm0, $0xb8;
	[tilespmem:$0x1F200] =	vst v63  }
0x3b4: {  	s19 =	simm.s32 $0xCA00  }
0x3b5: {  	[hbm4b:s23+s5] =	stream.indirect_vreg.scatter [tilespmem:s19], [sflag:$0x5], $0x80, v51, vm0, $0xb8;
	[tilespmem:$0x1F200] =	vst v63  }
0x3b6: {  	v51 =	vld [tilespmem:$0xF00];
	_ =	sdelay $0x4  }
0x3b7: {  	v61 =	vshrl.u32 v51, $0x3  }
0x3b8: {  	v52 =	vmul.u32 $0x30, v61  }
0x3b9: {  	v51 =	vand.u32 $0x7, v51  }
0x3ba: {  	v51 =	vor.u32 v51, v52  }
0x3bb: {  	v52 =	vperm.xlane v51, v46;
	_ =	sdelay $0x1  }
0x3bc: {  	v52 =	vadd.s32 v47, v52;
	_ =	sdelay $0x3  }
0x3bd: {  	s18 =	simm.s32 $0x13200;
	v51 =	vperm.xlane v51, v48  }
0x3be: {  	[hbm4b:s9+s5] =	stream.indirect_vreg.scatter [tilespmem:s18], [sflag:$0x7], $0x80, v52, vm0, $0xb8;
	[tilespmem:$0x1F200] =	vst v63  }
0x3bf: {  	s4 =	simm.s32 $0x13A00;
	v51 =	vadd.s32 v47, v51  }
0x3c0: {  	[hbm4b:s22+s5] =	stream.indirect_vreg.scatter [tilespmem:s4], [sflag:$0x7], $0x80, v52, vm0, $0xb8;
	[tilespmem:$0x1F200] =	vst v63  }
0x3c1: {  	s6 =	simm.s32 $0x14200  }
0x3c2: {  	[hbm4b:s23+s5] =	stream.indirect_vreg.scatter [tilespmem:s6], [sflag:$0x7], $0x80, v52, vm0, $0xb8;
	[tilespmem:$0x1F200] =	vst v63  }
0x3c3: {  	s7 =	simm.s32 $0x14A00  }
0x3c4: {  	[hbm4b:s9+s5] =	stream.indirect_vreg.scatter [tilespmem:s7], [sflag:$0x7], $0x80, v51, vm0, $0xb8;
	[tilespmem:$0x1F200] =	vst v63  }
0x3c5: {  	s12 =	simm.s32 $0x15200  }
0x3c6: {  	[hbm4b:s22+s5] =	stream.indirect_vreg.scatter [tilespmem:s12], [sflag:$0x7], $0x80, v51, vm0, $0xb8;
	[tilespmem:$0x1F200] =	vst v63  }
0x3c7: {  	s3 =	simm.s32 $0x15A00  }
0x3c8: {  	[hbm4b:s23+s5] =	stream.indirect_vreg.scatter [tilespmem:s3], [sflag:$0x7], $0x80, v51, vm0, $0xb8;
	[tilespmem:$0x1F200] =	vst v63  }
0x3c9: {  	v51 =	vld [tilespmem:$0xF10];
	_ =	sdelay $0x4  }
0x3ca: {  	v62 =	vshrl.u32 v51, $0x3  }
0x3cb: {  	v52 =	vmul.u32 $0x30, v62  }
0x3cc: {  	v51 =	vand.u32 $0x7, v51  }
0x3cd: {  	v51 =	vor.u32 v51, v52  }
0x3ce: {  	v52 =	vperm.xlane v51, v46;
	_ =	sdelay $0x1  }
0x3cf: {  	v52 =	vadd.s32 v47, v52;
	_ =	sdelay $0x3  }
0x3d0: {  	s28 =	simm.s32 $0x16200;
	v51 =	vperm.xlane v51, v48  }
0x3d1: {  	[hbm4b:s9+s5] =	stream.indirect_vreg.scatter [tilespmem:s28], [sflag:$0x7], $0x80, v52, vm0, $0xb8;
	[tilespmem:$0x1F200] =	vst v63  }
0x3d2: {  	s19 =	simm.s32 $0x16A00;
	v51 =	vadd.s32 v47, v51  }
0x3d3: {  	[hbm4b:s22+s5] =	stream.indirect_vreg.scatter [tilespmem:s19], [sflag:$0x7], $0x80, v52, vm0, $0xb8;
	[tilespmem:$0x1F200] =	vst v63  }
0x3d4: {  	s15 =	simm.s32 $0x17200  }
0x3d5: {  	[hbm4b:s23+s5] =	stream.indirect_vreg.scatter [tilespmem:s15], [sflag:$0x7], $0x80, v52, vm0, $0xb8;
	[tilespmem:$0x1F200] =	vst v63  }
0x3d6: {  	s16 =	simm.s32 $0x17A00  }
0x3d7: {  	[hbm4b:s9+s5] =	stream.indirect_vreg.scatter [tilespmem:s16], [sflag:$0x7], $0x80, v51, vm0, $0xb8;
	[tilespmem:$0x1F200] =	vst v63  }
0x3d8: {  	s17 =	simm.s32 $0x18200  }
0x3d9: {  	[hbm4b:s22+s5] =	stream.indirect_vreg.scatter [tilespmem:s17], [sflag:$0x7], $0x80, v51, vm0, $0xb8;
	[tilespmem:$0x1F200] =	vst v63  }
0x3da: {  	s0 =	simm.s32 $0x18A00;
	s20 =	simm.s32 $0x5  }
0x3db: {  	[hbm4b:s23+s5] =	stream.indirect_vreg.scatter [tilespmem:s0], [sflag:$0x7], $0x80, v51, vm0, $0xb8;
	[tilespmem:$0x1F200] =	vst v63  }
0x3dc: {  	_ =	swait.ge [sflag:s20], $0x6000  }
0x3dd: {  	[sflag:s20] =	ssyncset.done $0x0  }
0x3de: {  	[sflag:s20] =	ssyncadd.s32 $0xFFFFA000  }
0x3df: {  	_ =	swait.ge [sflag:s21], $0x6000  }
0x3e0: {  	[sflag:s21] =	ssyncset.done $0x0  }
0x3e1: {  	[sflag:s21] =	ssyncadd.s32 $0xFFFFA000  }
0x3e2: {  	v63 =	vld [tilespmem:$0x400];
	_ =	sdelay $0x4  }
0x3e3: {  	v56 =	vshrl.u32 v63, $0x3  }
0x3e4: {  	v52 =	vmul.u32 $0x30, v56  }
0x3e5: {  	v51 =	vand.u32 $0x7, v63  }
0x3e6: {  	v51 =	vor.u32 v51, v52  }
0x3e7: {  	v52 =	vperm.xlane v51, v46;
	_ =	sdelay $0x1  }
0x3e8: {  	v52 =	vadd.s32 v47, v52;
	_ =	sdelay $0x3  }
0x3e9: {  	s20 =	simm.s32 $0x1200;
	v51 =	vperm.xlane v51, v48  }
0x3ea: {  	[tilespmem:s20], [sflag:$0x1] =	stream.indirect_vreg.gather [hbm4b:s2+s5], $0x80, v52, vm0, $0xb8;
	[tilespmem:$0x1F200] =	vst v63  }
0x3eb: {  	v51 =	vadd.s32 v47, v51;
	s20 =	simm.s32 $0x1A00  }
0x3ec: {  	[tilespmem:s20], [sflag:$0x1] =	stream.indirect_vreg.gather [hbm4b:s8+s5], $0x80, v52, vm0, $0xb8;
	[tilespmem:$0x1F200] =	vst v63  }
0x3ed: {  	s20 =	simm.s32 $0x2200  }
0x3ee: {  	[tilespmem:s20], [sflag:$0x1] =	stream.indirect_vreg.gather [hbm4b:s10+s5], $0x80, v52, vm0, $0xb8;
	[tilespmem:$0x1F200] =	vst v63  }
0x3ef: {  	s20 =	simm.s32 $0x2A00  }
0x3f0: {  	[tilespmem:s20], [sflag:$0x1] =	stream.indirect_vreg.gather [hbm4b:s2+s5], $0x80, v51, vm0, $0xb8;
	[tilespmem:$0x1F200] =	vst v63  }
0x3f1: {  	s20 =	simm.s32 $0x3200  }
0x3f2: {  	[tilespmem:s20], [sflag:$0x1] =	stream.indirect_vreg.gather [hbm4b:s8+s5], $0x80, v51, vm0, $0xb8;
	[tilespmem:$0x1F200] =	vst v63  }
0x3f3: {  	_ = 	snop  }
0x3f4: {  	[tilespmem:s24], [sflag:$0x1] =	stream.indirect_vreg.gather [hbm4b:s10+s5], $0x80, v51, vm0, $0xb8;
	[tilespmem:$0x1F200] =	vst v63  }
0x3f5: {  	v51 =	vld [tilespmem:$0x410];
	_ =	sdelay $0x4  }
0x3f6: {  	v57 =	vshrl.u32 v51, $0x3  }
0x3f7: {  	v52 =	vmul.u32 $0x30, v57  }
0x3f8: {  	v51 =	vand.u32 $0x7, v51  }
0x3f9: {  	v51 =	vor.u32 v51, v52  }
0x3fa: {  	v52 =	vperm.xlane v51, v46;
	_ =	sdelay $0x1  }
0x3fb: {  	v52 =	vadd.s32 v47, v52;
	_ =	sdelay $0x3  }
0x3fc: {  	v51 =	vperm.xlane v51, v48  }
0x3fd: {  	[tilespmem:s29], [sflag:$0x1] =	stream.indirect_vreg.gather [hbm4b:s2+s5], $0x80, v52, vm0, $0xb8;
	[tilespmem:$0x1F200] =	vst v63  }
0x3fe: {  	v51 =	vadd.s32 v47, v51;
	s29 =	simm.s32 $0x4A00  }
0x3ff: {  	[tilespmem:s29], [sflag:$0x1] =	stream.indirect_vreg.gather [hbm4b:s8+s5], $0x80, v52, vm0, $0xb8;
	[tilespmem:$0x1F200] =	vst v63  }
0x400: {  	s20 =	simm.s32 $0x5200  }
0x401: {  	[tilespmem:s20], [sflag:$0x1] =	stream.indirect_vreg.gather [hbm4b:s10+s5], $0x80, v52, vm0, $0xb8;
	[tilespmem:$0x1F200] =	vst v63  }
0x402: {  	s24 =	simm.s32 $0x5A00  }
0x403: {  	[tilespmem:s24], [sflag:$0x1] =	stream.indirect_vreg.gather [hbm4b:s2+s5], $0x80, v51, vm0, $0xb8;
	[tilespmem:$0x1F200] =	vst v63  }
0x404: {  	s29 =	simm.s32 $0x6200  }
0x405: {  	[tilespmem:s29], [sflag:$0x1] =	stream.indirect_vreg.gather [hbm4b:s8+s5], $0x80, v51, vm0, $0xb8;
	[tilespmem:$0x1F200] =	vst v63  }
0x406: {  	_ = 	snop  }
0x407: {  	[tilespmem:s30], [sflag:$0x1] =	stream.indirect_vreg.gather [hbm4b:s10+s5], $0x80, v51, vm0, $0xb8;
	[tilespmem:$0x1F200] =	vst v63  }
0x408: {  	v51 =	vld [tilespmem:$0x800];
	_ =	sdelay $0x4  }
0x409: {  	v58 =	vshrl.u32 v51, $0x3  }
0x40a: {  	v52 =	vmul.u32 $0x30, v58  }
0x40b: {  	v51 =	vand.u32 $0x7, v51  }
0x40c: {  	v51 =	vor.u32 v51, v52  }
0x40d: {  	v52 =	vperm.xlane v51, v46;
	_ =	sdelay $0x1  }
0x40e: {  	v52 =	vadd.s32 v47, v52;
	_ =	sdelay $0x3  }
0x40f: {  	v51 =	vperm.xlane v51, v48  }
0x410: {  	[tilespmem:s18], [sflag:$0x7] =	stream.indirect_vreg.gather [hbm4b:s1+s5], $0x80, v52, vm0, $0xb8;
	[tilespmem:$0x1F200] =	vst v63  }
0x411: {  	v51 =	vadd.s32 v47, v51  }
0x412: {  	[tilespmem:s4], [sflag:$0x7] =	stream.indirect_vreg.gather [hbm4b:s11+s5], $0x80, v52, vm0, $0xb8;
	[tilespmem:$0x1F200] =	vst v63  }
0x413: {  	_ = 	snop  }
0x414: {  	[tilespmem:s6], [sflag:$0x7] =	stream.indirect_vreg.gather [hbm4b:s13+s5], $0x80, v52, vm0, $0xb8;
	[tilespmem:$0x1F200] =	vst v63  }
0x415: {  	_ = 	snop  }
0x416: {  	[tilespmem:s7], [sflag:$0x7] =	stream.indirect_vreg.gather [hbm4b:s1+s5], $0x80, v51, vm0, $0xb8;
	[tilespmem:$0x1F200] =	vst v63  }
0x417: {  	_ = 	snop  }
0x418: {  	[tilespmem:s12], [sflag:$0x7] =	stream.indirect_vreg.gather [hbm4b:s11+s5], $0x80, v51, vm0, $0xb8;
	[tilespmem:$0x1F200] =	vst v63  }
0x419: {  	_ = 	snop  }
0x41a: {  	[tilespmem:s3], [sflag:$0x7] =	stream.indirect_vreg.gather [hbm4b:s13+s5], $0x80, v51, vm0, $0xb8;
	[tilespmem:$0x1F200] =	vst v63  }
0x41b: {  	v51 =	vld [tilespmem:$0x810];
	_ =	sdelay $0x4  }
0x41c: {  	v59 =	vshrl.u32 v51, $0x3  }
0x41d: {  	v52 =	vmul.u32 $0x30, v59  }
0x41e: {  	v51 =	vand.u32 $0x7, v51  }
0x41f: {  	v51 =	vor.u32 v51, v52  }
0x420: {  	v52 =	vperm.xlane v51, v46;
	_ =	sdelay $0x1  }
0x421: {  	v52 =	vadd.s32 v47, v52;
	_ =	sdelay $0x3  }
0x422: {  	v51 =	vperm.xlane v51, v48  }
0x423: {  	[tilespmem:s28], [sflag:$0x7] =	stream.indirect_vreg.gather [hbm4b:s1+s5], $0x80, v52, vm0, $0xb8;
	[tilespmem:$0x1F200] =	vst v63  }
0x424: {  	v51 =	vadd.s32 v47, v51  }
0x425: {  	[tilespmem:s19], [sflag:$0x7] =	stream.indirect_vreg.gather [hbm4b:s11+s5], $0x80, v52, vm0, $0xb8;
	[tilespmem:$0x1F200] =	vst v63  }
0x426: {  	_ = 	snop  }
0x427: {  	[tilespmem:s15], [sflag:$0x7] =	stream.indirect_vreg.gather [hbm4b:s13+s5], $0x80, v52, vm0, $0xb8;
	[tilespmem:$0x1F200] =	vst v63  }
0x428: {  	_ = 	snop  }
0x429: {  	[tilespmem:s16], [sflag:$0x7] =	stream.indirect_vreg.gather [hbm4b:s1+s5], $0x80, v51, vm0, $0xb8;
	[tilespmem:$0x1F200] =	vst v63  }
0x42a: {  	_ = 	snop  }
0x42b: {  	[tilespmem:s17], [sflag:$0x7] =	stream.indirect_vreg.gather [hbm4b:s11+s5], $0x80, v51, vm0, $0xb8;
	[tilespmem:$0x1F200] =	vst v63  }
0x42c: {  	_ = 	snop  }
0x42d: {  	[tilespmem:s0], [sflag:$0x7] =	stream.indirect_vreg.gather [hbm4b:s13+s5], $0x80, v51, vm0, $0xb8;
	[tilespmem:$0x1F200] =	vst v63  }
0x42e: {  	_ =	swait.ge [sflag:s31], $0x6000  }
0x42f: {  	[sflag:s31] =	ssyncset.done $0x0  }
0x430: {  	[sflag:s31] =	ssyncadd.s32 $0xFFFFA000  }
0x431: {  	_ =	swait.ge [sflag:s26], $0x6000  }
0x432: {  	[sflag:s26] =	ssyncset.done $0x0  }
0x433: {  	[sflag:s26] =	ssyncadd.s32 $0xFFFFA000  }
0x434: {  	v60 =	vld [tilespmem:$0xB80];
	_ =	sdelay $0x4  }
0x435: {  	v61 =	vshrl.u32 v60, $0x3  }
0x436: {  	v52 =	vmul.u32 $0x30, v61  }
0x437: {  	v51 =	vand.u32 $0x7, v60  }
0x438: {  	v51 =	vor.u32 v51, v52  }
0x439: {  	v52 =	vperm.xlane v51, v46;
	_ =	sdelay $0x1  }
0x43a: {  	v52 =	vadd.s32 v47, v52;
	_ =	sdelay $0x3  }
0x43b: {  	s12 =	simm.s32 $0xD200;
	v51 =	vperm.xlane v51, v48  }
0x43c: {  	[hbm4b:s9+s5] =	stream.indirect_vreg.scatter [tilespmem:s12], [sflag:$0x6], $0x80, v52, vm0, $0xb8;
	[tilespmem:$0x1F200] =	vst v63  }
0x43d: {  	s14 =	simm.s32 $0xDA00;
	v51 =	vadd.s32 v47, v51  }
0x43e: {  	[hbm4b:s22+s5] =	stream.indirect_vreg.scatter [tilespmem:s14], [sflag:$0x6], $0x80, v52, vm0, $0xb8;
	[tilespmem:$0x1F200] =	vst v63  }
0x43f: {  	s15 =	simm.s32 $0xE200  }
0x440: {  	[hbm4b:s23+s5] =	stream.indirect_vreg.scatter [tilespmem:s15], [sflag:$0x6], $0x80, v52, vm0, $0xb8;
	[tilespmem:$0x1F200] =	vst v63  }
0x441: {  	s16 =	simm.s32 $0xEA00  }
0x442: {  	[hbm4b:s9+s5] =	stream.indirect_vreg.scatter [tilespmem:s16], [sflag:$0x6], $0x80, v51, vm0, $0xb8;
	[tilespmem:$0x1F200] =	vst v63  }
0x443: {  	s17 =	simm.s32 $0xF200  }
0x444: {  	[hbm4b:s22+s5] =	stream.indirect_vreg.scatter [tilespmem:s17], [sflag:$0x6], $0x80, v51, vm0, $0xb8;
	[tilespmem:$0x1F200] =	vst v63  }
0x445: {  	s18 =	simm.s32 $0xFA00  }
0x446: {  	[hbm4b:s23+s5] =	stream.indirect_vreg.scatter [tilespmem:s18], [sflag:$0x6], $0x80, v51, vm0, $0xb8;
	[tilespmem:$0x1F200] =	vst v63  }
0x447: {  	v51 =	vld [tilespmem:$0xB90];
	_ =	sdelay $0x4  }
0x448: {  	v62 =	vshrl.u32 v51, $0x3  }
0x449: {  	v52 =	vmul.u32 $0x30, v62  }
0x44a: {  	v51 =	vand.u32 $0x7, v51  }
0x44b: {  	v51 =	vor.u32 v51, v52  }
0x44c: {  	v52 =	vperm.xlane v51, v46;
	_ =	sdelay $0x1  }
0x44d: {  	v52 =	vadd.s32 v47, v52;
	_ =	sdelay $0x3  }
0x44e: {  	s19 =	simm.s32 $0x10200;
	v51 =	vperm.xlane v51, v48  }
0x44f: {  	[hbm4b:s9+s5] =	stream.indirect_vreg.scatter [tilespmem:s19], [sflag:$0x6], $0x80, v52, vm0, $0xb8;
	[tilespmem:$0x1F200] =	vst v63  }
0x450: {  	s20 =	simm.s32 $0x10A00;
	v51 =	vadd.s32 v47, v51  }
0x451: {  	[hbm4b:s22+s5] =	stream.indirect_vreg.scatter [tilespmem:s20], [sflag:$0x6], $0x80, v52, vm0, $0xb8;
	[tilespmem:$0x1F200] =	vst v63  }
0x452: {  	s24 =	simm.s32 $0x11200  }
0x453: {  	[hbm4b:s23+s5] =	stream.indirect_vreg.scatter [tilespmem:s24], [sflag:$0x6], $0x80, v52, vm0, $0xb8;
	[tilespmem:$0x1F200] =	vst v63  }
0x454: {  	s28 =	simm.s32 $0x11A00  }
0x455: {  	[hbm4b:s9+s5] =	stream.indirect_vreg.scatter [tilespmem:s28], [sflag:$0x6], $0x80, v51, vm0, $0xb8;
	[tilespmem:$0x1F200] =	vst v63  }
0x456: {  	s29 =	simm.s32 $0x12200  }
0x457: {  	[hbm4b:s22+s5] =	stream.indirect_vreg.scatter [tilespmem:s29], [sflag:$0x6], $0x80, v51, vm0, $0xb8;
	[tilespmem:$0x1F200] =	vst v63  }
0x458: {  	s30 =	simm.s32 $0x12A00  }
0x459: {  	[hbm4b:s23+s5] =	stream.indirect_vreg.scatter [tilespmem:s30], [sflag:$0x6], $0x80, v51, vm0, $0xb8;
	[tilespmem:$0x1F200] =	vst v63  }
0x45a: {  	v51 =	vld [tilespmem:$0xF80];
	_ =	sdelay $0x4  }
0x45b: {  	v63 =	vshrl.u32 v51, $0x3  }
0x45c: {  	v52 =	vmul.u32 $0x30, v63  }
0x45d: {  	v51 =	vand.u32 $0x7, v51  }
0x45e: {  	v51 =	vor.u32 v51, v52  }
0x45f: {  	v52 =	vperm.xlane v51, v46;
	_ =	sdelay $0x1  }
0x460: {  	v52 =	vadd.s32 v47, v52;
	_ =	sdelay $0x3  }
0x461: {  	s24 =	simm.s32 $0x19200;
	v51 =	vperm.xlane v51, v48  }
0x462: {  	[hbm4b:s9+s5] =	stream.indirect_vreg.scatter [tilespmem:s24], [sflag:$0x8], $0x80, v52, vm0, $0xb8;
	[tilespmem:$0x1F200] =	vst v63  }
0x463: {  	s3 =	simm.s32 $0x19A00;
	v51 =	vadd.s32 v47, v51  }
0x464: {  	[hbm4b:s22+s5] =	stream.indirect_vreg.scatter [tilespmem:s3], [sflag:$0x8], $0x80, v52, vm0, $0xb8;
	[tilespmem:$0x1F200] =	vst v63  }
0x465: {  	s4 =	simm.s32 $0x1A200  }
0x466: {  	[hbm4b:s23+s5] =	stream.indirect_vreg.scatter [tilespmem:s4], [sflag:$0x8], $0x80, v52, vm0, $0xb8;
	[tilespmem:$0x1F200] =	vst v63  }
0x467: {  	s7 =	simm.s32 $0x1AA00  }
0x468: {  	[hbm4b:s9+s5] =	stream.indirect_vreg.scatter [tilespmem:s7], [sflag:$0x8], $0x80, v51, vm0, $0xb8;
	[tilespmem:$0x1F200] =	vst v63  }
0x469: {  	s20 =	simm.s32 $0x1B200  }
0x46a: {  	[hbm4b:s22+s5] =	stream.indirect_vreg.scatter [tilespmem:s20], [sflag:$0x8], $0x80, v51, vm0, $0xb8;
	[tilespmem:$0x1F200] =	vst v63  }
0x46b: {  	s28 =	simm.s32 $0x1BA00  }
0x46c: {  	[hbm4b:s23+s5] =	stream.indirect_vreg.scatter [tilespmem:s28], [sflag:$0x8], $0x80, v51, vm0, $0xb8;
	[tilespmem:$0x1F200] =	vst v63  }
0x46d: {  	v51 =	vld [tilespmem:$0xF90];
	_ =	sdelay $0x4  }
0x46e: {  	v56 =	vshrl.u32 v51, $0x3  }
0x46f: {  	v52 =	vmul.u32 $0x30, v56  }
0x470: {  	v51 =	vand.u32 $0x7, v51  }
0x471: {  	v51 =	vor.u32 v51, v52  }
0x472: {  	v52 =	vperm.xlane v51, v46;
	_ =	sdelay $0x1  }
0x473: {  	v52 =	vadd.s32 v47, v52;
	_ =	sdelay $0x3  }
0x474: {  	s29 =	simm.s32 $0x1C200;
	v51 =	vperm.xlane v51, v48  }
0x475: {  	[hbm4b:s9+s5] =	stream.indirect_vreg.scatter [tilespmem:s29], [sflag:$0x8], $0x80, v52, vm0, $0xb8;
	[tilespmem:$0x1F200] =	vst v63  }
0x476: {  	s12 =	simm.s32 $0x1CA00;
	v51 =	vadd.s32 v47, v51  }
0x477: {  	[hbm4b:s22+s5] =	stream.indirect_vreg.scatter [tilespmem:s12], [sflag:$0x8], $0x80, v52, vm0, $0xb8;
	[tilespmem:$0x1F200] =	vst v63  }
0x478: {  	s14 =	simm.s32 $0x1D200  }
0x479: {  	[hbm4b:s23+s5] =	stream.indirect_vreg.scatter [tilespmem:s14], [sflag:$0x8], $0x80, v52, vm0, $0xb8;
	[tilespmem:$0x1F200] =	vst v63  }
0x47a: {  	s17 =	simm.s32 $0x1DA00  }
0x47b: {  	[hbm4b:s9+s5] =	stream.indirect_vreg.scatter [tilespmem:s17], [sflag:$0x8], $0x80, v51, vm0, $0xb8;
	[tilespmem:$0x1F200] =	vst v63  }
0x47c: {  	s18 =	simm.s32 $0x1E200  }
0x47d: {  	[hbm4b:s22+s5] =	stream.indirect_vreg.scatter [tilespmem:s18], [sflag:$0x8], $0x80, v51, vm0, $0xb8;
	[tilespmem:$0x1F200] =	vst v63  }
0x47e: {  	s0 =	simm.s32 $0x1EA00  }
0x47f: {  	[hbm4b:s23+s5] =	stream.indirect_vreg.scatter [tilespmem:s0], [sflag:$0x8], $0x80, v51, vm0, $0xb8;
	[tilespmem:$0x1F200] =	vst v63  }
0x480: {  	_ =	swait.ge [sflag:s25], $0x6000  }
0x481: {  	[sflag:s25] =	ssyncset.done $0x0  }
0x482: {  	[sflag:s25] =	ssyncadd.s32 $0xFFFFA000  }
0x483: {  	_ =	swait.ge [sflag:s26], $0x6000  }
0x484: {  	[sflag:s26] =	ssyncset.done $0x0  }
0x485: {  	[sflag:s26] =	ssyncadd.s32 $0xFFFFA000  }
0x486: {  	v57 =	vld [tilespmem:$0x480];
	_ =	sdelay $0x4  }
0x487: {  	v58 =	vshrl.u32 v57, $0x3  }
0x488: {  	v52 =	vmul.u32 $0x30, v58  }
0x489: {  	v51 =	vand.u32 $0x7, v57  }
0x48a: {  	v51 =	vor.u32 v51, v52  }
0x48b: {  	v52 =	vperm.xlane v51, v46;
	_ =	sdelay $0x1  }
0x48c: {  	v52 =	vadd.s32 v47, v52;
	_ =	sdelay $0x3  }
0x48d: {  	s31 =	simm.s32 $0x7200;
	v51 =	vperm.xlane v51, v48  }
0x48e: {  	[tilespmem:s31], [sflag:$0x2] =	stream.indirect_vreg.gather [hbm4b:s2+s5], $0x80, v52, vm0, $0xb8;
	[tilespmem:$0x1F200] =	vst v63  }
0x48f: {  	s19 =	simm.s32 $0x7A00;
	v51 =	vadd.s32 v47, v51  }
0x490: {  	[tilespmem:s19], [sflag:$0x2] =	stream.indirect_vreg.gather [hbm4b:s8+s5], $0x80, v52, vm0, $0xb8;
	[tilespmem:$0x1F200] =	vst v63  }
0x491: {  	s25 =	simm.s32 $0x8200  }
0x492: {  	[tilespmem:s25], [sflag:$0x2] =	stream.indirect_vreg.gather [hbm4b:s10+s5], $0x80, v52, vm0, $0xb8;
	[tilespmem:$0x1F200] =	vst v63  }
0x493: {  	s30 =	simm.s32 $0x8A00  }
0x494: {  	[tilespmem:s30], [sflag:$0x2] =	stream.indirect_vreg.gather [hbm4b:s2+s5], $0x80, v51, vm0, $0xb8;
	[tilespmem:$0x1F200] =	vst v63  }
0x495: {  	s31 =	simm.s32 $0x9200  }
0x496: {  	[tilespmem:s31], [sflag:$0x2] =	stream.indirect_vreg.gather [hbm4b:s8+s5], $0x80, v51, vm0, $0xb8;
	[tilespmem:$0x1F200] =	vst v63  }
0x497: {  	s15 =	simm.s32 $0x9A00  }
0x498: {  	[tilespmem:s15], [sflag:$0x2] =	stream.indirect_vreg.gather [hbm4b:s10+s5], $0x80, v51, vm0, $0xb8;
	[tilespmem:$0x1F200] =	vst v63  }
0x499: {  	v51 =	vld [tilespmem:$0x490];
	_ =	sdelay $0x4  }
0x49a: {  	v59 =	vshrl.u32 v51, $0x3  }
0x49b: {  	v52 =	vmul.u32 $0x30, v59  }
0x49c: {  	v51 =	vand.u32 $0x7, v51  }
0x49d: {  	v51 =	vor.u32 v51, v52  }
0x49e: {  	v52 =	vperm.xlane v51, v46;
	_ =	sdelay $0x1  }
0x49f: {  	v52 =	vadd.s32 v47, v52;
	_ =	sdelay $0x3  }
0x4a0: {  	s16 =	simm.s32 $0xA200;
	v51 =	vperm.xlane v51, v48  }
0x4a1: {  	[tilespmem:s16], [sflag:$0x2] =	stream.indirect_vreg.gather [hbm4b:s2+s5], $0x80, v52, vm0, $0xb8;
	[tilespmem:$0x1F200] =	vst v63  }
0x4a2: {  	v51 =	vadd.s32 v47, v51;
	s16 =	simm.s32 $0xAA00  }
0x4a3: {  	[tilespmem:s16], [sflag:$0x2] =	stream.indirect_vreg.gather [hbm4b:s8+s5], $0x80, v52, vm0, $0xb8;
	[tilespmem:$0x1F200] =	vst v63  }
0x4a4: {  	s15 =	simm.s32 $0xB200  }
0x4a5: {  	[tilespmem:s15], [sflag:$0x2] =	stream.indirect_vreg.gather [hbm4b:s10+s5], $0x80, v52, vm0, $0xb8;
	[tilespmem:$0x1F200] =	vst v63  }
0x4a6: {  	s6 =	simm.s32 $0xBA00  }
0x4a7: {  	[tilespmem:s6], [sflag:$0x2] =	stream.indirect_vreg.gather [hbm4b:s2+s5], $0x80, v51, vm0, $0xb8;
	[tilespmem:$0x1F200] =	vst v63  }
0x4a8: {  	s2 =	simm.s32 $0xC200  }
0x4a9: {  	[tilespmem:s2], [sflag:$0x2] =	stream.indirect_vreg.gather [hbm4b:s8+s5], $0x80, v51, vm0, $0xb8;
	[tilespmem:$0x1F200] =	vst v63  }
0x4aa: {  	s2 =	simm.s32 $0xCA00  }
0x4ab: {  	[tilespmem:s2], [sflag:$0x2] =	stream.indirect_vreg.gather [hbm4b:s10+s5], $0x80, v51, vm0, $0xb8;
	[tilespmem:$0x1F200] =	vst v63  }
0x4ac: {  	v51 =	vld [tilespmem:$0x880];
	_ =	sdelay $0x4  }
0x4ad: {  	v60 =	vshrl.u32 v51, $0x3  }
0x4ae: {  	v52 =	vmul.u32 $0x30, v60  }
0x4af: {  	v51 =	vand.u32 $0x7, v51  }
0x4b0: {  	v51 =	vor.u32 v51, v52  }
0x4b1: {  	v52 =	vperm.xlane v51, v46;
	_ =	sdelay $0x1  }
0x4b2: {  	v52 =	vadd.s32 v47, v52;
	_ =	sdelay $0x3  }
0x4b3: {  	v51 =	vperm.xlane v51, v48  }
0x4b4: {  	[tilespmem:s24], [sflag:$0x8] =	stream.indirect_vreg.gather [hbm4b:s1+s5], $0x80, v52, vm0, $0xb8;
	[tilespmem:$0x1F200] =	vst v63  }
0x4b5: {  	v51 =	vadd.s32 v47, v51  }
0x4b6: {  	[tilespmem:s3], [sflag:$0x8] =	stream.indirect_vreg.gather [hbm4b:s11+s5], $0x80, v52, vm0, $0xb8;
	[tilespmem:$0x1F200] =	vst v63  }
0x4b7: {  	_ = 	snop  }
0x4b8: {  	[tilespmem:s4], [sflag:$0x8] =	stream.indirect_vreg.gather [hbm4b:s13+s5], $0x80, v52, vm0, $0xb8;
	[tilespmem:$0x1F200] =	vst v63  }
0x4b9: {  	_ = 	snop  }
0x4ba: {  	[tilespmem:s7], [sflag:$0x8] =	stream.indirect_vreg.gather [hbm4b:s1+s5], $0x80, v51, vm0, $0xb8;
	[tilespmem:$0x1F200] =	vst v63  }
0x4bb: {  	_ = 	snop  }
0x4bc: {  	[tilespmem:s20], [sflag:$0x8] =	stream.indirect_vreg.gather [hbm4b:s11+s5], $0x80, v51, vm0, $0xb8;
	[tilespmem:$0x1F200] =	vst v63  }
0x4bd: {  	_ = 	snop  }
0x4be: {  	[tilespmem:s28], [sflag:$0x8] =	stream.indirect_vreg.gather [hbm4b:s13+s5], $0x80, v51, vm0, $0xb8;
	[tilespmem:$0x1F200] =	vst v63  }
0x4bf: {  	v51 =	vld [tilespmem:$0x890];
	_ =	sdelay $0x4  }
0x4c0: {  	v61 =	vshrl.u32 v51, $0x3  }
0x4c1: {  	v52 =	vmul.u32 $0x30, v61  }
0x4c2: {  	v51 =	vand.u32 $0x7, v51  }
0x4c3: {  	v51 =	vor.u32 v51, v52  }
0x4c4: {  	v52 =	vperm.xlane v51, v46;
	_ =	sdelay $0x1  }
0x4c5: {  	v52 =	vadd.s32 v47, v52;
	_ =	sdelay $0x3  }
0x4c6: {  	v51 =	vperm.xlane v51, v48  }
0x4c7: {  	[tilespmem:s29], [sflag:$0x8] =	stream.indirect_vreg.gather [hbm4b:s1+s5], $0x80, v52, vm0, $0xb8;
	[tilespmem:$0x1F200] =	vst v63  }
0x4c8: {  	v51 =	vadd.s32 v47, v51  }
0x4c9: {  	[tilespmem:s12], [sflag:$0x8] =	stream.indirect_vreg.gather [hbm4b:s11+s5], $0x80, v52, vm0, $0xb8;
	[tilespmem:$0x1F200] =	vst v63  }
0x4ca: {  	_ = 	snop  }
0x4cb: {  	[tilespmem:s14], [sflag:$0x8] =	stream.indirect_vreg.gather [hbm4b:s13+s5], $0x80, v52, vm0, $0xb8;
	[tilespmem:$0x1F200] =	vst v63  }
0x4cc: {  	_ = 	snop  }
0x4cd: {  	[tilespmem:s17], [sflag:$0x8] =	stream.indirect_vreg.gather [hbm4b:s1+s5], $0x80, v51, vm0, $0xb8;
	[tilespmem:$0x1F200] =	vst v63  }
0x4ce: {  	_ = 	snop  }
0x4cf: {  	[tilespmem:s18], [sflag:$0x8] =	stream.indirect_vreg.gather [hbm4b:s11+s5], $0x80, v51, vm0, $0xb8;
	[tilespmem:$0x1F200] =	vst v63  }
0x4d0: {  	s2 =	simm.s32 $0x1  }
0x4d1: {  	[tilespmem:s0], [sflag:$0x8] =	stream.indirect_vreg.gather [hbm4b:s13+s5], $0x80, v51, vm0, $0xb8;
	[tilespmem:$0x1F200] =	vst v63  }
0x4d2: {  	_ =	swait.ge [sflag:s2], $0x6000  }
0x4d3: {  	[sflag:s2] =	ssyncset.done $0x0  }
0x4d4: {  	[sflag:s2] =	ssyncadd.s32 $0xFFFFA000  }
0x4d5: {  	_ =	swait.ge [sflag:s21], $0x6000  }
0x4d6: {  	[sflag:s21] =	ssyncset.done $0x0  }
0x4d7: {  	[sflag:s21] =	ssyncadd.s32 $0xFFFFA000  }
0x4d8: {  	v62 =	vld [tilespmem:$0xC00];
	_ =	sdelay $0x4  }
0x4d9: {  	v63 =	vshrl.u32 v62, $0x3  }
0x4da: {  	v52 =	vmul.u32 $0x30, v63  }
0x4db: {  	v51 =	vand.u32 $0x7, v62  }
0x4dc: {  	v51 =	vor.u32 v51, v52  }
0x4dd: {  	v52 =	vperm.xlane v51, v46;
	_ =	sdelay $0x1  }
0x4de: {  	v52 =	vadd.s32 v47, v52;
	_ =	sdelay $0x3  }
0x4df: {  	s18 =	simm.s32 $0x1200;
	v51 =	vperm.xlane v51, v48  }
0x4e0: {  	[hbm4b:s9+s5] =	stream.indirect_vreg.scatter [tilespmem:s18], [sflag:$0x4], $0x80, v52, vm0, $0xb8;
	[tilespmem:$0x1F200] =	vst v63  }
0x4e1: {  	v51 =	vadd.s32 v47, v51;
	s18 =	simm.s32 $0x1A00  }
0x4e2: {  	[hbm4b:s22+s5] =	stream.indirect_vreg.scatter [tilespmem:s18], [sflag:$0x4], $0x80, v52, vm0, $0xb8;
	[tilespmem:$0x1F200] =	vst v63  }
0x4e3: {  	s18 =	simm.s32 $0x2200  }
0x4e4: {  	[hbm4b:s23+s5] =	stream.indirect_vreg.scatter [tilespmem:s18], [sflag:$0x4], $0x80, v52, vm0, $0xb8;
	[tilespmem:$0x1F200] =	vst v63  }
0x4e5: {  	s18 =	simm.s32 $0x2A00  }
0x4e6: {  	[hbm4b:s9+s5] =	stream.indirect_vreg.scatter [tilespmem:s18], [sflag:$0x4], $0x80, v51, vm0, $0xb8;
	[tilespmem:$0x1F200] =	vst v63  }
0x4e7: {  	s18 =	simm.s32 $0x3200  }
0x4e8: {  	[hbm4b:s22+s5] =	stream.indirect_vreg.scatter [tilespmem:s18], [sflag:$0x4], $0x80, v51, vm0, $0xb8;
	[tilespmem:$0x1F200] =	vst v63  }
0x4e9: {  	s18 =	simm.s32 $0x3A00  }
0x4ea: {  	[hbm4b:s23+s5] =	stream.indirect_vreg.scatter [tilespmem:s18], [sflag:$0x4], $0x80, v51, vm0, $0xb8;
	[tilespmem:$0x1F200] =	vst v63  }
0x4eb: {  	v51 =	vld [tilespmem:$0xC10];
	_ =	sdelay $0x4  }
0x4ec: {  	v56 =	vshrl.u32 v51, $0x3  }
0x4ed: {  	v52 =	vmul.u32 $0x30, v56  }
0x4ee: {  	v51 =	vand.u32 $0x7, v51  }
0x4ef: {  	v51 =	vor.u32 v51, v52  }
0x4f0: {  	v52 =	vperm.xlane v51, v46;
	_ =	sdelay $0x1  }
0x4f1: {  	v52 =	vadd.s32 v47, v52;
	_ =	sdelay $0x3  }
0x4f2: {  	s18 =	simm.s32 $0x4200;
	v51 =	vperm.xlane v51, v48  }
0x4f3: {  	[hbm4b:s9+s5] =	stream.indirect_vreg.scatter [tilespmem:s18], [sflag:$0x4], $0x80, v52, vm0, $0xb8;
	[tilespmem:$0x1F200] =	vst v63  }
0x4f4: {  	v51 =	vadd.s32 v47, v51;
	s18 =	simm.s32 $0x4A00  }
0x4f5: {  	[hbm4b:s22+s5] =	stream.indirect_vreg.scatter [tilespmem:s18], [sflag:$0x4], $0x80, v52, vm0, $0xb8;
	[tilespmem:$0x1F200] =	vst v63  }
0x4f6: {  	s18 =	simm.s32 $0x5200  }
0x4f7: {  	[hbm4b:s23+s5] =	stream.indirect_vreg.scatter [tilespmem:s18], [sflag:$0x4], $0x80, v52, vm0, $0xb8;
	[tilespmem:$0x1F200] =	vst v63  }
0x4f8: {  	s18 =	simm.s32 $0x5A00  }
0x4f9: {  	[hbm4b:s9+s5] =	stream.indirect_vreg.scatter [tilespmem:s18], [sflag:$0x4], $0x80, v51, vm0, $0xb8;
	[tilespmem:$0x1F200] =	vst v63  }
0x4fa: {  	s18 =	simm.s32 $0x6200  }
0x4fb: {  	[hbm4b:s22+s5] =	stream.indirect_vreg.scatter [tilespmem:s18], [sflag:$0x4], $0x80, v51, vm0, $0xb8;
	[tilespmem:$0x1F200] =	vst v63  }
0x4fc: {  	s18 =	simm.s32 $0x6A00  }
0x4fd: {  	[hbm4b:s23+s5] =	stream.indirect_vreg.scatter [tilespmem:s18], [sflag:$0x4], $0x80, v51, vm0, $0xb8;
	[tilespmem:$0x1F200] =	vst v63  }
0x4fe: {  	v51 =	vld [tilespmem:$0x1000];
	_ =	sdelay $0x4  }
0x4ff: {  	v57 =	vshrl.u32 v51, $0x3  }
0x500: {  	v52 =	vmul.u32 $0x30, v57  }
0x501: {  	v51 =	vand.u32 $0x7, v51  }
0x502: {  	v51 =	vor.u32 v51, v52  }
0x503: {  	v52 =	vperm.xlane v51, v46;
	_ =	sdelay $0x1  }
0x504: {  	v52 =	vadd.s32 v47, v52;
	_ =	sdelay $0x3  }
0x505: {  	s18 =	simm.s32 $0x13200;
	v51 =	vperm.xlane v51, v48  }
0x506: {  	[hbm4b:s9+s5] =	stream.indirect_vreg.scatter [tilespmem:s18], [sflag:$0x7], $0x80, v52, vm0, $0xb8;
	[tilespmem:$0x1F200] =	vst v63  }
0x507: {  	v51 =	vadd.s32 v47, v51;
	s18 =	simm.s32 $0x13A00  }
0x508: {  	[hbm4b:s22+s5] =	stream.indirect_vreg.scatter [tilespmem:s18], [sflag:$0x7], $0x80, v52, vm0, $0xb8;
	[tilespmem:$0x1F200] =	vst v63  }
0x509: {  	s18 =	simm.s32 $0x14200  }
0x50a: {  	[hbm4b:s23+s5] =	stream.indirect_vreg.scatter [tilespmem:s18], [sflag:$0x7], $0x80, v52, vm0, $0xb8;
	[tilespmem:$0x1F200] =	vst v63  }
0x50b: {  	s18 =	simm.s32 $0x14A00  }
0x50c: {  	[hbm4b:s9+s5] =	stream.indirect_vreg.scatter [tilespmem:s18], [sflag:$0x7], $0x80, v51, vm0, $0xb8;
	[tilespmem:$0x1F200] =	vst v63  }
0x50d: {  	s18 =	simm.s32 $0x15200  }
0x50e: {  	[hbm4b:s22+s5] =	stream.indirect_vreg.scatter [tilespmem:s18], [sflag:$0x7], $0x80, v51, vm0, $0xb8;
	[tilespmem:$0x1F200] =	vst v63  }
0x50f: {  	s18 =	simm.s32 $0x15A00  }
0x510: {  	[hbm4b:s23+s5] =	stream.indirect_vreg.scatter [tilespmem:s18], [sflag:$0x7], $0x80, v51, vm0, $0xb8;
	[tilespmem:$0x1F200] =	vst v63  }
0x511: {  	v51 =	vld [tilespmem:$0x1010];
	_ =	sdelay $0x4  }
0x512: {  	v58 =	vshrl.u32 v51, $0x3  }
0x513: {  	v52 =	vmul.u32 $0x30, v58  }
0x514: {  	v51 =	vand.u32 $0x7, v51  }
0x515: {  	v51 =	vor.u32 v51, v52  }
0x516: {  	v52 =	vperm.xlane v51, v46;
	_ =	sdelay $0x1  }
0x517: {  	v52 =	vadd.s32 v47, v52;
	_ =	sdelay $0x3  }
0x518: {  	s18 =	simm.s32 $0x16200;
	v51 =	vperm.xlane v51, v48  }
0x519: {  	[hbm4b:s9+s5] =	stream.indirect_vreg.scatter [tilespmem:s18], [sflag:$0x7], $0x80, v52, vm0, $0xb8;
	[tilespmem:$0x1F200] =	vst v63  }
0x51a: {  	v51 =	vadd.s32 v47, v51;
	s18 =	simm.s32 $0x16A00  }
0x51b: {  	[hbm4b:s22+s5] =	stream.indirect_vreg.scatter [tilespmem:s18], [sflag:$0x7], $0x80, v52, vm0, $0xb8;
	[tilespmem:$0x1F200] =	vst v63  }
0x51c: {  	s18 =	simm.s32 $0x17200  }
0x51d: {  	[hbm4b:s23+s5] =	stream.indirect_vreg.scatter [tilespmem:s18], [sflag:$0x7], $0x80, v52, vm0, $0xb8;
	[tilespmem:$0x1F200] =	vst v63  }
0x51e: {  	s18 =	simm.s32 $0x17A00  }
0x51f: {  	[hbm4b:s9+s5] =	stream.indirect_vreg.scatter [tilespmem:s18], [sflag:$0x7], $0x80, v51, vm0, $0xb8;
	[tilespmem:$0x1F200] =	vst v63  }
0x520: {  	s18 =	simm.s32 $0x18200  }
0x521: {  	[hbm4b:s22+s5] =	stream.indirect_vreg.scatter [tilespmem:s18], [sflag:$0x7], $0x80, v51, vm0, $0xb8;
	[tilespmem:$0x1F200] =	vst v63  }
0x522: {  	s2 =	simm.s32 $0x4;
	s18 =	simm.s32 $0x18A00  }
0x523: {  	[hbm4b:s23+s5] =	stream.indirect_vreg.scatter [tilespmem:s18], [sflag:$0x7], $0x80, v51, vm0, $0xb8;
	[tilespmem:$0x1F200] =	vst v63  }
0x524: {  	_ =	swait.ge [sflag:s2], $0x6000  }
0x525: {  	[sflag:s2] =	ssyncset.done $0x0  }
0x526: {  	[sflag:s2] =	ssyncadd.s32 $0xFFFFA000  }
0x527: {  	_ =	swait.ge [sflag:s21], $0x6000  }
0x528: {  	[sflag:s21] =	ssyncset.done $0x0  }
0x529: {  	[sflag:s21] =	ssyncadd.s32 $0xFFFFA000;
	s21 =	simm.s32 $0x2  }
0x52a: {  	_ =	swait.ge [sflag:s21], $0x6000  }
0x52b: {  	[sflag:s21] =	ssyncset.done $0x0  }
0x52c: {  	[sflag:s21] =	ssyncadd.s32 $0xFFFFA000  }
0x52d: {  	_ =	swait.ge [sflag:s26], $0x6000  }
0x52e: {  	[sflag:s26] =	ssyncset.done $0x0  }
0x52f: {  	[sflag:s26] =	ssyncadd.s32 $0xFFFFA000  }
0x530: {  	v59 =	vld [tilespmem:$0xC80];
	_ =	sdelay $0x4  }
0x531: {  	v60 =	vshrl.u32 v59, $0x3  }
0x532: {  	v52 =	vmul.u32 $0x30, v60  }
0x533: {  	v51 =	vand.u32 $0x7, v59  }
0x534: {  	v51 =	vor.u32 v51, v52  }
0x535: {  	v52 =	vperm.xlane v51, v46;
	_ =	sdelay $0x1  }
0x536: {  	v52 =	vadd.s32 v47, v52;
	_ =	sdelay $0x3  }
0x537: {  	s2 =	simm.s32 $0x7200;
	v51 =	vperm.xlane v51, v48  }
0x538: {  	[hbm4b:s9+s5] =	stream.indirect_vreg.scatter [tilespmem:s2], [sflag:$0x5], $0x80, v52, vm0, $0xb8;
	[tilespmem:$0x1F200] =	vst v63  }
0x539: {  	v51 =	vadd.s32 v47, v51  }
0x53a: {  	[hbm4b:s22+s5] =	stream.indirect_vreg.scatter [tilespmem:s19], [sflag:$0x5], $0x80, v52, vm0, $0xb8;
	[tilespmem:$0x1F200] =	vst v63  }
0x53b: {  	_ = 	snop  }
0x53c: {  	[hbm4b:s23+s5] =	stream.indirect_vreg.scatter [tilespmem:s25], [sflag:$0x5], $0x80, v52, vm0, $0xb8;
	[tilespmem:$0x1F200] =	vst v63  }
0x53d: {  	_ = 	snop  }
0x53e: {  	[hbm4b:s9+s5] =	stream.indirect_vreg.scatter [tilespmem:s30], [sflag:$0x5], $0x80, v51, vm0, $0xb8;
	[tilespmem:$0x1F200] =	vst v63  }
0x53f: {  	_ = 	snop  }
0x540: {  	[hbm4b:s22+s5] =	stream.indirect_vreg.scatter [tilespmem:s31], [sflag:$0x5], $0x80, v51, vm0, $0xb8;
	[tilespmem:$0x1F200] =	vst v63  }
0x541: {  	s19 =	simm.s32 $0x9A00  }
0x542: {  	[hbm4b:s23+s5] =	stream.indirect_vreg.scatter [tilespmem:s19], [sflag:$0x5], $0x80, v51, vm0, $0xb8;
	[tilespmem:$0x1F200] =	vst v63  }
0x543: {  	v51 =	vld [tilespmem:$0xC90];
	_ =	sdelay $0x4  }
0x544: {  	v61 =	vshrl.u32 v51, $0x3  }
0x545: {  	v52 =	vmul.u32 $0x30, v61  }
0x546: {  	v51 =	vand.u32 $0x7, v51  }
0x547: {  	v51 =	vor.u32 v51, v52  }
0x548: {  	v52 =	vperm.xlane v51, v46;
	_ =	sdelay $0x1  }
0x549: {  	v52 =	vadd.s32 v47, v52;
	_ =	sdelay $0x3  }
0x54a: {  	s21 =	simm.s32 $0xA200;
	v51 =	vperm.xlane v51, v48  }
0x54b: {  	[hbm4b:s9+s5] =	stream.indirect_vreg.scatter [tilespmem:s21], [sflag:$0x5], $0x80, v52, vm0, $0xb8;
	[tilespmem:$0x1F200] =	vst v63  }
0x54c: {  	v51 =	vadd.s32 v47, v51  }
0x54d: {  	[hbm4b:s22+s5] =	stream.indirect_vreg.scatter [tilespmem:s16], [sflag:$0x5], $0x80, v52, vm0, $0xb8;
	[tilespmem:$0x1F200] =	vst v63  }
0x54e: {  	_ = 	snop  }
0x54f: {  	[hbm4b:s23+s5] =	stream.indirect_vreg.scatter [tilespmem:s15], [sflag:$0x5], $0x80, v52, vm0, $0xb8;
	[tilespmem:$0x1F200] =	vst v63  }
0x550: {  	_ = 	snop  }
0x551: {  	[hbm4b:s9+s5] =	stream.indirect_vreg.scatter [tilespmem:s6], [sflag:$0x5], $0x80, v51, vm0, $0xb8;
	[tilespmem:$0x1F200] =	vst v63  }
0x552: {  	s25 =	simm.s32 $0xC200  }
0x553: {  	[hbm4b:s22+s5] =	stream.indirect_vreg.scatter [tilespmem:s25], [sflag:$0x5], $0x80, v51, vm0, $0xb8;
	[tilespmem:$0x1F200] =	vst v63  }
0x554: {  	s30 =	simm.s32 $0xCA00  }
0x555: {  	[hbm4b:s23+s5] =	stream.indirect_vreg.scatter [tilespmem:s30], [sflag:$0x5], $0x80, v51, vm0, $0xb8;
	[tilespmem:$0x1F200] =	vst v63  }
0x556: {  	v51 =	vld [tilespmem:$0x1080];
	_ =	sdelay $0x4  }
0x557: {  	v62 =	vshrl.u32 v51, $0x3  }
0x558: {  	v52 =	vmul.u32 $0x30, v62  }
0x559: {  	v51 =	vand.u32 $0x7, v51  }
0x55a: {  	v51 =	vor.u32 v51, v52  }
0x55b: {  	v52 =	vperm.xlane v51, v46;
	_ =	sdelay $0x1  }
0x55c: {  	v52 =	vadd.s32 v47, v52;
	_ =	sdelay $0x3  }
0x55d: {  	s24 =	simm.s32 $0x19200;
	v51 =	vperm.xlane v51, v48  }
0x55e: {  	[hbm4b:s9+s5] =	stream.indirect_vreg.scatter [tilespmem:s24], [sflag:$0x8], $0x80, v52, vm0, $0xb8;
	[tilespmem:$0x1F200] =	vst v63  }
0x55f: {  	s3 =	simm.s32 $0x19A00;
	v51 =	vadd.s32 v47, v51  }
0x560: {  	[hbm4b:s22+s5] =	stream.indirect_vreg.scatter [tilespmem:s3], [sflag:$0x8], $0x80, v52, vm0, $0xb8;
	[tilespmem:$0x1F200] =	vst v63  }
0x561: {  	s4 =	simm.s32 $0x1A200  }
0x562: {  	[hbm4b:s23+s5] =	stream.indirect_vreg.scatter [tilespmem:s4], [sflag:$0x8], $0x80, v52, vm0, $0xb8;
	[tilespmem:$0x1F200] =	vst v63  }
0x563: {  	s7 =	simm.s32 $0x1AA00  }
0x564: {  	[hbm4b:s9+s5] =	stream.indirect_vreg.scatter [tilespmem:s7], [sflag:$0x8], $0x80, v51, vm0, $0xb8;
	[tilespmem:$0x1F200] =	vst v63  }
0x565: {  	s20 =	simm.s32 $0x1B200  }
0x566: {  	[hbm4b:s22+s5] =	stream.indirect_vreg.scatter [tilespmem:s20], [sflag:$0x8], $0x80, v51, vm0, $0xb8;
	[tilespmem:$0x1F200] =	vst v63  }
0x567: {  	s28 =	simm.s32 $0x1BA00  }
0x568: {  	[hbm4b:s23+s5] =	stream.indirect_vreg.scatter [tilespmem:s28], [sflag:$0x8], $0x80, v51, vm0, $0xb8;
	[tilespmem:$0x1F200] =	vst v63  }
0x569: {  	v51 =	vld [tilespmem:$0x1090];
	_ =	sdelay $0x4  }
0x56a: {  	v63 =	vshrl.u32 v51, $0x3  }
0x56b: {  	v52 =	vmul.u32 $0x30, v63  }
0x56c: {  	v51 =	vand.u32 $0x7, v51  }
0x56d: {  	v51 =	vor.u32 v51, v52  }
0x56e: {  	v52 =	vperm.xlane v51, v46;
	_ =	sdelay $0x1  }
0x56f: {  	v52 =	vadd.s32 v47, v52;
	_ =	sdelay $0x3  }
0x570: {  	s29 =	simm.s32 $0x1C200;
	v51 =	vperm.xlane v51, v48  }
0x571: {  	[hbm4b:s9+s5] =	stream.indirect_vreg.scatter [tilespmem:s29], [sflag:$0x8], $0x80, v52, vm0, $0xb8;
	[tilespmem:$0x1F200] =	vst v63  }
0x572: {  	s12 =	simm.s32 $0x1CA00;
	v51 =	vadd.s32 v47, v51  }
0x573: {  	[hbm4b:s22+s5] =	stream.indirect_vreg.scatter [tilespmem:s12], [sflag:$0x8], $0x80, v52, vm0, $0xb8;
	[tilespmem:$0x1F200] =	vst v63  }
0x574: {  	s14 =	simm.s32 $0x1D200  }
0x575: {  	[hbm4b:s23+s5] =	stream.indirect_vreg.scatter [tilespmem:s14], [sflag:$0x8], $0x80, v52, vm0, $0xb8;
	[tilespmem:$0x1F200] =	vst v63  }
0x576: {  	s1 =	simm.s32 $0x1DA00  }
0x577: {  	[hbm4b:s9+s5] =	stream.indirect_vreg.scatter [tilespmem:s1], [sflag:$0x8], $0x80, v51, vm0, $0xb8;
	[tilespmem:$0x1F200] =	vst v63  }
0x578: {  	s17 =	simm.s32 $0x1E200  }
0x579: {  	[hbm4b:s22+s5] =	stream.indirect_vreg.scatter [tilespmem:s17], [sflag:$0x8], $0x80, v51, vm0, $0xb8;
	[tilespmem:$0x1F200] =	vst v63  }
0x57a: {  	s0 =	simm.s32 $0x1EA00;
	s31 =	simm.s32 $0x5  }
0x57b: {  	[hbm4b:s23+s5] =	stream.indirect_vreg.scatter [tilespmem:s0], [sflag:$0x8], $0x80, v51, vm0, $0xb8;
	[tilespmem:$0x1F200] =	vst v63  }
0x57c: {  	_ =	swait.ge [sflag:s31], $0x6000  }
0x57d: {  	[sflag:s31] =	ssyncset.done $0x0  }
0x57e: {  	[sflag:s31] =	ssyncadd.s32 $0xFFFFA000  }
.Ltmp2:
0x57f: {  	_ =	swait.ge [sflag:s26], $0x6000;
	(pc) =	sbr.rel @p0 .LBB2_3-.Ltmp2, $3  }
0x580: {  	[sflag:s26] =	ssyncset.done $0x0  }
0x581: {  	[sflag:s26] =	ssyncadd.s32 $0xFFFFA000  }
0x582: {  	[bflag:$0x0] =	sbarrier.arrive $0xFFFF;
	_ =	sdelay $0x1  }
0x583: {  	v51 =	vperm.xlane v50, v46;
	_ =	sdelay $0x1  }
0x584: {  	v51 =	vadd.s32 v47, v51  }
0x585: {  	[tilespmem:$0x1100] =	vst v0  }
0x586: {  	[tilespmem:$0x1110] =	vst v49  }
0x587: {  	[tilespmem:$0x1180] =	vst v0  }
0x588: {  	[tilespmem:$0x1190] =	vst v49;
	v52 =	vperm.xlane v50, v48;
	s24 =	rddreg [dreg:$0x3];
	s0 =	simm.s32 $0x13200  }
0x589: {  	[tilespmem:s0], [sflag:$0x7] =	stream.indirect_vreg.gather [hbm4b:s24+s5], $0x80, v51, vm0, $0xb8;
	[tilespmem:$0x1F200] =	vst v63  }
0x58a: {  	s6 =	rddreg [dreg:$0x6];
	s3 =	simm.s32 $0x13A00;
	v52 =	vadd.s32 v47, v52  }
0x58b: {  	[tilespmem:s3], [sflag:$0x7] =	stream.indirect_vreg.gather [hbm4b:s6+s5], $0x80, v51, vm0, $0xb8;
	[tilespmem:$0x1F200] =	vst v63  }
0x58c: {  	s30 =	rddreg [dreg:$0x7];
	s4 =	simm.s32 $0x14200  }
0x58d: {  	[tilespmem:s4], [sflag:$0x7] =	stream.indirect_vreg.gather [hbm4b:s30+s5], $0x80, v51, vm0, $0xb8;
	[tilespmem:$0x1F200] =	vst v63  }
0x58e: {  	s7 =	simm.s32 $0x14A00  }
0x58f: {  	[tilespmem:s7], [sflag:$0x7] =	stream.indirect_vreg.gather [hbm4b:s24+s5], $0x80, v52, vm0, $0xb8;
	[tilespmem:$0x1F200] =	vst v63  }
0x590: {  	s14 =	simm.s32 $0x15200  }
0x591: {  	[tilespmem:s14], [sflag:$0x7] =	stream.indirect_vreg.gather [hbm4b:s6+s5], $0x80, v52, vm0, $0xb8;
	[tilespmem:$0x1F200] =	vst v63  }
0x592: {  	s17 =	simm.s32 $0x15A00  }
0x593: {  	[tilespmem:s17], [sflag:$0x7] =	stream.indirect_vreg.gather [hbm4b:s30+s5], $0x80, v52, vm0, $0xb8;
	[tilespmem:$0x1F200] =	vst v63  }
0x594: {  	v51 =	vld [tilespmem:$0x1110];
	_ =	sdelay $0x4  }
0x595: {  	v60 =	vshrl.u32 v51, $0x3  }
0x596: {  	v52 =	vmul.u32 $0x30, v60  }
0x597: {  	v51 =	vand.u32 $0x7, v51  }
0x598: {  	v51 =	vor.u32 v51, v52  }
0x599: {  	v52 =	vperm.xlane v51, v46;
	_ =	sdelay $0x1  }
0x59a: {  	v52 =	vadd.s32 v47, v52;
	_ =	sdelay $0x3  }
0x59b: {  	s1 =	simm.s32 $0x16200;
	v51 =	vperm.xlane v51, v48  }
0x59c: {  	[tilespmem:s1], [sflag:$0x7] =	stream.indirect_vreg.gather [hbm4b:s24+s5], $0x80, v52, vm0, $0xb8;
	[tilespmem:$0x1F200] =	vst v63  }
0x59d: {  	s12 =	simm.s32 $0x16A00;
	v51 =	vadd.s32 v47, v51  }
0x59e: {  	[tilespmem:s12], [sflag:$0x7] =	stream.indirect_vreg.gather [hbm4b:s6+s5], $0x80, v52, vm0, $0xb8;
	[tilespmem:$0x1F200] =	vst v63  }
0x59f: {  	s16 =	simm.s32 $0x17200  }
0x5a0: {  	[tilespmem:s16], [sflag:$0x7] =	stream.indirect_vreg.gather [hbm4b:s30+s5], $0x80, v52, vm0, $0xb8;
	[tilespmem:$0x1F200] =	vst v63  }
0x5a1: {  	s15 =	simm.s32 $0x17A00  }
0x5a2: {  	[tilespmem:s15], [sflag:$0x7] =	stream.indirect_vreg.gather [hbm4b:s24+s5], $0x80, v51, vm0, $0xb8;
	[tilespmem:$0x1F200] =	vst v63  }
0x5a3: {  	s21 =	simm.s32 $0x18200  }
0x5a4: {  	[tilespmem:s21], [sflag:$0x7] =	stream.indirect_vreg.gather [hbm4b:s6+s5], $0x80, v51, vm0, $0xb8;
	[tilespmem:$0x1F200] =	vst v63  }
0x5a5: {  	s29 =	simm.s32 $0x18A00;
	s31 =	simm.s32 $0x7  }
0x5a6: {  	[tilespmem:s29], [sflag:$0x7] =	stream.indirect_vreg.gather [hbm4b:s30+s5], $0x80, v51, vm0, $0xb8;
	[tilespmem:$0x1F200] =	vst v63  }
0x5a7: {  	_ =	swait.ge [sflag:s31], $0x6000  }
0x5a8: {  	[sflag:s31] =	ssyncset.done $0x0  }
0x5a9: {  	[sflag:s31] =	ssyncadd.s32 $0xFFFFA000  }
0x5aa: {  	v61 =	vld [tilespmem:$0x1180];
	_ =	sdelay $0x4  }
0x5ab: {  	v62 =	vshrl.u32 v61, $0x3  }
0x5ac: {  	v52 =	vmul.u32 $0x30, v62  }
0x5ad: {  	v51 =	vand.u32 $0x7, v61  }
0x5ae: {  	v51 =	vor.u32 v51, v52  }
0x5af: {  	v52 =	vperm.xlane v51, v46;
	_ =	sdelay $0x1  }
0x5b0: {  	v52 =	vadd.s32 v47, v52;
	_ =	sdelay $0x3  }
0x5b1: {  	v51 =	vperm.xlane v51, v48  }
0x5b2: {  	[hbm4b:s9+s5] =	stream.indirect_vreg.scatter [tilespmem:s0], [sflag:$0x7], $0x80, v52, vm0, $0xb8;
	[tilespmem:$0x1F200] =	vst v63  }
0x5b3: {  	v51 =	vadd.s32 v47, v51  }
0x5b4: {  	[hbm4b:s22+s5] =	stream.indirect_vreg.scatter [tilespmem:s3], [sflag:$0x7], $0x80, v52, vm0, $0xb8;
	[tilespmem:$0x1F200] =	vst v63  }
0x5b5: {  	_ = 	snop  }
0x5b6: {  	[hbm4b:s23+s5] =	stream.indirect_vreg.scatter [tilespmem:s4], [sflag:$0x7], $0x80, v52, vm0, $0xb8;
	[tilespmem:$0x1F200] =	vst v63  }
0x5b7: {  	_ = 	snop  }
0x5b8: {  	[hbm4b:s9+s5] =	stream.indirect_vreg.scatter [tilespmem:s7], [sflag:$0x7], $0x80, v51, vm0, $0xb8;
	[tilespmem:$0x1F200] =	vst v63  }
0x5b9: {  	_ = 	snop  }
0x5ba: {  	[hbm4b:s22+s5] =	stream.indirect_vreg.scatter [tilespmem:s14], [sflag:$0x7], $0x80, v51, vm0, $0xb8;
	[tilespmem:$0x1F200] =	vst v63  }
0x5bb: {  	_ = 	snop  }
0x5bc: {  	[hbm4b:s23+s5] =	stream.indirect_vreg.scatter [tilespmem:s17], [sflag:$0x7], $0x80, v51, vm0, $0xb8;
	[tilespmem:$0x1F200] =	vst v63  }
0x5bd: {  	v51 =	vld [tilespmem:$0x1190];
	_ =	sdelay $0x4  }
0x5be: {  	v63 =	vshrl.u32 v51, $0x3  }
0x5bf: {  	v52 =	vmul.u32 $0x30, v63  }
0x5c0: {  	v51 =	vand.u32 $0x7, v51  }
0x5c1: {  	v51 =	vor.u32 v51, v52  }
0x5c2: {  	v52 =	vperm.xlane v51, v46;
	_ =	sdelay $0x1  }
0x5c3: {  	v52 =	vadd.s32 v47, v52;
	_ =	sdelay $0x3  }
0x5c4: {  	v51 =	vperm.xlane v51, v48  }
0x5c5: {  	[hbm4b:s9+s5] =	stream.indirect_vreg.scatter [tilespmem:s1], [sflag:$0x7], $0x80, v52, vm0, $0xb8;
	[tilespmem:$0x1F200] =	vst v63  }
0x5c6: {  	v51 =	vadd.s32 v47, v51  }
0x5c7: {  	[hbm4b:s22+s5] =	stream.indirect_vreg.scatter [tilespmem:s12], [sflag:$0x7], $0x80, v52, vm0, $0xb8;
	[tilespmem:$0x1F200] =	vst v63  }
0x5c8: {  	_ = 	snop  }
0x5c9: {  	[hbm4b:s23+s5] =	stream.indirect_vreg.scatter [tilespmem:s16], [sflag:$0x7], $0x80, v52, vm0, $0xb8;
	[tilespmem:$0x1F200] =	vst v63  }
0x5ca: {  	_ = 	snop  }
0x5cb: {  	[hbm4b:s9+s5] =	stream.indirect_vreg.scatter [tilespmem:s15], [sflag:$0x7], $0x80, v51, vm0, $0xb8;
	[tilespmem:$0x1F200] =	vst v63  }
0x5cc: {  	_ = 	snop  }
0x5cd: {  	[hbm4b:s22+s5] =	stream.indirect_vreg.scatter [tilespmem:s21], [sflag:$0x7], $0x80, v51, vm0, $0xb8;
	[tilespmem:$0x1F200] =	vst v63  }
.Ltmp3:
0x5ce: {  	_ = 	snop;
	(pc) =	sbr.rel .LBB2_3-.Ltmp3, $4  }
0x5cf: {  	[hbm4b:s23+s5] =	stream.indirect_vreg.scatter [tilespmem:s29], [sflag:$0x7], $0x80, v51, vm0, $0xb8;
	[tilespmem:$0x1F200] =	vst v63  }
0x5d0: {  	_ =	swait.ge [sflag:s31], $0x6000  }
0x5d1: {  	[sflag:s31] =	ssyncset.done $0x0  }
0x5d2: {  	[sflag:s31] =	ssyncadd.s32 $0xFFFFA000  }
.LBB2_4:
0x5d3: {  	_ =	sfence.sel $0x180000  }
0x5d4: {  	[bflag:$0x0] =	sbarrier.arrive $0xFFFF  }
0x5d5: {  	_ =	strace $0x90000047  }
0x5d6: {  	s0 =	stileid.u32;
	[bflag:$0x2] =	sbarrier.arrive $0xFFFF  }
0x5d7: {  	p0 =	sne.s32 s0, $0x0;
	s0 =	rddreg [dreg:$0x5]  }
0x5d8: {  	s0 =	sadd.s32 @!p0 $0x100000, s0  }
0x5d9: {  	[sflag:s0] =	ssyncadd.tile.s32 @!p0 $0x1;
	_ =	shalt  }
.Lfunc_end2:
_tile_overlayer_lowered:
.L_overlay_start_2:
0x5da: {  	(tag) =	ssettag $0x2  }
0x5db: {  	s0 =	rddreg [dreg:$0x0];
	s2 =	stileid.u32  }
0x5dc: {  	s1 =	rddreg [dreg:$0x1];
	p0 =	sne.s32 s2, $0x0  }
0x5dd: {  	s3 =	rddreg [dreg:$0x2];
	[bflag:$0x3] =	sbarrier.arrive $0xFFFF;
	s2 =	simm.s32 @!p0 $0x1C09  }
0x5de: {  	[timem:s3], [sflag:s2] =	dma.local @!p0 [hbm:s0], s1  }
0x5df: {  	s0 =	simm.s32 @!p0 $0x9  }
0x5e0: {  	_ =	swait.ge @!p0 [sflag:s0], s1  }
0x5e1: {  	s1 =	ssub.s32 @!p0 $0x0, s1;
	[sflag:s0] =	ssyncset.done @!p0 $0x0  }
0x5e2: {  	[sflag:s0] =	ssyncadd.s32 @!p0 s1  }
0x5e3: {  	[bflag:$0x3] =	sbarrier.arrive $0xFFFF  }
0x5e4: {  	_ =	shalt  }

</sc_bundles>
